<compile_context>
chip_gen: v7x
topology: tpu7x:2x2x1
jax: 0.10.2.dev20260603
libtpu: 0.0.44.dev20260713+nightly
codegen_flags: <defaults>
</compile_context>

<pallas_src>
import functools

import jax
import jax.numpy as jnp
from jax import lax
from jax.experimental import pallas as pl
from jax.experimental.pallas import tpu as pltpu
from jax.experimental.pallas import tpu_sc as plsc

_D = 128
_BT = 4 * 8192
_T = 8192
_ND = 1024

_NC, _NS = 2, 16
_NW = _NC * _NS
_B_PER_W = _BT // _NW
_HALF = _B_PER_W // 2
_CG = 64
_N_CHUNK = _HALF // _CG


def _sc_gather_pack(idx_hbm, table_hbm, z_hbm, idx_v, gbuf, zbuf,
                    sg0a, sg0b, sg1a, sg1b, sz0, sz1):
    wid = lax.axis_index("s") * _NC + lax.axis_index("c")
    zbase = wid * _HALF
    pltpu.sync_copy(idx_hbm.at[wid], idx_v)
    gsems = ((sg0a, sg0b), (sg1a, sg1b))
    zsems = (sz0, sz1)

    def start_gathers(c):
        buf = c % 2
        ca = pltpu.async_copy(
            table_hbm.at[idx_v.at[pl.ds(c * _CG, _CG)]],
            gbuf.at[buf].at[pl.ds(0, _CG)], gsems[buf][0])
        cb = pltpu.async_copy(
            table_hbm.at[idx_v.at[pl.ds(_HALF + c * _CG, _CG)]],
            gbuf.at[buf].at[pl.ds(_CG, _CG)], gsems[buf][1])
        return ca, cb

    pend_g = [None, None]
    pend_z = [None, None]
    pend_g[0] = start_gathers(0)

    for c in range(_N_CHUNK):
        buf = c % 2
        if c + 1 < _N_CHUNK:
            pend_g[(c + 1) % 2] = start_gathers(c + 1)
        pend_g[buf][0].wait()
        pend_g[buf][1].wait()
        if pend_z[buf] is not None:
            pend_z[buf].wait()

        gb = gbuf.at[buf]
        zb = zbuf.at[buf]

        def body(s, carry):
            for v in range(8):
                sl = pl.ds(v * 16, 16)
                au = gb[s, sl] + jnp.uint32(0x8000)
                bu = gb[_CG + s, sl] + jnp.uint32(0x8000)
                zb[s, sl] = (au >> jnp.uint32(16)) | (bu & jnp.uint32(0xFFFF0000))
            return carry

        lax.fori_loop(0, _CG, body, 0)
        pend_z[buf] = pltpu.async_copy(
            zb, z_hbm.at[pl.ds(zbase + c * _CG, _CG)], zsems[buf])

    for p in pend_z:
        if p is not None:
            p.wait()


def _make_gather_pack():
    mesh = plsc.VectorSubcoreMesh(core_axis_name="c", subcore_axis_name="s")
    return pl.kernel(
        _sc_gather_pack,
        out_type=jax.ShapeDtypeStruct((_BT // 2, _D), jnp.uint32),
        mesh=mesh,
        scratch_types=[
            pltpu.VMEM((_B_PER_W,), jnp.int32),
            pltpu.VMEM((2, 2 * _CG, _D), jnp.uint32),
            pltpu.VMEM((2, _CG, _D), jnp.uint32),
            pltpu.SemaphoreType.DMA,
            pltpu.SemaphoreType.DMA,
            pltpu.SemaphoreType.DMA,
            pltpu.SemaphoreType.DMA,
            pltpu.SemaphoreType.DMA,
            pltpu.SemaphoreType.DMA,
        ],
    )


_TB = 1024


def _tc_matmul(z_ref, wpe_ref, w_ref, b_ref, out_ref):
    z = z_ref[...]
    a = lax.bitcast_convert_type(z << jnp.uint32(16), jnp.float32)
    bb = lax.bitcast_convert_type(z & jnp.uint32(0xFFFF0000), jnp.float32)
    ya = (a + wpe_ref[0:_HALF]).astype(jnp.bfloat16)
    yb = (bb + wpe_ref[_HALF:_TB]).astype(jnp.bfloat16)
    out_ref[0:_HALF] = (
        jnp.dot(ya, w_ref[...], preferred_element_type=jnp.float32) + b_ref[...]
    )
    out_ref[_HALF:_TB] = (
        jnp.dot(yb, w_ref[...], preferred_element_type=jnp.float32) + b_ref[...]
    )


def _make_matmul():
    nwpe = _T // _TB
    grid = (nwpe, _BT // _T)
    return pl.pallas_call(
        _tc_matmul,
        grid=grid,
        in_specs=[
            pl.BlockSpec((_HALF, _D), lambda j, k: (k * nwpe + j, 0)),
            pl.BlockSpec((_TB, _D), lambda j, k: (j, 0)),
            pl.BlockSpec((_D, _ND), lambda j, k: (0, 0)),
            pl.BlockSpec((1, _ND), lambda j, k: (0, 0)),
        ],
        out_specs=pl.BlockSpec((_TB, _ND), lambda j, k: (k * nwpe + j, 0)),
        out_shape=jax.ShapeDtypeStruct((_BT, _ND), jnp.float32),
    )


@jax.jit
def kernel(x, wte, wpe, W, b):
    Bsz, T = x.shape
    idx = x.reshape(_NW, _B_PER_W)
    wte_u32 = lax.bitcast_convert_type(wte, jnp.uint32)
    z = _make_gather_pack()(idx, wte_u32)
    out = _make_matmul()(z, wpe, W.astype(jnp.bfloat16), b.reshape(1, _ND))
    return out.reshape(Bsz, T, _ND)

# --- scband reference (transcript-rebuilt; emitter-appended) ---
"""Pipeline reference for scband-praxis-learned-position-embedding-42245298324132 (READ-ONLY COPY).

The authoritative reference and input builder live on the scoring server;
editing this copy changes nothing except your own understanding.
"""

import jax, jax.numpy as jnp
import numpy as np

VOCAB = 100000
NUM_EMBEDS = 128
CONTEXT = 8192
NUM_DIMS = 1024
B, T = 4, 8192


def setup_inputs(seed: int = 0) -> dict:
    key = jax.random.key(seed)
    k1, k2, k3, k4, k5 = jax.random.split(key, 5)
    x = jax.random.randint(k1, (B, T), 0, VOCAB, dtype=jnp.int64 if jax.config.jax_enable_x64 else jnp.int32).astype(jnp.int32)
    wte = jax.random.normal(k2, (VOCAB, NUM_EMBEDS), dtype=jnp.float32) * 0.02
    wpe = jax.random.normal(k3, (CONTEXT, NUM_EMBEDS), dtype=jnp.float32) * 0.02
    W = jax.random.normal(k4, (NUM_EMBEDS, NUM_DIMS), dtype=jnp.float32) * (1.0 / np.sqrt(NUM_EMBEDS))
    b = jax.random.normal(k5, (NUM_DIMS,), dtype=jnp.float32) * 0.01
    return {"x": x, "wte": wte, "wpe": wpe, "W": W, "b": b}


def reference(x, wte, wpe, W, b):
    # tokens = self.wte(x)
    tokens = jnp.take(wte, x, axis=0)            # [B, T, NUM_EMBEDS] gather
    # position = self.wpe(torch.arange(T))
    position = jnp.take(wpe, jnp.arange(x.shape[1]), axis=0)  # [T, NUM_EMBEDS]
    y = tokens + position[None, :, :]
    # self.reduction(y)
    return jnp.dot(y, W) + b                      # [B, T, NUM_DIMS]

if __name__ == "__main__":
    import jax
    _d = setup_inputs()
    print(jax.jit(kernel)(*tuple(_d.values())))

</pallas_src>

<mosaic_0001>
#map = affine_map<(d0, d1) -> (0, 0)>
module attributes {stable_mosaic.version = 14 : i64} {
  func.func @_sc_gather_pack(%arg0: i32, %arg1: i32, %arg2: memref<32x1024xi32, #tpu.memory_space<hbm>>, %arg3: memref<100000x128xi32, #tpu.memory_space<hbm>>, %arg4: memref<16384x128xi32, #tpu.memory_space<hbm>>, %arg5: memref<1024xi32, #tpu.memory_space<vmem>>, %arg6: memref<2x128x128xi32, #tpu.memory_space<vmem>>, %arg7: memref<2x64x128xi32, #tpu.memory_space<vmem>>, %arg8: memref<!tpu.dma_semaphore, #tpu.memory_space<semaphore_mem>>, %arg9: memref<!tpu.dma_semaphore, #tpu.memory_space<semaphore_mem>>, %arg10: memref<!tpu.dma_semaphore, #tpu.memory_space<semaphore_mem>>, %arg11: memref<!tpu.dma_semaphore, #tpu.memory_space<semaphore_mem>>, %arg12: memref<!tpu.dma_semaphore, #tpu.memory_space<semaphore_mem>>, %arg13: memref<!tpu.dma_semaphore, #tpu.memory_space<semaphore_mem>>) attributes {dimension_semantics = [#tpu.dimension_semantics<core_parallel>, #tpu.dimension_semantics<subcore_parallel>], iteration_bounds = array<i64: 2, 16>, scalar_prefetch = 0 : i64, scratch_operands = 9 : i64, tpu.core_type = #tpu.core_type<sc_vector_subcore>, window_params = [{transform_indices = #map}, {transform_indices = #map}, {transform_indices = #map}]} {
    %mul3A = arith.constant 2 : i32
    %mul3A_0 = arith.muli %arg1, %mul3A : i32
    %add3A = arith.addi %mul3A_0, %arg0 : i32
    %mul3A_1 = arith.constant 512 : i32
    %mul3A_2 = arith.muli %add3A, %mul3A_1 : i32
    "tpu.region"() ({
      %run_scoped3A = tpu.sem_alloc : memref<!tpu.dma_semaphore, #tpu.memory_space<semaphore_mem>>
      %dma_start3A_704 = arith.constant 0 : i32
      %dma_start3A_705 = tpu.memref_slice %arg2[%add3A, %dma_start3A_704] : memref<32x1024xi32, #tpu.memory_space<hbm>> -> memref<1x1024xi32, #tpu.memory_space<hbm>>
      %dma_start3A_706 = tpu.memref_squeeze %dma_start3A_705 : memref<1x1024xi32, #tpu.memory_space<hbm>> -> memref<1024xi32, #tpu.memory_space<hbm>>
      %dma_start3A_707 = arith.constant 0 : i32
      %dma_start3A_708 = tpu.memref_slice %arg2[%add3A, %dma_start3A_707] : memref<32x1024xi32, #tpu.memory_space<hbm>> -> memref<1x1024xi32, #tpu.memory_space<hbm>>
      %dma_start3A_709 = tpu.memref_squeeze %dma_start3A_708 : memref<1x1024xi32, #tpu.memory_space<hbm>> -> memref<1024xi32, #tpu.memory_space<hbm>>
      tpu.enqueue_dma source(%dma_start3A_709 : memref<1024xi32, #tpu.memory_space<hbm>>) target(%arg5 : memref<1024xi32, #tpu.memory_space<vmem>>) target_semaphore(%run_scoped3A : memref<!tpu.dma_semaphore, #tpu.memory_space<semaphore_mem>>)
      %dma_wait3A_710 = arith.constant 0 : i32
      %dma_wait3A_711 = tpu.memref_slice %arg2[%add3A, %dma_wait3A_710] : memref<32x1024xi32, #tpu.memory_space<hbm>> -> memref<1x1024xi32, #tpu.memory_space<hbm>>
      %dma_wait3A_712 = tpu.memref_squeeze %dma_wait3A_711 : memref<1x1024xi32, #tpu.memory_space<hbm>> -> memref<1024xi32, #tpu.memory_space<hbm>>
      %dma_wait3A_713 = arith.constant 0 : i32
      %dma_wait3A_714 = tpu.memref_slice %arg2[%add3A, %dma_wait3A_713] : memref<32x1024xi32, #tpu.memory_space<hbm>> -> memref<1x1024xi32, #tpu.memory_space<hbm>>
      %dma_wait3A_715 = tpu.memref_squeeze %dma_wait3A_714 : memref<1x1024xi32, #tpu.memory_space<hbm>> -> memref<1024xi32, #tpu.memory_space<hbm>>
      tpu.wait_dma2 semaphore(%run_scoped3A : memref<!tpu.dma_semaphore, #tpu.memory_space<semaphore_mem>>) src(%dma_wait3A_715 : memref<1024xi32, #tpu.memory_space<hbm>>) dst(%arg5 : memref<1024xi32, #tpu.memory_space<vmem>>)
      tpu.yield
    }) : () -> ()
    %dma_start3A = arith.constant 0 : i32
    %dma_start3A_3 = arith.constant 0 : i32
    %dma_start3A_4 = arith.constant 0 : i32
    %dma_start3A_5 = tpu.memref_slice %arg6[%dma_start3A, %dma_start3A_3, %dma_start3A_4] : memref<2x128x128xi32, #tpu.memory_space<vmem>> -> memref<1x128x128xi32, #tpu.memory_space<vmem>>
    %dma_start3A_6 = tpu.memref_squeeze %dma_start3A_5 : memref<1x128x128xi32, #tpu.memory_space<vmem>> -> memref<128x128xi32, #tpu.memory_space<vmem>>
    %dma_start3A_7 = arith.constant 0 : i32
    %dma_start3A_8 = arith.constant 0 : i32
    %dma_start3A_9 = tpu.memref_slice %dma_start3A_6[%dma_start3A_7, %dma_start3A_8] : memref<128x128xi32, #tpu.memory_space<vmem>> -> memref<64x128xi32, #tpu.memory_space<vmem>>
    %dma_start3A_10 = arith.constant 0 : i32
    %dma_start3A_11 = tpu.memref_slice %arg5[%dma_start3A_10] : memref<1024xi32, #tpu.memory_space<vmem>> -> memref<64xi32, #tpu.memory_space<vmem>>
    %dma_start3A_12 = arith.constant 0 : i32
    %dma_start3A_13 = arith.constant 0 : i32
    %dma_start3A_14 = tpu.memref_slice %arg3[%dma_start3A_12, %dma_start3A_13] : memref<100000x128xi32, #tpu.memory_space<hbm>> -> memref<100000x128xi32, #tpu.memory_space<hbm>>
    tpu.enqueue_indirect_dma source(%dma_start3A_14 : memref<100000x128xi32, #tpu.memory_space<hbm>>) target(%dma_start3A_9 : memref<64x128xi32, #tpu.memory_space<vmem>>) offsets(%dma_start3A_11 : memref<64xi32, #tpu.memory_space<vmem>>) semaphore(%arg8 : memref<!tpu.dma_semaphore, #tpu.memory_space<semaphore_mem>>)
    %dma_start3A_15 = arith.constant 0 : i32
    %dma_start3A_16 = arith.constant 0 : i32
    %dma_start3A_17 = arith.constant 0 : i32
    %dma_start3A_18 = tpu.memref_slice %arg6[%dma_start3A_15, %dma_start3A_16, %dma_start3A_17] : memref<2x128x128xi32, #tpu.memory_space<vmem>> -> memref<1x128x128xi32, #tpu.memory_space<vmem>>
    %dma_start3A_19 = tpu.memref_squeeze %dma_start3A_18 : memref<1x128x128xi32, #tpu.memory_space<vmem>> -> memref<128x128xi32, #tpu.memory_space<vmem>>
    %dma_start3A_20 = arith.constant 64 : i32
    %dma_start3A_21 = arith.constant 0 : i32
    %dma_start3A_22 = tpu.memref_slice %dma_start3A_19[%dma_start3A_20, %dma_start3A_21] : memref<128x128xi32, #tpu.memory_space<vmem>> -> memref<64x128xi32, #tpu.memory_space<vmem>>
    %dma_start3A_23 = arith.constant 512 : i32
    %dma_start3A_24 = tpu.memref_slice %arg5[%dma_start3A_23] : memref<1024xi32, #tpu.memory_space<vmem>> -> memref<64xi32, #tpu.memory_space<vmem>>
    %dma_start3A_25 = arith.constant 0 : i32
    %dma_start3A_26 = arith.constant 0 : i32
    %dma_start3A_27 = tpu.memref_slice %arg3[%dma_start3A_25, %dma_start3A_26] : memref<100000x128xi32, #tpu.memory_space<hbm>> -> memref<100000x128xi32, #tpu.memory_space<hbm>>
    tpu.enqueue_indirect_dma source(%dma_start3A_27 : memref<100000x128xi32, #tpu.memory_space<hbm>>) target(%dma_start3A_22 : memref<64x128xi32, #tpu.memory_space<vmem>>) offsets(%dma_start3A_24 : memref<64xi32, #tpu.memory_space<vmem>>) semaphore(%arg9 : memref<!tpu.dma_semaphore, #tpu.memory_space<semaphore_mem>>)
    %dma_start3A_28 = arith.constant 1 : i32
    %dma_start3A_29 = arith.constant 0 : i32
    %dma_start3A_30 = arith.constant 0 : i32
    %dma_start3A_31 = tpu.memref_slice %arg6[%dma_start3A_28, %dma_start3A_29, %dma_start3A_30] : memref<2x128x128xi32, #tpu.memory_space<vmem>> -> memref<1x128x128xi32, #tpu.memory_space<vmem>>
    %dma_start3A_32 = tpu.memref_squeeze %dma_start3A_31 : memref<1x128x128xi32, #tpu.memory_space<vmem>> -> memref<128x128xi32, #tpu.memory_space<vmem>>
    %dma_start3A_33 = arith.constant 0 : i32
    %dma_start3A_34 = arith.constant 0 : i32
    %dma_start3A_35 = tpu.memref_slice %dma_start3A_32[%dma_start3A_33, %dma_start3A_34] : memref<128x128xi32, #tpu.memory_space<vmem>> -> memref<64x128xi32, #tpu.memory_space<vmem>>
    %dma_start3A_36 = arith.constant 64 : i32
    %dma_start3A_37 = tpu.memref_slice %arg5[%dma_start3A_36] : memref<1024xi32, #tpu.memory_space<vmem>> -> memref<64xi32, #tpu.memory_space<vmem>>
    %dma_start3A_38 = arith.constant 0 : i32
    %dma_start3A_39 = arith.constant 0 : i32
    %dma_start3A_40 = tpu.memref_slice %arg3[%dma_start3A_38, %dma_start3A_39] : memref<100000x128xi32, #tpu.memory_space<hbm>> -> memref<100000x128xi32, #tpu.memory_space<hbm>>
    tpu.enqueue_indirect_dma source(%dma_start3A_40 : memref<100000x128xi32, #tpu.memory_space<hbm>>) target(%dma_start3A_35 : memref<64x128xi32, #tpu.memory_space<vmem>>) offsets(%dma_start3A_37 : memref<64xi32, #tpu.memory_space<vmem>>) semaphore(%arg10 : memref<!tpu.dma_semaphore, #tpu.memory_space<semaphore_mem>>)
    %dma_start3A_41 = arith.constant 1 : i32
    %dma_start3A_42 = arith.constant 0 : i32
    %dma_start3A_43 = arith.constant 0 : i32
    %dma_start3A_44 = tpu.memref_slice %arg6[%dma_start3A_41, %dma_start3A_42, %dma_start3A_43] : memref<2x128x128xi32, #tpu.memory_space<vmem>> -> memref<1x128x128xi32, #tpu.memory_space<vmem>>
    %dma_start3A_45 = tpu.memref_squeeze %dma_start3A_44 : memref<1x128x128xi32, #tpu.memory_space<vmem>> -> memref<128x128xi32, #tpu.memory_space<vmem>>
    %dma_start3A_46 = arith.constant 64 : i32
    %dma_start3A_47 = arith.constant 0 : i32
    %dma_start3A_48 = tpu.memref_slice %dma_start3A_45[%dma_start3A_46, %dma_start3A_47] : memref<128x128xi32, #tpu.memory_space<vmem>> -> memref<64x128xi32, #tpu.memory_space<vmem>>
    %dma_start3A_49 = arith.constant 576 : i32
    %dma_start3A_50 = tpu.memref_slice %arg5[%dma_start3A_49] : memref<1024xi32, #tpu.memory_space<vmem>> -> memref<64xi32, #tpu.memory_space<vmem>>
    %dma_start3A_51 = arith.constant 0 : i32
    %dma_start3A_52 = arith.constant 0 : i32
    %dma_start3A_53 = tpu.memref_slice %arg3[%dma_start3A_51, %dma_start3A_52] : memref<100000x128xi32, #tpu.memory_space<hbm>> -> memref<100000x128xi32, #tpu.memory_space<hbm>>
    tpu.enqueue_indirect_dma source(%dma_start3A_53 : memref<100000x128xi32, #tpu.memory_space<hbm>>) target(%dma_start3A_48 : memref<64x128xi32, #tpu.memory_space<vmem>>) offsets(%dma_start3A_50 : memref<64xi32, #tpu.memory_space<vmem>>) semaphore(%arg11 : memref<!tpu.dma_semaphore, #tpu.memory_space<semaphore_mem>>)
    %dma_wait3A = arith.constant 0 : i32
    %dma_wait3A_54 = arith.constant 0 : i32
    %dma_wait3A_55 = arith.constant 0 : i32
    %dma_wait3A_56 = tpu.memref_slice %arg6[%dma_wait3A, %dma_wait3A_54, %dma_wait3A_55] : memref<2x128x128xi32, #tpu.memory_space<vmem>> -> memref<1x128x128xi32, #tpu.memory_space<vmem>>
    %dma_wait3A_57 = tpu.memref_squeeze %dma_wait3A_56 : memref<1x128x128xi32, #tpu.memory_space<vmem>> -> memref<128x128xi32, #tpu.memory_space<vmem>>
    %dma_wait3A_58 = arith.constant 0 : i32
    %dma_wait3A_59 = arith.constant 0 : i32
    %dma_wait3A_60 = tpu.memref_slice %dma_wait3A_57[%dma_wait3A_58, %dma_wait3A_59] : memref<128x128xi32, #tpu.memory_space<vmem>> -> memref<64x128xi32, #tpu.memory_space<vmem>>
    %dma_wait3A_61 = arith.constant 0 : i32
    %dma_wait3A_62 = tpu.memref_slice %arg5[%dma_wait3A_61] : memref<1024xi32, #tpu.memory_space<vmem>> -> memref<64xi32, #tpu.memory_space<vmem>>
    %dma_wait3A_63 = arith.constant 0 : i32
    %dma_wait3A_64 = arith.constant 0 : i32
    %dma_wait3A_65 = tpu.memref_slice %arg3[%dma_wait3A_63, %dma_wait3A_64] : memref<100000x128xi32, #tpu.memory_space<hbm>> -> memref<100000x128xi32, #tpu.memory_space<hbm>>
    tpu.wait_indirect_dma semaphore(%arg8 : memref<!tpu.dma_semaphore, #tpu.memory_space<semaphore_mem>>) src(%dma_wait3A_65 : memref<100000x128xi32, #tpu.memory_space<hbm>>) dst(%dma_wait3A_60 : memref<64x128xi32, #tpu.memory_space<vmem>>)
    %dma_wait3A_66 = arith.constant 0 : i32
    %dma_wait3A_67 = arith.constant 0 : i32
    %dma_wait3A_68 = arith.constant 0 : i32
    %dma_wait3A_69 = tpu.memref_slice %arg6[%dma_wait3A_66, %dma_wait3A_67, %dma_wait3A_68] : memref<2x128x128xi32, #tpu.memory_space<vmem>> -> memref<1x128x128xi32, #tpu.memory_space<vmem>>
    %dma_wait3A_70 = tpu.memref_squeeze %dma_wait3A_69 : memref<1x128x128xi32, #tpu.memory_space<vmem>> -> memref<128x128xi32, #tpu.memory_space<vmem>>
    %dma_wait3A_71 = arith.constant 64 : i32
    %dma_wait3A_72 = arith.constant 0 : i32
    %dma_wait3A_73 = tpu.memref_slice %dma_wait3A_70[%dma_wait3A_71, %dma_wait3A_72] : memref<128x128xi32, #tpu.memory_space<vmem>> -> memref<64x128xi32, #tpu.memory_space<vmem>>
    %dma_wait3A_74 = arith.constant 512 : i32
    %dma_wait3A_75 = tpu.memref_slice %arg5[%dma_wait3A_74] : memref<1024xi32, #tpu.memory_space<vmem>> -> memref<64xi32, #tpu.memory_space<vmem>>
    %dma_wait3A_76 = arith.constant 0 : i32
    %dma_wait3A_77 = arith.constant 0 : i32
    %dma_wait3A_78 = tpu.memref_slice %arg3[%dma_wait3A_76, %dma_wait3A_77] : memref<100000x128xi32, #tpu.memory_space<hbm>> -> memref<100000x128xi32, #tpu.memory_space<hbm>>
    tpu.wait_indirect_dma semaphore(%arg9 : memref<!tpu.dma_semaphore, #tpu.memory_space<semaphore_mem>>) src(%dma_wait3A_78 : memref<100000x128xi32, #tpu.memory_space<hbm>>) dst(%dma_wait3A_73 : memref<64x128xi32, #tpu.memory_space<vmem>>)
    %scan3A = arith.constant 0 : i32
    %scan3A_79 = arith.constant 0 : i32
    %scan3A_80 = arith.constant 0 : i32
    %scan3A_81 = arith.constant 0 : i32
    %scan3A_82 = arith.constant 64 : i32
    %scan3A_83 = arith.addi %scan3A_81, %scan3A_82 : i32
    %scan3A_84 = arith.constant 1 : i32
    scf.for %scan3A_704 = %scan3A_81 to %scan3A_83 step %scan3A_84  : i32 {
      %get3A = arith.constant 0 : i32
      %get3A_705 = arith.constant 0 : i32
      %get3A_706 = tpu.memref_slice %arg6[%scan3A_79, %get3A, %get3A_705] : memref<2x128x128xi32, #tpu.memory_space<vmem>> -> memref<1x128x128xi32, #tpu.memory_space<vmem>>
      %get3A_707 = tpu.memref_squeeze %get3A_706 : memref<1x128x128xi32, #tpu.memory_space<vmem>> -> memref<128x128xi32, #tpu.memory_space<vmem>>
      %get3A_708 = arith.index_cast %scan3A_704 : i32 to index
      %get3A_709 = arith.constant 0 : index
      %get3A_710 = tpu.vector_load %get3A_707[%get3A_708, %get3A_709] {strides = array<i32>} : memref<128x128xi32, #tpu.memory_space<vmem>>, vector<1x16xi32>,
      %get3A_711 = vector.shape_cast %get3A_710 : vector<1x16xi32> to vector<16xi32>
      %add3A_712 = arith.constant 32768 : i32
      %add3A_713 = vector.broadcast %add3A_712 : i32 to vector<16xi32>
      %add3A_714 = arith.addi %get3A_711, %add3A_713 : vector<16xi32>
      %add3A_715 = arith.constant 64 : i32
      %add3A_716 = arith.addi %add3A_715, %scan3A_704 : i32
      %get3A_717 = arith.constant 0 : i32
      %get3A_718 = arith.constant 0 : i32
      %get3A_719 = tpu.memref_slice %arg6[%scan3A_79, %get3A_717, %get3A_718] : memref<2x128x128xi32, #tpu.memory_space<vmem>> -> memref<1x128x128xi32, #tpu.memory_space<vmem>>
      %get3A_720 = tpu.memref_squeeze %get3A_719 : memref<1x128x128xi32, #tpu.memory_space<vmem>> -> memref<128x128xi32, #tpu.memory_space<vmem>>
      %get3A_721 = arith.index_cast %add3A_716 : i32 to index
      %get3A_722 = arith.constant 0 : index
      %get3A_723 = tpu.vector_load %get3A_720[%get3A_721, %get3A_722] {strides = array<i32>} : memref<128x128xi32, #tpu.memory_space<vmem>>, vector<1x16xi32>,
      %get3A_724 = vector.shape_cast %get3A_723 : vector<1x16xi32> to vector<16xi32>
      %add3A_725 = arith.constant 32768 : i32
      %add3A_726 = vector.broadcast %add3A_725 : i32 to vector<16xi32>
      %add3A_727 = arith.addi %get3A_724, %add3A_726 : vector<16xi32>
      %shift_right_logical3A = arith.constant 16 : i32
      %shift_right_logical3A_728 = vector.broadcast %shift_right_logical3A : i32 to vector<16xi32>
      %shift_right_logical3A_729 = arith.shrui %add3A_714, %shift_right_logical3A_728 : vector<16xi32>
      %and3A = arith.constant -65536 : i32
      %and3A_730 = vector.broadcast %and3A : i32 to vector<16xi32>
      %and3A_731 = arith.andi %add3A_727, %and3A_730 : vector<16xi32>
      %or3A = arith.ori %shift_right_logical3A_729, %and3A_731 : vector<16xi32>
      %swap3A = arith.constant 0 : i32
      %swap3A_732 = arith.constant 0 : i32
      %swap3A_733 = tpu.memref_slice %arg7[%scan3A_80, %swap3A, %swap3A_732] : memref<2x64x128xi32, #tpu.memory_space<vmem>> -> memref<1x64x128xi32, #tpu.memory_space<vmem>>
      %swap3A_734 = tpu.memref_squeeze %swap3A_733 : memref<1x64x128xi32, #tpu.memory_space<vmem>> -> memref<64x128xi32, #tpu.memory_space<vmem>>
      %swap3A_735 = arith.index_cast %scan3A_704 : i32 to index
      %swap3A_736 = arith.constant 0 : index
      %swap3A_737 = tpu.vector_load %swap3A_734[%swap3A_735, %swap3A_736] {strides = array<i32>} : memref<64x128xi32, #tpu.memory_space<vmem>>, vector<1x16xi32>,
      %swap3A_738 = vector.shape_cast %swap3A_737 : vector<1x16xi32> to vector<16xi32>
      %swap3A_739 = vector.shape_cast %or3A : vector<16xi32> to vector<1x16xi32>
      tpu.vector_store %swap3A_734[%swap3A_735, %swap3A_736], %swap3A_739 {strides = array<i32>} : memref<64x128xi32, #tpu.memory_space<vmem>>, vector<1x16xi32>,
      %get3A_740 = arith.constant 0 : i32
      %get3A_741 = arith.constant 0 : i32
      %get3A_742 = tpu.memref_slice %arg6[%scan3A_79, %get3A_740, %get3A_741] : memref<2x128x128xi32, #tpu.memory_space<vmem>> -> memref<1x128x128xi32, #tpu.memory_space<vmem>>
      %get3A_743 = tpu.memref_squeeze %get3A_742 : memref<1x128x128xi32, #tpu.memory_space<vmem>> -> memref<128x128xi32, #tpu.memory_space<vmem>>
      %get3A_744 = arith.index_cast %scan3A_704 : i32 to index
      %get3A_745 = arith.constant 16 : index
      %get3A_746 = tpu.vector_load %get3A_743[%get3A_744, %get3A_745] {strides = array<i32>} : memref<128x128xi32, #tpu.memory_space<vmem>>, vector<1x16xi32>,
      %get3A_747 = vector.shape_cast %get3A_746 : vector<1x16xi32> to vector<16xi32>
      %add3A_748 = arith.constant 32768 : i32
      %add3A_749 = vector.broadcast %add3A_748 : i32 to vector<16xi32>
      %add3A_750 = arith.addi %get3A_747, %add3A_749 : vector<16xi32>
      %add3A_751 = arith.constant 64 : i32
      %add3A_752 = arith.addi %add3A_751, %scan3A_704 : i32
      %get3A_753 = arith.constant 0 : i32
      %get3A_754 = arith.constant 0 : i32
      %get3A_755 = tpu.memref_slice %arg6[%scan3A_79, %get3A_753, %get3A_754] : memref<2x128x128xi32, #tpu.memory_space<vmem>> -> memref<1x128x128xi32, #tpu.memory_space<vmem>>
      %get3A_756 = tpu.memref_squeeze %get3A_755 : memref<1x128x128xi32, #tpu.memory_space<vmem>> -> memref<128x128xi32, #tpu.memory_space<vmem>>
      %get3A_757 = arith.index_cast %add3A_752 : i32 to index
      %get3A_758 = arith.constant 16 : index
      %get3A_759 = tpu.vector_load %get3A_756[%get3A_757, %get3A_758] {strides = array<i32>} : memref<128x128xi32, #tpu.memory_space<vmem>>, vector<1x16xi32>,
      %get3A_760 = vector.shape_cast %get3A_759 : vector<1x16xi32> to vector<16xi32>
      %add3A_761 = arith.constant 32768 : i32
      %add3A_762 = vector.broadcast %add3A_761 : i32 to vector<16xi32>
      %add3A_763 = arith.addi %get3A_760, %add3A_762 : vector<16xi32>
      %shift_right_logical3A_764 = arith.constant 16 : i32
      %shift_right_logical3A_765 = vector.broadcast %shift_right_logical3A_764 : i32 to vector<16xi32>
      %shift_right_logical3A_766 = arith.shrui %add3A_750, %shift_right_logical3A_765 : vector<16xi32>
      %and3A_767 = arith.constant -65536 : i32
      %and3A_768 = vector.broadcast %and3A_767 : i32 to vector<16xi32>
      %and3A_769 = arith.andi %add3A_763, %and3A_768 : vector<16xi32>
      %or3A_770 = arith.ori %shift_right_logical3A_766, %and3A_769 : vector<16xi32>
      %swap3A_771 = arith.constant 0 : i32
      %swap3A_772 = arith.constant 0 : i32
      %swap3A_773 = tpu.memref_slice %arg7[%scan3A_80, %swap3A_771, %swap3A_772] : memref<2x64x128xi32, #tpu.memory_space<vmem>> -> memref<1x64x128xi32, #tpu.memory_space<vmem>>
      %swap3A_774 = tpu.memref_squeeze %swap3A_773 : memref<1x64x128xi32, #tpu.memory_space<vmem>> -> memref<64x128xi32, #tpu.memory_space<vmem>>
      %swap3A_775 = arith.index_cast %scan3A_704 : i32 to index
      %swap3A_776 = arith.constant 16 : index
      %swap3A_777 = tpu.vector_load %swap3A_774[%swap3A_775, %swap3A_776] {strides = array<i32>} : memref<64x128xi32, #tpu.memory_space<vmem>>, vector<1x16xi32>,
      %swap3A_778 = vector.shape_cast %swap3A_777 : vector<1x16xi32> to vector<16xi32>
      %swap3A_779 = vector.shape_cast %or3A_770 : vector<16xi32> to vector<1x16xi32>
      tpu.vector_store %swap3A_774[%swap3A_775, %swap3A_776], %swap3A_779 {strides = array<i32>} : memref<64x128xi32, #tpu.memory_space<vmem>>, vector<1x16xi32>,
      %get3A_780 = arith.constant 0 : i32
      %get3A_781 = arith.constant 0 : i32
      %get3A_782 = tpu.memref_slice %arg6[%scan3A_79, %get3A_780, %get3A_781] : memref<2x128x128xi32, #tpu.memory_space<vmem>> -> memref<1x128x128xi32, #tpu.memory_space<vmem>>
      %get3A_783 = tpu.memref_squeeze %get3A_782 : memref<1x128x128xi32, #tpu.memory_space<vmem>> -> memref<128x128xi32, #tpu.memory_space<vmem>>
      %get3A_784 = arith.index_cast %scan3A_704 : i32 to index
      %get3A_785 = arith.constant 32 : index
      %get3A_786 = tpu.vector_load %get3A_783[%get3A_784, %get3A_785] {strides = array<i32>} : memref<128x128xi32, #tpu.memory_space<vmem>>, vector<1x16xi32>,
      %get3A_787 = vector.shape_cast %get3A_786 : vector<1x16xi32> to vector<16xi32>
      %add3A_788 = arith.constant 32768 : i32
      %add3A_789 = vector.broadcast %add3A_788 : i32 to vector<16xi32>
      %add3A_790 = arith.addi %get3A_787, %add3A_789 : vector<16xi32>
      %add3A_791 = arith.constant 64 : i32
      %add3A_792 = arith.addi %add3A_791, %scan3A_704 : i32
      %get3A_793 = arith.constant 0 : i32
      %get3A_794 = arith.constant 0 : i32
      %get3A_795 = tpu.memref_slice %arg6[%scan3A_79, %get3A_793, %get3A_794] : memref<2x128x128xi32, #tpu.memory_space<vmem>> -> memref<1x128x128xi32, #tpu.memory_space<vmem>>
      %get3A_796 = tpu.memref_squeeze %get3A_795 : memref<1x128x128xi32, #tpu.memory_space<vmem>> -> memref<128x128xi32, #tpu.memory_space<vmem>>
      %get3A_797 = arith.index_cast %add3A_792 : i32 to index
      %get3A_798 = arith.constant 32 : index
      %get3A_799 = tpu.vector_load %get3A_796[%get3A_797, %get3A_798] {strides = array<i32>} : memref<128x128xi32, #tpu.memory_space<vmem>>, vector<1x16xi32>,
      %get3A_800 = vector.shape_cast %get3A_799 : vector<1x16xi32> to vector<16xi32>
      %add3A_801 = arith.constant 32768 : i32
      %add3A_802 = vector.broadcast %add3A_801 : i32 to vector<16xi32>
      %add3A_803 = arith.addi %get3A_800, %add3A_802 : vector<16xi32>
      %shift_right_logical3A_804 = arith.constant 16 : i32
      %shift_right_logical3A_805 = vector.broadcast %shift_right_logical3A_804 : i32 to vector<16xi32>
      %shift_right_logical3A_806 = arith.shrui %add3A_790, %shift_right_logical3A_805 : vector<16xi32>
      %and3A_807 = arith.constant -65536 : i32
      %and3A_808 = vector.broadcast %and3A_807 : i32 to vector<16xi32>
      %and3A_809 = arith.andi %add3A_803, %and3A_808 : vector<16xi32>
      %or3A_810 = arith.ori %shift_right_logical3A_806, %and3A_809 : vector<16xi32>
      %swap3A_811 = arith.constant 0 : i32
      %swap3A_812 = arith.constant 0 : i32
      %swap3A_813 = tpu.memref_slice %arg7[%scan3A_80, %swap3A_811, %swap3A_812] : memref<2x64x128xi32, #tpu.memory_space<vmem>> -> memref<1x64x128xi32, #tpu.memory_space<vmem>>
      %swap3A_814 = tpu.memref_squeeze %swap3A_813 : memref<1x64x128xi32, #tpu.memory_space<vmem>> -> memref<64x128xi32, #tpu.memory_space<vmem>>
      %swap3A_815 = arith.index_cast %scan3A_704 : i32 to index
      %swap3A_816 = arith.constant 32 : index
      %swap3A_817 = tpu.vector_load %swap3A_814[%swap3A_815, %swap3A_816] {strides = array<i32>} : memref<64x128xi32, #tpu.memory_space<vmem>>, vector<1x16xi32>,
      %swap3A_818 = vector.shape_cast %swap3A_817 : vector<1x16xi32> to vector<16xi32>
      %swap3A_819 = vector.shape_cast %or3A_810 : vector<16xi32> to vector<1x16xi32>
      tpu.vector_store %swap3A_814[%swap3A_815, %swap3A_816], %swap3A_819 {strides = array<i32>} : memref<64x128xi32, #tpu.memory_space<vmem>>, vector<1x16xi32>,
      %get3A_820 = arith.constant 0 : i32
      %get3A_821 = arith.constant 0 : i32
      %get3A_822 = tpu.memref_slice %arg6[%scan3A_79, %get3A_820, %get3A_821] : memref<2x128x128xi32, #tpu.memory_space<vmem>> -> memref<1x128x128xi32, #tpu.memory_space<vmem>>
      %get3A_823 = tpu.memref_squeeze %get3A_822 : memref<1x128x128xi32, #tpu.memory_space<vmem>> -> memref<128x128xi32, #tpu.memory_space<vmem>>
      %get3A_824 = arith.index_cast %scan3A_704 : i32 to index
      %get3A_825 = arith.constant 48 : index
      %get3A_826 = tpu.vector_load %get3A_823[%get3A_824, %get3A_825] {strides = array<i32>} : memref<128x128xi32, #tpu.memory_space<vmem>>, vector<1x16xi32>,
      %get3A_827 = vector.shape_cast %get3A_826 : vector<1x16xi32> to vector<16xi32>
      %add3A_828 = arith.constant 32768 : i32
      %add3A_829 = vector.broadcast %add3A_828 : i32 to vector<16xi32>
      %add3A_830 = arith.addi %get3A_827, %add3A_829 : vector<16xi32>
      %add3A_831 = arith.constant 64 : i32
      %add3A_832 = arith.addi %add3A_831, %scan3A_704 : i32
      %get3A_833 = arith.constant 0 : i32
      %get3A_834 = arith.constant 0 : i32
      %get3A_835 = tpu.memref_slice %arg6[%scan3A_79, %get3A_833, %get3A_834] : memref<2x128x128xi32, #tpu.memory_space<vmem>> -> memref<1x128x128xi32, #tpu.memory_space<vmem>>
      %get3A_836 = tpu.memref_squeeze %get3A_835 : memref<1x128x128xi32, #tpu.memory_space<vmem>> -> memref<128x128xi32, #tpu.memory_space<vmem>>
      %get3A_837 = arith.index_cast %add3A_832 : i32 to index
      %get3A_838 = arith.constant 48 : index
      %get3A_839 = tpu.vector_load %get3A_836[%get3A_837, %get3A_838] {strides = array<i32>} : memref<128x128xi32, #tpu.memory_space<vmem>>, vector<1x16xi32>,
      %get3A_840 = vector.shape_cast %get3A_839 : vector<1x16xi32> to vector<16xi32>
      %add3A_841 = arith.constant 32768 : i32
      %add3A_842 = vector.broadcast %add3A_841 : i32 to vector<16xi32>
      %add3A_843 = arith.addi %get3A_840, %add3A_842 : vector<16xi32>
      %shift_right_logical3A_844 = arith.constant 16 : i32
      %shift_right_logical3A_845 = vector.broadcast %shift_right_logical3A_844 : i32 to vector<16xi32>
      %shift_right_logical3A_846 = arith.shrui %add3A_830, %shift_right_logical3A_845 : vector<16xi32>
      %and3A_847 = arith.constant -65536 : i32
      %and3A_848 = vector.broadcast %and3A_847 : i32 to vector<16xi32>
      %and3A_849 = arith.andi %add3A_843, %and3A_848 : vector<16xi32>
      %or3A_850 = arith.ori %shift_right_logical3A_846, %and3A_849 : vector<16xi32>
      %swap3A_851 = arith.constant 0 : i32
      %swap3A_852 = arith.constant 0 : i32
      %swap3A_853 = tpu.memref_slice %arg7[%scan3A_80, %swap3A_851, %swap3A_852] : memref<2x64x128xi32, #tpu.memory_space<vmem>> -> memref<1x64x128xi32, #tpu.memory_space<vmem>>
      %swap3A_854 = tpu.memref_squeeze %swap3A_853 : memref<1x64x128xi32, #tpu.memory_space<vmem>> -> memref<64x128xi32, #tpu.memory_space<vmem>>
      %swap3A_855 = arith.index_cast %scan3A_704 : i32 to index
      %swap3A_856 = arith.constant 48 : index
      %swap3A_857 = tpu.vector_load %swap3A_854[%swap3A_855, %swap3A_856] {strides = array<i32>} : memref<64x128xi32, #tpu.memory_space<vmem>>, vector<1x16xi32>,
      %swap3A_858 = vector.shape_cast %swap3A_857 : vector<1x16xi32> to vector<16xi32>
      %swap3A_859 = vector.shape_cast %or3A_850 : vector<16xi32> to vector<1x16xi32>
      tpu.vector_store %swap3A_854[%swap3A_855, %swap3A_856], %swap3A_859 {strides = array<i32>} : memref<64x128xi32, #tpu.memory_space<vmem>>, vector<1x16xi32>,
      %get3A_860 = arith.constant 0 : i32
      %get3A_861 = arith.constant 0 : i32
      %get3A_862 = tpu.memref_slice %arg6[%scan3A_79, %get3A_860, %get3A_861] : memref<2x128x128xi32, #tpu.memory_space<vmem>> -> memref<1x128x128xi32, #tpu.memory_space<vmem>>
      %get3A_863 = tpu.memref_squeeze %get3A_862 : memref<1x128x128xi32, #tpu.memory_space<vmem>> -> memref<128x128xi32, #tpu.memory_space<vmem>>
      %get3A_864 = arith.index_cast %scan3A_704 : i32 to index
      %get3A_865 = arith.constant 64 : index
      %get3A_866 = tpu.vector_load %get3A_863[%get3A_864, %get3A_865] {strides = array<i32>} : memref<128x128xi32, #tpu.memory_space<vmem>>, vector<1x16xi32>,
      %get3A_867 = vector.shape_cast %get3A_866 : vector<1x16xi32> to vector<16xi32>
      %add3A_868 = arith.constant 32768 : i32
      %add3A_869 = vector.broadcast %add3A_868 : i32 to vector<16xi32>
      %add3A_870 = arith.addi %get3A_867, %add3A_869 : vector<16xi32>
      %add3A_871 = arith.constant 64 : i32
      %add3A_872 = arith.addi %add3A_871, %scan3A_704 : i32
      %get3A_873 = arith.constant 0 : i32
      %get3A_874 = arith.constant 0 : i32
      %get3A_875 = tpu.memref_slice %arg6[%scan3A_79, %get3A_873, %get3A_874] : memref<2x128x128xi32, #tpu.memory_space<vmem>> -> memref<1x128x128xi32, #tpu.memory_space<vmem>>
      %get3A_876 = tpu.memref_squeeze %get3A_875 : memref<1x128x128xi32, #tpu.memory_space<vmem>> -> memref<128x128xi32, #tpu.memory_space<vmem>>
      %get3A_877 = arith.index_cast %add3A_872 : i32 to index
      %get3A_878 = arith.constant 64 : index
      %get3A_879 = tpu.vector_load %get3A_876[%get3A_877, %get3A_878] {strides = array<i32>} : memref<128x128xi32, #tpu.memory_space<vmem>>, vector<1x16xi32>,
      %get3A_880 = vector.shape_cast %get3A_879 : vector<1x16xi32> to vector<16xi32>
      %add3A_881 = arith.constant 32768 : i32
      %add3A_882 = vector.broadcast %add3A_881 : i32 to vector<16xi32>
      %add3A_883 = arith.addi %get3A_880, %add3A_882 : vector<16xi32>
      %shift_right_logical3A_884 = arith.constant 16 : i32
      %shift_right_logical3A_885 = vector.broadcast %shift_right_logical3A_884 : i32 to vector<16xi32>
      %shift_right_logical3A_886 = arith.shrui %add3A_870, %shift_right_logical3A_885 : vector<16xi32>
      %and3A_887 = arith.constant -65536 : i32
      %and3A_888 = vector.broadcast %and3A_887 : i32 to vector<16xi32>
      %and3A_889 = arith.andi %add3A_883, %and3A_888 : vector<16xi32>
      %or3A_890 = arith.ori %shift_right_logical3A_886, %and3A_889 : vector<16xi32>
      %swap3A_891 = arith.constant 0 : i32
      %swap3A_892 = arith.constant 0 : i32
      %swap3A_893 = tpu.memref_slice %arg7[%scan3A_80, %swap3A_891, %swap3A_892] : memref<2x64x128xi32, #tpu.memory_space<vmem>> -> memref<1x64x128xi32, #tpu.memory_space<vmem>>
      %swap3A_894 = tpu.memref_squeeze %swap3A_893 : memref<1x64x128xi32, #tpu.memory_space<vmem>> -> memref<64x128xi32, #tpu.memory_space<vmem>>
      %swap3A_895 = arith.index_cast %scan3A_704 : i32 to index
      %swap3A_896 = arith.constant 64 : index
      %swap3A_897 = tpu.vector_load %swap3A_894[%swap3A_895, %swap3A_896] {strides = array<i32>} : memref<64x128xi32, #tpu.memory_space<vmem>>, vector<1x16xi32>,
      %swap3A_898 = vector.shape_cast %swap3A_897 : vector<1x16xi32> to vector<16xi32>
      %swap3A_899 = vector.shape_cast %or3A_890 : vector<16xi32> to vector<1x16xi32>
      tpu.vector_store %swap3A_894[%swap3A_895, %swap3A_896], %swap3A_899 {strides = array<i32>} : memref<64x128xi32, #tpu.memory_space<vmem>>, vector<1x16xi32>,
      %get3A_900 = arith.constant 0 : i32
      %get3A_901 = arith.constant 0 : i32
      %get3A_902 = tpu.memref_slice %arg6[%scan3A_79, %get3A_900, %get3A_901] : memref<2x128x128xi32, #tpu.memory_space<vmem>> -> memref<1x128x128xi32, #tpu.memory_space<vmem>>
      %get3A_903 = tpu.memref_squeeze %get3A_902 : memref<1x128x128xi32, #tpu.memory_space<vmem>> -> memref<128x128xi32, #tpu.memory_space<vmem>>
      %get3A_904 = arith.index_cast %scan3A_704 : i32 to index
      %get3A_905 = arith.constant 80 : index
      %get3A_906 = tpu.vector_load %get3A_903[%get3A_904, %get3A_905] {strides = array<i32>} : memref<128x128xi32, #tpu.memory_space<vmem>>, vector<1x16xi32>,
      %get3A_907 = vector.shape_cast %get3A_906 : vector<1x16xi32> to vector<16xi32>
      %add3A_908 = arith.constant 32768 : i32
      %add3A_909 = vector.broadcast %add3A_908 : i32 to vector<16xi32>
      %add3A_910 = arith.addi %get3A_907, %add3A_909 : vector<16xi32>
      %add3A_911 = arith.constant 64 : i32
      %add3A_912 = arith.addi %add3A_911, %scan3A_704 : i32
      %get3A_913 = arith.constant 0 : i32
      %get3A_914 = arith.constant 0 : i32
      %get3A_915 = tpu.memref_slice %arg6[%scan3A_79, %get3A_913, %get3A_914] : memref<2x128x128xi32, #tpu.memory_space<vmem>> -> memref<1x128x128xi32, #tpu.memory_space<vmem>>
      %get3A_916 = tpu.memref_squeeze %get3A_915 : memref<1x128x128xi32, #tpu.memory_space<vmem>> -> memref<128x128xi32, #tpu.memory_space<vmem>>
      %get3A_917 = arith.index_cast %add3A_912 : i32 to index
      %get3A_918 = arith.constant 80 : index
      %get3A_919 = tpu.vector_load %get3A_916[%get3A_917, %get3A_918] {strides = array<i32>} : memref<128x128xi32, #tpu.memory_space<vmem>>, vector<1x16xi32>,
      %get3A_920 = vector.shape_cast %get3A_919 : vector<1x16xi32> to vector<16xi32>
      %add3A_921 = arith.constant 32768 : i32
      %add3A_922 = vector.broadcast %add3A_921 : i32 to vector<16xi32>
      %add3A_923 = arith.addi %get3A_920, %add3A_922 : vector<16xi32>
      %shift_right_logical3A_924 = arith.constant 16 : i32
      %shift_right_logical3A_925 = vector.broadcast %shift_right_logical3A_924 : i32 to vector<16xi32>
      %shift_right_logical3A_926 = arith.shrui %add3A_910, %shift_right_logical3A_925 : vector<16xi32>
      %and3A_927 = arith.constant -65536 : i32
      %and3A_928 = vector.broadcast %and3A_927 : i32 to vector<16xi32>
      %and3A_929 = arith.andi %add3A_923, %and3A_928 : vector<16xi32>
      %or3A_930 = arith.ori %shift_right_logical3A_926, %and3A_929 : vector<16xi32>
      %swap3A_931 = arith.constant 0 : i32
      %swap3A_932 = arith.constant 0 : i32
      %swap3A_933 = tpu.memref_slice %arg7[%scan3A_80, %swap3A_931, %swap3A_932] : memref<2x64x128xi32, #tpu.memory_space<vmem>> -> memref<1x64x128xi32, #tpu.memory_space<vmem>>
      %swap3A_934 = tpu.memref_squeeze %swap3A_933 : memref<1x64x128xi32, #tpu.memory_space<vmem>> -> memref<64x128xi32, #tpu.memory_space<vmem>>
      %swap3A_935 = arith.index_cast %scan3A_704 : i32 to index
      %swap3A_936 = arith.constant 80 : index
      %swap3A_937 = tpu.vector_load %swap3A_934[%swap3A_935, %swap3A_936] {strides = array<i32>} : memref<64x128xi32, #tpu.memory_space<vmem>>, vector<1x16xi32>,
      %swap3A_938 = vector.shape_cast %swap3A_937 : vector<1x16xi32> to vector<16xi32>
      %swap3A_939 = vector.shape_cast %or3A_930 : vector<16xi32> to vector<1x16xi32>
      tpu.vector_store %swap3A_934[%swap3A_935, %swap3A_936], %swap3A_939 {strides = array<i32>} : memref<64x128xi32, #tpu.memory_space<vmem>>, vector<1x16xi32>,
      %get3A_940 = arith.constant 0 : i32
      %get3A_941 = arith.constant 0 : i32
      %get3A_942 = tpu.memref_slice %arg6[%scan3A_79, %get3A_940, %get3A_941] : memref<2x128x128xi32, #tpu.memory_space<vmem>> -> memref<1x128x128xi32, #tpu.memory_space<vmem>>
      %get3A_943 = tpu.memref_squeeze %get3A_942 : memref<1x128x128xi32, #tpu.memory_space<vmem>> -> memref<128x128xi32, #tpu.memory_space<vmem>>
      %get3A_944 = arith.index_cast %scan3A_704 : i32 to index
      %get3A_945 = arith.constant 96 : index
      %get3A_946 = tpu.vector_load %get3A_943[%get3A_944, %get3A_945] {strides = array<i32>} : memref<128x128xi32, #tpu.memory_space<vmem>>, vector<1x16xi32>,
      %get3A_947 = vector.shape_cast %get3A_946 : vector<1x16xi32> to vector<16xi32>
      %add3A_948 = arith.constant 32768 : i32
      %add3A_949 = vector.broadcast %add3A_948 : i32 to vector<16xi32>
      %add3A_950 = arith.addi %get3A_947, %add3A_949 : vector<16xi32>
      %add3A_951 = arith.constant 64 : i32
      %add3A_952 = arith.addi %add3A_951, %scan3A_704 : i32
      %get3A_953 = arith.constant 0 : i32
      %get3A_954 = arith.constant 0 : i32
      %get3A_955 = tpu.memref_slice %arg6[%scan3A_79, %get3A_953, %get3A_954] : memref<2x128x128xi32, #tpu.memory_space<vmem>> -> memref<1x128x128xi32, #tpu.memory_space<vmem>>
      %get3A_956 = tpu.memref_squeeze %get3A_955 : memref<1x128x128xi32, #tpu.memory_space<vmem>> -> memref<128x128xi32, #tpu.memory_space<vmem>>
      %get3A_957 = arith.index_cast %add3A_952 : i32 to index
      %get3A_958 = arith.constant 96 : index
      %get3A_959 = tpu.vector_load %get3A_956[%get3A_957, %get3A_958] {strides = array<i32>} : memref<128x128xi32, #tpu.memory_space<vmem>>, vector<1x16xi32>,
      %get3A_960 = vector.shape_cast %get3A_959 : vector<1x16xi32> to vector<16xi32>
      %add3A_961 = arith.constant 32768 : i32
      %add3A_962 = vector.broadcast %add3A_961 : i32 to vector<16xi32>
      %add3A_963 = arith.addi %get3A_960, %add3A_962 : vector<16xi32>
      %shift_right_logical3A_964 = arith.constant 16 : i32
      %shift_right_logical3A_965 = vector.broadcast %shift_right_logical3A_964 : i32 to vector<16xi32>
      %shift_right_logical3A_966 = arith.shrui %add3A_950, %shift_right_logical3A_965 : vector<16xi32>
      %and3A_967 = arith.constant -65536 : i32
      %and3A_968 = vector.broadcast %and3A_967 : i32 to vector<16xi32>
      %and3A_969 = arith.andi %add3A_963, %and3A_968 : vector<16xi32>
      %or3A_970 = arith.ori %shift_right_logical3A_966, %and3A_969 : vector<16xi32>
      %swap3A_971 = arith.constant 0 : i32
      %swap3A_972 = arith.constant 0 : i32
      %swap3A_973 = tpu.memref_slice %arg7[%scan3A_80, %swap3A_971, %swap3A_972] : memref<2x64x128xi32, #tpu.memory_space<vmem>> -> memref<1x64x128xi32, #tpu.memory_space<vmem>>
      %swap3A_974 = tpu.memref_squeeze %swap3A_973 : memref<1x64x128xi32, #tpu.memory_space<vmem>> -> memref<64x128xi32, #tpu.memory_space<vmem>>
      %swap3A_975 = arith.index_cast %scan3A_704 : i32 to index
      %swap3A_976 = arith.constant 96 : index
      %swap3A_977 = tpu.vector_load %swap3A_974[%swap3A_975, %swap3A_976] {strides = array<i32>} : memref<64x128xi32, #tpu.memory_space<vmem>>, vector<1x16xi32>,
      %swap3A_978 = vector.shape_cast %swap3A_977 : vector<1x16xi32> to vector<16xi32>
      %swap3A_979 = vector.shape_cast %or3A_970 : vector<16xi32> to vector<1x16xi32>
      tpu.vector_store %swap3A_974[%swap3A_975, %swap3A_976], %swap3A_979 {strides = array<i32>} : memref<64x128xi32, #tpu.memory_space<vmem>>, vector<1x16xi32>,
      %get3A_980 = arith.constant 0 : i32
      %get3A_981 = arith.constant 0 : i32
      %get3A_982 = tpu.memref_slice %arg6[%scan3A_79, %get3A_980, %get3A_981] : memref<2x128x128xi32, #tpu.memory_space<vmem>> -> memref<1x128x128xi32, #tpu.memory_space<vmem>>
      %get3A_983 = tpu.memref_squeeze %get3A_982 : memref<1x128x128xi32, #tpu.memory_space<vmem>> -> memref<128x128xi32, #tpu.memory_space<vmem>>
      %get3A_984 = arith.index_cast %scan3A_704 : i32 to index
      %get3A_985 = arith.constant 112 : index
      %get3A_986 = tpu.vector_load %get3A_983[%get3A_984, %get3A_985] {strides = array<i32>} : memref<128x128xi32, #tpu.memory_space<vmem>>, vector<1x16xi32>,
      %get3A_987 = vector.shape_cast %get3A_986 : vector<1x16xi32> to vector<16xi32>
      %add3A_988 = arith.constant 32768 : i32
      %add3A_989 = vector.broadcast %add3A_988 : i32 to vector<16xi32>
      %add3A_990 = arith.addi %get3A_987, %add3A_989 : vector<16xi32>
      %add3A_991 = arith.constant 64 : i32
      %add3A_992 = arith.addi %add3A_991, %scan3A_704 : i32
      %get3A_993 = arith.constant 0 : i32
      %get3A_994 = arith.constant 0 : i32
      %get3A_995 = tpu.memref_slice %arg6[%scan3A_79, %get3A_993, %get3A_994] : memref<2x128x128xi32, #tpu.memory_space<vmem>> -> memref<1x128x128xi32, #tpu.memory_space<vmem>>
      %get3A_996 = tpu.memref_squeeze %get3A_995 : memref<1x128x128xi32, #tpu.memory_space<vmem>> -> memref<128x128xi32, #tpu.memory_space<vmem>>
      %get3A_997 = arith.index_cast %add3A_992 : i32 to index
      %get3A_998 = arith.constant 112 : index
      %get3A_999 = tpu.vector_load %get3A_996[%get3A_997, %get3A_998] {strides = array<i32>} : memref<128x128xi32, #tpu.memory_space<vmem>>, vector<1x16xi32>,
      %get3A_1000 = vector.shape_cast %get3A_999 : vector<1x16xi32> to vector<16xi32>
      %add3A_1001 = arith.constant 32768 : i32
      %add3A_1002 = vector.broadcast %add3A_1001 : i32 to vector<16xi32>
      %add3A_1003 = arith.addi %get3A_1000, %add3A_1002 : vector<16xi32>
      %shift_right_logical3A_1004 = arith.constant 16 : i32
      %shift_right_logical3A_1005 = vector.broadcast %shift_right_logical3A_1004 : i32 to vector<16xi32>
      %shift_right_logical3A_1006 = arith.shrui %add3A_990, %shift_right_logical3A_1005 : vector<16xi32>
      %and3A_1007 = arith.constant -65536 : i32
      %and3A_1008 = vector.broadcast %and3A_1007 : i32 to vector<16xi32>
      %and3A_1009 = arith.andi %add3A_1003, %and3A_1008 : vector<16xi32>
      %or3A_1010 = arith.ori %shift_right_logical3A_1006, %and3A_1009 : vector<16xi32>
      %swap3A_1011 = arith.constant 0 : i32
      %swap3A_1012 = arith.constant 0 : i32
      %swap3A_1013 = tpu.memref_slice %arg7[%scan3A_80, %swap3A_1011, %swap3A_1012] : memref<2x64x128xi32, #tpu.memory_space<vmem>> -> memref<1x64x128xi32, #tpu.memory_space<vmem>>
      %swap3A_1014 = tpu.memref_squeeze %swap3A_1013 : memref<1x64x128xi32, #tpu.memory_space<vmem>> -> memref<64x128xi32, #tpu.memory_space<vmem>>
      %swap3A_1015 = arith.index_cast %scan3A_704 : i32 to index
      %swap3A_1016 = arith.constant 112 : index
      %swap3A_1017 = tpu.vector_load %swap3A_1014[%swap3A_1015, %swap3A_1016] {strides = array<i32>} : memref<64x128xi32, #tpu.memory_space<vmem>>, vector<1x16xi32>,
      %swap3A_1018 = vector.shape_cast %swap3A_1017 : vector<1x16xi32> to vector<16xi32>
      %swap3A_1019 = vector.shape_cast %or3A_1010 : vector<16xi32> to vector<1x16xi32>
      tpu.vector_store %swap3A_1014[%swap3A_1015, %swap3A_1016], %swap3A_1019 {strides = array<i32>} : memref<64x128xi32, #tpu.memory_space<vmem>>, vector<1x16xi32>,
    }
    %scan3A_85 = arith.constant 64 : i32
    %add3A_86 = arith.constant 0 : i32
    %add3A_87 = arith.addi %mul3A_2, %add3A_86 : i32
    %dma_start3A_88 = arith.constant 0 : i32
    %dma_start3A_89 = arith.constant 0 : i32
    %dma_start3A_90 = arith.constant 0 : i32
    %dma_start3A_91 = tpu.memref_slice %arg7[%dma_start3A_88, %dma_start3A_89, %dma_start3A_90] : memref<2x64x128xi32, #tpu.memory_space<vmem>> -> memref<1x64x128xi32, #tpu.memory_space<vmem>>
    %dma_start3A_92 = tpu.memref_squeeze %dma_start3A_91 : memref<1x64x128xi32, #tpu.memory_space<vmem>> -> memref<64x128xi32, #tpu.memory_space<vmem>>
    %dma_start3A_93 = arith.constant 0 : i32
    %dma_start3A_94 = tpu.memref_slice %arg4[%add3A_87, %dma_start3A_93] : memref<16384x128xi32, #tpu.memory_space<hbm>> -> memref<64x128xi32, #tpu.memory_space<hbm>>
    %dma_start3A_95 = arith.constant 0 : i32
    %dma_start3A_96 = tpu.memref_slice %arg4[%add3A_87, %dma_start3A_95] : memref<16384x128xi32, #tpu.memory_space<hbm>> -> memref<64x128xi32, #tpu.memory_space<hbm>>
    %dma_start3A_97 = arith.constant 0 : i32
    %dma_start3A_98 = arith.constant 0 : i32
    %dma_start3A_99 = tpu.memref_slice %arg7[%dma_start3A_88, %dma_start3A_97, %dma_start3A_98] : memref<2x64x128xi32, #tpu.memory_space<vmem>> -> memref<1x64x128xi32, #tpu.memory_space<vmem>>
    %dma_start3A_100 = tpu.memref_squeeze %dma_start3A_99 : memref<1x64x128xi32, #tpu.memory_space<vmem>> -> memref<64x128xi32, #tpu.memory_space<vmem>>
    tpu.enqueue_dma source(%dma_start3A_100 : memref<64x128xi32, #tpu.memory_space<vmem>>) target(%dma_start3A_96 : memref<64x128xi32, #tpu.memory_space<hbm>>) target_semaphore(%arg12 : memref<!tpu.dma_semaphore, #tpu.memory_space<semaphore_mem>>)
    %dma_start3A_101 = arith.constant 0 : i32
    %dma_start3A_102 = arith.constant 0 : i32
    %dma_start3A_103 = arith.constant 0 : i32
    %dma_start3A_104 = tpu.memref_slice %arg6[%dma_start3A_101, %dma_start3A_102, %dma_start3A_103] : memref<2x128x128xi32, #tpu.memory_space<vmem>> -> memref<1x128x128xi32, #tpu.memory_space<vmem>>
    %dma_start3A_105 = tpu.memref_squeeze %dma_start3A_104 : memref<1x128x128xi32, #tpu.memory_space<vmem>> -> memref<128x128xi32, #tpu.memory_space<vmem>>
    %dma_start3A_106 = arith.constant 0 : i32
    %dma_start3A_107 = arith.constant 0 : i32
    %dma_start3A_108 = tpu.memref_slice %dma_start3A_105[%dma_start3A_106, %dma_start3A_107] : memref<128x128xi32, #tpu.memory_space<vmem>> -> memref<64x128xi32, #tpu.memory_space<vmem>>
    %dma_start3A_109 = arith.constant 128 : i32
    %dma_start3A_110 = tpu.memref_slice %arg5[%dma_start3A_109] : memref<1024xi32, #tpu.memory_space<vmem>> -> memref<64xi32, #tpu.memory_space<vmem>>
    %dma_start3A_111 = arith.constant 0 : i32
    %dma_start3A_112 = arith.constant 0 : i32
    %dma_start3A_113 = tpu.memref_slice %arg3[%dma_start3A_111, %dma_start3A_112] : memref<100000x128xi32, #tpu.memory_space<hbm>> -> memref<100000x128xi32, #tpu.memory_space<hbm>>
    tpu.enqueue_indirect_dma source(%dma_start3A_113 : memref<100000x128xi32, #tpu.memory_space<hbm>>) target(%dma_start3A_108 : memref<64x128xi32, #tpu.memory_space<vmem>>) offsets(%dma_start3A_110 : memref<64xi32, #tpu.memory_space<vmem>>) semaphore(%arg8 : memref<!tpu.dma_semaphore, #tpu.memory_space<semaphore_mem>>)
    %dma_start3A_114 = arith.constant 0 : i32
    %dma_start3A_115 = arith.constant 0 : i32
    %dma_start3A_116 = arith.constant 0 : i32
    %dma_start3A_117 = tpu.memref_slice %arg6[%dma_start3A_114, %dma_start3A_115, %dma_start3A_116] : memref<2x128x128xi32, #tpu.memory_space<vmem>> -> memref<1x128x128xi32, #tpu.memory_space<vmem>>
    %dma_start3A_118 = tpu.memref_squeeze %dma_start3A_117 : memref<1x128x128xi32, #tpu.memory_space<vmem>> -> memref<128x128xi32, #tpu.memory_space<vmem>>
    %dma_start3A_119 = arith.constant 64 : i32
    %dma_start3A_120 = arith.constant 0 : i32
    %dma_start3A_121 = tpu.memref_slice %dma_start3A_118[%dma_start3A_119, %dma_start3A_120] : memref<128x128xi32, #tpu.memory_space<vmem>> -> memref<64x128xi32, #tpu.memory_space<vmem>>
    %dma_start3A_122 = arith.constant 640 : i32
    %dma_start3A_123 = tpu.memref_slice %arg5[%dma_start3A_122] : memref<1024xi32, #tpu.memory_space<vmem>> -> memref<64xi32, #tpu.memory_space<vmem>>
    %dma_start3A_124 = arith.constant 0 : i32
    %dma_start3A_125 = arith.constant 0 : i32
    %dma_start3A_126 = tpu.memref_slice %arg3[%dma_start3A_124, %dma_start3A_125] : memref<100000x128xi32, #tpu.memory_space<hbm>> -> memref<100000x128xi32, #tpu.memory_space<hbm>>
    tpu.enqueue_indirect_dma source(%dma_start3A_126 : memref<100000x128xi32, #tpu.memory_space<hbm>>) target(%dma_start3A_121 : memref<64x128xi32, #tpu.memory_space<vmem>>) offsets(%dma_start3A_123 : memref<64xi32, #tpu.memory_space<vmem>>) semaphore(%arg9 : memref<!tpu.dma_semaphore, #tpu.memory_space<semaphore_mem>>)
    %dma_wait3A_127 = arith.constant 1 : i32
    %dma_wait3A_128 = arith.constant 0 : i32
    %dma_wait3A_129 = arith.constant 0 : i32
    %dma_wait3A_130 = tpu.memref_slice %arg6[%dma_wait3A_127, %dma_wait3A_128, %dma_wait3A_129] : memref<2x128x128xi32, #tpu.memory_space<vmem>> -> memref<1x128x128xi32, #tpu.memory_space<vmem>>
    %dma_wait3A_131 = tpu.memref_squeeze %dma_wait3A_130 : memref<1x128x128xi32, #tpu.memory_space<vmem>> -> memref<128x128xi32, #tpu.memory_space<vmem>>
    %dma_wait3A_132 = arith.constant 0 : i32
    %dma_wait3A_133 = arith.constant 0 : i32
    %dma_wait3A_134 = tpu.memref_slice %dma_wait3A_131[%dma_wait3A_132, %dma_wait3A_133] : memref<128x128xi32, #tpu.memory_space<vmem>> -> memref<64x128xi32, #tpu.memory_space<vmem>>
    %dma_wait3A_135 = arith.constant 64 : i32
    %dma_wait3A_136 = tpu.memref_slice %arg5[%dma_wait3A_135] : memref<1024xi32, #tpu.memory_space<vmem>> -> memref<64xi32, #tpu.memory_space<vmem>>
    %dma_wait3A_137 = arith.constant 0 : i32
    %dma_wait3A_138 = arith.constant 0 : i32
    %dma_wait3A_139 = tpu.memref_slice %arg3[%dma_wait3A_137, %dma_wait3A_138] : memref<100000x128xi32, #tpu.memory_space<hbm>> -> memref<100000x128xi32, #tpu.memory_space<hbm>>
    tpu.wait_indirect_dma semaphore(%arg10 : memref<!tpu.dma_semaphore, #tpu.memory_space<semaphore_mem>>) src(%dma_wait3A_139 : memref<100000x128xi32, #tpu.memory_space<hbm>>) dst(%dma_wait3A_134 : memref<64x128xi32, #tpu.memory_space<vmem>>)
    %dma_wait3A_140 = arith.constant 1 : i32
    %dma_wait3A_141 = arith.constant 0 : i32
    %dma_wait3A_142 = arith.constant 0 : i32
    %dma_wait3A_143 = tpu.memref_slice %arg6[%dma_wait3A_140, %dma_wait3A_141, %dma_wait3A_142] : memref<2x128x128xi32, #tpu.memory_space<vmem>> -> memref<1x128x128xi32, #tpu.memory_space<vmem>>
    %dma_wait3A_144 = tpu.memref_squeeze %dma_wait3A_143 : memref<1x128x128xi32, #tpu.memory_space<vmem>> -> memref<128x128xi32, #tpu.memory_space<vmem>>
    %dma_wait3A_145 = arith.constant 64 : i32
    %dma_wait3A_146 = arith.constant 0 : i32
    %dma_wait3A_147 = tpu.memref_slice %dma_wait3A_144[%dma_wait3A_145, %dma_wait3A_146] : memref<128x128xi32, #tpu.memory_space<vmem>> -> memref<64x128xi32, #tpu.memory_space<vmem>>
    %dma_wait3A_148 = arith.constant 576 : i32
    %dma_wait3A_149 = tpu.memref_slice %arg5[%dma_wait3A_148] : memref<1024xi32, #tpu.memory_space<vmem>> -> memref<64xi32, #tpu.memory_space<vmem>>
    %dma_wait3A_150 = arith.constant 0 : i32
    %dma_wait3A_151 = arith.constant 0 : i32
    %dma_wait3A_152 = tpu.memref_slice %arg3[%dma_wait3A_150, %dma_wait3A_151] : memref<100000x128xi32, #tpu.memory_space<hbm>> -> memref<100000x128xi32, #tpu.memory_space<hbm>>
    tpu.wait_indirect_dma semaphore(%arg11 : memref<!tpu.dma_semaphore, #tpu.memory_space<semaphore_mem>>) src(%dma_wait3A_152 : memref<100000x128xi32, #tpu.memory_space<hbm>>) dst(%dma_wait3A_147 : memref<64x128xi32, #tpu.memory_space<vmem>>)
    %scan3A_153 = arith.constant 0 : i32
    %scan3A_154 = arith.constant 1 : i32
    %scan3A_155 = arith.constant 1 : i32
    %scan3A_156 = arith.constant 0 : i32
    %scan3A_157 = arith.constant 64 : i32
    %scan3A_158 = arith.addi %scan3A_156, %scan3A_157 : i32
    %scan3A_159 = arith.constant 1 : i32
    scf.for %scan3A_704 = %scan3A_156 to %scan3A_158 step %scan3A_159  : i32 {
      %get3A = arith.constant 0 : i32
      %get3A_705 = arith.constant 0 : i32
      %get3A_706 = tpu.memref_slice %arg6[%scan3A_154, %get3A, %get3A_705] : memref<2x128x128xi32, #tpu.memory_space<vmem>> -> memref<1x128x128xi32, #tpu.memory_space<vmem>>
      %get3A_707 = tpu.memref_squeeze %get3A_706 : memref<1x128x128xi32, #tpu.memory_space<vmem>> -> memref<128x128xi32, #tpu.memory_space<vmem>>
      %get3A_708 = arith.index_cast %scan3A_704 : i32 to index
      %get3A_709 = arith.constant 0 : index
      %get3A_710 = tpu.vector_load %get3A_707[%get3A_708, %get3A_709] {strides = array<i32>} : memref<128x128xi32, #tpu.memory_space<vmem>>, vector<1x16xi32>,
      %get3A_711 = vector.shape_cast %get3A_710 : vector<1x16xi32> to vector<16xi32>
      %add3A_712 = arith.constant 32768 : i32
      %add3A_713 = vector.broadcast %add3A_712 : i32 to vector<16xi32>
      %add3A_714 = arith.addi %get3A_711, %add3A_713 : vector<16xi32>
      %add3A_715 = arith.constant 64 : i32
      %add3A_716 = arith.addi %add3A_715, %scan3A_704 : i32
      %get3A_717 = arith.constant 0 : i32
      %get3A_718 = arith.constant 0 : i32
      %get3A_719 = tpu.memref_slice %arg6[%scan3A_154, %get3A_717, %get3A_718] : memref<2x128x128xi32, #tpu.memory_space<vmem>> -> memref<1x128x128xi32, #tpu.memory_space<vmem>>
      %get3A_720 = tpu.memref_squeeze %get3A_719 : memref<1x128x128xi32, #tpu.memory_space<vmem>> -> memref<128x128xi32, #tpu.memory_space<vmem>>
      %get3A_721 = arith.index_cast %add3A_716 : i32 to index
      %get3A_722 = arith.constant 0 : index
      %get3A_723 = tpu.vector_load %get3A_720[%get3A_721, %get3A_722] {strides = array<i32>} : memref<128x128xi32, #tpu.memory_space<vmem>>, vector<1x16xi32>,
      %get3A_724 = vector.shape_cast %get3A_723 : vector<1x16xi32> to vector<16xi32>
      %add3A_725 = arith.constant 32768 : i32
      %add3A_726 = vector.broadcast %add3A_725 : i32 to vector<16xi32>
      %add3A_727 = arith.addi %get3A_724, %add3A_726 : vector<16xi32>
      %shift_right_logical3A = arith.constant 16 : i32
      %shift_right_logical3A_728 = vector.broadcast %shift_right_logical3A : i32 to vector<16xi32>
      %shift_right_logical3A_729 = arith.shrui %add3A_714, %shift_right_logical3A_728 : vector<16xi32>
      %and3A = arith.constant -65536 : i32
      %and3A_730 = vector.broadcast %and3A : i32 to vector<16xi32>
      %and3A_731 = arith.andi %add3A_727, %and3A_730 : vector<16xi32>
      %or3A = arith.ori %shift_right_logical3A_729, %and3A_731 : vector<16xi32>
      %swap3A = arith.constant 0 : i32
      %swap3A_732 = arith.constant 0 : i32
      %swap3A_733 = tpu.memref_slice %arg7[%scan3A_155, %swap3A, %swap3A_732] : memref<2x64x128xi32, #tpu.memory_space<vmem>> -> memref<1x64x128xi32, #tpu.memory_space<vmem>>
      %swap3A_734 = tpu.memref_squeeze %swap3A_733 : memref<1x64x128xi32, #tpu.memory_space<vmem>> -> memref<64x128xi32, #tpu.memory_space<vmem>>
      %swap3A_735 = arith.index_cast %scan3A_704 : i32 to index
      %swap3A_736 = arith.constant 0 : index
      %swap3A_737 = tpu.vector_load %swap3A_734[%swap3A_735, %swap3A_736] {strides = array<i32>} : memref<64x128xi32, #tpu.memory_space<vmem>>, vector<1x16xi32>,
      %swap3A_738 = vector.shape_cast %swap3A_737 : vector<1x16xi32> to vector<16xi32>
      %swap3A_739 = vector.shape_cast %or3A : vector<16xi32> to vector<1x16xi32>
      tpu.vector_store %swap3A_734[%swap3A_735, %swap3A_736], %swap3A_739 {strides = array<i32>} : memref<64x128xi32, #tpu.memory_space<vmem>>, vector<1x16xi32>,
      %get3A_740 = arith.constant 0 : i32
      %get3A_741 = arith.constant 0 : i32
      %get3A_742 = tpu.memref_slice %arg6[%scan3A_154, %get3A_740, %get3A_741] : memref<2x128x128xi32, #tpu.memory_space<vmem>> -> memref<1x128x128xi32, #tpu.memory_space<vmem>>
      %get3A_743 = tpu.memref_squeeze %get3A_742 : memref<1x128x128xi32, #tpu.memory_space<vmem>> -> memref<128x128xi32, #tpu.memory_space<vmem>>
      %get3A_744 = arith.index_cast %scan3A_704 : i32 to index
      %get3A_745 = arith.constant 16 : index
      %get3A_746 = tpu.vector_load %get3A_743[%get3A_744, %get3A_745] {strides = array<i32>} : memref<128x128xi32, #tpu.memory_space<vmem>>, vector<1x16xi32>,
      %get3A_747 = vector.shape_cast %get3A_746 : vector<1x16xi32> to vector<16xi32>
      %add3A_748 = arith.constant 32768 : i32
      %add3A_749 = vector.broadcast %add3A_748 : i32 to vector<16xi32>
      %add3A_750 = arith.addi %get3A_747, %add3A_749 : vector<16xi32>
      %add3A_751 = arith.constant 64 : i32
      %add3A_752 = arith.addi %add3A_751, %scan3A_704 : i32
      %get3A_753 = arith.constant 0 : i32
      %get3A_754 = arith.constant 0 : i32
      %get3A_755 = tpu.memref_slice %arg6[%scan3A_154, %get3A_753, %get3A_754] : memref<2x128x128xi32, #tpu.memory_space<vmem>> -> memref<1x128x128xi32, #tpu.memory_space<vmem>>
      %get3A_756 = tpu.memref_squeeze %get3A_755 : memref<1x128x128xi32, #tpu.memory_space<vmem>> -> memref<128x128xi32, #tpu.memory_space<vmem>>
      %get3A_757 = arith.index_cast %add3A_752 : i32 to index
      %get3A_758 = arith.constant 16 : index
      %get3A_759 = tpu.vector_load %get3A_756[%get3A_757, %get3A_758] {strides = array<i32>} : memref<128x128xi32, #tpu.memory_space<vmem>>, vector<1x16xi32>,
      %get3A_760 = vector.shape_cast %get3A_759 : vector<1x16xi32> to vector<16xi32>
      %add3A_761 = arith.constant 32768 : i32
      %add3A_762 = vector.broadcast %add3A_761 : i32 to vector<16xi32>
      %add3A_763 = arith.addi %get3A_760, %add3A_762 : vector<16xi32>
      %shift_right_logical3A_764 = arith.constant 16 : i32
      %shift_right_logical3A_765 = vector.broadcast %shift_right_logical3A_764 : i32 to vector<16xi32>
      %shift_right_logical3A_766 = arith.shrui %add3A_750, %shift_right_logical3A_765 : vector<16xi32>
      %and3A_767 = arith.constant -65536 : i32
      %and3A_768 = vector.broadcast %and3A_767 : i32 to vector<16xi32>
      %and3A_769 = arith.andi %add3A_763, %and3A_768 : vector<16xi32>
      %or3A_770 = arith.ori %shift_right_logical3A_766, %and3A_769 : vector<16xi32>
      %swap3A_771 = arith.constant 0 : i32
      %swap3A_772 = arith.constant 0 : i32
      %swap3A_773 = tpu.memref_slice %arg7[%scan3A_155, %swap3A_771, %swap3A_772] : memref<2x64x128xi32, #tpu.memory_space<vmem>> -> memref<1x64x128xi32, #tpu.memory_space<vmem>>
      %swap3A_774 = tpu.memref_squeeze %swap3A_773 : memref<1x64x128xi32, #tpu.memory_space<vmem>> -> memref<64x128xi32, #tpu.memory_space<vmem>>
      %swap3A_775 = arith.index_cast %scan3A_704 : i32 to index
      %swap3A_776 = arith.constant 16 : index
      %swap3A_777 = tpu.vector_load %swap3A_774[%swap3A_775, %swap3A_776] {strides = array<i32>} : memref<64x128xi32, #tpu.memory_space<vmem>>, vector<1x16xi32>,
      %swap3A_778 = vector.shape_cast %swap3A_777 : vector<1x16xi32> to vector<16xi32>
      %swap3A_779 = vector.shape_cast %or3A_770 : vector<16xi32> to vector<1x16xi32>
      tpu.vector_store %swap3A_774[%swap3A_775, %swap3A_776], %swap3A_779 {strides = array<i32>} : memref<64x128xi32, #tpu.memory_space<vmem>>, vector<1x16xi32>,
      %get3A_780 = arith.constant 0 : i32
      %get3A_781 = arith.constant 0 : i32
      %get3A_782 = tpu.memref_slice %arg6[%scan3A_154, %get3A_780, %get3A_781] : memref<2x128x128xi32, #tpu.memory_space<vmem>> -> memref<1x128x128xi32, #tpu.memory_space<vmem>>
      %get3A_783 = tpu.memref_squeeze %get3A_782 : memref<1x128x128xi32, #tpu.memory_space<vmem>> -> memref<128x128xi32, #tpu.memory_space<vmem>>
      %get3A_784 = arith.index_cast %scan3A_704 : i32 to index
      %get3A_785 = arith.constant 32 : index
      %get3A_786 = tpu.vector_load %get3A_783[%get3A_784, %get3A_785] {strides = array<i32>} : memref<128x128xi32, #tpu.memory_space<vmem>>, vector<1x16xi32>,
      %get3A_787 = vector.shape_cast %get3A_786 : vector<1x16xi32> to vector<16xi32>
      %add3A_788 = arith.constant 32768 : i32
      %add3A_789 = vector.broadcast %add3A_788 : i32 to vector<16xi32>
      %add3A_790 = arith.addi %get3A_787, %add3A_789 : vector<16xi32>
      %add3A_791 = arith.constant 64 : i32
      %add3A_792 = arith.addi %add3A_791, %scan3A_704 : i32
      %get3A_793 = arith.constant 0 : i32
      %get3A_794 = arith.constant 0 : i32
      %get3A_795 = tpu.memref_slice %arg6[%scan3A_154, %get3A_793, %get3A_794] : memref<2x128x128xi32, #tpu.memory_space<vmem>> -> memref<1x128x128xi32, #tpu.memory_space<vmem>>
      %get3A_796 = tpu.memref_squeeze %get3A_795 : memref<1x128x128xi32, #tpu.memory_space<vmem>> -> memref<128x128xi32, #tpu.memory_space<vmem>>
      %get3A_797 = arith.index_cast %add3A_792 : i32 to index
      %get3A_798 = arith.constant 32 : index
      %get3A_799 = tpu.vector_load %get3A_796[%get3A_797, %get3A_798] {strides = array<i32>} : memref<128x128xi32, #tpu.memory_space<vmem>>, vector<1x16xi32>,
      %get3A_800 = vector.shape_cast %get3A_799 : vector<1x16xi32> to vector<16xi32>
      %add3A_801 = arith.constant 32768 : i32
      %add3A_802 = vector.broadcast %add3A_801 : i32 to vector<16xi32>
      %add3A_803 = arith.addi %get3A_800, %add3A_802 : vector<16xi32>
      %shift_right_logical3A_804 = arith.constant 16 : i32
      %shift_right_logical3A_805 = vector.broadcast %shift_right_logical3A_804 : i32 to vector<16xi32>
      %shift_right_logical3A_806 = arith.shrui %add3A_790, %shift_right_logical3A_805 : vector<16xi32>
      %and3A_807 = arith.constant -65536 : i32
      %and3A_808 = vector.broadcast %and3A_807 : i32 to vector<16xi32>
      %and3A_809 = arith.andi %add3A_803, %and3A_808 : vector<16xi32>
      %or3A_810 = arith.ori %shift_right_logical3A_806, %and3A_809 : vector<16xi32>
      %swap3A_811 = arith.constant 0 : i32
      %swap3A_812 = arith.constant 0 : i32
      %swap3A_813 = tpu.memref_slice %arg7[%scan3A_155, %swap3A_811, %swap3A_812] : memref<2x64x128xi32, #tpu.memory_space<vmem>> -> memref<1x64x128xi32, #tpu.memory_space<vmem>>
      %swap3A_814 = tpu.memref_squeeze %swap3A_813 : memref<1x64x128xi32, #tpu.memory_space<vmem>> -> memref<64x128xi32, #tpu.memory_space<vmem>>
      %swap3A_815 = arith.index_cast %scan3A_704 : i32 to index
      %swap3A_816 = arith.constant 32 : index
      %swap3A_817 = tpu.vector_load %swap3A_814[%swap3A_815, %swap3A_816] {strides = array<i32>} : memref<64x128xi32, #tpu.memory_space<vmem>>, vector<1x16xi32>,
      %swap3A_818 = vector.shape_cast %swap3A_817 : vector<1x16xi32> to vector<16xi32>
      %swap3A_819 = vector.shape_cast %or3A_810 : vector<16xi32> to vector<1x16xi32>
      tpu.vector_store %swap3A_814[%swap3A_815, %swap3A_816], %swap3A_819 {strides = array<i32>} : memref<64x128xi32, #tpu.memory_space<vmem>>, vector<1x16xi32>,
      %get3A_820 = arith.constant 0 : i32
      %get3A_821 = arith.constant 0 : i32
      %get3A_822 = tpu.memref_slice %arg6[%scan3A_154, %get3A_820, %get3A_821] : memref<2x128x128xi32, #tpu.memory_space<vmem>> -> memref<1x128x128xi32, #tpu.memory_space<vmem>>
      %get3A_823 = tpu.memref_squeeze %get3A_822 : memref<1x128x128xi32, #tpu.memory_space<vmem>> -> memref<128x128xi32, #tpu.memory_space<vmem>>
      %get3A_824 = arith.index_cast %scan3A_704 : i32 to index
      %get3A_825 = arith.constant 48 : index
      %get3A_826 = tpu.vector_load %get3A_823[%get3A_824, %get3A_825] {strides = array<i32>} : memref<128x128xi32, #tpu.memory_space<vmem>>, vector<1x16xi32>,
      %get3A_827 = vector.shape_cast %get3A_826 : vector<1x16xi32> to vector<16xi32>
      %add3A_828 = arith.constant 32768 : i32
      %add3A_829 = vector.broadcast %add3A_828 : i32 to vector<16xi32>
      %add3A_830 = arith.addi %get3A_827, %add3A_829 : vector<16xi32>
      %add3A_831 = arith.constant 64 : i32
      %add3A_832 = arith.addi %add3A_831, %scan3A_704 : i32
      %get3A_833 = arith.constant 0 : i32
      %get3A_834 = arith.constant 0 : i32
      %get3A_835 = tpu.memref_slice %arg6[%scan3A_154, %get3A_833, %get3A_834] : memref<2x128x128xi32, #tpu.memory_space<vmem>> -> memref<1x128x128xi32, #tpu.memory_space<vmem>>
      %get3A_836 = tpu.memref_squeeze %get3A_835 : memref<1x128x128xi32, #tpu.memory_space<vmem>> -> memref<128x128xi32, #tpu.memory_space<vmem>>
      %get3A_837 = arith.index_cast %add3A_832 : i32 to index
      %get3A_838 = arith.constant 48 : index
      %get3A_839 = tpu.vector_load %get3A_836[%get3A_837, %get3A_838] {strides = array<i32>} : memref<128x128xi32, #tpu.memory_space<vmem>>, vector<1x16xi32>,
      %get3A_840 = vector.shape_cast %get3A_839 : vector<1x16xi32> to vector<16xi32>
      %add3A_841 = arith.constant 32768 : i32
      %add3A_842 = vector.broadcast %add3A_841 : i32 to vector<16xi32>
      %add3A_843 = arith.addi %get3A_840, %add3A_842 : vector<16xi32>
      %shift_right_logical3A_844 = arith.constant 16 : i32
      %shift_right_logical3A_845 = vector.broadcast %shift_right_logical3A_844 : i32 to vector<16xi32>
      %shift_right_logical3A_846 = arith.shrui %add3A_830, %shift_right_logical3A_845 : vector<16xi32>
      %and3A_847 = arith.constant -65536 : i32
      %and3A_848 = vector.broadcast %and3A_847 : i32 to vector<16xi32>
      %and3A_849 = arith.andi %add3A_843, %and3A_848 : vector<16xi32>
      %or3A_850 = arith.ori %shift_right_logical3A_846, %and3A_849 : vector<16xi32>
      %swap3A_851 = arith.constant 0 : i32
      %swap3A_852 = arith.constant 0 : i32
      %swap3A_853 = tpu.memref_slice %arg7[%scan3A_155, %swap3A_851, %swap3A_852] : memref<2x64x128xi32, #tpu.memory_space<vmem>> -> memref<1x64x128xi32, #tpu.memory_space<vmem>>
      %swap3A_854 = tpu.memref_squeeze %swap3A_853 : memref<1x64x128xi32, #tpu.memory_space<vmem>> -> memref<64x128xi32, #tpu.memory_space<vmem>>
      %swap3A_855 = arith.index_cast %scan3A_704 : i32 to index
      %swap3A_856 = arith.constant 48 : index
      %swap3A_857 = tpu.vector_load %swap3A_854[%swap3A_855, %swap3A_856] {strides = array<i32>} : memref<64x128xi32, #tpu.memory_space<vmem>>, vector<1x16xi32>,
      %swap3A_858 = vector.shape_cast %swap3A_857 : vector<1x16xi32> to vector<16xi32>
      %swap3A_859 = vector.shape_cast %or3A_850 : vector<16xi32> to vector<1x16xi32>
      tpu.vector_store %swap3A_854[%swap3A_855, %swap3A_856], %swap3A_859 {strides = array<i32>} : memref<64x128xi32, #tpu.memory_space<vmem>>, vector<1x16xi32>,
      %get3A_860 = arith.constant 0 : i32
      %get3A_861 = arith.constant 0 : i32
      %get3A_862 = tpu.memref_slice %arg6[%scan3A_154, %get3A_860, %get3A_861] : memref<2x128x128xi32, #tpu.memory_space<vmem>> -> memref<1x128x128xi32, #tpu.memory_space<vmem>>
      %get3A_863 = tpu.memref_squeeze %get3A_862 : memref<1x128x128xi32, #tpu.memory_space<vmem>> -> memref<128x128xi32, #tpu.memory_space<vmem>>
      %get3A_864 = arith.index_cast %scan3A_704 : i32 to index
      %get3A_865 = arith.constant 64 : index
      %get3A_866 = tpu.vector_load %get3A_863[%get3A_864, %get3A_865] {strides = array<i32>} : memref<128x128xi32, #tpu.memory_space<vmem>>, vector<1x16xi32>,
      %get3A_867 = vector.shape_cast %get3A_866 : vector<1x16xi32> to vector<16xi32>
      %add3A_868 = arith.constant 32768 : i32
      %add3A_869 = vector.broadcast %add3A_868 : i32 to vector<16xi32>
      %add3A_870 = arith.addi %get3A_867, %add3A_869 : vector<16xi32>
      %add3A_871 = arith.constant 64 : i32
      %add3A_872 = arith.addi %add3A_871, %scan3A_704 : i32
      %get3A_873 = arith.constant 0 : i32
      %get3A_874 = arith.constant 0 : i32
      %get3A_875 = tpu.memref_slice %arg6[%scan3A_154, %get3A_873, %get3A_874] : memref<2x128x128xi32, #tpu.memory_space<vmem>> -> memref<1x128x128xi32, #tpu.memory_space<vmem>>
      %get3A_876 = tpu.memref_squeeze %get3A_875 : memref<1x128x128xi32, #tpu.memory_space<vmem>> -> memref<128x128xi32, #tpu.memory_space<vmem>>
      %get3A_877 = arith.index_cast %add3A_872 : i32 to index
      %get3A_878 = arith.constant 64 : index
      %get3A_879 = tpu.vector_load %get3A_876[%get3A_877, %get3A_878] {strides = array<i32>} : memref<128x128xi32, #tpu.memory_space<vmem>>, vector<1x16xi32>,
      %get3A_880 = vector.shape_cast %get3A_879 : vector<1x16xi32> to vector<16xi32>
      %add3A_881 = arith.constant 32768 : i32
      %add3A_882 = vector.broadcast %add3A_881 : i32 to vector<16xi32>
      %add3A_883 = arith.addi %get3A_880, %add3A_882 : vector<16xi32>
      %shift_right_logical3A_884 = arith.constant 16 : i32
      %shift_right_logical3A_885 = vector.broadcast %shift_right_logical3A_884 : i32 to vector<16xi32>
      %shift_right_logical3A_886 = arith.shrui %add3A_870, %shift_right_logical3A_885 : vector<16xi32>
      %and3A_887 = arith.constant -65536 : i32
      %and3A_888 = vector.broadcast %and3A_887 : i32 to vector<16xi32>
      %and3A_889 = arith.andi %add3A_883, %and3A_888 : vector<16xi32>
      %or3A_890 = arith.ori %shift_right_logical3A_886, %and3A_889 : vector<16xi32>
      %swap3A_891 = arith.constant 0 : i32
      %swap3A_892 = arith.constant 0 : i32
      %swap3A_893 = tpu.memref_slice %arg7[%scan3A_155, %swap3A_891, %swap3A_892] : memref<2x64x128xi32, #tpu.memory_space<vmem>> -> memref<1x64x128xi32, #tpu.memory_space<vmem>>
      %swap3A_894 = tpu.memref_squeeze %swap3A_893 : memref<1x64x128xi32, #tpu.memory_space<vmem>> -> memref<64x128xi32, #tpu.memory_space<vmem>>
      %swap3A_895 = arith.index_cast %scan3A_704 : i32 to index
      %swap3A_896 = arith.constant 64 : index
      %swap3A_897 = tpu.vector_load %swap3A_894[%swap3A_895, %swap3A_896] {strides = array<i32>} : memref<64x128xi32, #tpu.memory_space<vmem>>, vector<1x16xi32>,
      %swap3A_898 = vector.shape_cast %swap3A_897 : vector<1x16xi32> to vector<16xi32>
      %swap3A_899 = vector.shape_cast %or3A_890 : vector<16xi32> to vector<1x16xi32>
      tpu.vector_store %swap3A_894[%swap3A_895, %swap3A_896], %swap3A_899 {strides = array<i32>} : memref<64x128xi32, #tpu.memory_space<vmem>>, vector<1x16xi32>,
      %get3A_900 = arith.constant 0 : i32
      %get3A_901 = arith.constant 0 : i32
      %get3A_902 = tpu.memref_slice %arg6[%scan3A_154, %get3A_900, %get3A_901] : memref<2x128x128xi32, #tpu.memory_space<vmem>> -> memref<1x128x128xi32, #tpu.memory_space<vmem>>
      %get3A_903 = tpu.memref_squeeze %get3A_902 : memref<1x128x128xi32, #tpu.memory_space<vmem>> -> memref<128x128xi32, #tpu.memory_space<vmem>>
      %get3A_904 = arith.index_cast %scan3A_704 : i32 to index
      %get3A_905 = arith.constant 80 : index
      %get3A_906 = tpu.vector_load %get3A_903[%get3A_904, %get3A_905] {strides = array<i32>} : memref<128x128xi32, #tpu.memory_space<vmem>>, vector<1x16xi32>,
      %get3A_907 = vector.shape_cast %get3A_906 : vector<1x16xi32> to vector<16xi32>
      %add3A_908 = arith.constant 32768 : i32
      %add3A_909 = vector.broadcast %add3A_908 : i32 to vector<16xi32>
      %add3A_910 = arith.addi %get3A_907, %add3A_909 : vector<16xi32>
      %add3A_911 = arith.constant 64 : i32
      %add3A_912 = arith.addi %add3A_911, %scan3A_704 : i32
      %get3A_913 = arith.constant 0 : i32
      %get3A_914 = arith.constant 0 : i32
      %get3A_915 = tpu.memref_slice %arg6[%scan3A_154, %get3A_913, %get3A_914] : memref<2x128x128xi32, #tpu.memory_space<vmem>> -> memref<1x128x128xi32, #tpu.memory_space<vmem>>
      %get3A_916 = tpu.memref_squeeze %get3A_915 : memref<1x128x128xi32, #tpu.memory_space<vmem>> -> memref<128x128xi32, #tpu.memory_space<vmem>>
      %get3A_917 = arith.index_cast %add3A_912 : i32 to index
      %get3A_918 = arith.constant 80 : index
      %get3A_919 = tpu.vector_load %get3A_916[%get3A_917, %get3A_918] {strides = array<i32>} : memref<128x128xi32, #tpu.memory_space<vmem>>, vector<1x16xi32>,
      %get3A_920 = vector.shape_cast %get3A_919 : vector<1x16xi32> to vector<16xi32>
      %add3A_921 = arith.constant 32768 : i32
      %add3A_922 = vector.broadcast %add3A_921 : i32 to vector<16xi32>
      %add3A_923 = arith.addi %get3A_920, %add3A_922 : vector<16xi32>
      %shift_right_logical3A_924 = arith.constant 16 : i32
      %shift_right_logical3A_925 = vector.broadcast %shift_right_logical3A_924 : i32 to vector<16xi32>
      %shift_right_logical3A_926 = arith.shrui %add3A_910, %shift_right_logical3A_925 : vector<16xi32>
      %and3A_927 = arith.constant -65536 : i32
      %and3A_928 = vector.broadcast %and3A_927 : i32 to vector<16xi32>
      %and3A_929 = arith.andi %add3A_923, %and3A_928 : vector<16xi32>
      %or3A_930 = arith.ori %shift_right_logical3A_926, %and3A_929 : vector<16xi32>
      %swap3A_931 = arith.constant 0 : i32
      %swap3A_932 = arith.constant 0 : i32
      %swap3A_933 = tpu.memref_slice %arg7[%scan3A_155, %swap3A_931, %swap3A_932] : memref<2x64x128xi32, #tpu.memory_space<vmem>> -> memref<1x64x128xi32, #tpu.memory_space<vmem>>
      %swap3A_934 = tpu.memref_squeeze %swap3A_933 : memref<1x64x128xi32, #tpu.memory_space<vmem>> -> memref<64x128xi32, #tpu.memory_space<vmem>>
      %swap3A_935 = arith.index_cast %scan3A_704 : i32 to index
      %swap3A_936 = arith.constant 80 : index
      %swap3A_937 = tpu.vector_load %swap3A_934[%swap3A_935, %swap3A_936] {strides = array<i32>} : memref<64x128xi32, #tpu.memory_space<vmem>>, vector<1x16xi32>,
      %swap3A_938 = vector.shape_cast %swap3A_937 : vector<1x16xi32> to vector<16xi32>
      %swap3A_939 = vector.shape_cast %or3A_930 : vector<16xi32> to vector<1x16xi32>
      tpu.vector_store %swap3A_934[%swap3A_935, %swap3A_936], %swap3A_939 {strides = array<i32>} : memref<64x128xi32, #tpu.memory_space<vmem>>, vector<1x16xi32>,
      %get3A_940 = arith.constant 0 : i32
      %get3A_941 = arith.constant 0 : i32
      %get3A_942 = tpu.memref_slice %arg6[%scan3A_154, %get3A_940, %get3A_941] : memref<2x128x128xi32, #tpu.memory_space<vmem>> -> memref<1x128x128xi32, #tpu.memory_space<vmem>>
      %get3A_943 = tpu.memref_squeeze %get3A_942 : memref<1x128x128xi32, #tpu.memory_space<vmem>> -> memref<128x128xi32, #tpu.memory_space<vmem>>
      %get3A_944 = arith.index_cast %scan3A_704 : i32 to index
      %get3A_945 = arith.constant 96 : index
      %get3A_946 = tpu.vector_load %get3A_943[%get3A_944, %get3A_945] {strides = array<i32>} : memref<128x128xi32, #tpu.memory_space<vmem>>, vector<1x16xi32>,
      %get3A_947 = vector.shape_cast %get3A_946 : vector<1x16xi32> to vector<16xi32>
      %add3A_948 = arith.constant 32768 : i32
      %add3A_949 = vector.broadcast %add3A_948 : i32 to vector<16xi32>
      %add3A_950 = arith.addi %get3A_947, %add3A_949 : vector<16xi32>
      %add3A_951 = arith.constant 64 : i32
      %add3A_952 = arith.addi %add3A_951, %scan3A_704 : i32
      %get3A_953 = arith.constant 0 : i32
      %get3A_954 = arith.constant 0 : i32
      %get3A_955 = tpu.memref_slice %arg6[%scan3A_154, %get3A_953, %get3A_954] : memref<2x128x128xi32, #tpu.memory_space<vmem>> -> memref<1x128x128xi32, #tpu.memory_space<vmem>>
      %get3A_956 = tpu.memref_squeeze %get3A_955 : memref<1x128x128xi32, #tpu.memory_space<vmem>> -> memref<128x128xi32, #tpu.memory_space<vmem>>
      %get3A_957 = arith.index_cast %add3A_952 : i32 to index
      %get3A_958 = arith.constant 96 : index
      %get3A_959 = tpu.vector_load %get3A_956[%get3A_957, %get3A_958] {strides = array<i32>} : memref<128x128xi32, #tpu.memory_space<vmem>>, vector<1x16xi32>,
      %get3A_960 = vector.shape_cast %get3A_959 : vector<1x16xi32> to vector<16xi32>
      %add3A_961 = arith.constant 32768 : i32
      %add3A_962 = vector.broadcast %add3A_961 : i32 to vector<16xi32>
      %add3A_963 = arith.addi %get3A_960, %add3A_962 : vector<16xi32>
      %shift_right_logical3A_964 = arith.constant 16 : i32
      %shift_right_logical3A_965 = vector.broadcast %shift_right_logical3A_964 : i32 to vector<16xi32>
      %shift_right_logical3A_966 = arith.shrui %add3A_950, %shift_right_logical3A_965 : vector<16xi32>
      %and3A_967 = arith.constant -65536 : i32
      %and3A_968 = vector.broadcast %and3A_967 : i32 to vector<16xi32>
      %and3A_969 = arith.andi %add3A_963, %and3A_968 : vector<16xi32>
      %or3A_970 = arith.ori %shift_right_logical3A_966, %and3A_969 : vector<16xi32>
      %swap3A_971 = arith.constant 0 : i32
      %swap3A_972 = arith.constant 0 : i32
      %swap3A_973 = tpu.memref_slice %arg7[%scan3A_155, %swap3A_971, %swap3A_972] : memref<2x64x128xi32, #tpu.memory_space<vmem>> -> memref<1x64x128xi32, #tpu.memory_space<vmem>>
      %swap3A_974 = tpu.memref_squeeze %swap3A_973 : memref<1x64x128xi32, #tpu.memory_space<vmem>> -> memref<64x128xi32, #tpu.memory_space<vmem>>
      %swap3A_975 = arith.index_cast %scan3A_704 : i32 to index
      %swap3A_976 = arith.constant 96 : index
      %swap3A_977 = tpu.vector_load %swap3A_974[%swap3A_975, %swap3A_976] {strides = array<i32>} : memref<64x128xi32, #tpu.memory_space<vmem>>, vector<1x16xi32>,
      %swap3A_978 = vector.shape_cast %swap3A_977 : vector<1x16xi32> to vector<16xi32>
      %swap3A_979 = vector.shape_cast %or3A_970 : vector<16xi32> to vector<1x16xi32>
      tpu.vector_store %swap3A_974[%swap3A_975, %swap3A_976], %swap3A_979 {strides = array<i32>} : memref<64x128xi32, #tpu.memory_space<vmem>>, vector<1x16xi32>,
      %get3A_980 = arith.constant 0 : i32
      %get3A_981 = arith.constant 0 : i32
      %get3A_982 = tpu.memref_slice %arg6[%scan3A_154, %get3A_980, %get3A_981] : memref<2x128x128xi32, #tpu.memory_space<vmem>> -> memref<1x128x128xi32, #tpu.memory_space<vmem>>
      %get3A_983 = tpu.memref_squeeze %get3A_982 : memref<1x128x128xi32, #tpu.memory_space<vmem>> -> memref<128x128xi32, #tpu.memory_space<vmem>>
      %get3A_984 = arith.index_cast %scan3A_704 : i32 to index
      %get3A_985 = arith.constant 112 : index
      %get3A_986 = tpu.vector_load %get3A_983[%get3A_984, %get3A_985] {strides = array<i32>} : memref<128x128xi32, #tpu.memory_space<vmem>>, vector<1x16xi32>,
      %get3A_987 = vector.shape_cast %get3A_986 : vector<1x16xi32> to vector<16xi32>
      %add3A_988 = arith.constant 32768 : i32
      %add3A_989 = vector.broadcast %add3A_988 : i32 to vector<16xi32>
      %add3A_990 = arith.addi %get3A_987, %add3A_989 : vector<16xi32>
      %add3A_991 = arith.constant 64 : i32
      %add3A_992 = arith.addi %add3A_991, %scan3A_704 : i32
      %get3A_993 = arith.constant 0 : i32
      %get3A_994 = arith.constant 0 : i32
      %get3A_995 = tpu.memref_slice %arg6[%scan3A_154, %get3A_993, %get3A_994] : memref<2x128x128xi32, #tpu.memory_space<vmem>> -> memref<1x128x128xi32, #tpu.memory_space<vmem>>
      %get3A_996 = tpu.memref_squeeze %get3A_995 : memref<1x128x128xi32, #tpu.memory_space<vmem>> -> memref<128x128xi32, #tpu.memory_space<vmem>>
      %get3A_997 = arith.index_cast %add3A_992 : i32 to index
      %get3A_998 = arith.constant 112 : index
      %get3A_999 = tpu.vector_load %get3A_996[%get3A_997, %get3A_998] {strides = array<i32>} : memref<128x128xi32, #tpu.memory_space<vmem>>, vector<1x16xi32>,
      %get3A_1000 = vector.shape_cast %get3A_999 : vector<1x16xi32> to vector<16xi32>
      %add3A_1001 = arith.constant 32768 : i32
      %add3A_1002 = vector.broadcast %add3A_1001 : i32 to vector<16xi32>
      %add3A_1003 = arith.addi %get3A_1000, %add3A_1002 : vector<16xi32>
      %shift_right_logical3A_1004 = arith.constant 16 : i32
      %shift_right_logical3A_1005 = vector.broadcast %shift_right_logical3A_1004 : i32 to vector<16xi32>
      %shift_right_logical3A_1006 = arith.shrui %add3A_990, %shift_right_logical3A_1005 : vector<16xi32>
      %and3A_1007 = arith.constant -65536 : i32
      %and3A_1008 = vector.broadcast %and3A_1007 : i32 to vector<16xi32>
      %and3A_1009 = arith.andi %add3A_1003, %and3A_1008 : vector<16xi32>
      %or3A_1010 = arith.ori %shift_right_logical3A_1006, %and3A_1009 : vector<16xi32>
      %swap3A_1011 = arith.constant 0 : i32
      %swap3A_1012 = arith.constant 0 : i32
      %swap3A_1013 = tpu.memref_slice %arg7[%scan3A_155, %swap3A_1011, %swap3A_1012] : memref<2x64x128xi32, #tpu.memory_space<vmem>> -> memref<1x64x128xi32, #tpu.memory_space<vmem>>
      %swap3A_1014 = tpu.memref_squeeze %swap3A_1013 : memref<1x64x128xi32, #tpu.memory_space<vmem>> -> memref<64x128xi32, #tpu.memory_space<vmem>>
      %swap3A_1015 = arith.index_cast %scan3A_704 : i32 to index
      %swap3A_1016 = arith.constant 112 : index
      %swap3A_1017 = tpu.vector_load %swap3A_1014[%swap3A_1015, %swap3A_1016] {strides = array<i32>} : memref<64x128xi32, #tpu.memory_space<vmem>>, vector<1x16xi32>,
      %swap3A_1018 = vector.shape_cast %swap3A_1017 : vector<1x16xi32> to vector<16xi32>
      %swap3A_1019 = vector.shape_cast %or3A_1010 : vector<16xi32> to vector<1x16xi32>
      tpu.vector_store %swap3A_1014[%swap3A_1015, %swap3A_1016], %swap3A_1019 {strides = array<i32>} : memref<64x128xi32, #tpu.memory_space<vmem>>, vector<1x16xi32>,
    }
    %scan3A_160 = arith.constant 64 : i32
    %add3A_161 = arith.constant 64 : i32
    %add3A_162 = arith.addi %mul3A_2, %add3A_161 : i32
    %dma_start3A_163 = arith.constant 1 : i32
    %dma_start3A_164 = arith.constant 0 : i32
    %dma_start3A_165 = arith.constant 0 : i32
    %dma_start3A_166 = tpu.memref_slice %arg7[%dma_start3A_163, %dma_start3A_164, %dma_start3A_165] : memref<2x64x128xi32, #tpu.memory_space<vmem>> -> memref<1x64x128xi32, #tpu.memory_space<vmem>>
    %dma_start3A_167 = tpu.memref_squeeze %dma_start3A_166 : memref<1x64x128xi32, #tpu.memory_space<vmem>> -> memref<64x128xi32, #tpu.memory_space<vmem>>
    %dma_start3A_168 = arith.constant 0 : i32
    %dma_start3A_169 = tpu.memref_slice %arg4[%add3A_162, %dma_start3A_168] : memref<16384x128xi32, #tpu.memory_space<hbm>> -> memref<64x128xi32, #tpu.memory_space<hbm>>
    %dma_start3A_170 = arith.constant 0 : i32
    %dma_start3A_171 = tpu.memref_slice %arg4[%add3A_162, %dma_start3A_170] : memref<16384x128xi32, #tpu.memory_space<hbm>> -> memref<64x128xi32, #tpu.memory_space<hbm>>
    %dma_start3A_172 = arith.constant 0 : i32
    %dma_start3A_173 = arith.constant 0 : i32
    %dma_start3A_174 = tpu.memref_slice %arg7[%dma_start3A_163, %dma_start3A_172, %dma_start3A_173] : memref<2x64x128xi32, #tpu.memory_space<vmem>> -> memref<1x64x128xi32, #tpu.memory_space<vmem>>
    %dma_start3A_175 = tpu.memref_squeeze %dma_start3A_174 : memref<1x64x128xi32, #tpu.memory_space<vmem>> -> memref<64x128xi32, #tpu.memory_space<vmem>>
    tpu.enqueue_dma source(%dma_start3A_175 : memref<64x128xi32, #tpu.memory_space<vmem>>) target(%dma_start3A_171 : memref<64x128xi32, #tpu.memory_space<hbm>>) target_semaphore(%arg13 : memref<!tpu.dma_semaphore, #tpu.memory_space<semaphore_mem>>)
    %dma_start3A_176 = arith.constant 1 : i32
    %dma_start3A_177 = arith.constant 0 : i32
    %dma_start3A_178 = arith.constant 0 : i32
    %dma_start3A_179 = tpu.memref_slice %arg6[%dma_start3A_176, %dma_start3A_177, %dma_start3A_178] : memref<2x128x128xi32, #tpu.memory_space<vmem>> -> memref<1x128x128xi32, #tpu.memory_space<vmem>>
    %dma_start3A_180 = tpu.memref_squeeze %dma_start3A_179 : memref<1x128x128xi32, #tpu.memory_space<vmem>> -> memref<128x128xi32, #tpu.memory_space<vmem>>
    %dma_start3A_181 = arith.constant 0 : i32
    %dma_start3A_182 = arith.constant 0 : i32
    %dma_start3A_183 = tpu.memref_slice %dma_start3A_180[%dma_start3A_181, %dma_start3A_182] : memref<128x128xi32, #tpu.memory_space<vmem>> -> memref<64x128xi32, #tpu.memory_space<vmem>>
    %dma_start3A_184 = arith.constant 192 : i32
    %dma_start3A_185 = tpu.memref_slice %arg5[%dma_start3A_184] : memref<1024xi32, #tpu.memory_space<vmem>> -> memref<64xi32, #tpu.memory_space<vmem>>
    %dma_start3A_186 = arith.constant 0 : i32
    %dma_start3A_187 = arith.constant 0 : i32
    %dma_start3A_188 = tpu.memref_slice %arg3[%dma_start3A_186, %dma_start3A_187] : memref<100000x128xi32, #tpu.memory_space<hbm>> -> memref<100000x128xi32, #tpu.memory_space<hbm>>
    tpu.enqueue_indirect_dma source(%dma_start3A_188 : memref<100000x128xi32, #tpu.memory_space<hbm>>) target(%dma_start3A_183 : memref<64x128xi32, #tpu.memory_space<vmem>>) offsets(%dma_start3A_185 : memref<64xi32, #tpu.memory_space<vmem>>) semaphore(%arg10 : memref<!tpu.dma_semaphore, #tpu.memory_space<semaphore_mem>>)
    %dma_start3A_189 = arith.constant 1 : i32
    %dma_start3A_190 = arith.constant 0 : i32
    %dma_start3A_191 = arith.constant 0 : i32
    %dma_start3A_192 = tpu.memref_slice %arg6[%dma_start3A_189, %dma_start3A_190, %dma_start3A_191] : memref<2x128x128xi32, #tpu.memory_space<vmem>> -> memref<1x128x128xi32, #tpu.memory_space<vmem>>
    %dma_start3A_193 = tpu.memref_squeeze %dma_start3A_192 : memref<1x128x128xi32, #tpu.memory_space<vmem>> -> memref<128x128xi32, #tpu.memory_space<vmem>>
    %dma_start3A_194 = arith.constant 64 : i32
    %dma_start3A_195 = arith.constant 0 : i32
    %dma_start3A_196 = tpu.memref_slice %dma_start3A_193[%dma_start3A_194, %dma_start3A_195] : memref<128x128xi32, #tpu.memory_space<vmem>> -> memref<64x128xi32, #tpu.memory_space<vmem>>
    %dma_start3A_197 = arith.constant 704 : i32
    %dma_start3A_198 = tpu.memref_slice %arg5[%dma_start3A_197] : memref<1024xi32, #tpu.memory_space<vmem>> -> memref<64xi32, #tpu.memory_space<vmem>>
    %dma_start3A_199 = arith.constant 0 : i32
    %dma_start3A_200 = arith.constant 0 : i32
    %dma_start3A_201 = tpu.memref_slice %arg3[%dma_start3A_199, %dma_start3A_200] : memref<100000x128xi32, #tpu.memory_space<hbm>> -> memref<100000x128xi32, #tpu.memory_space<hbm>>
    tpu.enqueue_indirect_dma source(%dma_start3A_201 : memref<100000x128xi32, #tpu.memory_space<hbm>>) target(%dma_start3A_196 : memref<64x128xi32, #tpu.memory_space<vmem>>) offsets(%dma_start3A_198 : memref<64xi32, #tpu.memory_space<vmem>>) semaphore(%arg11 : memref<!tpu.dma_semaphore, #tpu.memory_space<semaphore_mem>>)
    %dma_wait3A_202 = arith.constant 0 : i32
    %dma_wait3A_203 = arith.constant 0 : i32
    %dma_wait3A_204 = arith.constant 0 : i32
    %dma_wait3A_205 = tpu.memref_slice %arg6[%dma_wait3A_202, %dma_wait3A_203, %dma_wait3A_204] : memref<2x128x128xi32, #tpu.memory_space<vmem>> -> memref<1x128x128xi32, #tpu.memory_space<vmem>>
    %dma_wait3A_206 = tpu.memref_squeeze %dma_wait3A_205 : memref<1x128x128xi32, #tpu.memory_space<vmem>> -> memref<128x128xi32, #tpu.memory_space<vmem>>
    %dma_wait3A_207 = arith.constant 0 : i32
    %dma_wait3A_208 = arith.constant 0 : i32
    %dma_wait3A_209 = tpu.memref_slice %dma_wait3A_206[%dma_wait3A_207, %dma_wait3A_208] : memref<128x128xi32, #tpu.memory_space<vmem>> -> memref<64x128xi32, #tpu.memory_space<vmem>>
    %dma_wait3A_210 = arith.constant 128 : i32
    %dma_wait3A_211 = tpu.memref_slice %arg5[%dma_wait3A_210] : memref<1024xi32, #tpu.memory_space<vmem>> -> memref<64xi32, #tpu.memory_space<vmem>>
    %dma_wait3A_212 = arith.constant 0 : i32
    %dma_wait3A_213 = arith.constant 0 : i32
    %dma_wait3A_214 = tpu.memref_slice %arg3[%dma_wait3A_212, %dma_wait3A_213] : memref<100000x128xi32, #tpu.memory_space<hbm>> -> memref<100000x128xi32, #tpu.memory_space<hbm>>
    tpu.wait_indirect_dma semaphore(%arg8 : memref<!tpu.dma_semaphore, #tpu.memory_space<semaphore_mem>>) src(%dma_wait3A_214 : memref<100000x128xi32, #tpu.memory_space<hbm>>) dst(%dma_wait3A_209 : memref<64x128xi32, #tpu.memory_space<vmem>>)
    %dma_wait3A_215 = arith.constant 0 : i32
    %dma_wait3A_216 = arith.constant 0 : i32
    %dma_wait3A_217 = arith.constant 0 : i32
    %dma_wait3A_218 = tpu.memref_slice %arg6[%dma_wait3A_215, %dma_wait3A_216, %dma_wait3A_217] : memref<2x128x128xi32, #tpu.memory_space<vmem>> -> memref<1x128x128xi32, #tpu.memory_space<vmem>>
    %dma_wait3A_219 = tpu.memref_squeeze %dma_wait3A_218 : memref<1x128x128xi32, #tpu.memory_space<vmem>> -> memref<128x128xi32, #tpu.memory_space<vmem>>
    %dma_wait3A_220 = arith.constant 64 : i32
    %dma_wait3A_221 = arith.constant 0 : i32
    %dma_wait3A_222 = tpu.memref_slice %dma_wait3A_219[%dma_wait3A_220, %dma_wait3A_221] : memref<128x128xi32, #tpu.memory_space<vmem>> -> memref<64x128xi32, #tpu.memory_space<vmem>>
    %dma_wait3A_223 = arith.constant 640 : i32
    %dma_wait3A_224 = tpu.memref_slice %arg5[%dma_wait3A_223] : memref<1024xi32, #tpu.memory_space<vmem>> -> memref<64xi32, #tpu.memory_space<vmem>>
    %dma_wait3A_225 = arith.constant 0 : i32
    %dma_wait3A_226 = arith.constant 0 : i32
    %dma_wait3A_227 = tpu.memref_slice %arg3[%dma_wait3A_225, %dma_wait3A_226] : memref<100000x128xi32, #tpu.memory_space<hbm>> -> memref<100000x128xi32, #tpu.memory_space<hbm>>
    tpu.wait_indirect_dma semaphore(%arg9 : memref<!tpu.dma_semaphore, #tpu.memory_space<semaphore_mem>>) src(%dma_wait3A_227 : memref<100000x128xi32, #tpu.memory_space<hbm>>) dst(%dma_wait3A_222 : memref<64x128xi32, #tpu.memory_space<vmem>>)
    %dma_wait3A_228 = arith.constant 0 : i32
    %dma_wait3A_229 = arith.constant 0 : i32
    %dma_wait3A_230 = arith.constant 0 : i32
    %dma_wait3A_231 = tpu.memref_slice %arg7[%dma_wait3A_228, %dma_wait3A_229, %dma_wait3A_230] : memref<2x64x128xi32, #tpu.memory_space<vmem>> -> memref<1x64x128xi32, #tpu.memory_space<vmem>>
    %dma_wait3A_232 = tpu.memref_squeeze %dma_wait3A_231 : memref<1x64x128xi32, #tpu.memory_space<vmem>> -> memref<64x128xi32, #tpu.memory_space<vmem>>
    %dma_wait3A_233 = arith.constant 0 : i32
    %dma_wait3A_234 = tpu.memref_slice %arg4[%add3A_87, %dma_wait3A_233] : memref<16384x128xi32, #tpu.memory_space<hbm>> -> memref<64x128xi32, #tpu.memory_space<hbm>>
    %dma_wait3A_235 = arith.constant 0 : i32
    %dma_wait3A_236 = tpu.memref_slice %arg4[%add3A_87, %dma_wait3A_235] : memref<16384x128xi32, #tpu.memory_space<hbm>> -> memref<64x128xi32, #tpu.memory_space<hbm>>
    %dma_wait3A_237 = arith.constant 0 : i32
    %dma_wait3A_238 = arith.constant 0 : i32
    %dma_wait3A_239 = tpu.memref_slice %arg7[%dma_wait3A_228, %dma_wait3A_237, %dma_wait3A_238] : memref<2x64x128xi32, #tpu.memory_space<vmem>> -> memref<1x64x128xi32, #tpu.memory_space<vmem>>
    %dma_wait3A_240 = tpu.memref_squeeze %dma_wait3A_239 : memref<1x64x128xi32, #tpu.memory_space<vmem>> -> memref<64x128xi32, #tpu.memory_space<vmem>>
    tpu.wait_dma2 semaphore(%arg12 : memref<!tpu.dma_semaphore, #tpu.memory_space<semaphore_mem>>) src(%dma_wait3A_240 : memref<64x128xi32, #tpu.memory_space<vmem>>) dst(%dma_wait3A_236 : memref<64x128xi32, #tpu.memory_space<hbm>>)
    %scan3A_241 = arith.constant 0 : i32
    %scan3A_242 = arith.constant 0 : i32
    %scan3A_243 = arith.constant 0 : i32
    %scan3A_244 = arith.constant 0 : i32
    %scan3A_245 = arith.constant 64 : i32
    %scan3A_246 = arith.addi %scan3A_244, %scan3A_245 : i32
    %scan3A_247 = arith.constant 1 : i32
    scf.for %scan3A_704 = %scan3A_244 to %scan3A_246 step %scan3A_247  : i32 {
      %get3A = arith.constant 0 : i32
      %get3A_705 = arith.constant 0 : i32
      %get3A_706 = tpu.memref_slice %arg6[%scan3A_242, %get3A, %get3A_705] : memref<2x128x128xi32, #tpu.memory_space<vmem>> -> memref<1x128x128xi32, #tpu.memory_space<vmem>>
      %get3A_707 = tpu.memref_squeeze %get3A_706 : memref<1x128x128xi32, #tpu.memory_space<vmem>> -> memref<128x128xi32, #tpu.memory_space<vmem>>
      %get3A_708 = arith.index_cast %scan3A_704 : i32 to index
      %get3A_709 = arith.constant 0 : index
      %get3A_710 = tpu.vector_load %get3A_707[%get3A_708, %get3A_709] {strides = array<i32>} : memref<128x128xi32, #tpu.memory_space<vmem>>, vector<1x16xi32>,
      %get3A_711 = vector.shape_cast %get3A_710 : vector<1x16xi32> to vector<16xi32>
      %add3A_712 = arith.constant 32768 : i32
      %add3A_713 = vector.broadcast %add3A_712 : i32 to vector<16xi32>
      %add3A_714 = arith.addi %get3A_711, %add3A_713 : vector<16xi32>
      %add3A_715 = arith.constant 64 : i32
      %add3A_716 = arith.addi %add3A_715, %scan3A_704 : i32
      %get3A_717 = arith.constant 0 : i32
      %get3A_718 = arith.constant 0 : i32
      %get3A_719 = tpu.memref_slice %arg6[%scan3A_242, %get3A_717, %get3A_718] : memref<2x128x128xi32, #tpu.memory_space<vmem>> -> memref<1x128x128xi32, #tpu.memory_space<vmem>>
      %get3A_720 = tpu.memref_squeeze %get3A_719 : memref<1x128x128xi32, #tpu.memory_space<vmem>> -> memref<128x128xi32, #tpu.memory_space<vmem>>
      %get3A_721 = arith.index_cast %add3A_716 : i32 to index
      %get3A_722 = arith.constant 0 : index
      %get3A_723 = tpu.vector_load %get3A_720[%get3A_721, %get3A_722] {strides = array<i32>} : memref<128x128xi32, #tpu.memory_space<vmem>>, vector<1x16xi32>,
      %get3A_724 = vector.shape_cast %get3A_723 : vector<1x16xi32> to vector<16xi32>
      %add3A_725 = arith.constant 32768 : i32
      %add3A_726 = vector.broadcast %add3A_725 : i32 to vector<16xi32>
      %add3A_727 = arith.addi %get3A_724, %add3A_726 : vector<16xi32>
      %shift_right_logical3A = arith.constant 16 : i32
      %shift_right_logical3A_728 = vector.broadcast %shift_right_logical3A : i32 to vector<16xi32>
      %shift_right_logical3A_729 = arith.shrui %add3A_714, %shift_right_logical3A_728 : vector<16xi32>
      %and3A = arith.constant -65536 : i32
      %and3A_730 = vector.broadcast %and3A : i32 to vector<16xi32>
      %and3A_731 = arith.andi %add3A_727, %and3A_730 : vector<16xi32>
      %or3A = arith.ori %shift_right_logical3A_729, %and3A_731 : vector<16xi32>
      %swap3A = arith.constant 0 : i32
      %swap3A_732 = arith.constant 0 : i32
      %swap3A_733 = tpu.memref_slice %arg7[%scan3A_243, %swap3A, %swap3A_732] : memref<2x64x128xi32, #tpu.memory_space<vmem>> -> memref<1x64x128xi32, #tpu.memory_space<vmem>>
      %swap3A_734 = tpu.memref_squeeze %swap3A_733 : memref<1x64x128xi32, #tpu.memory_space<vmem>> -> memref<64x128xi32, #tpu.memory_space<vmem>>
      %swap3A_735 = arith.index_cast %scan3A_704 : i32 to index
      %swap3A_736 = arith.constant 0 : index
      %swap3A_737 = tpu.vector_load %swap3A_734[%swap3A_735, %swap3A_736] {strides = array<i32>} : memref<64x128xi32, #tpu.memory_space<vmem>>, vector<1x16xi32>,
      %swap3A_738 = vector.shape_cast %swap3A_737 : vector<1x16xi32> to vector<16xi32>
      %swap3A_739 = vector.shape_cast %or3A : vector<16xi32> to vector<1x16xi32>
      tpu.vector_store %swap3A_734[%swap3A_735, %swap3A_736], %swap3A_739 {strides = array<i32>} : memref<64x128xi32, #tpu.memory_space<vmem>>, vector<1x16xi32>,
      %get3A_740 = arith.constant 0 : i32
      %get3A_741 = arith.constant 0 : i32
      %get3A_742 = tpu.memref_slice %arg6[%scan3A_242, %get3A_740, %get3A_741] : memref<2x128x128xi32, #tpu.memory_space<vmem>> -> memref<1x128x128xi32, #tpu.memory_space<vmem>>
      %get3A_743 = tpu.memref_squeeze %get3A_742 : memref<1x128x128xi32, #tpu.memory_space<vmem>> -> memref<128x128xi32, #tpu.memory_space<vmem>>
      %get3A_744 = arith.index_cast %scan3A_704 : i32 to index
      %get3A_745 = arith.constant 16 : index
      %get3A_746 = tpu.vector_load %get3A_743[%get3A_744, %get3A_745] {strides = array<i32>} : memref<128x128xi32, #tpu.memory_space<vmem>>, vector<1x16xi32>,
      %get3A_747 = vector.shape_cast %get3A_746 : vector<1x16xi32> to vector<16xi32>
      %add3A_748 = arith.constant 32768 : i32
      %add3A_749 = vector.broadcast %add3A_748 : i32 to vector<16xi32>
      %add3A_750 = arith.addi %get3A_747, %add3A_749 : vector<16xi32>
      %add3A_751 = arith.constant 64 : i32
      %add3A_752 = arith.addi %add3A_751, %scan3A_704 : i32
      %get3A_753 = arith.constant 0 : i32
      %get3A_754 = arith.constant 0 : i32
      %get3A_755 = tpu.memref_slice %arg6[%scan3A_242, %get3A_753, %get3A_754] : memref<2x128x128xi32, #tpu.memory_space<vmem>> -> memref<1x128x128xi32, #tpu.memory_space<vmem>>
      %get3A_756 = tpu.memref_squeeze %get3A_755 : memref<1x128x128xi32, #tpu.memory_space<vmem>> -> memref<128x128xi32, #tpu.memory_space<vmem>>
      %get3A_757 = arith.index_cast %add3A_752 : i32 to index
      %get3A_758 = arith.constant 16 : index
      %get3A_759 = tpu.vector_load %get3A_756[%get3A_757, %get3A_758] {strides = array<i32>} : memref<128x128xi32, #tpu.memory_space<vmem>>, vector<1x16xi32>,
      %get3A_760 = vector.shape_cast %get3A_759 : vector<1x16xi32> to vector<16xi32>
      %add3A_761 = arith.constant 32768 : i32
      %add3A_762 = vector.broadcast %add3A_761 : i32 to vector<16xi32>
      %add3A_763 = arith.addi %get3A_760, %add3A_762 : vector<16xi32>
      %shift_right_logical3A_764 = arith.constant 16 : i32
      %shift_right_logical3A_765 = vector.broadcast %shift_right_logical3A_764 : i32 to vector<16xi32>
      %shift_right_logical3A_766 = arith.shrui %add3A_750, %shift_right_logical3A_765 : vector<16xi32>
      %and3A_767 = arith.constant -65536 : i32
      %and3A_768 = vector.broadcast %and3A_767 : i32 to vector<16xi32>
      %and3A_769 = arith.andi %add3A_763, %and3A_768 : vector<16xi32>
      %or3A_770 = arith.ori %shift_right_logical3A_766, %and3A_769 : vector<16xi32>
      %swap3A_771 = arith.constant 0 : i32
      %swap3A_772 = arith.constant 0 : i32
      %swap3A_773 = tpu.memref_slice %arg7[%scan3A_243, %swap3A_771, %swap3A_772] : memref<2x64x128xi32, #tpu.memory_space<vmem>> -> memref<1x64x128xi32, #tpu.memory_space<vmem>>
      %swap3A_774 = tpu.memref_squeeze %swap3A_773 : memref<1x64x128xi32, #tpu.memory_space<vmem>> -> memref<64x128xi32, #tpu.memory_space<vmem>>
      %swap3A_775 = arith.index_cast %scan3A_704 : i32 to index
      %swap3A_776 = arith.constant 16 : index
      %swap3A_777 = tpu.vector_load %swap3A_774[%swap3A_775, %swap3A_776] {strides = array<i32>} : memref<64x128xi32, #tpu.memory_space<vmem>>, vector<1x16xi32>,
      %swap3A_778 = vector.shape_cast %swap3A_777 : vector<1x16xi32> to vector<16xi32>
      %swap3A_779 = vector.shape_cast %or3A_770 : vector<16xi32> to vector<1x16xi32>
      tpu.vector_store %swap3A_774[%swap3A_775, %swap3A_776], %swap3A_779 {strides = array<i32>} : memref<64x128xi32, #tpu.memory_space<vmem>>, vector<1x16xi32>,
      %get3A_780 = arith.constant 0 : i32
      %get3A_781 = arith.constant 0 : i32
      %get3A_782 = tpu.memref_slice %arg6[%scan3A_242, %get3A_780, %get3A_781] : memref<2x128x128xi32, #tpu.memory_space<vmem>> -> memref<1x128x128xi32, #tpu.memory_space<vmem>>
      %get3A_783 = tpu.memref_squeeze %get3A_782 : memref<1x128x128xi32, #tpu.memory_space<vmem>> -> memref<128x128xi32, #tpu.memory_space<vmem>>
      %get3A_784 = arith.index_cast %scan3A_704 : i32 to index
      %get3A_785 = arith.constant 32 : index
      %get3A_786 = tpu.vector_load %get3A_783[%get3A_784, %get3A_785] {strides = array<i32>} : memref<128x128xi32, #tpu.memory_space<vmem>>, vector<1x16xi32>,
      %get3A_787 = vector.shape_cast %get3A_786 : vector<1x16xi32> to vector<16xi32>
      %add3A_788 = arith.constant 32768 : i32
      %add3A_789 = vector.broadcast %add3A_788 : i32 to vector<16xi32>
      %add3A_790 = arith.addi %get3A_787, %add3A_789 : vector<16xi32>
      %add3A_791 = arith.constant 64 : i32
      %add3A_792 = arith.addi %add3A_791, %scan3A_704 : i32
      %get3A_793 = arith.constant 0 : i32
      %get3A_794 = arith.constant 0 : i32
      %get3A_795 = tpu.memref_slice %arg6[%scan3A_242, %get3A_793, %get3A_794] : memref<2x128x128xi32, #tpu.memory_space<vmem>> -> memref<1x128x128xi32, #tpu.memory_space<vmem>>
      %get3A_796 = tpu.memref_squeeze %get3A_795 : memref<1x128x128xi32, #tpu.memory_space<vmem>> -> memref<128x128xi32, #tpu.memory_space<vmem>>
      %get3A_797 = arith.index_cast %add3A_792 : i32 to index
      %get3A_798 = arith.constant 32 : index
      %get3A_799 = tpu.vector_load %get3A_796[%get3A_797, %get3A_798] {strides = array<i32>} : memref<128x128xi32, #tpu.memory_space<vmem>>, vector<1x16xi32>,
      %get3A_800 = vector.shape_cast %get3A_799 : vector<1x16xi32> to vector<16xi32>
      %add3A_801 = arith.constant 32768 : i32
      %add3A_802 = vector.broadcast %add3A_801 : i32 to vector<16xi32>
      %add3A_803 = arith.addi %get3A_800, %add3A_802 : vector<16xi32>
      %shift_right_logical3A_804 = arith.constant 16 : i32
      %shift_right_logical3A_805 = vector.broadcast %shift_right_logical3A_804 : i32 to vector<16xi32>
      %shift_right_logical3A_806 = arith.shrui %add3A_790, %shift_right_logical3A_805 : vector<16xi32>
      %and3A_807 = arith.constant -65536 : i32
      %and3A_808 = vector.broadcast %and3A_807 : i32 to vector<16xi32>
      %and3A_809 = arith.andi %add3A_803, %and3A_808 : vector<16xi32>
      %or3A_810 = arith.ori %shift_right_logical3A_806, %and3A_809 : vector<16xi32>
      %swap3A_811 = arith.constant 0 : i32
      %swap3A_812 = arith.constant 0 : i32
      %swap3A_813 = tpu.memref_slice %arg7[%scan3A_243, %swap3A_811, %swap3A_812] : memref<2x64x128xi32, #tpu.memory_space<vmem>> -> memref<1x64x128xi32, #tpu.memory_space<vmem>>
      %swap3A_814 = tpu.memref_squeeze %swap3A_813 : memref<1x64x128xi32, #tpu.memory_space<vmem>> -> memref<64x128xi32, #tpu.memory_space<vmem>>
      %swap3A_815 = arith.index_cast %scan3A_704 : i32 to index
      %swap3A_816 = arith.constant 32 : index
      %swap3A_817 = tpu.vector_load %swap3A_814[%swap3A_815, %swap3A_816] {strides = array<i32>} : memref<64x128xi32, #tpu.memory_space<vmem>>, vector<1x16xi32>,
      %swap3A_818 = vector.shape_cast %swap3A_817 : vector<1x16xi32> to vector<16xi32>
      %swap3A_819 = vector.shape_cast %or3A_810 : vector<16xi32> to vector<1x16xi32>
      tpu.vector_store %swap3A_814[%swap3A_815, %swap3A_816], %swap3A_819 {strides = array<i32>} : memref<64x128xi32, #tpu.memory_space<vmem>>, vector<1x16xi32>,
      %get3A_820 = arith.constant 0 : i32
      %get3A_821 = arith.constant 0 : i32
      %get3A_822 = tpu.memref_slice %arg6[%scan3A_242, %get3A_820, %get3A_821] : memref<2x128x128xi32, #tpu.memory_space<vmem>> -> memref<1x128x128xi32, #tpu.memory_space<vmem>>
      %get3A_823 = tpu.memref_squeeze %get3A_822 : memref<1x128x128xi32, #tpu.memory_space<vmem>> -> memref<128x128xi32, #tpu.memory_space<vmem>>
      %get3A_824 = arith.index_cast %scan3A_704 : i32 to index
      %get3A_825 = arith.constant 48 : index
      %get3A_826 = tpu.vector_load %get3A_823[%get3A_824, %get3A_825] {strides = array<i32>} : memref<128x128xi32, #tpu.memory_space<vmem>>, vector<1x16xi32>,
      %get3A_827 = vector.shape_cast %get3A_826 : vector<1x16xi32> to vector<16xi32>
      %add3A_828 = arith.constant 32768 : i32
      %add3A_829 = vector.broadcast %add3A_828 : i32 to vector<16xi32>
      %add3A_830 = arith.addi %get3A_827, %add3A_829 : vector<16xi32>
      %add3A_831 = arith.constant 64 : i32
      %add3A_832 = arith.addi %add3A_831, %scan3A_704 : i32
      %get3A_833 = arith.constant 0 : i32
      %get3A_834 = arith.constant 0 : i32
      %get3A_835 = tpu.memref_slice %arg6[%scan3A_242, %get3A_833, %get3A_834] : memref<2x128x128xi32, #tpu.memory_space<vmem>> -> memref<1x128x128xi32, #tpu.memory_space<vmem>>
      %get3A_836 = tpu.memref_squeeze %get3A_835 : memref<1x128x128xi32, #tpu.memory_space<vmem>> -> memref<128x128xi32, #tpu.memory_space<vmem>>
      %get3A_837 = arith.index_cast %add3A_832 : i32 to index
      %get3A_838 = arith.constant 48 : index
      %get3A_839 = tpu.vector_load %get3A_836[%get3A_837, %get3A_838] {strides = array<i32>} : memref<128x128xi32, #tpu.memory_space<vmem>>, vector<1x16xi32>,
      %get3A_840 = vector.shape_cast %get3A_839 : vector<1x16xi32> to vector<16xi32>
      %add3A_841 = arith.constant 32768 : i32
      %add3A_842 = vector.broadcast %add3A_841 : i32 to vector<16xi32>
      %add3A_843 = arith.addi %get3A_840, %add3A_842 : vector<16xi32>
      %shift_right_logical3A_844 = arith.constant 16 : i32
      %shift_right_logical3A_845 = vector.broadcast %shift_right_logical3A_844 : i32 to vector<16xi32>
      %shift_right_logical3A_846 = arith.shrui %add3A_830, %shift_right_logical3A_845 : vector<16xi32>
      %and3A_847 = arith.constant -65536 : i32
      %and3A_848 = vector.broadcast %and3A_847 : i32 to vector<16xi32>
      %and3A_849 = arith.andi %add3A_843, %and3A_848 : vector<16xi32>
      %or3A_850 = arith.ori %shift_right_logical3A_846, %and3A_849 : vector<16xi32>
      %swap3A_851 = arith.constant 0 : i32
      %swap3A_852 = arith.constant 0 : i32
      %swap3A_853 = tpu.memref_slice %arg7[%scan3A_243, %swap3A_851, %swap3A_852] : memref<2x64x128xi32, #tpu.memory_space<vmem>> -> memref<1x64x128xi32, #tpu.memory_space<vmem>>
      %swap3A_854 = tpu.memref_squeeze %swap3A_853 : memref<1x64x128xi32, #tpu.memory_space<vmem>> -> memref<64x128xi32, #tpu.memory_space<vmem>>
      %swap3A_855 = arith.index_cast %scan3A_704 : i32 to index
      %swap3A_856 = arith.constant 48 : index
      %swap3A_857 = tpu.vector_load %swap3A_854[%swap3A_855, %swap3A_856] {strides = array<i32>} : memref<64x128xi32, #tpu.memory_space<vmem>>, vector<1x16xi32>,
      %swap3A_858 = vector.shape_cast %swap3A_857 : vector<1x16xi32> to vector<16xi32>
      %swap3A_859 = vector.shape_cast %or3A_850 : vector<16xi32> to vector<1x16xi32>
      tpu.vector_store %swap3A_854[%swap3A_855, %swap3A_856], %swap3A_859 {strides = array<i32>} : memref<64x128xi32, #tpu.memory_space<vmem>>, vector<1x16xi32>,
      %get3A_860 = arith.constant 0 : i32
      %get3A_861 = arith.constant 0 : i32
      %get3A_862 = tpu.memref_slice %arg6[%scan3A_242, %get3A_860, %get3A_861] : memref<2x128x128xi32, #tpu.memory_space<vmem>> -> memref<1x128x128xi32, #tpu.memory_space<vmem>>
      %get3A_863 = tpu.memref_squeeze %get3A_862 : memref<1x128x128xi32, #tpu.memory_space<vmem>> -> memref<128x128xi32, #tpu.memory_space<vmem>>
      %get3A_864 = arith.index_cast %scan3A_704 : i32 to index
      %get3A_865 = arith.constant 64 : index
      %get3A_866 = tpu.vector_load %get3A_863[%get3A_864, %get3A_865] {strides = array<i32>} : memref<128x128xi32, #tpu.memory_space<vmem>>, vector<1x16xi32>,
      %get3A_867 = vector.shape_cast %get3A_866 : vector<1x16xi32> to vector<16xi32>
      %add3A_868 = arith.constant 32768 : i32
      %add3A_869 = vector.broadcast %add3A_868 : i32 to vector<16xi32>
      %add3A_870 = arith.addi %get3A_867, %add3A_869 : vector<16xi32>
      %add3A_871 = arith.constant 64 : i32
      %add3A_872 = arith.addi %add3A_871, %scan3A_704 : i32
      %get3A_873 = arith.constant 0 : i32
      %get3A_874 = arith.constant 0 : i32
      %get3A_875 = tpu.memref_slice %arg6[%scan3A_242, %get3A_873, %get3A_874] : memref<2x128x128xi32, #tpu.memory_space<vmem>> -> memref<1x128x128xi32, #tpu.memory_space<vmem>>
      %get3A_876 = tpu.memref_squeeze %get3A_875 : memref<1x128x128xi32, #tpu.memory_space<vmem>> -> memref<128x128xi32, #tpu.memory_space<vmem>>
      %get3A_877 = arith.index_cast %add3A_872 : i32 to index
      %get3A_878 = arith.constant 64 : index
      %get3A_879 = tpu.vector_load %get3A_876[%get3A_877, %get3A_878] {strides = array<i32>} : memref<128x128xi32, #tpu.memory_space<vmem>>, vector<1x16xi32>,
      %get3A_880 = vector.shape_cast %get3A_879 : vector<1x16xi32> to vector<16xi32>
      %add3A_881 = arith.constant 32768 : i32
      %add3A_882 = vector.broadcast %add3A_881 : i32 to vector<16xi32>
      %add3A_883 = arith.addi %get3A_880, %add3A_882 : vector<16xi32>
      %shift_right_logical3A_884 = arith.constant 16 : i32
      %shift_right_logical3A_885 = vector.broadcast %shift_right_logical3A_884 : i32 to vector<16xi32>
      %shift_right_logical3A_886 = arith.shrui %add3A_870, %shift_right_logical3A_885 : vector<16xi32>
      %and3A_887 = arith.constant -65536 : i32
      %and3A_888 = vector.broadcast %and3A_887 : i32 to vector<16xi32>
      %and3A_889 = arith.andi %add3A_883, %and3A_888 : vector<16xi32>
      %or3A_890 = arith.ori %shift_right_logical3A_886, %and3A_889 : vector<16xi32>
      %swap3A_891 = arith.constant 0 : i32
      %swap3A_892 = arith.constant 0 : i32
      %swap3A_893 = tpu.memref_slice %arg7[%scan3A_243, %swap3A_891, %swap3A_892] : memref<2x64x128xi32, #tpu.memory_space<vmem>> -> memref<1x64x128xi32, #tpu.memory_space<vmem>>
      %swap3A_894 = tpu.memref_squeeze %swap3A_893 : memref<1x64x128xi32, #tpu.memory_space<vmem>> -> memref<64x128xi32, #tpu.memory_space<vmem>>
      %swap3A_895 = arith.index_cast %scan3A_704 : i32 to index
      %swap3A_896 = arith.constant 64 : index
      %swap3A_897 = tpu.vector_load %swap3A_894[%swap3A_895, %swap3A_896] {strides = array<i32>} : memref<64x128xi32, #tpu.memory_space<vmem>>, vector<1x16xi32>,
      %swap3A_898 = vector.shape_cast %swap3A_897 : vector<1x16xi32> to vector<16xi32>
      %swap3A_899 = vector.shape_cast %or3A_890 : vector<16xi32> to vector<1x16xi32>
      tpu.vector_store %swap3A_894[%swap3A_895, %swap3A_896], %swap3A_899 {strides = array<i32>} : memref<64x128xi32, #tpu.memory_space<vmem>>, vector<1x16xi32>,
      %get3A_900 = arith.constant 0 : i32
      %get3A_901 = arith.constant 0 : i32
      %get3A_902 = tpu.memref_slice %arg6[%scan3A_242, %get3A_900, %get3A_901] : memref<2x128x128xi32, #tpu.memory_space<vmem>> -> memref<1x128x128xi32, #tpu.memory_space<vmem>>
      %get3A_903 = tpu.memref_squeeze %get3A_902 : memref<1x128x128xi32, #tpu.memory_space<vmem>> -> memref<128x128xi32, #tpu.memory_space<vmem>>
      %get3A_904 = arith.index_cast %scan3A_704 : i32 to index
      %get3A_905 = arith.constant 80 : index
      %get3A_906 = tpu.vector_load %get3A_903[%get3A_904, %get3A_905] {strides = array<i32>} : memref<128x128xi32, #tpu.memory_space<vmem>>, vector<1x16xi32>,
      %get3A_907 = vector.shape_cast %get3A_906 : vector<1x16xi32> to vector<16xi32>
      %add3A_908 = arith.constant 32768 : i32
      %add3A_909 = vector.broadcast %add3A_908 : i32 to vector<16xi32>
      %add3A_910 = arith.addi %get3A_907, %add3A_909 : vector<16xi32>
      %add3A_911 = arith.constant 64 : i32
      %add3A_912 = arith.addi %add3A_911, %scan3A_704 : i32
      %get3A_913 = arith.constant 0 : i32
      %get3A_914 = arith.constant 0 : i32
      %get3A_915 = tpu.memref_slice %arg6[%scan3A_242, %get3A_913, %get3A_914] : memref<2x128x128xi32, #tpu.memory_space<vmem>> -> memref<1x128x128xi32, #tpu.memory_space<vmem>>
      %get3A_916 = tpu.memref_squeeze %get3A_915 : memref<1x128x128xi32, #tpu.memory_space<vmem>> -> memref<128x128xi32, #tpu.memory_space<vmem>>
      %get3A_917 = arith.index_cast %add3A_912 : i32 to index
      %get3A_918 = arith.constant 80 : index
      %get3A_919 = tpu.vector_load %get3A_916[%get3A_917, %get3A_918] {strides = array<i32>} : memref<128x128xi32, #tpu.memory_space<vmem>>, vector<1x16xi32>,
      %get3A_920 = vector.shape_cast %get3A_919 : vector<1x16xi32> to vector<16xi32>
      %add3A_921 = arith.constant 32768 : i32
      %add3A_922 = vector.broadcast %add3A_921 : i32 to vector<16xi32>
      %add3A_923 = arith.addi %get3A_920, %add3A_922 : vector<16xi32>
      %shift_right_logical3A_924 = arith.constant 16 : i32
      %shift_right_logical3A_925 = vector.broadcast %shift_right_logical3A_924 : i32 to vector<16xi32>
      %shift_right_logical3A_926 = arith.shrui %add3A_910, %shift_right_logical3A_925 : vector<16xi32>
      %and3A_927 = arith.constant -65536 : i32
      %and3A_928 = vector.broadcast %and3A_927 : i32 to vector<16xi32>
      %and3A_929 = arith.andi %add3A_923, %and3A_928 : vector<16xi32>
      %or3A_930 = arith.ori %shift_right_logical3A_926, %and3A_929 : vector<16xi32>
      %swap3A_931 = arith.constant 0 : i32
      %swap3A_932 = arith.constant 0 : i32
      %swap3A_933 = tpu.memref_slice %arg7[%scan3A_243, %swap3A_931, %swap3A_932] : memref<2x64x128xi32, #tpu.memory_space<vmem>> -> memref<1x64x128xi32, #tpu.memory_space<vmem>>
      %swap3A_934 = tpu.memref_squeeze %swap3A_933 : memref<1x64x128xi32, #tpu.memory_space<vmem>> -> memref<64x128xi32, #tpu.memory_space<vmem>>
      %swap3A_935 = arith.index_cast %scan3A_704 : i32 to index
      %swap3A_936 = arith.constant 80 : index
      %swap3A_937 = tpu.vector_load %swap3A_934[%swap3A_935, %swap3A_936] {strides = array<i32>} : memref<64x128xi32, #tpu.memory_space<vmem>>, vector<1x16xi32>,
      %swap3A_938 = vector.shape_cast %swap3A_937 : vector<1x16xi32> to vector<16xi32>
      %swap3A_939 = vector.shape_cast %or3A_930 : vector<16xi32> to vector<1x16xi32>
      tpu.vector_store %swap3A_934[%swap3A_935, %swap3A_936], %swap3A_939 {strides = array<i32>} : memref<64x128xi32, #tpu.memory_space<vmem>>, vector<1x16xi32>,
      %get3A_940 = arith.constant 0 : i32
      %get3A_941 = arith.constant 0 : i32
      %get3A_942 = tpu.memref_slice %arg6[%scan3A_242, %get3A_940, %get3A_941] : memref<2x128x128xi32, #tpu.memory_space<vmem>> -> memref<1x128x128xi32, #tpu.memory_space<vmem>>
      %get3A_943 = tpu.memref_squeeze %get3A_942 : memref<1x128x128xi32, #tpu.memory_space<vmem>> -> memref<128x128xi32, #tpu.memory_space<vmem>>
      %get3A_944 = arith.index_cast %scan3A_704 : i32 to index
      %get3A_945 = arith.constant 96 : index
      %get3A_946 = tpu.vector_load %get3A_943[%get3A_944, %get3A_945] {strides = array<i32>} : memref<128x128xi32, #tpu.memory_space<vmem>>, vector<1x16xi32>,
      %get3A_947 = vector.shape_cast %get3A_946 : vector<1x16xi32> to vector<16xi32>
      %add3A_948 = arith.constant 32768 : i32
      %add3A_949 = vector.broadcast %add3A_948 : i32 to vector<16xi32>
      %add3A_950 = arith.addi %get3A_947, %add3A_949 : vector<16xi32>
      %add3A_951 = arith.constant 64 : i32
      %add3A_952 = arith.addi %add3A_951, %scan3A_704 : i32
      %get3A_953 = arith.constant 0 : i32
      %get3A_954 = arith.constant 0 : i32
      %get3A_955 = tpu.memref_slice %arg6[%scan3A_242, %get3A_953, %get3A_954] : memref<2x128x128xi32, #tpu.memory_space<vmem>> -> memref<1x128x128xi32, #tpu.memory_space<vmem>>
      %get3A_956 = tpu.memref_squeeze %get3A_955 : memref<1x128x128xi32, #tpu.memory_space<vmem>> -> memref<128x128xi32, #tpu.memory_space<vmem>>
      %get3A_957 = arith.index_cast %add3A_952 : i32 to index
      %get3A_958 = arith.constant 96 : index
      %get3A_959 = tpu.vector_load %get3A_956[%get3A_957, %get3A_958] {strides = array<i32>} : memref<128x128xi32, #tpu.memory_space<vmem>>, vector<1x16xi32>,
      %get3A_960 = vector.shape_cast %get3A_959 : vector<1x16xi32> to vector<16xi32>
      %add3A_961 = arith.constant 32768 : i32
      %add3A_962 = vector.broadcast %add3A_961 : i32 to vector<16xi32>
      %add3A_963 = arith.addi %get3A_960, %add3A_962 : vector<16xi32>
      %shift_right_logical3A_964 = arith.constant 16 : i32
      %shift_right_logical3A_965 = vector.broadcast %shift_right_logical3A_964 : i32 to vector<16xi32>
      %shift_right_logical3A_966 = arith.shrui %add3A_950, %shift_right_logical3A_965 : vector<16xi32>
      %and3A_967 = arith.constant -65536 : i32
      %and3A_968 = vector.broadcast %and3A_967 : i32 to vector<16xi32>
      %and3A_969 = arith.andi %add3A_963, %and3A_968 : vector<16xi32>
      %or3A_970 = arith.ori %shift_right_logical3A_966, %and3A_969 : vector<16xi32>
      %swap3A_971 = arith.constant 0 : i32
      %swap3A_972 = arith.constant 0 : i32
      %swap3A_973 = tpu.memref_slice %arg7[%scan3A_243, %swap3A_971, %swap3A_972] : memref<2x64x128xi32, #tpu.memory_space<vmem>> -> memref<1x64x128xi32, #tpu.memory_space<vmem>>
      %swap3A_974 = tpu.memref_squeeze %swap3A_973 : memref<1x64x128xi32, #tpu.memory_space<vmem>> -> memref<64x128xi32, #tpu.memory_space<vmem>>
      %swap3A_975 = arith.index_cast %scan3A_704 : i32 to index
      %swap3A_976 = arith.constant 96 : index
      %swap3A_977 = tpu.vector_load %swap3A_974[%swap3A_975, %swap3A_976] {strides = array<i32>} : memref<64x128xi32, #tpu.memory_space<vmem>>, vector<1x16xi32>,
      %swap3A_978 = vector.shape_cast %swap3A_977 : vector<1x16xi32> to vector<16xi32>
      %swap3A_979 = vector.shape_cast %or3A_970 : vector<16xi32> to vector<1x16xi32>
      tpu.vector_store %swap3A_974[%swap3A_975, %swap3A_976], %swap3A_979 {strides = array<i32>} : memref<64x128xi32, #tpu.memory_space<vmem>>, vector<1x16xi32>,
      %get3A_980 = arith.constant 0 : i32
      %get3A_981 = arith.constant 0 : i32
      %get3A_982 = tpu.memref_slice %arg6[%scan3A_242, %get3A_980, %get3A_981] : memref<2x128x128xi32, #tpu.memory_space<vmem>> -> memref<1x128x128xi32, #tpu.memory_space<vmem>>
      %get3A_983 = tpu.memref_squeeze %get3A_982 : memref<1x128x128xi32, #tpu.memory_space<vmem>> -> memref<128x128xi32, #tpu.memory_space<vmem>>
      %get3A_984 = arith.index_cast %scan3A_704 : i32 to index
      %get3A_985 = arith.constant 112 : index
      %get3A_986 = tpu.vector_load %get3A_983[%get3A_984, %get3A_985] {strides = array<i32>} : memref<128x128xi32, #tpu.memory_space<vmem>>, vector<1x16xi32>,
      %get3A_987 = vector.shape_cast %get3A_986 : vector<1x16xi32> to vector<16xi32>
      %add3A_988 = arith.constant 32768 : i32
      %add3A_989 = vector.broadcast %add3A_988 : i32 to vector<16xi32>
      %add3A_990 = arith.addi %get3A_987, %add3A_989 : vector<16xi32>
      %add3A_991 = arith.constant 64 : i32
      %add3A_992 = arith.addi %add3A_991, %scan3A_704 : i32
      %get3A_993 = arith.constant 0 : i32
      %get3A_994 = arith.constant 0 : i32
      %get3A_995 = tpu.memref_slice %arg6[%scan3A_242, %get3A_993, %get3A_994] : memref<2x128x128xi32, #tpu.memory_space<vmem>> -> memref<1x128x128xi32, #tpu.memory_space<vmem>>
      %get3A_996 = tpu.memref_squeeze %get3A_995 : memref<1x128x128xi32, #tpu.memory_space<vmem>> -> memref<128x128xi32, #tpu.memory_space<vmem>>
      %get3A_997 = arith.index_cast %add3A_992 : i32 to index
      %get3A_998 = arith.constant 112 : index
      %get3A_999 = tpu.vector_load %get3A_996[%get3A_997, %get3A_998] {strides = array<i32>} : memref<128x128xi32, #tpu.memory_space<vmem>>, vector<1x16xi32>,
      %get3A_1000 = vector.shape_cast %get3A_999 : vector<1x16xi32> to vector<16xi32>
      %add3A_1001 = arith.constant 32768 : i32
      %add3A_1002 = vector.broadcast %add3A_1001 : i32 to vector<16xi32>
      %add3A_1003 = arith.addi %get3A_1000, %add3A_1002 : vector<16xi32>
      %shift_right_logical3A_1004 = arith.constant 16 : i32
      %shift_right_logical3A_1005 = vector.broadcast %shift_right_logical3A_1004 : i32 to vector<16xi32>
      %shift_right_logical3A_1006 = arith.shrui %add3A_990, %shift_right_logical3A_1005 : vector<16xi32>
      %and3A_1007 = arith.constant -65536 : i32
      %and3A_1008 = vector.broadcast %and3A_1007 : i32 to vector<16xi32>
      %and3A_1009 = arith.andi %add3A_1003, %and3A_1008 : vector<16xi32>
      %or3A_1010 = arith.ori %shift_right_logical3A_1006, %and3A_1009 : vector<16xi32>
      %swap3A_1011 = arith.constant 0 : i32
      %swap3A_1012 = arith.constant 0 : i32
      %swap3A_1013 = tpu.memref_slice %arg7[%scan3A_243, %swap3A_1011, %swap3A_1012] : memref<2x64x128xi32, #tpu.memory_space<vmem>> -> memref<1x64x128xi32, #tpu.memory_space<vmem>>
      %swap3A_1014 = tpu.memref_squeeze %swap3A_1013 : memref<1x64x128xi32, #tpu.memory_space<vmem>> -> memref<64x128xi32, #tpu.memory_space<vmem>>
      %swap3A_1015 = arith.index_cast %scan3A_704 : i32 to index
      %swap3A_1016 = arith.constant 112 : index
      %swap3A_1017 = tpu.vector_load %swap3A_1014[%swap3A_1015, %swap3A_1016] {strides = array<i32>} : memref<64x128xi32, #tpu.memory_space<vmem>>, vector<1x16xi32>,
      %swap3A_1018 = vector.shape_cast %swap3A_1017 : vector<1x16xi32> to vector<16xi32>
      %swap3A_1019 = vector.shape_cast %or3A_1010 : vector<16xi32> to vector<1x16xi32>
      tpu.vector_store %swap3A_1014[%swap3A_1015, %swap3A_1016], %swap3A_1019 {strides = array<i32>} : memref<64x128xi32, #tpu.memory_space<vmem>>, vector<1x16xi32>,
    }
    %scan3A_248 = arith.constant 64 : i32
    %add3A_249 = arith.constant 128 : i32
    %add3A_250 = arith.addi %mul3A_2, %add3A_249 : i32
    %dma_start3A_251 = arith.constant 0 : i32
    %dma_start3A_252 = arith.constant 0 : i32
    %dma_start3A_253 = arith.constant 0 : i32
    %dma_start3A_254 = tpu.memref_slice %arg7[%dma_start3A_251, %dma_start3A_252, %dma_start3A_253] : memref<2x64x128xi32, #tpu.memory_space<vmem>> -> memref<1x64x128xi32, #tpu.memory_space<vmem>>
    %dma_start3A_255 = tpu.memref_squeeze %dma_start3A_254 : memref<1x64x128xi32, #tpu.memory_space<vmem>> -> memref<64x128xi32, #tpu.memory_space<vmem>>
    %dma_start3A_256 = arith.constant 0 : i32
    %dma_start3A_257 = tpu.memref_slice %arg4[%add3A_250, %dma_start3A_256] : memref<16384x128xi32, #tpu.memory_space<hbm>> -> memref<64x128xi32, #tpu.memory_space<hbm>>
    %dma_start3A_258 = arith.constant 0 : i32
    %dma_start3A_259 = tpu.memref_slice %arg4[%add3A_250, %dma_start3A_258] : memref<16384x128xi32, #tpu.memory_space<hbm>> -> memref<64x128xi32, #tpu.memory_space<hbm>>
    %dma_start3A_260 = arith.constant 0 : i32
    %dma_start3A_261 = arith.constant 0 : i32
    %dma_start3A_262 = tpu.memref_slice %arg7[%dma_start3A_251, %dma_start3A_260, %dma_start3A_261] : memref<2x64x128xi32, #tpu.memory_space<vmem>> -> memref<1x64x128xi32, #tpu.memory_space<vmem>>
    %dma_start3A_263 = tpu.memref_squeeze %dma_start3A_262 : memref<1x64x128xi32, #tpu.memory_space<vmem>> -> memref<64x128xi32, #tpu.memory_space<vmem>>
    tpu.enqueue_dma source(%dma_start3A_263 : memref<64x128xi32, #tpu.memory_space<vmem>>) target(%dma_start3A_259 : memref<64x128xi32, #tpu.memory_space<hbm>>) target_semaphore(%arg12 : memref<!tpu.dma_semaphore, #tpu.memory_space<semaphore_mem>>)
    %dma_start3A_264 = arith.constant 0 : i32
    %dma_start3A_265 = arith.constant 0 : i32
    %dma_start3A_266 = arith.constant 0 : i32
    %dma_start3A_267 = tpu.memref_slice %arg6[%dma_start3A_264, %dma_start3A_265, %dma_start3A_266] : memref<2x128x128xi32, #tpu.memory_space<vmem>> -> memref<1x128x128xi32, #tpu.memory_space<vmem>>
    %dma_start3A_268 = tpu.memref_squeeze %dma_start3A_267 : memref<1x128x128xi32, #tpu.memory_space<vmem>> -> memref<128x128xi32, #tpu.memory_space<vmem>>
    %dma_start3A_269 = arith.constant 0 : i32
    %dma_start3A_270 = arith.constant 0 : i32
    %dma_start3A_271 = tpu.memref_slice %dma_start3A_268[%dma_start3A_269, %dma_start3A_270] : memref<128x128xi32, #tpu.memory_space<vmem>> -> memref<64x128xi32, #tpu.memory_space<vmem>>
    %dma_start3A_272 = arith.constant 256 : i32
    %dma_start3A_273 = tpu.memref_slice %arg5[%dma_start3A_272] : memref<1024xi32, #tpu.memory_space<vmem>> -> memref<64xi32, #tpu.memory_space<vmem>>
    %dma_start3A_274 = arith.constant 0 : i32
    %dma_start3A_275 = arith.constant 0 : i32
    %dma_start3A_276 = tpu.memref_slice %arg3[%dma_start3A_274, %dma_start3A_275] : memref<100000x128xi32, #tpu.memory_space<hbm>> -> memref<100000x128xi32, #tpu.memory_space<hbm>>
    tpu.enqueue_indirect_dma source(%dma_start3A_276 : memref<100000x128xi32, #tpu.memory_space<hbm>>) target(%dma_start3A_271 : memref<64x128xi32, #tpu.memory_space<vmem>>) offsets(%dma_start3A_273 : memref<64xi32, #tpu.memory_space<vmem>>) semaphore(%arg8 : memref<!tpu.dma_semaphore, #tpu.memory_space<semaphore_mem>>)
    %dma_start3A_277 = arith.constant 0 : i32
    %dma_start3A_278 = arith.constant 0 : i32
    %dma_start3A_279 = arith.constant 0 : i32
    %dma_start3A_280 = tpu.memref_slice %arg6[%dma_start3A_277, %dma_start3A_278, %dma_start3A_279] : memref<2x128x128xi32, #tpu.memory_space<vmem>> -> memref<1x128x128xi32, #tpu.memory_space<vmem>>
    %dma_start3A_281 = tpu.memref_squeeze %dma_start3A_280 : memref<1x128x128xi32, #tpu.memory_space<vmem>> -> memref<128x128xi32, #tpu.memory_space<vmem>>
    %dma_start3A_282 = arith.constant 64 : i32
    %dma_start3A_283 = arith.constant 0 : i32
    %dma_start3A_284 = tpu.memref_slice %dma_start3A_281[%dma_start3A_282, %dma_start3A_283] : memref<128x128xi32, #tpu.memory_space<vmem>> -> memref<64x128xi32, #tpu.memory_space<vmem>>
    %dma_start3A_285 = arith.constant 768 : i32
    %dma_start3A_286 = tpu.memref_slice %arg5[%dma_start3A_285] : memref<1024xi32, #tpu.memory_space<vmem>> -> memref<64xi32, #tpu.memory_space<vmem>>
    %dma_start3A_287 = arith.constant 0 : i32
    %dma_start3A_288 = arith.constant 0 : i32
    %dma_start3A_289 = tpu.memref_slice %arg3[%dma_start3A_287, %dma_start3A_288] : memref<100000x128xi32, #tpu.memory_space<hbm>> -> memref<100000x128xi32, #tpu.memory_space<hbm>>
    tpu.enqueue_indirect_dma source(%dma_start3A_289 : memref<100000x128xi32, #tpu.memory_space<hbm>>) target(%dma_start3A_284 : memref<64x128xi32, #tpu.memory_space<vmem>>) offsets(%dma_start3A_286 : memref<64xi32, #tpu.memory_space<vmem>>) semaphore(%arg9 : memref<!tpu.dma_semaphore, #tpu.memory_space<semaphore_mem>>)
    %dma_wait3A_290 = arith.constant 1 : i32
    %dma_wait3A_291 = arith.constant 0 : i32
    %dma_wait3A_292 = arith.constant 0 : i32
    %dma_wait3A_293 = tpu.memref_slice %arg6[%dma_wait3A_290, %dma_wait3A_291, %dma_wait3A_292] : memref<2x128x128xi32, #tpu.memory_space<vmem>> -> memref<1x128x128xi32, #tpu.memory_space<vmem>>
    %dma_wait3A_294 = tpu.memref_squeeze %dma_wait3A_293 : memref<1x128x128xi32, #tpu.memory_space<vmem>> -> memref<128x128xi32, #tpu.memory_space<vmem>>
    %dma_wait3A_295 = arith.constant 0 : i32
    %dma_wait3A_296 = arith.constant 0 : i32
    %dma_wait3A_297 = tpu.memref_slice %dma_wait3A_294[%dma_wait3A_295, %dma_wait3A_296] : memref<128x128xi32, #tpu.memory_space<vmem>> -> memref<64x128xi32, #tpu.memory_space<vmem>>
    %dma_wait3A_298 = arith.constant 192 : i32
    %dma_wait3A_299 = tpu.memref_slice %arg5[%dma_wait3A_298] : memref<1024xi32, #tpu.memory_space<vmem>> -> memref<64xi32, #tpu.memory_space<vmem>>
    %dma_wait3A_300 = arith.constant 0 : i32
    %dma_wait3A_301 = arith.constant 0 : i32
    %dma_wait3A_302 = tpu.memref_slice %arg3[%dma_wait3A_300, %dma_wait3A_301] : memref<100000x128xi32, #tpu.memory_space<hbm>> -> memref<100000x128xi32, #tpu.memory_space<hbm>>
    tpu.wait_indirect_dma semaphore(%arg10 : memref<!tpu.dma_semaphore, #tpu.memory_space<semaphore_mem>>) src(%dma_wait3A_302 : memref<100000x128xi32, #tpu.memory_space<hbm>>) dst(%dma_wait3A_297 : memref<64x128xi32, #tpu.memory_space<vmem>>)
    %dma_wait3A_303 = arith.constant 1 : i32
    %dma_wait3A_304 = arith.constant 0 : i32
    %dma_wait3A_305 = arith.constant 0 : i32
    %dma_wait3A_306 = tpu.memref_slice %arg6[%dma_wait3A_303, %dma_wait3A_304, %dma_wait3A_305] : memref<2x128x128xi32, #tpu.memory_space<vmem>> -> memref<1x128x128xi32, #tpu.memory_space<vmem>>
    %dma_wait3A_307 = tpu.memref_squeeze %dma_wait3A_306 : memref<1x128x128xi32, #tpu.memory_space<vmem>> -> memref<128x128xi32, #tpu.memory_space<vmem>>
    %dma_wait3A_308 = arith.constant 64 : i32
    %dma_wait3A_309 = arith.constant 0 : i32
    %dma_wait3A_310 = tpu.memref_slice %dma_wait3A_307[%dma_wait3A_308, %dma_wait3A_309] : memref<128x128xi32, #tpu.memory_space<vmem>> -> memref<64x128xi32, #tpu.memory_space<vmem>>
    %dma_wait3A_311 = arith.constant 704 : i32
    %dma_wait3A_312 = tpu.memref_slice %arg5[%dma_wait3A_311] : memref<1024xi32, #tpu.memory_space<vmem>> -> memref<64xi32, #tpu.memory_space<vmem>>
    %dma_wait3A_313 = arith.constant 0 : i32
    %dma_wait3A_314 = arith.constant 0 : i32
    %dma_wait3A_315 = tpu.memref_slice %arg3[%dma_wait3A_313, %dma_wait3A_314] : memref<100000x128xi32, #tpu.memory_space<hbm>> -> memref<100000x128xi32, #tpu.memory_space<hbm>>
    tpu.wait_indirect_dma semaphore(%arg11 : memref<!tpu.dma_semaphore, #tpu.memory_space<semaphore_mem>>) src(%dma_wait3A_315 : memref<100000x128xi32, #tpu.memory_space<hbm>>) dst(%dma_wait3A_310 : memref<64x128xi32, #tpu.memory_space<vmem>>)
    %dma_wait3A_316 = arith.constant 1 : i32
    %dma_wait3A_317 = arith.constant 0 : i32
    %dma_wait3A_318 = arith.constant 0 : i32
    %dma_wait3A_319 = tpu.memref_slice %arg7[%dma_wait3A_316, %dma_wait3A_317, %dma_wait3A_318] : memref<2x64x128xi32, #tpu.memory_space<vmem>> -> memref<1x64x128xi32, #tpu.memory_space<vmem>>
    %dma_wait3A_320 = tpu.memref_squeeze %dma_wait3A_319 : memref<1x64x128xi32, #tpu.memory_space<vmem>> -> memref<64x128xi32, #tpu.memory_space<vmem>>
    %dma_wait3A_321 = arith.constant 0 : i32
    %dma_wait3A_322 = tpu.memref_slice %arg4[%add3A_162, %dma_wait3A_321] : memref<16384x128xi32, #tpu.memory_space<hbm>> -> memref<64x128xi32, #tpu.memory_space<hbm>>
    %dma_wait3A_323 = arith.constant 0 : i32
    %dma_wait3A_324 = tpu.memref_slice %arg4[%add3A_162, %dma_wait3A_323] : memref<16384x128xi32, #tpu.memory_space<hbm>> -> memref<64x128xi32, #tpu.memory_space<hbm>>
    %dma_wait3A_325 = arith.constant 0 : i32
    %dma_wait3A_326 = arith.constant 0 : i32
    %dma_wait3A_327 = tpu.memref_slice %arg7[%dma_wait3A_316, %dma_wait3A_325, %dma_wait3A_326] : memref<2x64x128xi32, #tpu.memory_space<vmem>> -> memref<1x64x128xi32, #tpu.memory_space<vmem>>
    %dma_wait3A_328 = tpu.memref_squeeze %dma_wait3A_327 : memref<1x64x128xi32, #tpu.memory_space<vmem>> -> memref<64x128xi32, #tpu.memory_space<vmem>>
    tpu.wait_dma2 semaphore(%arg13 : memref<!tpu.dma_semaphore, #tpu.memory_space<semaphore_mem>>) src(%dma_wait3A_328 : memref<64x128xi32, #tpu.memory_space<vmem>>) dst(%dma_wait3A_324 : memref<64x128xi32, #tpu.memory_space<hbm>>)
    %scan3A_329 = arith.constant 0 : i32
    %scan3A_330 = arith.constant 1 : i32
    %scan3A_331 = arith.constant 1 : i32
    %scan3A_332 = arith.constant 0 : i32
    %scan3A_333 = arith.constant 64 : i32
    %scan3A_334 = arith.addi %scan3A_332, %scan3A_333 : i32
    %scan3A_335 = arith.constant 1 : i32
    scf.for %scan3A_704 = %scan3A_332 to %scan3A_334 step %scan3A_335  : i32 {
      %get3A = arith.constant 0 : i32
      %get3A_705 = arith.constant 0 : i32
      %get3A_706 = tpu.memref_slice %arg6[%scan3A_330, %get3A, %get3A_705] : memref<2x128x128xi32, #tpu.memory_space<vmem>> -> memref<1x128x128xi32, #tpu.memory_space<vmem>>
      %get3A_707 = tpu.memref_squeeze %get3A_706 : memref<1x128x128xi32, #tpu.memory_space<vmem>> -> memref<128x128xi32, #tpu.memory_space<vmem>>
      %get3A_708 = arith.index_cast %scan3A_704 : i32 to index
      %get3A_709 = arith.constant 0 : index
      %get3A_710 = tpu.vector_load %get3A_707[%get3A_708, %get3A_709] {strides = array<i32>} : memref<128x128xi32, #tpu.memory_space<vmem>>, vector<1x16xi32>,
      %get3A_711 = vector.shape_cast %get3A_710 : vector<1x16xi32> to vector<16xi32>
      %add3A_712 = arith.constant 32768 : i32
      %add3A_713 = vector.broadcast %add3A_712 : i32 to vector<16xi32>
      %add3A_714 = arith.addi %get3A_711, %add3A_713 : vector<16xi32>
      %add3A_715 = arith.constant 64 : i32
      %add3A_716 = arith.addi %add3A_715, %scan3A_704 : i32
      %get3A_717 = arith.constant 0 : i32
      %get3A_718 = arith.constant 0 : i32
      %get3A_719 = tpu.memref_slice %arg6[%scan3A_330, %get3A_717, %get3A_718] : memref<2x128x128xi32, #tpu.memory_space<vmem>> -> memref<1x128x128xi32, #tpu.memory_space<vmem>>
      %get3A_720 = tpu.memref_squeeze %get3A_719 : memref<1x128x128xi32, #tpu.memory_space<vmem>> -> memref<128x128xi32, #tpu.memory_space<vmem>>
      %get3A_721 = arith.index_cast %add3A_716 : i32 to index
      %get3A_722 = arith.constant 0 : index
      %get3A_723 = tpu.vector_load %get3A_720[%get3A_721, %get3A_722] {strides = array<i32>} : memref<128x128xi32, #tpu.memory_space<vmem>>, vector<1x16xi32>,
      %get3A_724 = vector.shape_cast %get3A_723 : vector<1x16xi32> to vector<16xi32>
      %add3A_725 = arith.constant 32768 : i32
      %add3A_726 = vector.broadcast %add3A_725 : i32 to vector<16xi32>
      %add3A_727 = arith.addi %get3A_724, %add3A_726 : vector<16xi32>
      %shift_right_logical3A = arith.constant 16 : i32
      %shift_right_logical3A_728 = vector.broadcast %shift_right_logical3A : i32 to vector<16xi32>
      %shift_right_logical3A_729 = arith.shrui %add3A_714, %shift_right_logical3A_728 : vector<16xi32>
      %and3A = arith.constant -65536 : i32
      %and3A_730 = vector.broadcast %and3A : i32 to vector<16xi32>
      %and3A_731 = arith.andi %add3A_727, %and3A_730 : vector<16xi32>
      %or3A = arith.ori %shift_right_logical3A_729, %and3A_731 : vector<16xi32>
      %swap3A = arith.constant 0 : i32
      %swap3A_732 = arith.constant 0 : i32
      %swap3A_733 = tpu.memref_slice %arg7[%scan3A_331, %swap3A, %swap3A_732] : memref<2x64x128xi32, #tpu.memory_space<vmem>> -> memref<1x64x128xi32, #tpu.memory_space<vmem>>
      %swap3A_734 = tpu.memref_squeeze %swap3A_733 : memref<1x64x128xi32, #tpu.memory_space<vmem>> -> memref<64x128xi32, #tpu.memory_space<vmem>>
      %swap3A_735 = arith.index_cast %scan3A_704 : i32 to index
      %swap3A_736 = arith.constant 0 : index
      %swap3A_737 = tpu.vector_load %swap3A_734[%swap3A_735, %swap3A_736] {strides = array<i32>} : memref<64x128xi32, #tpu.memory_space<vmem>>, vector<1x16xi32>,
      %swap3A_738 = vector.shape_cast %swap3A_737 : vector<1x16xi32> to vector<16xi32>
      %swap3A_739 = vector.shape_cast %or3A : vector<16xi32> to vector<1x16xi32>
      tpu.vector_store %swap3A_734[%swap3A_735, %swap3A_736], %swap3A_739 {strides = array<i32>} : memref<64x128xi32, #tpu.memory_space<vmem>>, vector<1x16xi32>,
      %get3A_740 = arith.constant 0 : i32
      %get3A_741 = arith.constant 0 : i32
      %get3A_742 = tpu.memref_slice %arg6[%scan3A_330, %get3A_740, %get3A_741] : memref<2x128x128xi32, #tpu.memory_space<vmem>> -> memref<1x128x128xi32, #tpu.memory_space<vmem>>
      %get3A_743 = tpu.memref_squeeze %get3A_742 : memref<1x128x128xi32, #tpu.memory_space<vmem>> -> memref<128x128xi32, #tpu.memory_space<vmem>>
      %get3A_744 = arith.index_cast %scan3A_704 : i32 to index
      %get3A_745 = arith.constant 16 : index
      %get3A_746 = tpu.vector_load %get3A_743[%get3A_744, %get3A_745] {strides = array<i32>} : memref<128x128xi32, #tpu.memory_space<vmem>>, vector<1x16xi32>,
      %get3A_747 = vector.shape_cast %get3A_746 : vector<1x16xi32> to vector<16xi32>
      %add3A_748 = arith.constant 32768 : i32
      %add3A_749 = vector.broadcast %add3A_748 : i32 to vector<16xi32>
      %add3A_750 = arith.addi %get3A_747, %add3A_749 : vector<16xi32>
      %add3A_751 = arith.constant 64 : i32
      %add3A_752 = arith.addi %add3A_751, %scan3A_704 : i32
      %get3A_753 = arith.constant 0 : i32
      %get3A_754 = arith.constant 0 : i32
      %get3A_755 = tpu.memref_slice %arg6[%scan3A_330, %get3A_753, %get3A_754] : memref<2x128x128xi32, #tpu.memory_space<vmem>> -> memref<1x128x128xi32, #tpu.memory_space<vmem>>
      %get3A_756 = tpu.memref_squeeze %get3A_755 : memref<1x128x128xi32, #tpu.memory_space<vmem>> -> memref<128x128xi32, #tpu.memory_space<vmem>>
      %get3A_757 = arith.index_cast %add3A_752 : i32 to index
      %get3A_758 = arith.constant 16 : index
      %get3A_759 = tpu.vector_load %get3A_756[%get3A_757, %get3A_758] {strides = array<i32>} : memref<128x128xi32, #tpu.memory_space<vmem>>, vector<1x16xi32>,
      %get3A_760 = vector.shape_cast %get3A_759 : vector<1x16xi32> to vector<16xi32>
      %add3A_761 = arith.constant 32768 : i32
      %add3A_762 = vector.broadcast %add3A_761 : i32 to vector<16xi32>
      %add3A_763 = arith.addi %get3A_760, %add3A_762 : vector<16xi32>
      %shift_right_logical3A_764 = arith.constant 16 : i32
      %shift_right_logical3A_765 = vector.broadcast %shift_right_logical3A_764 : i32 to vector<16xi32>
      %shift_right_logical3A_766 = arith.shrui %add3A_750, %shift_right_logical3A_765 : vector<16xi32>
      %and3A_767 = arith.constant -65536 : i32
      %and3A_768 = vector.broadcast %and3A_767 : i32 to vector<16xi32>
      %and3A_769 = arith.andi %add3A_763, %and3A_768 : vector<16xi32>
      %or3A_770 = arith.ori %shift_right_logical3A_766, %and3A_769 : vector<16xi32>
      %swap3A_771 = arith.constant 0 : i32
      %swap3A_772 = arith.constant 0 : i32
      %swap3A_773 = tpu.memref_slice %arg7[%scan3A_331, %swap3A_771, %swap3A_772] : memref<2x64x128xi32, #tpu.memory_space<vmem>> -> memref<1x64x128xi32, #tpu.memory_space<vmem>>
      %swap3A_774 = tpu.memref_squeeze %swap3A_773 : memref<1x64x128xi32, #tpu.memory_space<vmem>> -> memref<64x128xi32, #tpu.memory_space<vmem>>
      %swap3A_775 = arith.index_cast %scan3A_704 : i32 to index
      %swap3A_776 = arith.constant 16 : index
      %swap3A_777 = tpu.vector_load %swap3A_774[%swap3A_775, %swap3A_776] {strides = array<i32>} : memref<64x128xi32, #tpu.memory_space<vmem>>, vector<1x16xi32>,
      %swap3A_778 = vector.shape_cast %swap3A_777 : vector<1x16xi32> to vector<16xi32>
      %swap3A_779 = vector.shape_cast %or3A_770 : vector<16xi32> to vector<1x16xi32>
      tpu.vector_store %swap3A_774[%swap3A_775, %swap3A_776], %swap3A_779 {strides = array<i32>} : memref<64x128xi32, #tpu.memory_space<vmem>>, vector<1x16xi32>,
      %get3A_780 = arith.constant 0 : i32
      %get3A_781 = arith.constant 0 : i32
      %get3A_782 = tpu.memref_slice %arg6[%scan3A_330, %get3A_780, %get3A_781] : memref<2x128x128xi32, #tpu.memory_space<vmem>> -> memref<1x128x128xi32, #tpu.memory_space<vmem>>
      %get3A_783 = tpu.memref_squeeze %get3A_782 : memref<1x128x128xi32, #tpu.memory_space<vmem>> -> memref<128x128xi32, #tpu.memory_space<vmem>>
      %get3A_784 = arith.index_cast %scan3A_704 : i32 to index
      %get3A_785 = arith.constant 32 : index
      %get3A_786 = tpu.vector_load %get3A_783[%get3A_784, %get3A_785] {strides = array<i32>} : memref<128x128xi32, #tpu.memory_space<vmem>>, vector<1x16xi32>,
      %get3A_787 = vector.shape_cast %get3A_786 : vector<1x16xi32> to vector<16xi32>
      %add3A_788 = arith.constant 32768 : i32
      %add3A_789 = vector.broadcast %add3A_788 : i32 to vector<16xi32>
      %add3A_790 = arith.addi %get3A_787, %add3A_789 : vector<16xi32>
      %add3A_791 = arith.constant 64 : i32
      %add3A_792 = arith.addi %add3A_791, %scan3A_704 : i32
      %get3A_793 = arith.constant 0 : i32
      %get3A_794 = arith.constant 0 : i32
      %get3A_795 = tpu.memref_slice %arg6[%scan3A_330, %get3A_793, %get3A_794] : memref<2x128x128xi32, #tpu.memory_space<vmem>> -> memref<1x128x128xi32, #tpu.memory_space<vmem>>
      %get3A_796 = tpu.memref_squeeze %get3A_795 : memref<1x128x128xi32, #tpu.memory_space<vmem>> -> memref<128x128xi32, #tpu.memory_space<vmem>>
      %get3A_797 = arith.index_cast %add3A_792 : i32 to index
      %get3A_798 = arith.constant 32 : index
      %get3A_799 = tpu.vector_load %get3A_796[%get3A_797, %get3A_798] {strides = array<i32>} : memref<128x128xi32, #tpu.memory_space<vmem>>, vector<1x16xi32>,
      %get3A_800 = vector.shape_cast %get3A_799 : vector<1x16xi32> to vector<16xi32>
      %add3A_801 = arith.constant 32768 : i32
      %add3A_802 = vector.broadcast %add3A_801 : i32 to vector<16xi32>
      %add3A_803 = arith.addi %get3A_800, %add3A_802 : vector<16xi32>
      %shift_right_logical3A_804 = arith.constant 16 : i32
      %shift_right_logical3A_805 = vector.broadcast %shift_right_logical3A_804 : i32 to vector<16xi32>
      %shift_right_logical3A_806 = arith.shrui %add3A_790, %shift_right_logical3A_805 : vector<16xi32>
      %and3A_807 = arith.constant -65536 : i32
      %and3A_808 = vector.broadcast %and3A_807 : i32 to vector<16xi32>
      %and3A_809 = arith.andi %add3A_803, %and3A_808 : vector<16xi32>
      %or3A_810 = arith.ori %shift_right_logical3A_806, %and3A_809 : vector<16xi32>
      %swap3A_811 = arith.constant 0 : i32
      %swap3A_812 = arith.constant 0 : i32
      %swap3A_813 = tpu.memref_slice %arg7[%scan3A_331, %swap3A_811, %swap3A_812] : memref<2x64x128xi32, #tpu.memory_space<vmem>> -> memref<1x64x128xi32, #tpu.memory_space<vmem>>
      %swap3A_814 = tpu.memref_squeeze %swap3A_813 : memref<1x64x128xi32, #tpu.memory_space<vmem>> -> memref<64x128xi32, #tpu.memory_space<vmem>>
      %swap3A_815 = arith.index_cast %scan3A_704 : i32 to index
      %swap3A_816 = arith.constant 32 : index
      %swap3A_817 = tpu.vector_load %swap3A_814[%swap3A_815, %swap3A_816] {strides = array<i32>} : memref<64x128xi32, #tpu.memory_space<vmem>>, vector<1x16xi32>,
      %swap3A_818 = vector.shape_cast %swap3A_817 : vector<1x16xi32> to vector<16xi32>
      %swap3A_819 = vector.shape_cast %or3A_810 : vector<16xi32> to vector<1x16xi32>
      tpu.vector_store %swap3A_814[%swap3A_815, %swap3A_816], %swap3A_819 {strides = array<i32>} : memref<64x128xi32, #tpu.memory_space<vmem>>, vector<1x16xi32>,
      %get3A_820 = arith.constant 0 : i32
      %get3A_821 = arith.constant 0 : i32
      %get3A_822 = tpu.memref_slice %arg6[%scan3A_330, %get3A_820, %get3A_821] : memref<2x128x128xi32, #tpu.memory_space<vmem>> -> memref<1x128x128xi32, #tpu.memory_space<vmem>>
      %get3A_823 = tpu.memref_squeeze %get3A_822 : memref<1x128x128xi32, #tpu.memory_space<vmem>> -> memref<128x128xi32, #tpu.memory_space<vmem>>
      %get3A_824 = arith.index_cast %scan3A_704 : i32 to index
      %get3A_825 = arith.constant 48 : index
      %get3A_826 = tpu.vector_load %get3A_823[%get3A_824, %get3A_825] {strides = array<i32>} : memref<128x128xi32, #tpu.memory_space<vmem>>, vector<1x16xi32>,
      %get3A_827 = vector.shape_cast %get3A_826 : vector<1x16xi32> to vector<16xi32>
      %add3A_828 = arith.constant 32768 : i32
      %add3A_829 = vector.broadcast %add3A_828 : i32 to vector<16xi32>
      %add3A_830 = arith.addi %get3A_827, %add3A_829 : vector<16xi32>
      %add3A_831 = arith.constant 64 : i32
      %add3A_832 = arith.addi %add3A_831, %scan3A_704 : i32
      %get3A_833 = arith.constant 0 : i32
      %get3A_834 = arith.constant 0 : i32
      %get3A_835 = tpu.memref_slice %arg6[%scan3A_330, %get3A_833, %get3A_834] : memref<2x128x128xi32, #tpu.memory_space<vmem>> -> memref<1x128x128xi32, #tpu.memory_space<vmem>>
      %get3A_836 = tpu.memref_squeeze %get3A_835 : memref<1x128x128xi32, #tpu.memory_space<vmem>> -> memref<128x128xi32, #tpu.memory_space<vmem>>
      %get3A_837 = arith.index_cast %add3A_832 : i32 to index
      %get3A_838 = arith.constant 48 : index
      %get3A_839 = tpu.vector_load %get3A_836[%get3A_837, %get3A_838] {strides = array<i32>} : memref<128x128xi32, #tpu.memory_space<vmem>>, vector<1x16xi32>,
      %get3A_840 = vector.shape_cast %get3A_839 : vector<1x16xi32> to vector<16xi32>
      %add3A_841 = arith.constant 32768 : i32
      %add3A_842 = vector.broadcast %add3A_841 : i32 to vector<16xi32>
      %add3A_843 = arith.addi %get3A_840, %add3A_842 : vector<16xi32>
      %shift_right_logical3A_844 = arith.constant 16 : i32
      %shift_right_logical3A_845 = vector.broadcast %shift_right_logical3A_844 : i32 to vector<16xi32>
      %shift_right_logical3A_846 = arith.shrui %add3A_830, %shift_right_logical3A_845 : vector<16xi32>
      %and3A_847 = arith.constant -65536 : i32
      %and3A_848 = vector.broadcast %and3A_847 : i32 to vector<16xi32>
      %and3A_849 = arith.andi %add3A_843, %and3A_848 : vector<16xi32>
      %or3A_850 = arith.ori %shift_right_logical3A_846, %and3A_849 : vector<16xi32>
      %swap3A_851 = arith.constant 0 : i32
      %swap3A_852 = arith.constant 0 : i32
      %swap3A_853 = tpu.memref_slice %arg7[%scan3A_331, %swap3A_851, %swap3A_852] : memref<2x64x128xi32, #tpu.memory_space<vmem>> -> memref<1x64x128xi32, #tpu.memory_space<vmem>>
      %swap3A_854 = tpu.memref_squeeze %swap3A_853 : memref<1x64x128xi32, #tpu.memory_space<vmem>> -> memref<64x128xi32, #tpu.memory_space<vmem>>
      %swap3A_855 = arith.index_cast %scan3A_704 : i32 to index
      %swap3A_856 = arith.constant 48 : index
      %swap3A_857 = tpu.vector_load %swap3A_854[%swap3A_855, %swap3A_856] {strides = array<i32>} : memref<64x128xi32, #tpu.memory_space<vmem>>, vector<1x16xi32>,
      %swap3A_858 = vector.shape_cast %swap3A_857 : vector<1x16xi32> to vector<16xi32>
      %swap3A_859 = vector.shape_cast %or3A_850 : vector<16xi32> to vector<1x16xi32>
      tpu.vector_store %swap3A_854[%swap3A_855, %swap3A_856], %swap3A_859 {strides = array<i32>} : memref<64x128xi32, #tpu.memory_space<vmem>>, vector<1x16xi32>,
      %get3A_860 = arith.constant 0 : i32
      %get3A_861 = arith.constant 0 : i32
      %get3A_862 = tpu.memref_slice %arg6[%scan3A_330, %get3A_860, %get3A_861] : memref<2x128x128xi32, #tpu.memory_space<vmem>> -> memref<1x128x128xi32, #tpu.memory_space<vmem>>
      %get3A_863 = tpu.memref_squeeze %get3A_862 : memref<1x128x128xi32, #tpu.memory_space<vmem>> -> memref<128x128xi32, #tpu.memory_space<vmem>>
      %get3A_864 = arith.index_cast %scan3A_704 : i32 to index
      %get3A_865 = arith.constant 64 : index
      %get3A_866 = tpu.vector_load %get3A_863[%get3A_864, %get3A_865] {strides = array<i32>} : memref<128x128xi32, #tpu.memory_space<vmem>>, vector<1x16xi32>,
      %get3A_867 = vector.shape_cast %get3A_866 : vector<1x16xi32> to vector<16xi32>
      %add3A_868 = arith.constant 32768 : i32
      %add3A_869 = vector.broadcast %add3A_868 : i32 to vector<16xi32>
      %add3A_870 = arith.addi %get3A_867, %add3A_869 : vector<16xi32>
      %add3A_871 = arith.constant 64 : i32
      %add3A_872 = arith.addi %add3A_871, %scan3A_704 : i32
      %get3A_873 = arith.constant 0 : i32
      %get3A_874 = arith.constant 0 : i32
      %get3A_875 = tpu.memref_slice %arg6[%scan3A_330, %get3A_873, %get3A_874] : memref<2x128x128xi32, #tpu.memory_space<vmem>> -> memref<1x128x128xi32, #tpu.memory_space<vmem>>
      %get3A_876 = tpu.memref_squeeze %get3A_875 : memref<1x128x128xi32, #tpu.memory_space<vmem>> -> memref<128x128xi32, #tpu.memory_space<vmem>>
      %get3A_877 = arith.index_cast %add3A_872 : i32 to index
      %get3A_878 = arith.constant 64 : index
      %get3A_879 = tpu.vector_load %get3A_876[%get3A_877, %get3A_878] {strides = array<i32>} : memref<128x128xi32, #tpu.memory_space<vmem>>, vector<1x16xi32>,
      %get3A_880 = vector.shape_cast %get3A_879 : vector<1x16xi32> to vector<16xi32>
      %add3A_881 = arith.constant 32768 : i32
      %add3A_882 = vector.broadcast %add3A_881 : i32 to vector<16xi32>
      %add3A_883 = arith.addi %get3A_880, %add3A_882 : vector<16xi32>
      %shift_right_logical3A_884 = arith.constant 16 : i32
      %shift_right_logical3A_885 = vector.broadcast %shift_right_logical3A_884 : i32 to vector<16xi32>
      %shift_right_logical3A_886 = arith.shrui %add3A_870, %shift_right_logical3A_885 : vector<16xi32>
      %and3A_887 = arith.constant -65536 : i32
      %and3A_888 = vector.broadcast %and3A_887 : i32 to vector<16xi32>
      %and3A_889 = arith.andi %add3A_883, %and3A_888 : vector<16xi32>
      %or3A_890 = arith.ori %shift_right_logical3A_886, %and3A_889 : vector<16xi32>
      %swap3A_891 = arith.constant 0 : i32
      %swap3A_892 = arith.constant 0 : i32
      %swap3A_893 = tpu.memref_slice %arg7[%scan3A_331, %swap3A_891, %swap3A_892] : memref<2x64x128xi32, #tpu.memory_space<vmem>> -> memref<1x64x128xi32, #tpu.memory_space<vmem>>
      %swap3A_894 = tpu.memref_squeeze %swap3A_893 : memref<1x64x128xi32, #tpu.memory_space<vmem>> -> memref<64x128xi32, #tpu.memory_space<vmem>>
      %swap3A_895 = arith.index_cast %scan3A_704 : i32 to index
      %swap3A_896 = arith.constant 64 : index
      %swap3A_897 = tpu.vector_load %swap3A_894[%swap3A_895, %swap3A_896] {strides = array<i32>} : memref<64x128xi32, #tpu.memory_space<vmem>>, vector<1x16xi32>,
      %swap3A_898 = vector.shape_cast %swap3A_897 : vector<1x16xi32> to vector<16xi32>
      %swap3A_899 = vector.shape_cast %or3A_890 : vector<16xi32> to vector<1x16xi32>
      tpu.vector_store %swap3A_894[%swap3A_895, %swap3A_896], %swap3A_899 {strides = array<i32>} : memref<64x128xi32, #tpu.memory_space<vmem>>, vector<1x16xi32>,
      %get3A_900 = arith.constant 0 : i32
      %get3A_901 = arith.constant 0 : i32
      %get3A_902 = tpu.memref_slice %arg6[%scan3A_330, %get3A_900, %get3A_901] : memref<2x128x128xi32, #tpu.memory_space<vmem>> -> memref<1x128x128xi32, #tpu.memory_space<vmem>>
      %get3A_903 = tpu.memref_squeeze %get3A_902 : memref<1x128x128xi32, #tpu.memory_space<vmem>> -> memref<128x128xi32, #tpu.memory_space<vmem>>
      %get3A_904 = arith.index_cast %scan3A_704 : i32 to index
      %get3A_905 = arith.constant 80 : index
      %get3A_906 = tpu.vector_load %get3A_903[%get3A_904, %get3A_905] {strides = array<i32>} : memref<128x128xi32, #tpu.memory_space<vmem>>, vector<1x16xi32>,
      %get3A_907 = vector.shape_cast %get3A_906 : vector<1x16xi32> to vector<16xi32>
      %add3A_908 = arith.constant 32768 : i32
      %add3A_909 = vector.broadcast %add3A_908 : i32 to vector<16xi32>
      %add3A_910 = arith.addi %get3A_907, %add3A_909 : vector<16xi32>
      %add3A_911 = arith.constant 64 : i32
      %add3A_912 = arith.addi %add3A_911, %scan3A_704 : i32
      %get3A_913 = arith.constant 0 : i32
      %get3A_914 = arith.constant 0 : i32
      %get3A_915 = tpu.memref_slice %arg6[%scan3A_330, %get3A_913, %get3A_914] : memref<2x128x128xi32, #tpu.memory_space<vmem>> -> memref<1x128x128xi32, #tpu.memory_space<vmem>>
      %get3A_916 = tpu.memref_squeeze %get3A_915 : memref<1x128x128xi32, #tpu.memory_space<vmem>> -> memref<128x128xi32, #tpu.memory_space<vmem>>
      %get3A_917 = arith.index_cast %add3A_912 : i32 to index
      %get3A_918 = arith.constant 80 : index
      %get3A_919 = tpu.vector_load %get3A_916[%get3A_917, %get3A_918] {strides = array<i32>} : memref<128x128xi32, #tpu.memory_space<vmem>>, vector<1x16xi32>,
      %get3A_920 = vector.shape_cast %get3A_919 : vector<1x16xi32> to vector<16xi32>
      %add3A_921 = arith.constant 32768 : i32
      %add3A_922 = vector.broadcast %add3A_921 : i32 to vector<16xi32>
      %add3A_923 = arith.addi %get3A_920, %add3A_922 : vector<16xi32>
      %shift_right_logical3A_924 = arith.constant 16 : i32
      %shift_right_logical3A_925 = vector.broadcast %shift_right_logical3A_924 : i32 to vector<16xi32>
      %shift_right_logical3A_926 = arith.shrui %add3A_910, %shift_right_logical3A_925 : vector<16xi32>
      %and3A_927 = arith.constant -65536 : i32
      %and3A_928 = vector.broadcast %and3A_927 : i32 to vector<16xi32>
      %and3A_929 = arith.andi %add3A_923, %and3A_928 : vector<16xi32>
      %or3A_930 = arith.ori %shift_right_logical3A_926, %and3A_929 : vector<16xi32>
      %swap3A_931 = arith.constant 0 : i32
      %swap3A_932 = arith.constant 0 : i32
      %swap3A_933 = tpu.memref_slice %arg7[%scan3A_331, %swap3A_931, %swap3A_932] : memref<2x64x128xi32, #tpu.memory_space<vmem>> -> memref<1x64x128xi32, #tpu.memory_space<vmem>>
      %swap3A_934 = tpu.memref_squeeze %swap3A_933 : memref<1x64x128xi32, #tpu.memory_space<vmem>> -> memref<64x128xi32, #tpu.memory_space<vmem>>
      %swap3A_935 = arith.index_cast %scan3A_704 : i32 to index
      %swap3A_936 = arith.constant 80 : index
      %swap3A_937 = tpu.vector_load %swap3A_934[%swap3A_935, %swap3A_936] {strides = array<i32>} : memref<64x128xi32, #tpu.memory_space<vmem>>, vector<1x16xi32>,
      %swap3A_938 = vector.shape_cast %swap3A_937 : vector<1x16xi32> to vector<16xi32>
      %swap3A_939 = vector.shape_cast %or3A_930 : vector<16xi32> to vector<1x16xi32>
      tpu.vector_store %swap3A_934[%swap3A_935, %swap3A_936], %swap3A_939 {strides = array<i32>} : memref<64x128xi32, #tpu.memory_space<vmem>>, vector<1x16xi32>,
      %get3A_940 = arith.constant 0 : i32
      %get3A_941 = arith.constant 0 : i32
      %get3A_942 = tpu.memref_slice %arg6[%scan3A_330, %get3A_940, %get3A_941] : memref<2x128x128xi32, #tpu.memory_space<vmem>> -> memref<1x128x128xi32, #tpu.memory_space<vmem>>
      %get3A_943 = tpu.memref_squeeze %get3A_942 : memref<1x128x128xi32, #tpu.memory_space<vmem>> -> memref<128x128xi32, #tpu.memory_space<vmem>>
      %get3A_944 = arith.index_cast %scan3A_704 : i32 to index
      %get3A_945 = arith.constant 96 : index
      %get3A_946 = tpu.vector_load %get3A_943[%get3A_944, %get3A_945] {strides = array<i32>} : memref<128x128xi32, #tpu.memory_space<vmem>>, vector<1x16xi32>,
      %get3A_947 = vector.shape_cast %get3A_946 : vector<1x16xi32> to vector<16xi32>
      %add3A_948 = arith.constant 32768 : i32
      %add3A_949 = vector.broadcast %add3A_948 : i32 to vector<16xi32>
      %add3A_950 = arith.addi %get3A_947, %add3A_949 : vector<16xi32>
      %add3A_951 = arith.constant 64 : i32
      %add3A_952 = arith.addi %add3A_951, %scan3A_704 : i32
      %get3A_953 = arith.constant 0 : i32
      %get3A_954 = arith.constant 0 : i32
      %get3A_955 = tpu.memref_slice %arg6[%scan3A_330, %get3A_953, %get3A_954] : memref<2x128x128xi32, #tpu.memory_space<vmem>> -> memref<1x128x128xi32, #tpu.memory_space<vmem>>
      %get3A_956 = tpu.memref_squeeze %get3A_955 : memref<1x128x128xi32, #tpu.memory_space<vmem>> -> memref<128x128xi32, #tpu.memory_space<vmem>>
      %get3A_957 = arith.index_cast %add3A_952 : i32 to index
      %get3A_958 = arith.constant 96 : index
      %get3A_959 = tpu.vector_load %get3A_956[%get3A_957, %get3A_958] {strides = array<i32>} : memref<128x128xi32, #tpu.memory_space<vmem>>, vector<1x16xi32>,
      %get3A_960 = vector.shape_cast %get3A_959 : vector<1x16xi32> to vector<16xi32>
      %add3A_961 = arith.constant 32768 : i32
      %add3A_962 = vector.broadcast %add3A_961 : i32 to vector<16xi32>
      %add3A_963 = arith.addi %get3A_960, %add3A_962 : vector<16xi32>
      %shift_right_logical3A_964 = arith.constant 16 : i32
      %shift_right_logical3A_965 = vector.broadcast %shift_right_logical3A_964 : i32 to vector<16xi32>
      %shift_right_logical3A_966 = arith.shrui %add3A_950, %shift_right_logical3A_965 : vector<16xi32>
      %and3A_967 = arith.constant -65536 : i32
      %and3A_968 = vector.broadcast %and3A_967 : i32 to vector<16xi32>
      %and3A_969 = arith.andi %add3A_963, %and3A_968 : vector<16xi32>
      %or3A_970 = arith.ori %shift_right_logical3A_966, %and3A_969 : vector<16xi32>
      %swap3A_971 = arith.constant 0 : i32
      %swap3A_972 = arith.constant 0 : i32
      %swap3A_973 = tpu.memref_slice %arg7[%scan3A_331, %swap3A_971, %swap3A_972] : memref<2x64x128xi32, #tpu.memory_space<vmem>> -> memref<1x64x128xi32, #tpu.memory_space<vmem>>
      %swap3A_974 = tpu.memref_squeeze %swap3A_973 : memref<1x64x128xi32, #tpu.memory_space<vmem>> -> memref<64x128xi32, #tpu.memory_space<vmem>>
      %swap3A_975 = arith.index_cast %scan3A_704 : i32 to index
      %swap3A_976 = arith.constant 96 : index
      %swap3A_977 = tpu.vector_load %swap3A_974[%swap3A_975, %swap3A_976] {strides = array<i32>} : memref<64x128xi32, #tpu.memory_space<vmem>>, vector<1x16xi32>,
      %swap3A_978 = vector.shape_cast %swap3A_977 : vector<1x16xi32> to vector<16xi32>
      %swap3A_979 = vector.shape_cast %or3A_970 : vector<16xi32> to vector<1x16xi32>
      tpu.vector_store %swap3A_974[%swap3A_975, %swap3A_976], %swap3A_979 {strides = array<i32>} : memref<64x128xi32, #tpu.memory_space<vmem>>, vector<1x16xi32>,
      %get3A_980 = arith.constant 0 : i32
      %get3A_981 = arith.constant 0 : i32
      %get3A_982 = tpu.memref_slice %arg6[%scan3A_330, %get3A_980, %get3A_981] : memref<2x128x128xi32, #tpu.memory_space<vmem>> -> memref<1x128x128xi32, #tpu.memory_space<vmem>>
      %get3A_983 = tpu.memref_squeeze %get3A_982 : memref<1x128x128xi32, #tpu.memory_space<vmem>> -> memref<128x128xi32, #tpu.memory_space<vmem>>
      %get3A_984 = arith.index_cast %scan3A_704 : i32 to index
      %get3A_985 = arith.constant 112 : index
      %get3A_986 = tpu.vector_load %get3A_983[%get3A_984, %get3A_985] {strides = array<i32>} : memref<128x128xi32, #tpu.memory_space<vmem>>, vector<1x16xi32>,
      %get3A_987 = vector.shape_cast %get3A_986 : vector<1x16xi32> to vector<16xi32>
      %add3A_988 = arith.constant 32768 : i32
      %add3A_989 = vector.broadcast %add3A_988 : i32 to vector<16xi32>
      %add3A_990 = arith.addi %get3A_987, %add3A_989 : vector<16xi32>
      %add3A_991 = arith.constant 64 : i32
      %add3A_992 = arith.addi %add3A_991, %scan3A_704 : i32
      %get3A_993 = arith.constant 0 : i32
      %get3A_994 = arith.constant 0 : i32
      %get3A_995 = tpu.memref_slice %arg6[%scan3A_330, %get3A_993, %get3A_994] : memref<2x128x128xi32, #tpu.memory_space<vmem>> -> memref<1x128x128xi32, #tpu.memory_space<vmem>>
      %get3A_996 = tpu.memref_squeeze %get3A_995 : memref<1x128x128xi32, #tpu.memory_space<vmem>> -> memref<128x128xi32, #tpu.memory_space<vmem>>
      %get3A_997 = arith.index_cast %add3A_992 : i32 to index
      %get3A_998 = arith.constant 112 : index
      %get3A_999 = tpu.vector_load %get3A_996[%get3A_997, %get3A_998] {strides = array<i32>} : memref<128x128xi32, #tpu.memory_space<vmem>>, vector<1x16xi32>,
      %get3A_1000 = vector.shape_cast %get3A_999 : vector<1x16xi32> to vector<16xi32>
      %add3A_1001 = arith.constant 32768 : i32
      %add3A_1002 = vector.broadcast %add3A_1001 : i32 to vector<16xi32>
      %add3A_1003 = arith.addi %get3A_1000, %add3A_1002 : vector<16xi32>
      %shift_right_logical3A_1004 = arith.constant 16 : i32
      %shift_right_logical3A_1005 = vector.broadcast %shift_right_logical3A_1004 : i32 to vector<16xi32>
      %shift_right_logical3A_1006 = arith.shrui %add3A_990, %shift_right_logical3A_1005 : vector<16xi32>
      %and3A_1007 = arith.constant -65536 : i32
      %and3A_1008 = vector.broadcast %and3A_1007 : i32 to vector<16xi32>
      %and3A_1009 = arith.andi %add3A_1003, %and3A_1008 : vector<16xi32>
      %or3A_1010 = arith.ori %shift_right_logical3A_1006, %and3A_1009 : vector<16xi32>
      %swap3A_1011 = arith.constant 0 : i32
      %swap3A_1012 = arith.constant 0 : i32
      %swap3A_1013 = tpu.memref_slice %arg7[%scan3A_331, %swap3A_1011, %swap3A_1012] : memref<2x64x128xi32, #tpu.memory_space<vmem>> -> memref<1x64x128xi32, #tpu.memory_space<vmem>>
      %swap3A_1014 = tpu.memref_squeeze %swap3A_1013 : memref<1x64x128xi32, #tpu.memory_space<vmem>> -> memref<64x128xi32, #tpu.memory_space<vmem>>
      %swap3A_1015 = arith.index_cast %scan3A_704 : i32 to index
      %swap3A_1016 = arith.constant 112 : index
      %swap3A_1017 = tpu.vector_load %swap3A_1014[%swap3A_1015, %swap3A_1016] {strides = array<i32>} : memref<64x128xi32, #tpu.memory_space<vmem>>, vector<1x16xi32>,
      %swap3A_1018 = vector.shape_cast %swap3A_1017 : vector<1x16xi32> to vector<16xi32>
      %swap3A_1019 = vector.shape_cast %or3A_1010 : vector<16xi32> to vector<1x16xi32>
      tpu.vector_store %swap3A_1014[%swap3A_1015, %swap3A_1016], %swap3A_1019 {strides = array<i32>} : memref<64x128xi32, #tpu.memory_space<vmem>>, vector<1x16xi32>,
    }
    %scan3A_336 = arith.constant 64 : i32
    %add3A_337 = arith.constant 192 : i32
    %add3A_338 = arith.addi %mul3A_2, %add3A_337 : i32
    %dma_start3A_339 = arith.constant 1 : i32
    %dma_start3A_340 = arith.constant 0 : i32
    %dma_start3A_341 = arith.constant 0 : i32
    %dma_start3A_342 = tpu.memref_slice %arg7[%dma_start3A_339, %dma_start3A_340, %dma_start3A_341] : memref<2x64x128xi32, #tpu.memory_space<vmem>> -> memref<1x64x128xi32, #tpu.memory_space<vmem>>
    %dma_start3A_343 = tpu.memref_squeeze %dma_start3A_342 : memref<1x64x128xi32, #tpu.memory_space<vmem>> -> memref<64x128xi32, #tpu.memory_space<vmem>>
    %dma_start3A_344 = arith.constant 0 : i32
    %dma_start3A_345 = tpu.memref_slice %arg4[%add3A_338, %dma_start3A_344] : memref<16384x128xi32, #tpu.memory_space<hbm>> -> memref<64x128xi32, #tpu.memory_space<hbm>>
    %dma_start3A_346 = arith.constant 0 : i32
    %dma_start3A_347 = tpu.memref_slice %arg4[%add3A_338, %dma_start3A_346] : memref<16384x128xi32, #tpu.memory_space<hbm>> -> memref<64x128xi32, #tpu.memory_space<hbm>>
    %dma_start3A_348 = arith.constant 0 : i32
    %dma_start3A_349 = arith.constant 0 : i32
    %dma_start3A_350 = tpu.memref_slice %arg7[%dma_start3A_339, %dma_start3A_348, %dma_start3A_349] : memref<2x64x128xi32, #tpu.memory_space<vmem>> -> memref<1x64x128xi32, #tpu.memory_space<vmem>>
    %dma_start3A_351 = tpu.memref_squeeze %dma_start3A_350 : memref<1x64x128xi32, #tpu.memory_space<vmem>> -> memref<64x128xi32, #tpu.memory_space<vmem>>
    tpu.enqueue_dma source(%dma_start3A_351 : memref<64x128xi32, #tpu.memory_space<vmem>>) target(%dma_start3A_347 : memref<64x128xi32, #tpu.memory_space<hbm>>) target_semaphore(%arg13 : memref<!tpu.dma_semaphore, #tpu.memory_space<semaphore_mem>>)
    %dma_start3A_352 = arith.constant 1 : i32
    %dma_start3A_353 = arith.constant 0 : i32
    %dma_start3A_354 = arith.constant 0 : i32
    %dma_start3A_355 = tpu.memref_slice %arg6[%dma_start3A_352, %dma_start3A_353, %dma_start3A_354] : memref<2x128x128xi32, #tpu.memory_space<vmem>> -> memref<1x128x128xi32, #tpu.memory_space<vmem>>
    %dma_start3A_356 = tpu.memref_squeeze %dma_start3A_355 : memref<1x128x128xi32, #tpu.memory_space<vmem>> -> memref<128x128xi32, #tpu.memory_space<vmem>>
    %dma_start3A_357 = arith.constant 0 : i32
    %dma_start3A_358 = arith.constant 0 : i32
    %dma_start3A_359 = tpu.memref_slice %dma_start3A_356[%dma_start3A_357, %dma_start3A_358] : memref<128x128xi32, #tpu.memory_space<vmem>> -> memref<64x128xi32, #tpu.memory_space<vmem>>
    %dma_start3A_360 = arith.constant 320 : i32
    %dma_start3A_361 = tpu.memref_slice %arg5[%dma_start3A_360] : memref<1024xi32, #tpu.memory_space<vmem>> -> memref<64xi32, #tpu.memory_space<vmem>>
    %dma_start3A_362 = arith.constant 0 : i32
    %dma_start3A_363 = arith.constant 0 : i32
    %dma_start3A_364 = tpu.memref_slice %arg3[%dma_start3A_362, %dma_start3A_363] : memref<100000x128xi32, #tpu.memory_space<hbm>> -> memref<100000x128xi32, #tpu.memory_space<hbm>>
    tpu.enqueue_indirect_dma source(%dma_start3A_364 : memref<100000x128xi32, #tpu.memory_space<hbm>>) target(%dma_start3A_359 : memref<64x128xi32, #tpu.memory_space<vmem>>) offsets(%dma_start3A_361 : memref<64xi32, #tpu.memory_space<vmem>>) semaphore(%arg10 : memref<!tpu.dma_semaphore, #tpu.memory_space<semaphore_mem>>)
    %dma_start3A_365 = arith.constant 1 : i32
    %dma_start3A_366 = arith.constant 0 : i32
    %dma_start3A_367 = arith.constant 0 : i32
    %dma_start3A_368 = tpu.memref_slice %arg6[%dma_start3A_365, %dma_start3A_366, %dma_start3A_367] : memref<2x128x128xi32, #tpu.memory_space<vmem>> -> memref<1x128x128xi32, #tpu.memory_space<vmem>>
    %dma_start3A_369 = tpu.memref_squeeze %dma_start3A_368 : memref<1x128x128xi32, #tpu.memory_space<vmem>> -> memref<128x128xi32, #tpu.memory_space<vmem>>
    %dma_start3A_370 = arith.constant 64 : i32
    %dma_start3A_371 = arith.constant 0 : i32
    %dma_start3A_372 = tpu.memref_slice %dma_start3A_369[%dma_start3A_370, %dma_start3A_371] : memref<128x128xi32, #tpu.memory_space<vmem>> -> memref<64x128xi32, #tpu.memory_space<vmem>>
    %dma_start3A_373 = arith.constant 832 : i32
    %dma_start3A_374 = tpu.memref_slice %arg5[%dma_start3A_373] : memref<1024xi32, #tpu.memory_space<vmem>> -> memref<64xi32, #tpu.memory_space<vmem>>
    %dma_start3A_375 = arith.constant 0 : i32
    %dma_start3A_376 = arith.constant 0 : i32
    %dma_start3A_377 = tpu.memref_slice %arg3[%dma_start3A_375, %dma_start3A_376] : memref<100000x128xi32, #tpu.memory_space<hbm>> -> memref<100000x128xi32, #tpu.memory_space<hbm>>
    tpu.enqueue_indirect_dma source(%dma_start3A_377 : memref<100000x128xi32, #tpu.memory_space<hbm>>) target(%dma_start3A_372 : memref<64x128xi32, #tpu.memory_space<vmem>>) offsets(%dma_start3A_374 : memref<64xi32, #tpu.memory_space<vmem>>) semaphore(%arg11 : memref<!tpu.dma_semaphore, #tpu.memory_space<semaphore_mem>>)
    %dma_wait3A_378 = arith.constant 0 : i32
    %dma_wait3A_379 = arith.constant 0 : i32
    %dma_wait3A_380 = arith.constant 0 : i32
    %dma_wait3A_381 = tpu.memref_slice %arg6[%dma_wait3A_378, %dma_wait3A_379, %dma_wait3A_380] : memref<2x128x128xi32, #tpu.memory_space<vmem>> -> memref<1x128x128xi32, #tpu.memory_space<vmem>>
    %dma_wait3A_382 = tpu.memref_squeeze %dma_wait3A_381 : memref<1x128x128xi32, #tpu.memory_space<vmem>> -> memref<128x128xi32, #tpu.memory_space<vmem>>
    %dma_wait3A_383 = arith.constant 0 : i32
    %dma_wait3A_384 = arith.constant 0 : i32
    %dma_wait3A_385 = tpu.memref_slice %dma_wait3A_382[%dma_wait3A_383, %dma_wait3A_384] : memref<128x128xi32, #tpu.memory_space<vmem>> -> memref<64x128xi32, #tpu.memory_space<vmem>>
    %dma_wait3A_386 = arith.constant 256 : i32
    %dma_wait3A_387 = tpu.memref_slice %arg5[%dma_wait3A_386] : memref<1024xi32, #tpu.memory_space<vmem>> -> memref<64xi32, #tpu.memory_space<vmem>>
    %dma_wait3A_388 = arith.constant 0 : i32
    %dma_wait3A_389 = arith.constant 0 : i32
    %dma_wait3A_390 = tpu.memref_slice %arg3[%dma_wait3A_388, %dma_wait3A_389] : memref<100000x128xi32, #tpu.memory_space<hbm>> -> memref<100000x128xi32, #tpu.memory_space<hbm>>
    tpu.wait_indirect_dma semaphore(%arg8 : memref<!tpu.dma_semaphore, #tpu.memory_space<semaphore_mem>>) src(%dma_wait3A_390 : memref<100000x128xi32, #tpu.memory_space<hbm>>) dst(%dma_wait3A_385 : memref<64x128xi32, #tpu.memory_space<vmem>>)
    %dma_wait3A_391 = arith.constant 0 : i32
    %dma_wait3A_392 = arith.constant 0 : i32
    %dma_wait3A_393 = arith.constant 0 : i32
    %dma_wait3A_394 = tpu.memref_slice %arg6[%dma_wait3A_391, %dma_wait3A_392, %dma_wait3A_393] : memref<2x128x128xi32, #tpu.memory_space<vmem>> -> memref<1x128x128xi32, #tpu.memory_space<vmem>>
    %dma_wait3A_395 = tpu.memref_squeeze %dma_wait3A_394 : memref<1x128x128xi32, #tpu.memory_space<vmem>> -> memref<128x128xi32, #tpu.memory_space<vmem>>
    %dma_wait3A_396 = arith.constant 64 : i32
    %dma_wait3A_397 = arith.constant 0 : i32
    %dma_wait3A_398 = tpu.memref_slice %dma_wait3A_395[%dma_wait3A_396, %dma_wait3A_397] : memref<128x128xi32, #tpu.memory_space<vmem>> -> memref<64x128xi32, #tpu.memory_space<vmem>>
    %dma_wait3A_399 = arith.constant 768 : i32
    %dma_wait3A_400 = tpu.memref_slice %arg5[%dma_wait3A_399] : memref<1024xi32, #tpu.memory_space<vmem>> -> memref<64xi32, #tpu.memory_space<vmem>>
    %dma_wait3A_401 = arith.constant 0 : i32
    %dma_wait3A_402 = arith.constant 0 : i32
    %dma_wait3A_403 = tpu.memref_slice %arg3[%dma_wait3A_401, %dma_wait3A_402] : memref<100000x128xi32, #tpu.memory_space<hbm>> -> memref<100000x128xi32, #tpu.memory_space<hbm>>
    tpu.wait_indirect_dma semaphore(%arg9 : memref<!tpu.dma_semaphore, #tpu.memory_space<semaphore_mem>>) src(%dma_wait3A_403 : memref<100000x128xi32, #tpu.memory_space<hbm>>) dst(%dma_wait3A_398 : memref<64x128xi32, #tpu.memory_space<vmem>>)
    %dma_wait3A_404 = arith.constant 0 : i32
    %dma_wait3A_405 = arith.constant 0 : i32
    %dma_wait3A_406 = arith.constant 0 : i32
    %dma_wait3A_407 = tpu.memref_slice %arg7[%dma_wait3A_404, %dma_wait3A_405, %dma_wait3A_406] : memref<2x64x128xi32, #tpu.memory_space<vmem>> -> memref<1x64x128xi32, #tpu.memory_space<vmem>>
    %dma_wait3A_408 = tpu.memref_squeeze %dma_wait3A_407 : memref<1x64x128xi32, #tpu.memory_space<vmem>> -> memref<64x128xi32, #tpu.memory_space<vmem>>
    %dma_wait3A_409 = arith.constant 0 : i32
    %dma_wait3A_410 = tpu.memref_slice %arg4[%add3A_250, %dma_wait3A_409] : memref<16384x128xi32, #tpu.memory_space<hbm>> -> memref<64x128xi32, #tpu.memory_space<hbm>>
    %dma_wait3A_411 = arith.constant 0 : i32
    %dma_wait3A_412 = tpu.memref_slice %arg4[%add3A_250, %dma_wait3A_411] : memref<16384x128xi32, #tpu.memory_space<hbm>> -> memref<64x128xi32, #tpu.memory_space<hbm>>
    %dma_wait3A_413 = arith.constant 0 : i32
    %dma_wait3A_414 = arith.constant 0 : i32
    %dma_wait3A_415 = tpu.memref_slice %arg7[%dma_wait3A_404, %dma_wait3A_413, %dma_wait3A_414] : memref<2x64x128xi32, #tpu.memory_space<vmem>> -> memref<1x64x128xi32, #tpu.memory_space<vmem>>
    %dma_wait3A_416 = tpu.memref_squeeze %dma_wait3A_415 : memref<1x64x128xi32, #tpu.memory_space<vmem>> -> memref<64x128xi32, #tpu.memory_space<vmem>>
    tpu.wait_dma2 semaphore(%arg12 : memref<!tpu.dma_semaphore, #tpu.memory_space<semaphore_mem>>) src(%dma_wait3A_416 : memref<64x128xi32, #tpu.memory_space<vmem>>) dst(%dma_wait3A_412 : memref<64x128xi32, #tpu.memory_space<hbm>>)
    %scan3A_417 = arith.constant 0 : i32
    %scan3A_418 = arith.constant 0 : i32
    %scan3A_419 = arith.constant 0 : i32
    %scan3A_420 = arith.constant 0 : i32
    %scan3A_421 = arith.constant 64 : i32
    %scan3A_422 = arith.addi %scan3A_420, %scan3A_421 : i32
    %scan3A_423 = arith.constant 1 : i32
    scf.for %scan3A_704 = %scan3A_420 to %scan3A_422 step %scan3A_423  : i32 {
      %get3A = arith.constant 0 : i32
      %get3A_705 = arith.constant 0 : i32
      %get3A_706 = tpu.memref_slice %arg6[%scan3A_418, %get3A, %get3A_705] : memref<2x128x128xi32, #tpu.memory_space<vmem>> -> memref<1x128x128xi32, #tpu.memory_space<vmem>>
      %get3A_707 = tpu.memref_squeeze %get3A_706 : memref<1x128x128xi32, #tpu.memory_space<vmem>> -> memref<128x128xi32, #tpu.memory_space<vmem>>
      %get3A_708 = arith.index_cast %scan3A_704 : i32 to index
      %get3A_709 = arith.constant 0 : index
      %get3A_710 = tpu.vector_load %get3A_707[%get3A_708, %get3A_709] {strides = array<i32>} : memref<128x128xi32, #tpu.memory_space<vmem>>, vector<1x16xi32>,
      %get3A_711 = vector.shape_cast %get3A_710 : vector<1x16xi32> to vector<16xi32>
      %add3A_712 = arith.constant 32768 : i32
      %add3A_713 = vector.broadcast %add3A_712 : i32 to vector<16xi32>
      %add3A_714 = arith.addi %get3A_711, %add3A_713 : vector<16xi32>
      %add3A_715 = arith.constant 64 : i32
      %add3A_716 = arith.addi %add3A_715, %scan3A_704 : i32
      %get3A_717 = arith.constant 0 : i32
      %get3A_718 = arith.constant 0 : i32
      %get3A_719 = tpu.memref_slice %arg6[%scan3A_418, %get3A_717, %get3A_718] : memref<2x128x128xi32, #tpu.memory_space<vmem>> -> memref<1x128x128xi32, #tpu.memory_space<vmem>>
      %get3A_720 = tpu.memref_squeeze %get3A_719 : memref<1x128x128xi32, #tpu.memory_space<vmem>> -> memref<128x128xi32, #tpu.memory_space<vmem>>
      %get3A_721 = arith.index_cast %add3A_716 : i32 to index
      %get3A_722 = arith.constant 0 : index
      %get3A_723 = tpu.vector_load %get3A_720[%get3A_721, %get3A_722] {strides = array<i32>} : memref<128x128xi32, #tpu.memory_space<vmem>>, vector<1x16xi32>,
      %get3A_724 = vector.shape_cast %get3A_723 : vector<1x16xi32> to vector<16xi32>
      %add3A_725 = arith.constant 32768 : i32
      %add3A_726 = vector.broadcast %add3A_725 : i32 to vector<16xi32>
      %add3A_727 = arith.addi %get3A_724, %add3A_726 : vector<16xi32>
      %shift_right_logical3A = arith.constant 16 : i32
      %shift_right_logical3A_728 = vector.broadcast %shift_right_logical3A : i32 to vector<16xi32>
      %shift_right_logical3A_729 = arith.shrui %add3A_714, %shift_right_logical3A_728 : vector<16xi32>
      %and3A = arith.constant -65536 : i32
      %and3A_730 = vector.broadcast %and3A : i32 to vector<16xi32>
      %and3A_731 = arith.andi %add3A_727, %and3A_730 : vector<16xi32>
      %or3A = arith.ori %shift_right_logical3A_729, %and3A_731 : vector<16xi32>
      %swap3A = arith.constant 0 : i32
      %swap3A_732 = arith.constant 0 : i32
      %swap3A_733 = tpu.memref_slice %arg7[%scan3A_419, %swap3A, %swap3A_732] : memref<2x64x128xi32, #tpu.memory_space<vmem>> -> memref<1x64x128xi32, #tpu.memory_space<vmem>>
      %swap3A_734 = tpu.memref_squeeze %swap3A_733 : memref<1x64x128xi32, #tpu.memory_space<vmem>> -> memref<64x128xi32, #tpu.memory_space<vmem>>
      %swap3A_735 = arith.index_cast %scan3A_704 : i32 to index
      %swap3A_736 = arith.constant 0 : index
      %swap3A_737 = tpu.vector_load %swap3A_734[%swap3A_735, %swap3A_736] {strides = array<i32>} : memref<64x128xi32, #tpu.memory_space<vmem>>, vector<1x16xi32>,
      %swap3A_738 = vector.shape_cast %swap3A_737 : vector<1x16xi32> to vector<16xi32>
      %swap3A_739 = vector.shape_cast %or3A : vector<16xi32> to vector<1x16xi32>
      tpu.vector_store %swap3A_734[%swap3A_735, %swap3A_736], %swap3A_739 {strides = array<i32>} : memref<64x128xi32, #tpu.memory_space<vmem>>, vector<1x16xi32>,
      %get3A_740 = arith.constant 0 : i32
      %get3A_741 = arith.constant 0 : i32
      %get3A_742 = tpu.memref_slice %arg6[%scan3A_418, %get3A_740, %get3A_741] : memref<2x128x128xi32, #tpu.memory_space<vmem>> -> memref<1x128x128xi32, #tpu.memory_space<vmem>>
      %get3A_743 = tpu.memref_squeeze %get3A_742 : memref<1x128x128xi32, #tpu.memory_space<vmem>> -> memref<128x128xi32, #tpu.memory_space<vmem>>
      %get3A_744 = arith.index_cast %scan3A_704 : i32 to index
      %get3A_745 = arith.constant 16 : index
      %get3A_746 = tpu.vector_load %get3A_743[%get3A_744, %get3A_745] {strides = array<i32>} : memref<128x128xi32, #tpu.memory_space<vmem>>, vector<1x16xi32>,
      %get3A_747 = vector.shape_cast %get3A_746 : vector<1x16xi32> to vector<16xi32>
      %add3A_748 = arith.constant 32768 : i32
      %add3A_749 = vector.broadcast %add3A_748 : i32 to vector<16xi32>
      %add3A_750 = arith.addi %get3A_747, %add3A_749 : vector<16xi32>
      %add3A_751 = arith.constant 64 : i32
      %add3A_752 = arith.addi %add3A_751, %scan3A_704 : i32
      %get3A_753 = arith.constant 0 : i32
      %get3A_754 = arith.constant 0 : i32
      %get3A_755 = tpu.memref_slice %arg6[%scan3A_418, %get3A_753, %get3A_754] : memref<2x128x128xi32, #tpu.memory_space<vmem>> -> memref<1x128x128xi32, #tpu.memory_space<vmem>>
      %get3A_756 = tpu.memref_squeeze %get3A_755 : memref<1x128x128xi32, #tpu.memory_space<vmem>> -> memref<128x128xi32, #tpu.memory_space<vmem>>
      %get3A_757 = arith.index_cast %add3A_752 : i32 to index
      %get3A_758 = arith.constant 16 : index
      %get3A_759 = tpu.vector_load %get3A_756[%get3A_757, %get3A_758] {strides = array<i32>} : memref<128x128xi32, #tpu.memory_space<vmem>>, vector<1x16xi32>,
      %get3A_760 = vector.shape_cast %get3A_759 : vector<1x16xi32> to vector<16xi32>
      %add3A_761 = arith.constant 32768 : i32
      %add3A_762 = vector.broadcast %add3A_761 : i32 to vector<16xi32>
      %add3A_763 = arith.addi %get3A_760, %add3A_762 : vector<16xi32>
      %shift_right_logical3A_764 = arith.constant 16 : i32
      %shift_right_logical3A_765 = vector.broadcast %shift_right_logical3A_764 : i32 to vector<16xi32>
      %shift_right_logical3A_766 = arith.shrui %add3A_750, %shift_right_logical3A_765 : vector<16xi32>
      %and3A_767 = arith.constant -65536 : i32
      %and3A_768 = vector.broadcast %and3A_767 : i32 to vector<16xi32>
      %and3A_769 = arith.andi %add3A_763, %and3A_768 : vector<16xi32>
      %or3A_770 = arith.ori %shift_right_logical3A_766, %and3A_769 : vector<16xi32>
      %swap3A_771 = arith.constant 0 : i32
      %swap3A_772 = arith.constant 0 : i32
      %swap3A_773 = tpu.memref_slice %arg7[%scan3A_419, %swap3A_771, %swap3A_772] : memref<2x64x128xi32, #tpu.memory_space<vmem>> -> memref<1x64x128xi32, #tpu.memory_space<vmem>>
      %swap3A_774 = tpu.memref_squeeze %swap3A_773 : memref<1x64x128xi32, #tpu.memory_space<vmem>> -> memref<64x128xi32, #tpu.memory_space<vmem>>
      %swap3A_775 = arith.index_cast %scan3A_704 : i32 to index
      %swap3A_776 = arith.constant 16 : index
      %swap3A_777 = tpu.vector_load %swap3A_774[%swap3A_775, %swap3A_776] {strides = array<i32>} : memref<64x128xi32, #tpu.memory_space<vmem>>, vector<1x16xi32>,
      %swap3A_778 = vector.shape_cast %swap3A_777 : vector<1x16xi32> to vector<16xi32>
      %swap3A_779 = vector.shape_cast %or3A_770 : vector<16xi32> to vector<1x16xi32>
      tpu.vector_store %swap3A_774[%swap3A_775, %swap3A_776], %swap3A_779 {strides = array<i32>} : memref<64x128xi32, #tpu.memory_space<vmem>>, vector<1x16xi32>,
      %get3A_780 = arith.constant 0 : i32
      %get3A_781 = arith.constant 0 : i32
      %get3A_782 = tpu.memref_slice %arg6[%scan3A_418, %get3A_780, %get3A_781] : memref<2x128x128xi32, #tpu.memory_space<vmem>> -> memref<1x128x128xi32, #tpu.memory_space<vmem>>
      %get3A_783 = tpu.memref_squeeze %get3A_782 : memref<1x128x128xi32, #tpu.memory_space<vmem>> -> memref<128x128xi32, #tpu.memory_space<vmem>>
      %get3A_784 = arith.index_cast %scan3A_704 : i32 to index
      %get3A_785 = arith.constant 32 : index
      %get3A_786 = tpu.vector_load %get3A_783[%get3A_784, %get3A_785] {strides = array<i32>} : memref<128x128xi32, #tpu.memory_space<vmem>>, vector<1x16xi32>,
      %get3A_787 = vector.shape_cast %get3A_786 : vector<1x16xi32> to vector<16xi32>
      %add3A_788 = arith.constant 32768 : i32
      %add3A_789 = vector.broadcast %add3A_788 : i32 to vector<16xi32>
      %add3A_790 = arith.addi %get3A_787, %add3A_789 : vector<16xi32>
      %add3A_791 = arith.constant 64 : i32
      %add3A_792 = arith.addi %add3A_791, %scan3A_704 : i32
      %get3A_793 = arith.constant 0 : i32
      %get3A_794 = arith.constant 0 : i32
      %get3A_795 = tpu.memref_slice %arg6[%scan3A_418, %get3A_793, %get3A_794] : memref<2x128x128xi32, #tpu.memory_space<vmem>> -> memref<1x128x128xi32, #tpu.memory_space<vmem>>
      %get3A_796 = tpu.memref_squeeze %get3A_795 : memref<1x128x128xi32, #tpu.memory_space<vmem>> -> memref<128x128xi32, #tpu.memory_space<vmem>>
      %get3A_797 = arith.index_cast %add3A_792 : i32 to index
      %get3A_798 = arith.constant 32 : index
      %get3A_799 = tpu.vector_load %get3A_796[%get3A_797, %get3A_798] {strides = array<i32>} : memref<128x128xi32, #tpu.memory_space<vmem>>, vector<1x16xi32>,
      %get3A_800 = vector.shape_cast %get3A_799 : vector<1x16xi32> to vector<16xi32>
      %add3A_801 = arith.constant 32768 : i32
      %add3A_802 = vector.broadcast %add3A_801 : i32 to vector<16xi32>
      %add3A_803 = arith.addi %get3A_800, %add3A_802 : vector<16xi32>
      %shift_right_logical3A_804 = arith.constant 16 : i32
      %shift_right_logical3A_805 = vector.broadcast %shift_right_logical3A_804 : i32 to vector<16xi32>
      %shift_right_logical3A_806 = arith.shrui %add3A_790, %shift_right_logical3A_805 : vector<16xi32>
      %and3A_807 = arith.constant -65536 : i32
      %and3A_808 = vector.broadcast %and3A_807 : i32 to vector<16xi32>
      %and3A_809 = arith.andi %add3A_803, %and3A_808 : vector<16xi32>
      %or3A_810 = arith.ori %shift_right_logical3A_806, %and3A_809 : vector<16xi32>
      %swap3A_811 = arith.constant 0 : i32
      %swap3A_812 = arith.constant 0 : i32
      %swap3A_813 = tpu.memref_slice %arg7[%scan3A_419, %swap3A_811, %swap3A_812] : memref<2x64x128xi32, #tpu.memory_space<vmem>> -> memref<1x64x128xi32, #tpu.memory_space<vmem>>
      %swap3A_814 = tpu.memref_squeeze %swap3A_813 : memref<1x64x128xi32, #tpu.memory_space<vmem>> -> memref<64x128xi32, #tpu.memory_space<vmem>>
      %swap3A_815 = arith.index_cast %scan3A_704 : i32 to index
      %swap3A_816 = arith.constant 32 : index
      %swap3A_817 = tpu.vector_load %swap3A_814[%swap3A_815, %swap3A_816] {strides = array<i32>} : memref<64x128xi32, #tpu.memory_space<vmem>>, vector<1x16xi32>,
      %swap3A_818 = vector.shape_cast %swap3A_817 : vector<1x16xi32> to vector<16xi32>
      %swap3A_819 = vector.shape_cast %or3A_810 : vector<16xi32> to vector<1x16xi32>
      tpu.vector_store %swap3A_814[%swap3A_815, %swap3A_816], %swap3A_819 {strides = array<i32>} : memref<64x128xi32, #tpu.memory_space<vmem>>, vector<1x16xi32>,
      %get3A_820 = arith.constant 0 : i32
      %get3A_821 = arith.constant 0 : i32
      %get3A_822 = tpu.memref_slice %arg6[%scan3A_418, %get3A_820, %get3A_821] : memref<2x128x128xi32, #tpu.memory_space<vmem>> -> memref<1x128x128xi32, #tpu.memory_space<vmem>>
      %get3A_823 = tpu.memref_squeeze %get3A_822 : memref<1x128x128xi32, #tpu.memory_space<vmem>> -> memref<128x128xi32, #tpu.memory_space<vmem>>
      %get3A_824 = arith.index_cast %scan3A_704 : i32 to index
      %get3A_825 = arith.constant 48 : index
      %get3A_826 = tpu.vector_load %get3A_823[%get3A_824, %get3A_825] {strides = array<i32>} : memref<128x128xi32, #tpu.memory_space<vmem>>, vector<1x16xi32>,
      %get3A_827 = vector.shape_cast %get3A_826 : vector<1x16xi32> to vector<16xi32>
      %add3A_828 = arith.constant 32768 : i32
      %add3A_829 = vector.broadcast %add3A_828 : i32 to vector<16xi32>
      %add3A_830 = arith.addi %get3A_827, %add3A_829 : vector<16xi32>
      %add3A_831 = arith.constant 64 : i32
      %add3A_832 = arith.addi %add3A_831, %scan3A_704 : i32
      %get3A_833 = arith.constant 0 : i32
      %get3A_834 = arith.constant 0 : i32
      %get3A_835 = tpu.memref_slice %arg6[%scan3A_418, %get3A_833, %get3A_834] : memref<2x128x128xi32, #tpu.memory_space<vmem>> -> memref<1x128x128xi32, #tpu.memory_space<vmem>>
      %get3A_836 = tpu.memref_squeeze %get3A_835 : memref<1x128x128xi32, #tpu.memory_space<vmem>> -> memref<128x128xi32, #tpu.memory_space<vmem>>
      %get3A_837 = arith.index_cast %add3A_832 : i32 to index
      %get3A_838 = arith.constant 48 : index
      %get3A_839 = tpu.vector_load %get3A_836[%get3A_837, %get3A_838] {strides = array<i32>} : memref<128x128xi32, #tpu.memory_space<vmem>>, vector<1x16xi32>,
      %get3A_840 = vector.shape_cast %get3A_839 : vector<1x16xi32> to vector<16xi32>
      %add3A_841 = arith.constant 32768 : i32
      %add3A_842 = vector.broadcast %add3A_841 : i32 to vector<16xi32>
      %add3A_843 = arith.addi %get3A_840, %add3A_842 : vector<16xi32>
      %shift_right_logical3A_844 = arith.constant 16 : i32
      %shift_right_logical3A_845 = vector.broadcast %shift_right_logical3A_844 : i32 to vector<16xi32>
      %shift_right_logical3A_846 = arith.shrui %add3A_830, %shift_right_logical3A_845 : vector<16xi32>
      %and3A_847 = arith.constant -65536 : i32
      %and3A_848 = vector.broadcast %and3A_847 : i32 to vector<16xi32>
      %and3A_849 = arith.andi %add3A_843, %and3A_848 : vector<16xi32>
      %or3A_850 = arith.ori %shift_right_logical3A_846, %and3A_849 : vector<16xi32>
      %swap3A_851 = arith.constant 0 : i32
      %swap3A_852 = arith.constant 0 : i32
      %swap3A_853 = tpu.memref_slice %arg7[%scan3A_419, %swap3A_851, %swap3A_852] : memref<2x64x128xi32, #tpu.memory_space<vmem>> -> memref<1x64x128xi32, #tpu.memory_space<vmem>>
      %swap3A_854 = tpu.memref_squeeze %swap3A_853 : memref<1x64x128xi32, #tpu.memory_space<vmem>> -> memref<64x128xi32, #tpu.memory_space<vmem>>
      %swap3A_855 = arith.index_cast %scan3A_704 : i32 to index
      %swap3A_856 = arith.constant 48 : index
      %swap3A_857 = tpu.vector_load %swap3A_854[%swap3A_855, %swap3A_856] {strides = array<i32>} : memref<64x128xi32, #tpu.memory_space<vmem>>, vector<1x16xi32>,
      %swap3A_858 = vector.shape_cast %swap3A_857 : vector<1x16xi32> to vector<16xi32>
      %swap3A_859 = vector.shape_cast %or3A_850 : vector<16xi32> to vector<1x16xi32>
      tpu.vector_store %swap3A_854[%swap3A_855, %swap3A_856], %swap3A_859 {strides = array<i32>} : memref<64x128xi32, #tpu.memory_space<vmem>>, vector<1x16xi32>,
      %get3A_860 = arith.constant 0 : i32
      %get3A_861 = arith.constant 0 : i32
      %get3A_862 = tpu.memref_slice %arg6[%scan3A_418, %get3A_860, %get3A_861] : memref<2x128x128xi32, #tpu.memory_space<vmem>> -> memref<1x128x128xi32, #tpu.memory_space<vmem>>
      %get3A_863 = tpu.memref_squeeze %get3A_862 : memref<1x128x128xi32, #tpu.memory_space<vmem>> -> memref<128x128xi32, #tpu.memory_space<vmem>>
      %get3A_864 = arith.index_cast %scan3A_704 : i32 to index
      %get3A_865 = arith.constant 64 : index
      %get3A_866 = tpu.vector_load %get3A_863[%get3A_864, %get3A_865] {strides = array<i32>} : memref<128x128xi32, #tpu.memory_space<vmem>>, vector<1x16xi32>,
      %get3A_867 = vector.shape_cast %get3A_866 : vector<1x16xi32> to vector<16xi32>
      %add3A_868 = arith.constant 32768 : i32
      %add3A_869 = vector.broadcast %add3A_868 : i32 to vector<16xi32>
      %add3A_870 = arith.addi %get3A_867, %add3A_869 : vector<16xi32>
      %add3A_871 = arith.constant 64 : i32
      %add3A_872 = arith.addi %add3A_871, %scan3A_704 : i32
      %get3A_873 = arith.constant 0 : i32
      %get3A_874 = arith.constant 0 : i32
      %get3A_875 = tpu.memref_slice %arg6[%scan3A_418, %get3A_873, %get3A_874] : memref<2x128x128xi32, #tpu.memory_space<vmem>> -> memref<1x128x128xi32, #tpu.memory_space<vmem>>
      %get3A_876 = tpu.memref_squeeze %get3A_875 : memref<1x128x128xi32, #tpu.memory_space<vmem>> -> memref<128x128xi32, #tpu.memory_space<vmem>>
      %get3A_877 = arith.index_cast %add3A_872 : i32 to index
      %get3A_878 = arith.constant 64 : index
      %get3A_879 = tpu.vector_load %get3A_876[%get3A_877, %get3A_878] {strides = array<i32>} : memref<128x128xi32, #tpu.memory_space<vmem>>, vector<1x16xi32>,
      %get3A_880 = vector.shape_cast %get3A_879 : vector<1x16xi32> to vector<16xi32>
      %add3A_881 = arith.constant 32768 : i32
      %add3A_882 = vector.broadcast %add3A_881 : i32 to vector<16xi32>
      %add3A_883 = arith.addi %get3A_880, %add3A_882 : vector<16xi32>
      %shift_right_logical3A_884 = arith.constant 16 : i32
      %shift_right_logical3A_885 = vector.broadcast %shift_right_logical3A_884 : i32 to vector<16xi32>
      %shift_right_logical3A_886 = arith.shrui %add3A_870, %shift_right_logical3A_885 : vector<16xi32>
      %and3A_887 = arith.constant -65536 : i32
      %and3A_888 = vector.broadcast %and3A_887 : i32 to vector<16xi32>
      %and3A_889 = arith.andi %add3A_883, %and3A_888 : vector<16xi32>
      %or3A_890 = arith.ori %shift_right_logical3A_886, %and3A_889 : vector<16xi32>
      %swap3A_891 = arith.constant 0 : i32
      %swap3A_892 = arith.constant 0 : i32
      %swap3A_893 = tpu.memref_slice %arg7[%scan3A_419, %swap3A_891, %swap3A_892] : memref<2x64x128xi32, #tpu.memory_space<vmem>> -> memref<1x64x128xi32, #tpu.memory_space<vmem>>
      %swap3A_894 = tpu.memref_squeeze %swap3A_893 : memref<1x64x128xi32, #tpu.memory_space<vmem>> -> memref<64x128xi32, #tpu.memory_space<vmem>>
      %swap3A_895 = arith.index_cast %scan3A_704 : i32 to index
      %swap3A_896 = arith.constant 64 : index
      %swap3A_897 = tpu.vector_load %swap3A_894[%swap3A_895, %swap3A_896] {strides = array<i32>} : memref<64x128xi32, #tpu.memory_space<vmem>>, vector<1x16xi32>,
      %swap3A_898 = vector.shape_cast %swap3A_897 : vector<1x16xi32> to vector<16xi32>
      %swap3A_899 = vector.shape_cast %or3A_890 : vector<16xi32> to vector<1x16xi32>
      tpu.vector_store %swap3A_894[%swap3A_895, %swap3A_896], %swap3A_899 {strides = array<i32>} : memref<64x128xi32, #tpu.memory_space<vmem>>, vector<1x16xi32>,
      %get3A_900 = arith.constant 0 : i32
      %get3A_901 = arith.constant 0 : i32
      %get3A_902 = tpu.memref_slice %arg6[%scan3A_418, %get3A_900, %get3A_901] : memref<2x128x128xi32, #tpu.memory_space<vmem>> -> memref<1x128x128xi32, #tpu.memory_space<vmem>>
      %get3A_903 = tpu.memref_squeeze %get3A_902 : memref<1x128x128xi32, #tpu.memory_space<vmem>> -> memref<128x128xi32, #tpu.memory_space<vmem>>
      %get3A_904 = arith.index_cast %scan3A_704 : i32 to index
      %get3A_905 = arith.constant 80 : index
      %get3A_906 = tpu.vector_load %get3A_903[%get3A_904, %get3A_905] {strides = array<i32>} : memref<128x128xi32, #tpu.memory_space<vmem>>, vector<1x16xi32>,
      %get3A_907 = vector.shape_cast %get3A_906 : vector<1x16xi32> to vector<16xi32>
      %add3A_908 = arith.constant 32768 : i32
      %add3A_909 = vector.broadcast %add3A_908 : i32 to vector<16xi32>
      %add3A_910 = arith.addi %get3A_907, %add3A_909 : vector<16xi32>
      %add3A_911 = arith.constant 64 : i32
      %add3A_912 = arith.addi %add3A_911, %scan3A_704 : i32
      %get3A_913 = arith.constant 0 : i32
      %get3A_914 = arith.constant 0 : i32
      %get3A_915 = tpu.memref_slice %arg6[%scan3A_418, %get3A_913, %get3A_914] : memref<2x128x128xi32, #tpu.memory_space<vmem>> -> memref<1x128x128xi32, #tpu.memory_space<vmem>>
      %get3A_916 = tpu.memref_squeeze %get3A_915 : memref<1x128x128xi32, #tpu.memory_space<vmem>> -> memref<128x128xi32, #tpu.memory_space<vmem>>
      %get3A_917 = arith.index_cast %add3A_912 : i32 to index
      %get3A_918 = arith.constant 80 : index
      %get3A_919 = tpu.vector_load %get3A_916[%get3A_917, %get3A_918] {strides = array<i32>} : memref<128x128xi32, #tpu.memory_space<vmem>>, vector<1x16xi32>,
      %get3A_920 = vector.shape_cast %get3A_919 : vector<1x16xi32> to vector<16xi32>
      %add3A_921 = arith.constant 32768 : i32
      %add3A_922 = vector.broadcast %add3A_921 : i32 to vector<16xi32>
      %add3A_923 = arith.addi %get3A_920, %add3A_922 : vector<16xi32>
      %shift_right_logical3A_924 = arith.constant 16 : i32
      %shift_right_logical3A_925 = vector.broadcast %shift_right_logical3A_924 : i32 to vector<16xi32>
      %shift_right_logical3A_926 = arith.shrui %add3A_910, %shift_right_logical3A_925 : vector<16xi32>
      %and3A_927 = arith.constant -65536 : i32
      %and3A_928 = vector.broadcast %and3A_927 : i32 to vector<16xi32>
      %and3A_929 = arith.andi %add3A_923, %and3A_928 : vector<16xi32>
      %or3A_930 = arith.ori %shift_right_logical3A_926, %and3A_929 : vector<16xi32>
      %swap3A_931 = arith.constant 0 : i32
      %swap3A_932 = arith.constant 0 : i32
      %swap3A_933 = tpu.memref_slice %arg7[%scan3A_419, %swap3A_931, %swap3A_932] : memref<2x64x128xi32, #tpu.memory_space<vmem>> -> memref<1x64x128xi32, #tpu.memory_space<vmem>>
      %swap3A_934 = tpu.memref_squeeze %swap3A_933 : memref<1x64x128xi32, #tpu.memory_space<vmem>> -> memref<64x128xi32, #tpu.memory_space<vmem>>
      %swap3A_935 = arith.index_cast %scan3A_704 : i32 to index
      %swap3A_936 = arith.constant 80 : index
      %swap3A_937 = tpu.vector_load %swap3A_934[%swap3A_935, %swap3A_936] {strides = array<i32>} : memref<64x128xi32, #tpu.memory_space<vmem>>, vector<1x16xi32>,
      %swap3A_938 = vector.shape_cast %swap3A_937 : vector<1x16xi32> to vector<16xi32>
      %swap3A_939 = vector.shape_cast %or3A_930 : vector<16xi32> to vector<1x16xi32>
      tpu.vector_store %swap3A_934[%swap3A_935, %swap3A_936], %swap3A_939 {strides = array<i32>} : memref<64x128xi32, #tpu.memory_space<vmem>>, vector<1x16xi32>,
      %get3A_940 = arith.constant 0 : i32
      %get3A_941 = arith.constant 0 : i32
      %get3A_942 = tpu.memref_slice %arg6[%scan3A_418, %get3A_940, %get3A_941] : memref<2x128x128xi32, #tpu.memory_space<vmem>> -> memref<1x128x128xi32, #tpu.memory_space<vmem>>
      %get3A_943 = tpu.memref_squeeze %get3A_942 : memref<1x128x128xi32, #tpu.memory_space<vmem>> -> memref<128x128xi32, #tpu.memory_space<vmem>>
      %get3A_944 = arith.index_cast %scan3A_704 : i32 to index
      %get3A_945 = arith.constant 96 : index
      %get3A_946 = tpu.vector_load %get3A_943[%get3A_944, %get3A_945] {strides = array<i32>} : memref<128x128xi32, #tpu.memory_space<vmem>>, vector<1x16xi32>,
      %get3A_947 = vector.shape_cast %get3A_946 : vector<1x16xi32> to vector<16xi32>
      %add3A_948 = arith.constant 32768 : i32
      %add3A_949 = vector.broadcast %add3A_948 : i32 to vector<16xi32>
      %add3A_950 = arith.addi %get3A_947, %add3A_949 : vector<16xi32>
      %add3A_951 = arith.constant 64 : i32
      %add3A_952 = arith.addi %add3A_951, %scan3A_704 : i32
      %get3A_953 = arith.constant 0 : i32
      %get3A_954 = arith.constant 0 : i32
      %get3A_955 = tpu.memref_slice %arg6[%scan3A_418, %get3A_953, %get3A_954] : memref<2x128x128xi32, #tpu.memory_space<vmem>> -> memref<1x128x128xi32, #tpu.memory_space<vmem>>
      %get3A_956 = tpu.memref_squeeze %get3A_955 : memref<1x128x128xi32, #tpu.memory_space<vmem>> -> memref<128x128xi32, #tpu.memory_space<vmem>>
      %get3A_957 = arith.index_cast %add3A_952 : i32 to index
      %get3A_958 = arith.constant 96 : index
      %get3A_959 = tpu.vector_load %get3A_956[%get3A_957, %get3A_958] {strides = array<i32>} : memref<128x128xi32, #tpu.memory_space<vmem>>, vector<1x16xi32>,
      %get3A_960 = vector.shape_cast %get3A_959 : vector<1x16xi32> to vector<16xi32>
      %add3A_961 = arith.constant 32768 : i32
      %add3A_962 = vector.broadcast %add3A_961 : i32 to vector<16xi32>
      %add3A_963 = arith.addi %get3A_960, %add3A_962 : vector<16xi32>
      %shift_right_logical3A_964 = arith.constant 16 : i32
      %shift_right_logical3A_965 = vector.broadcast %shift_right_logical3A_964 : i32 to vector<16xi32>
      %shift_right_logical3A_966 = arith.shrui %add3A_950, %shift_right_logical3A_965 : vector<16xi32>
      %and3A_967 = arith.constant -65536 : i32
      %and3A_968 = vector.broadcast %and3A_967 : i32 to vector<16xi32>
      %and3A_969 = arith.andi %add3A_963, %and3A_968 : vector<16xi32>
      %or3A_970 = arith.ori %shift_right_logical3A_966, %and3A_969 : vector<16xi32>
      %swap3A_971 = arith.constant 0 : i32
      %swap3A_972 = arith.constant 0 : i32
      %swap3A_973 = tpu.memref_slice %arg7[%scan3A_419, %swap3A_971, %swap3A_972] : memref<2x64x128xi32, #tpu.memory_space<vmem>> -> memref<1x64x128xi32, #tpu.memory_space<vmem>>
      %swap3A_974 = tpu.memref_squeeze %swap3A_973 : memref<1x64x128xi32, #tpu.memory_space<vmem>> -> memref<64x128xi32, #tpu.memory_space<vmem>>
      %swap3A_975 = arith.index_cast %scan3A_704 : i32 to index
      %swap3A_976 = arith.constant 96 : index
      %swap3A_977 = tpu.vector_load %swap3A_974[%swap3A_975, %swap3A_976] {strides = array<i32>} : memref<64x128xi32, #tpu.memory_space<vmem>>, vector<1x16xi32>,
      %swap3A_978 = vector.shape_cast %swap3A_977 : vector<1x16xi32> to vector<16xi32>
      %swap3A_979 = vector.shape_cast %or3A_970 : vector<16xi32> to vector<1x16xi32>
      tpu.vector_store %swap3A_974[%swap3A_975, %swap3A_976], %swap3A_979 {strides = array<i32>} : memref<64x128xi32, #tpu.memory_space<vmem>>, vector<1x16xi32>,
      %get3A_980 = arith.constant 0 : i32
      %get3A_981 = arith.constant 0 : i32
      %get3A_982 = tpu.memref_slice %arg6[%scan3A_418, %get3A_980, %get3A_981] : memref<2x128x128xi32, #tpu.memory_space<vmem>> -> memref<1x128x128xi32, #tpu.memory_space<vmem>>
      %get3A_983 = tpu.memref_squeeze %get3A_982 : memref<1x128x128xi32, #tpu.memory_space<vmem>> -> memref<128x128xi32, #tpu.memory_space<vmem>>
      %get3A_984 = arith.index_cast %scan3A_704 : i32 to index
      %get3A_985 = arith.constant 112 : index
      %get3A_986 = tpu.vector_load %get3A_983[%get3A_984, %get3A_985] {strides = array<i32>} : memref<128x128xi32, #tpu.memory_space<vmem>>, vector<1x16xi32>,
      %get3A_987 = vector.shape_cast %get3A_986 : vector<1x16xi32> to vector<16xi32>
      %add3A_988 = arith.constant 32768 : i32
      %add3A_989 = vector.broadcast %add3A_988 : i32 to vector<16xi32>
      %add3A_990 = arith.addi %get3A_987, %add3A_989 : vector<16xi32>
      %add3A_991 = arith.constant 64 : i32
      %add3A_992 = arith.addi %add3A_991, %scan3A_704 : i32
      %get3A_993 = arith.constant 0 : i32
      %get3A_994 = arith.constant 0 : i32
      %get3A_995 = tpu.memref_slice %arg6[%scan3A_418, %get3A_993, %get3A_994] : memref<2x128x128xi32, #tpu.memory_space<vmem>> -> memref<1x128x128xi32, #tpu.memory_space<vmem>>
      %get3A_996 = tpu.memref_squeeze %get3A_995 : memref<1x128x128xi32, #tpu.memory_space<vmem>> -> memref<128x128xi32, #tpu.memory_space<vmem>>
      %get3A_997 = arith.index_cast %add3A_992 : i32 to index
      %get3A_998 = arith.constant 112 : index
      %get3A_999 = tpu.vector_load %get3A_996[%get3A_997, %get3A_998] {strides = array<i32>} : memref<128x128xi32, #tpu.memory_space<vmem>>, vector<1x16xi32>,
      %get3A_1000 = vector.shape_cast %get3A_999 : vector<1x16xi32> to vector<16xi32>
      %add3A_1001 = arith.constant 32768 : i32
      %add3A_1002 = vector.broadcast %add3A_1001 : i32 to vector<16xi32>
      %add3A_1003 = arith.addi %get3A_1000, %add3A_1002 : vector<16xi32>
      %shift_right_logical3A_1004 = arith.constant 16 : i32
      %shift_right_logical3A_1005 = vector.broadcast %shift_right_logical3A_1004 : i32 to vector<16xi32>
      %shift_right_logical3A_1006 = arith.shrui %add3A_990, %shift_right_logical3A_1005 : vector<16xi32>
      %and3A_1007 = arith.constant -65536 : i32
      %and3A_1008 = vector.broadcast %and3A_1007 : i32 to vector<16xi32>
      %and3A_1009 = arith.andi %add3A_1003, %and3A_1008 : vector<16xi32>
      %or3A_1010 = arith.ori %shift_right_logical3A_1006, %and3A_1009 : vector<16xi32>
      %swap3A_1011 = arith.constant 0 : i32
      %swap3A_1012 = arith.constant 0 : i32
      %swap3A_1013 = tpu.memref_slice %arg7[%scan3A_419, %swap3A_1011, %swap3A_1012] : memref<2x64x128xi32, #tpu.memory_space<vmem>> -> memref<1x64x128xi32, #tpu.memory_space<vmem>>
      %swap3A_1014 = tpu.memref_squeeze %swap3A_1013 : memref<1x64x128xi32, #tpu.memory_space<vmem>> -> memref<64x128xi32, #tpu.memory_space<vmem>>
      %swap3A_1015 = arith.index_cast %scan3A_704 : i32 to index
      %swap3A_1016 = arith.constant 112 : index
      %swap3A_1017 = tpu.vector_load %swap3A_1014[%swap3A_1015, %swap3A_1016] {strides = array<i32>} : memref<64x128xi32, #tpu.memory_space<vmem>>, vector<1x16xi32>,
      %swap3A_1018 = vector.shape_cast %swap3A_1017 : vector<1x16xi32> to vector<16xi32>
      %swap3A_1019 = vector.shape_cast %or3A_1010 : vector<16xi32> to vector<1x16xi32>
      tpu.vector_store %swap3A_1014[%swap3A_1015, %swap3A_1016], %swap3A_1019 {strides = array<i32>} : memref<64x128xi32, #tpu.memory_space<vmem>>, vector<1x16xi32>,
    }
    %scan3A_424 = arith.constant 64 : i32
    %add3A_425 = arith.constant 256 : i32
    %add3A_426 = arith.addi %mul3A_2, %add3A_425 : i32
    %dma_start3A_427 = arith.constant 0 : i32
    %dma_start3A_428 = arith.constant 0 : i32
    %dma_start3A_429 = arith.constant 0 : i32
    %dma_start3A_430 = tpu.memref_slice %arg7[%dma_start3A_427, %dma_start3A_428, %dma_start3A_429] : memref<2x64x128xi32, #tpu.memory_space<vmem>> -> memref<1x64x128xi32, #tpu.memory_space<vmem>>
    %dma_start3A_431 = tpu.memref_squeeze %dma_start3A_430 : memref<1x64x128xi32, #tpu.memory_space<vmem>> -> memref<64x128xi32, #tpu.memory_space<vmem>>
    %dma_start3A_432 = arith.constant 0 : i32
    %dma_start3A_433 = tpu.memref_slice %arg4[%add3A_426, %dma_start3A_432] : memref<16384x128xi32, #tpu.memory_space<hbm>> -> memref<64x128xi32, #tpu.memory_space<hbm>>
    %dma_start3A_434 = arith.constant 0 : i32
    %dma_start3A_435 = tpu.memref_slice %arg4[%add3A_426, %dma_start3A_434] : memref<16384x128xi32, #tpu.memory_space<hbm>> -> memref<64x128xi32, #tpu.memory_space<hbm>>
    %dma_start3A_436 = arith.constant 0 : i32
    %dma_start3A_437 = arith.constant 0 : i32
    %dma_start3A_438 = tpu.memref_slice %arg7[%dma_start3A_427, %dma_start3A_436, %dma_start3A_437] : memref<2x64x128xi32, #tpu.memory_space<vmem>> -> memref<1x64x128xi32, #tpu.memory_space<vmem>>
    %dma_start3A_439 = tpu.memref_squeeze %dma_start3A_438 : memref<1x64x128xi32, #tpu.memory_space<vmem>> -> memref<64x128xi32, #tpu.memory_space<vmem>>
    tpu.enqueue_dma source(%dma_start3A_439 : memref<64x128xi32, #tpu.memory_space<vmem>>) target(%dma_start3A_435 : memref<64x128xi32, #tpu.memory_space<hbm>>) target_semaphore(%arg12 : memref<!tpu.dma_semaphore, #tpu.memory_space<semaphore_mem>>)
    %dma_start3A_440 = arith.constant 0 : i32
    %dma_start3A_441 = arith.constant 0 : i32
    %dma_start3A_442 = arith.constant 0 : i32
    %dma_start3A_443 = tpu.memref_slice %arg6[%dma_start3A_440, %dma_start3A_441, %dma_start3A_442] : memref<2x128x128xi32, #tpu.memory_space<vmem>> -> memref<1x128x128xi32, #tpu.memory_space<vmem>>
    %dma_start3A_444 = tpu.memref_squeeze %dma_start3A_443 : memref<1x128x128xi32, #tpu.memory_space<vmem>> -> memref<128x128xi32, #tpu.memory_space<vmem>>
    %dma_start3A_445 = arith.constant 0 : i32
    %dma_start3A_446 = arith.constant 0 : i32
    %dma_start3A_447 = tpu.memref_slice %dma_start3A_444[%dma_start3A_445, %dma_start3A_446] : memref<128x128xi32, #tpu.memory_space<vmem>> -> memref<64x128xi32, #tpu.memory_space<vmem>>
    %dma_start3A_448 = arith.constant 384 : i32
    %dma_start3A_449 = tpu.memref_slice %arg5[%dma_start3A_448] : memref<1024xi32, #tpu.memory_space<vmem>> -> memref<64xi32, #tpu.memory_space<vmem>>
    %dma_start3A_450 = arith.constant 0 : i32
    %dma_start3A_451 = arith.constant 0 : i32
    %dma_start3A_452 = tpu.memref_slice %arg3[%dma_start3A_450, %dma_start3A_451] : memref<100000x128xi32, #tpu.memory_space<hbm>> -> memref<100000x128xi32, #tpu.memory_space<hbm>>
    tpu.enqueue_indirect_dma source(%dma_start3A_452 : memref<100000x128xi32, #tpu.memory_space<hbm>>) target(%dma_start3A_447 : memref<64x128xi32, #tpu.memory_space<vmem>>) offsets(%dma_start3A_449 : memref<64xi32, #tpu.memory_space<vmem>>) semaphore(%arg8 : memref<!tpu.dma_semaphore, #tpu.memory_space<semaphore_mem>>)
    %dma_start3A_453 = arith.constant 0 : i32
    %dma_start3A_454 = arith.constant 0 : i32
    %dma_start3A_455 = arith.constant 0 : i32
    %dma_start3A_456 = tpu.memref_slice %arg6[%dma_start3A_453, %dma_start3A_454, %dma_start3A_455] : memref<2x128x128xi32, #tpu.memory_space<vmem>> -> memref<1x128x128xi32, #tpu.memory_space<vmem>>
    %dma_start3A_457 = tpu.memref_squeeze %dma_start3A_456 : memref<1x128x128xi32, #tpu.memory_space<vmem>> -> memref<128x128xi32, #tpu.memory_space<vmem>>
    %dma_start3A_458 = arith.constant 64 : i32
    %dma_start3A_459 = arith.constant 0 : i32
    %dma_start3A_460 = tpu.memref_slice %dma_start3A_457[%dma_start3A_458, %dma_start3A_459] : memref<128x128xi32, #tpu.memory_space<vmem>> -> memref<64x128xi32, #tpu.memory_space<vmem>>
    %dma_start3A_461 = arith.constant 896 : i32
    %dma_start3A_462 = tpu.memref_slice %arg5[%dma_start3A_461] : memref<1024xi32, #tpu.memory_space<vmem>> -> memref<64xi32, #tpu.memory_space<vmem>>
    %dma_start3A_463 = arith.constant 0 : i32
    %dma_start3A_464 = arith.constant 0 : i32
    %dma_start3A_465 = tpu.memref_slice %arg3[%dma_start3A_463, %dma_start3A_464] : memref<100000x128xi32, #tpu.memory_space<hbm>> -> memref<100000x128xi32, #tpu.memory_space<hbm>>
    tpu.enqueue_indirect_dma source(%dma_start3A_465 : memref<100000x128xi32, #tpu.memory_space<hbm>>) target(%dma_start3A_460 : memref<64x128xi32, #tpu.memory_space<vmem>>) offsets(%dma_start3A_462 : memref<64xi32, #tpu.memory_space<vmem>>) semaphore(%arg9 : memref<!tpu.dma_semaphore, #tpu.memory_space<semaphore_mem>>)
    %dma_wait3A_466 = arith.constant 1 : i32
    %dma_wait3A_467 = arith.constant 0 : i32
    %dma_wait3A_468 = arith.constant 0 : i32
    %dma_wait3A_469 = tpu.memref_slice %arg6[%dma_wait3A_466, %dma_wait3A_467, %dma_wait3A_468] : memref<2x128x128xi32, #tpu.memory_space<vmem>> -> memref<1x128x128xi32, #tpu.memory_space<vmem>>
    %dma_wait3A_470 = tpu.memref_squeeze %dma_wait3A_469 : memref<1x128x128xi32, #tpu.memory_space<vmem>> -> memref<128x128xi32, #tpu.memory_space<vmem>>
    %dma_wait3A_471 = arith.constant 0 : i32
    %dma_wait3A_472 = arith.constant 0 : i32
    %dma_wait3A_473 = tpu.memref_slice %dma_wait3A_470[%dma_wait3A_471, %dma_wait3A_472] : memref<128x128xi32, #tpu.memory_space<vmem>> -> memref<64x128xi32, #tpu.memory_space<vmem>>
    %dma_wait3A_474 = arith.constant 320 : i32
    %dma_wait3A_475 = tpu.memref_slice %arg5[%dma_wait3A_474] : memref<1024xi32, #tpu.memory_space<vmem>> -> memref<64xi32, #tpu.memory_space<vmem>>
    %dma_wait3A_476 = arith.constant 0 : i32
    %dma_wait3A_477 = arith.constant 0 : i32
    %dma_wait3A_478 = tpu.memref_slice %arg3[%dma_wait3A_476, %dma_wait3A_477] : memref<100000x128xi32, #tpu.memory_space<hbm>> -> memref<100000x128xi32, #tpu.memory_space<hbm>>
    tpu.wait_indirect_dma semaphore(%arg10 : memref<!tpu.dma_semaphore, #tpu.memory_space<semaphore_mem>>) src(%dma_wait3A_478 : memref<100000x128xi32, #tpu.memory_space<hbm>>) dst(%dma_wait3A_473 : memref<64x128xi32, #tpu.memory_space<vmem>>)
    %dma_wait3A_479 = arith.constant 1 : i32
    %dma_wait3A_480 = arith.constant 0 : i32
    %dma_wait3A_481 = arith.constant 0 : i32
    %dma_wait3A_482 = tpu.memref_slice %arg6[%dma_wait3A_479, %dma_wait3A_480, %dma_wait3A_481] : memref<2x128x128xi32, #tpu.memory_space<vmem>> -> memref<1x128x128xi32, #tpu.memory_space<vmem>>
    %dma_wait3A_483 = tpu.memref_squeeze %dma_wait3A_482 : memref<1x128x128xi32, #tpu.memory_space<vmem>> -> memref<128x128xi32, #tpu.memory_space<vmem>>
    %dma_wait3A_484 = arith.constant 64 : i32
    %dma_wait3A_485 = arith.constant 0 : i32
    %dma_wait3A_486 = tpu.memref_slice %dma_wait3A_483[%dma_wait3A_484, %dma_wait3A_485] : memref<128x128xi32, #tpu.memory_space<vmem>> -> memref<64x128xi32, #tpu.memory_space<vmem>>
    %dma_wait3A_487 = arith.constant 832 : i32
    %dma_wait3A_488 = tpu.memref_slice %arg5[%dma_wait3A_487] : memref<1024xi32, #tpu.memory_space<vmem>> -> memref<64xi32, #tpu.memory_space<vmem>>
    %dma_wait3A_489 = arith.constant 0 : i32
    %dma_wait3A_490 = arith.constant 0 : i32
    %dma_wait3A_491 = tpu.memref_slice %arg3[%dma_wait3A_489, %dma_wait3A_490] : memref<100000x128xi32, #tpu.memory_space<hbm>> -> memref<100000x128xi32, #tpu.memory_space<hbm>>
    tpu.wait_indirect_dma semaphore(%arg11 : memref<!tpu.dma_semaphore, #tpu.memory_space<semaphore_mem>>) src(%dma_wait3A_491 : memref<100000x128xi32, #tpu.memory_space<hbm>>) dst(%dma_wait3A_486 : memref<64x128xi32, #tpu.memory_space<vmem>>)
    %dma_wait3A_492 = arith.constant 1 : i32
    %dma_wait3A_493 = arith.constant 0 : i32
    %dma_wait3A_494 = arith.constant 0 : i32
    %dma_wait3A_495 = tpu.memref_slice %arg7[%dma_wait3A_492, %dma_wait3A_493, %dma_wait3A_494] : memref<2x64x128xi32, #tpu.memory_space<vmem>> -> memref<1x64x128xi32, #tpu.memory_space<vmem>>
    %dma_wait3A_496 = tpu.memref_squeeze %dma_wait3A_495 : memref<1x64x128xi32, #tpu.memory_space<vmem>> -> memref<64x128xi32, #tpu.memory_space<vmem>>
    %dma_wait3A_497 = arith.constant 0 : i32
    %dma_wait3A_498 = tpu.memref_slice %arg4[%add3A_338, %dma_wait3A_497] : memref<16384x128xi32, #tpu.memory_space<hbm>> -> memref<64x128xi32, #tpu.memory_space<hbm>>
    %dma_wait3A_499 = arith.constant 0 : i32
    %dma_wait3A_500 = tpu.memref_slice %arg4[%add3A_338, %dma_wait3A_499] : memref<16384x128xi32, #tpu.memory_space<hbm>> -> memref<64x128xi32, #tpu.memory_space<hbm>>
    %dma_wait3A_501 = arith.constant 0 : i32
    %dma_wait3A_502 = arith.constant 0 : i32
    %dma_wait3A_503 = tpu.memref_slice %arg7[%dma_wait3A_492, %dma_wait3A_501, %dma_wait3A_502] : memref<2x64x128xi32, #tpu.memory_space<vmem>> -> memref<1x64x128xi32, #tpu.memory_space<vmem>>
    %dma_wait3A_504 = tpu.memref_squeeze %dma_wait3A_503 : memref<1x64x128xi32, #tpu.memory_space<vmem>> -> memref<64x128xi32, #tpu.memory_space<vmem>>
    tpu.wait_dma2 semaphore(%arg13 : memref<!tpu.dma_semaphore, #tpu.memory_space<semaphore_mem>>) src(%dma_wait3A_504 : memref<64x128xi32, #tpu.memory_space<vmem>>) dst(%dma_wait3A_500 : memref<64x128xi32, #tpu.memory_space<hbm>>)
    %scan3A_505 = arith.constant 0 : i32
    %scan3A_506 = arith.constant 1 : i32
    %scan3A_507 = arith.constant 1 : i32
    %scan3A_508 = arith.constant 0 : i32
    %scan3A_509 = arith.constant 64 : i32
    %scan3A_510 = arith.addi %scan3A_508, %scan3A_509 : i32
    %scan3A_511 = arith.constant 1 : i32
    scf.for %scan3A_704 = %scan3A_508 to %scan3A_510 step %scan3A_511  : i32 {
      %get3A = arith.constant 0 : i32
      %get3A_705 = arith.constant 0 : i32
      %get3A_706 = tpu.memref_slice %arg6[%scan3A_506, %get3A, %get3A_705] : memref<2x128x128xi32, #tpu.memory_space<vmem>> -> memref<1x128x128xi32, #tpu.memory_space<vmem>>
      %get3A_707 = tpu.memref_squeeze %get3A_706 : memref<1x128x128xi32, #tpu.memory_space<vmem>> -> memref<128x128xi32, #tpu.memory_space<vmem>>
      %get3A_708 = arith.index_cast %scan3A_704 : i32 to index
      %get3A_709 = arith.constant 0 : index
      %get3A_710 = tpu.vector_load %get3A_707[%get3A_708, %get3A_709] {strides = array<i32>} : memref<128x128xi32, #tpu.memory_space<vmem>>, vector<1x16xi32>,
      %get3A_711 = vector.shape_cast %get3A_710 : vector<1x16xi32> to vector<16xi32>
      %add3A_712 = arith.constant 32768 : i32
      %add3A_713 = vector.broadcast %add3A_712 : i32 to vector<16xi32>
      %add3A_714 = arith.addi %get3A_711, %add3A_713 : vector<16xi32>
      %add3A_715 = arith.constant 64 : i32
      %add3A_716 = arith.addi %add3A_715, %scan3A_704 : i32
      %get3A_717 = arith.constant 0 : i32
      %get3A_718 = arith.constant 0 : i32
      %get3A_719 = tpu.memref_slice %arg6[%scan3A_506, %get3A_717, %get3A_718] : memref<2x128x128xi32, #tpu.memory_space<vmem>> -> memref<1x128x128xi32, #tpu.memory_space<vmem>>
      %get3A_720 = tpu.memref_squeeze %get3A_719 : memref<1x128x128xi32, #tpu.memory_space<vmem>> -> memref<128x128xi32, #tpu.memory_space<vmem>>
      %get3A_721 = arith.index_cast %add3A_716 : i32 to index
      %get3A_722 = arith.constant 0 : index
      %get3A_723 = tpu.vector_load %get3A_720[%get3A_721, %get3A_722] {strides = array<i32>} : memref<128x128xi32, #tpu.memory_space<vmem>>, vector<1x16xi32>,
      %get3A_724 = vector.shape_cast %get3A_723 : vector<1x16xi32> to vector<16xi32>
      %add3A_725 = arith.constant 32768 : i32
      %add3A_726 = vector.broadcast %add3A_725 : i32 to vector<16xi32>
      %add3A_727 = arith.addi %get3A_724, %add3A_726 : vector<16xi32>
      %shift_right_logical3A = arith.constant 16 : i32
      %shift_right_logical3A_728 = vector.broadcast %shift_right_logical3A : i32 to vector<16xi32>
      %shift_right_logical3A_729 = arith.shrui %add3A_714, %shift_right_logical3A_728 : vector<16xi32>
      %and3A = arith.constant -65536 : i32
      %and3A_730 = vector.broadcast %and3A : i32 to vector<16xi32>
      %and3A_731 = arith.andi %add3A_727, %and3A_730 : vector<16xi32>
      %or3A = arith.ori %shift_right_logical3A_729, %and3A_731 : vector<16xi32>
      %swap3A = arith.constant 0 : i32
      %swap3A_732 = arith.constant 0 : i32
      %swap3A_733 = tpu.memref_slice %arg7[%scan3A_507, %swap3A, %swap3A_732] : memref<2x64x128xi32, #tpu.memory_space<vmem>> -> memref<1x64x128xi32, #tpu.memory_space<vmem>>
      %swap3A_734 = tpu.memref_squeeze %swap3A_733 : memref<1x64x128xi32, #tpu.memory_space<vmem>> -> memref<64x128xi32, #tpu.memory_space<vmem>>
      %swap3A_735 = arith.index_cast %scan3A_704 : i32 to index
      %swap3A_736 = arith.constant 0 : index
      %swap3A_737 = tpu.vector_load %swap3A_734[%swap3A_735, %swap3A_736] {strides = array<i32>} : memref<64x128xi32, #tpu.memory_space<vmem>>, vector<1x16xi32>,
      %swap3A_738 = vector.shape_cast %swap3A_737 : vector<1x16xi32> to vector<16xi32>
      %swap3A_739 = vector.shape_cast %or3A : vector<16xi32> to vector<1x16xi32>
      tpu.vector_store %swap3A_734[%swap3A_735, %swap3A_736], %swap3A_739 {strides = array<i32>} : memref<64x128xi32, #tpu.memory_space<vmem>>, vector<1x16xi32>,
      %get3A_740 = arith.constant 0 : i32
      %get3A_741 = arith.constant 0 : i32
      %get3A_742 = tpu.memref_slice %arg6[%scan3A_506, %get3A_740, %get3A_741] : memref<2x128x128xi32, #tpu.memory_space<vmem>> -> memref<1x128x128xi32, #tpu.memory_space<vmem>>
      %get3A_743 = tpu.memref_squeeze %get3A_742 : memref<1x128x128xi32, #tpu.memory_space<vmem>> -> memref<128x128xi32, #tpu.memory_space<vmem>>
      %get3A_744 = arith.index_cast %scan3A_704 : i32 to index
      %get3A_745 = arith.constant 16 : index
      %get3A_746 = tpu.vector_load %get3A_743[%get3A_744, %get3A_745] {strides = array<i32>} : memref<128x128xi32, #tpu.memory_space<vmem>>, vector<1x16xi32>,
      %get3A_747 = vector.shape_cast %get3A_746 : vector<1x16xi32> to vector<16xi32>
      %add3A_748 = arith.constant 32768 : i32
      %add3A_749 = vector.broadcast %add3A_748 : i32 to vector<16xi32>
      %add3A_750 = arith.addi %get3A_747, %add3A_749 : vector<16xi32>
      %add3A_751 = arith.constant 64 : i32
      %add3A_752 = arith.addi %add3A_751, %scan3A_704 : i32
      %get3A_753 = arith.constant 0 : i32
      %get3A_754 = arith.constant 0 : i32
      %get3A_755 = tpu.memref_slice %arg6[%scan3A_506, %get3A_753, %get3A_754] : memref<2x128x128xi32, #tpu.memory_space<vmem>> -> memref<1x128x128xi32, #tpu.memory_space<vmem>>
      %get3A_756 = tpu.memref_squeeze %get3A_755 : memref<1x128x128xi32, #tpu.memory_space<vmem>> -> memref<128x128xi32, #tpu.memory_space<vmem>>
      %get3A_757 = arith.index_cast %add3A_752 : i32 to index
      %get3A_758 = arith.constant 16 : index
      %get3A_759 = tpu.vector_load %get3A_756[%get3A_757, %get3A_758] {strides = array<i32>} : memref<128x128xi32, #tpu.memory_space<vmem>>, vector<1x16xi32>,
      %get3A_760 = vector.shape_cast %get3A_759 : vector<1x16xi32> to vector<16xi32>
      %add3A_761 = arith.constant 32768 : i32
      %add3A_762 = vector.broadcast %add3A_761 : i32 to vector<16xi32>
      %add3A_763 = arith.addi %get3A_760, %add3A_762 : vector<16xi32>
      %shift_right_logical3A_764 = arith.constant 16 : i32
      %shift_right_logical3A_765 = vector.broadcast %shift_right_logical3A_764 : i32 to vector<16xi32>
      %shift_right_logical3A_766 = arith.shrui %add3A_750, %shift_right_logical3A_765 : vector<16xi32>
      %and3A_767 = arith.constant -65536 : i32
      %and3A_768 = vector.broadcast %and3A_767 : i32 to vector<16xi32>
      %and3A_769 = arith.andi %add3A_763, %and3A_768 : vector<16xi32>
      %or3A_770 = arith.ori %shift_right_logical3A_766, %and3A_769 : vector<16xi32>
      %swap3A_771 = arith.constant 0 : i32
      %swap3A_772 = arith.constant 0 : i32
      %swap3A_773 = tpu.memref_slice %arg7[%scan3A_507, %swap3A_771, %swap3A_772] : memref<2x64x128xi32, #tpu.memory_space<vmem>> -> memref<1x64x128xi32, #tpu.memory_space<vmem>>
      %swap3A_774 = tpu.memref_squeeze %swap3A_773 : memref<1x64x128xi32, #tpu.memory_space<vmem>> -> memref<64x128xi32, #tpu.memory_space<vmem>>
      %swap3A_775 = arith.index_cast %scan3A_704 : i32 to index
      %swap3A_776 = arith.constant 16 : index
      %swap3A_777 = tpu.vector_load %swap3A_774[%swap3A_775, %swap3A_776] {strides = array<i32>} : memref<64x128xi32, #tpu.memory_space<vmem>>, vector<1x16xi32>,
      %swap3A_778 = vector.shape_cast %swap3A_777 : vector<1x16xi32> to vector<16xi32>
      %swap3A_779 = vector.shape_cast %or3A_770 : vector<16xi32> to vector<1x16xi32>
      tpu.vector_store %swap3A_774[%swap3A_775, %swap3A_776], %swap3A_779 {strides = array<i32>} : memref<64x128xi32, #tpu.memory_space<vmem>>, vector<1x16xi32>,
      %get3A_780 = arith.constant 0 : i32
      %get3A_781 = arith.constant 0 : i32
      %get3A_782 = tpu.memref_slice %arg6[%scan3A_506, %get3A_780, %get3A_781] : memref<2x128x128xi32, #tpu.memory_space<vmem>> -> memref<1x128x128xi32, #tpu.memory_space<vmem>>
      %get3A_783 = tpu.memref_squeeze %get3A_782 : memref<1x128x128xi32, #tpu.memory_space<vmem>> -> memref<128x128xi32, #tpu.memory_space<vmem>>
      %get3A_784 = arith.index_cast %scan3A_704 : i32 to index
      %get3A_785 = arith.constant 32 : index
      %get3A_786 = tpu.vector_load %get3A_783[%get3A_784, %get3A_785] {strides = array<i32>} : memref<128x128xi32, #tpu.memory_space<vmem>>, vector<1x16xi32>,
      %get3A_787 = vector.shape_cast %get3A_786 : vector<1x16xi32> to vector<16xi32>
      %add3A_788 = arith.constant 32768 : i32
      %add3A_789 = vector.broadcast %add3A_788 : i32 to vector<16xi32>
      %add3A_790 = arith.addi %get3A_787, %add3A_789 : vector<16xi32>
      %add3A_791 = arith.constant 64 : i32
      %add3A_792 = arith.addi %add3A_791, %scan3A_704 : i32
      %get3A_793 = arith.constant 0 : i32
      %get3A_794 = arith.constant 0 : i32
      %get3A_795 = tpu.memref_slice %arg6[%scan3A_506, %get3A_793, %get3A_794] : memref<2x128x128xi32, #tpu.memory_space<vmem>> -> memref<1x128x128xi32, #tpu.memory_space<vmem>>
      %get3A_796 = tpu.memref_squeeze %get3A_795 : memref<1x128x128xi32, #tpu.memory_space<vmem>> -> memref<128x128xi32, #tpu.memory_space<vmem>>
      %get3A_797 = arith.index_cast %add3A_792 : i32 to index
      %get3A_798 = arith.constant 32 : index
      %get3A_799 = tpu.vector_load %get3A_796[%get3A_797, %get3A_798] {strides = array<i32>} : memref<128x128xi32, #tpu.memory_space<vmem>>, vector<1x16xi32>,
      %get3A_800 = vector.shape_cast %get3A_799 : vector<1x16xi32> to vector<16xi32>
      %add3A_801 = arith.constant 32768 : i32
      %add3A_802 = vector.broadcast %add3A_801 : i32 to vector<16xi32>
      %add3A_803 = arith.addi %get3A_800, %add3A_802 : vector<16xi32>
      %shift_right_logical3A_804 = arith.constant 16 : i32
      %shift_right_logical3A_805 = vector.broadcast %shift_right_logical3A_804 : i32 to vector<16xi32>
      %shift_right_logical3A_806 = arith.shrui %add3A_790, %shift_right_logical3A_805 : vector<16xi32>
      %and3A_807 = arith.constant -65536 : i32
      %and3A_808 = vector.broadcast %and3A_807 : i32 to vector<16xi32>
      %and3A_809 = arith.andi %add3A_803, %and3A_808 : vector<16xi32>
      %or3A_810 = arith.ori %shift_right_logical3A_806, %and3A_809 : vector<16xi32>
      %swap3A_811 = arith.constant 0 : i32
      %swap3A_812 = arith.constant 0 : i32
      %swap3A_813 = tpu.memref_slice %arg7[%scan3A_507, %swap3A_811, %swap3A_812] : memref<2x64x128xi32, #tpu.memory_space<vmem>> -> memref<1x64x128xi32, #tpu.memory_space<vmem>>
      %swap3A_814 = tpu.memref_squeeze %swap3A_813 : memref<1x64x128xi32, #tpu.memory_space<vmem>> -> memref<64x128xi32, #tpu.memory_space<vmem>>
      %swap3A_815 = arith.index_cast %scan3A_704 : i32 to index
      %swap3A_816 = arith.constant 32 : index
      %swap3A_817 = tpu.vector_load %swap3A_814[%swap3A_815, %swap3A_816] {strides = array<i32>} : memref<64x128xi32, #tpu.memory_space<vmem>>, vector<1x16xi32>,
      %swap3A_818 = vector.shape_cast %swap3A_817 : vector<1x16xi32> to vector<16xi32>
      %swap3A_819 = vector.shape_cast %or3A_810 : vector<16xi32> to vector<1x16xi32>
      tpu.vector_store %swap3A_814[%swap3A_815, %swap3A_816], %swap3A_819 {strides = array<i32>} : memref<64x128xi32, #tpu.memory_space<vmem>>, vector<1x16xi32>,
      %get3A_820 = arith.constant 0 : i32
      %get3A_821 = arith.constant 0 : i32
      %get3A_822 = tpu.memref_slice %arg6[%scan3A_506, %get3A_820, %get3A_821] : memref<2x128x128xi32, #tpu.memory_space<vmem>> -> memref<1x128x128xi32, #tpu.memory_space<vmem>>
      %get3A_823 = tpu.memref_squeeze %get3A_822 : memref<1x128x128xi32, #tpu.memory_space<vmem>> -> memref<128x128xi32, #tpu.memory_space<vmem>>
      %get3A_824 = arith.index_cast %scan3A_704 : i32 to index
      %get3A_825 = arith.constant 48 : index
      %get3A_826 = tpu.vector_load %get3A_823[%get3A_824, %get3A_825] {strides = array<i32>} : memref<128x128xi32, #tpu.memory_space<vmem>>, vector<1x16xi32>,
      %get3A_827 = vector.shape_cast %get3A_826 : vector<1x16xi32> to vector<16xi32>
      %add3A_828 = arith.constant 32768 : i32
      %add3A_829 = vector.broadcast %add3A_828 : i32 to vector<16xi32>
      %add3A_830 = arith.addi %get3A_827, %add3A_829 : vector<16xi32>
      %add3A_831 = arith.constant 64 : i32
      %add3A_832 = arith.addi %add3A_831, %scan3A_704 : i32
      %get3A_833 = arith.constant 0 : i32
      %get3A_834 = arith.constant 0 : i32
      %get3A_835 = tpu.memref_slice %arg6[%scan3A_506, %get3A_833, %get3A_834] : memref<2x128x128xi32, #tpu.memory_space<vmem>> -> memref<1x128x128xi32, #tpu.memory_space<vmem>>
      %get3A_836 = tpu.memref_squeeze %get3A_835 : memref<1x128x128xi32, #tpu.memory_space<vmem>> -> memref<128x128xi32, #tpu.memory_space<vmem>>
      %get3A_837 = arith.index_cast %add3A_832 : i32 to index
      %get3A_838 = arith.constant 48 : index
      %get3A_839 = tpu.vector_load %get3A_836[%get3A_837, %get3A_838] {strides = array<i32>} : memref<128x128xi32, #tpu.memory_space<vmem>>, vector<1x16xi32>,
      %get3A_840 = vector.shape_cast %get3A_839 : vector<1x16xi32> to vector<16xi32>
      %add3A_841 = arith.constant 32768 : i32
      %add3A_842 = vector.broadcast %add3A_841 : i32 to vector<16xi32>
      %add3A_843 = arith.addi %get3A_840, %add3A_842 : vector<16xi32>
      %shift_right_logical3A_844 = arith.constant 16 : i32
      %shift_right_logical3A_845 = vector.broadcast %shift_right_logical3A_844 : i32 to vector<16xi32>
      %shift_right_logical3A_846 = arith.shrui %add3A_830, %shift_right_logical3A_845 : vector<16xi32>
      %and3A_847 = arith.constant -65536 : i32
      %and3A_848 = vector.broadcast %and3A_847 : i32 to vector<16xi32>
      %and3A_849 = arith.andi %add3A_843, %and3A_848 : vector<16xi32>
      %or3A_850 = arith.ori %shift_right_logical3A_846, %and3A_849 : vector<16xi32>
      %swap3A_851 = arith.constant 0 : i32
      %swap3A_852 = arith.constant 0 : i32
      %swap3A_853 = tpu.memref_slice %arg7[%scan3A_507, %swap3A_851, %swap3A_852] : memref<2x64x128xi32, #tpu.memory_space<vmem>> -> memref<1x64x128xi32, #tpu.memory_space<vmem>>
      %swap3A_854 = tpu.memref_squeeze %swap3A_853 : memref<1x64x128xi32, #tpu.memory_space<vmem>> -> memref<64x128xi32, #tpu.memory_space<vmem>>
      %swap3A_855 = arith.index_cast %scan3A_704 : i32 to index
      %swap3A_856 = arith.constant 48 : index
      %swap3A_857 = tpu.vector_load %swap3A_854[%swap3A_855, %swap3A_856] {strides = array<i32>} : memref<64x128xi32, #tpu.memory_space<vmem>>, vector<1x16xi32>,
      %swap3A_858 = vector.shape_cast %swap3A_857 : vector<1x16xi32> to vector<16xi32>
      %swap3A_859 = vector.shape_cast %or3A_850 : vector<16xi32> to vector<1x16xi32>
      tpu.vector_store %swap3A_854[%swap3A_855, %swap3A_856], %swap3A_859 {strides = array<i32>} : memref<64x128xi32, #tpu.memory_space<vmem>>, vector<1x16xi32>,
      %get3A_860 = arith.constant 0 : i32
      %get3A_861 = arith.constant 0 : i32
      %get3A_862 = tpu.memref_slice %arg6[%scan3A_506, %get3A_860, %get3A_861] : memref<2x128x128xi32, #tpu.memory_space<vmem>> -> memref<1x128x128xi32, #tpu.memory_space<vmem>>
      %get3A_863 = tpu.memref_squeeze %get3A_862 : memref<1x128x128xi32, #tpu.memory_space<vmem>> -> memref<128x128xi32, #tpu.memory_space<vmem>>
      %get3A_864 = arith.index_cast %scan3A_704 : i32 to index
      %get3A_865 = arith.constant 64 : index
      %get3A_866 = tpu.vector_load %get3A_863[%get3A_864, %get3A_865] {strides = array<i32>} : memref<128x128xi32, #tpu.memory_space<vmem>>, vector<1x16xi32>,
      %get3A_867 = vector.shape_cast %get3A_866 : vector<1x16xi32> to vector<16xi32>
      %add3A_868 = arith.constant 32768 : i32
      %add3A_869 = vector.broadcast %add3A_868 : i32 to vector<16xi32>
      %add3A_870 = arith.addi %get3A_867, %add3A_869 : vector<16xi32>
      %add3A_871 = arith.constant 64 : i32
      %add3A_872 = arith.addi %add3A_871, %scan3A_704 : i32
      %get3A_873 = arith.constant 0 : i32
      %get3A_874 = arith.constant 0 : i32
      %get3A_875 = tpu.memref_slice %arg6[%scan3A_506, %get3A_873, %get3A_874] : memref<2x128x128xi32, #tpu.memory_space<vmem>> -> memref<1x128x128xi32, #tpu.memory_space<vmem>>
      %get3A_876 = tpu.memref_squeeze %get3A_875 : memref<1x128x128xi32, #tpu.memory_space<vmem>> -> memref<128x128xi32, #tpu.memory_space<vmem>>
      %get3A_877 = arith.index_cast %add3A_872 : i32 to index
      %get3A_878 = arith.constant 64 : index
      %get3A_879 = tpu.vector_load %get3A_876[%get3A_877, %get3A_878] {strides = array<i32>} : memref<128x128xi32, #tpu.memory_space<vmem>>, vector<1x16xi32>,
      %get3A_880 = vector.shape_cast %get3A_879 : vector<1x16xi32> to vector<16xi32>
      %add3A_881 = arith.constant 32768 : i32
      %add3A_882 = vector.broadcast %add3A_881 : i32 to vector<16xi32>
      %add3A_883 = arith.addi %get3A_880, %add3A_882 : vector<16xi32>
      %shift_right_logical3A_884 = arith.constant 16 : i32
      %shift_right_logical3A_885 = vector.broadcast %shift_right_logical3A_884 : i32 to vector<16xi32>
      %shift_right_logical3A_886 = arith.shrui %add3A_870, %shift_right_logical3A_885 : vector<16xi32>
      %and3A_887 = arith.constant -65536 : i32
      %and3A_888 = vector.broadcast %and3A_887 : i32 to vector<16xi32>
      %and3A_889 = arith.andi %add3A_883, %and3A_888 : vector<16xi32>
      %or3A_890 = arith.ori %shift_right_logical3A_886, %and3A_889 : vector<16xi32>
      %swap3A_891 = arith.constant 0 : i32
      %swap3A_892 = arith.constant 0 : i32
      %swap3A_893 = tpu.memref_slice %arg7[%scan3A_507, %swap3A_891, %swap3A_892] : memref<2x64x128xi32, #tpu.memory_space<vmem>> -> memref<1x64x128xi32, #tpu.memory_space<vmem>>
      %swap3A_894 = tpu.memref_squeeze %swap3A_893 : memref<1x64x128xi32, #tpu.memory_space<vmem>> -> memref<64x128xi32, #tpu.memory_space<vmem>>
      %swap3A_895 = arith.index_cast %scan3A_704 : i32 to index
      %swap3A_896 = arith.constant 64 : index
      %swap3A_897 = tpu.vector_load %swap3A_894[%swap3A_895, %swap3A_896] {strides = array<i32>} : memref<64x128xi32, #tpu.memory_space<vmem>>, vector<1x16xi32>,
      %swap3A_898 = vector.shape_cast %swap3A_897 : vector<1x16xi32> to vector<16xi32>
      %swap3A_899 = vector.shape_cast %or3A_890 : vector<16xi32> to vector<1x16xi32>
      tpu.vector_store %swap3A_894[%swap3A_895, %swap3A_896], %swap3A_899 {strides = array<i32>} : memref<64x128xi32, #tpu.memory_space<vmem>>, vector<1x16xi32>,
      %get3A_900 = arith.constant 0 : i32
      %get3A_901 = arith.constant 0 : i32
      %get3A_902 = tpu.memref_slice %arg6[%scan3A_506, %get3A_900, %get3A_901] : memref<2x128x128xi32, #tpu.memory_space<vmem>> -> memref<1x128x128xi32, #tpu.memory_space<vmem>>
      %get3A_903 = tpu.memref_squeeze %get3A_902 : memref<1x128x128xi32, #tpu.memory_space<vmem>> -> memref<128x128xi32, #tpu.memory_space<vmem>>
      %get3A_904 = arith.index_cast %scan3A_704 : i32 to index
      %get3A_905 = arith.constant 80 : index
      %get3A_906 = tpu.vector_load %get3A_903[%get3A_904, %get3A_905] {strides = array<i32>} : memref<128x128xi32, #tpu.memory_space<vmem>>, vector<1x16xi32>,
      %get3A_907 = vector.shape_cast %get3A_906 : vector<1x16xi32> to vector<16xi32>
      %add3A_908 = arith.constant 32768 : i32
      %add3A_909 = vector.broadcast %add3A_908 : i32 to vector<16xi32>
      %add3A_910 = arith.addi %get3A_907, %add3A_909 : vector<16xi32>
      %add3A_911 = arith.constant 64 : i32
      %add3A_912 = arith.addi %add3A_911, %scan3A_704 : i32
      %get3A_913 = arith.constant 0 : i32
      %get3A_914 = arith.constant 0 : i32
      %get3A_915 = tpu.memref_slice %arg6[%scan3A_506, %get3A_913, %get3A_914] : memref<2x128x128xi32, #tpu.memory_space<vmem>> -> memref<1x128x128xi32, #tpu.memory_space<vmem>>
      %get3A_916 = tpu.memref_squeeze %get3A_915 : memref<1x128x128xi32, #tpu.memory_space<vmem>> -> memref<128x128xi32, #tpu.memory_space<vmem>>
      %get3A_917 = arith.index_cast %add3A_912 : i32 to index
      %get3A_918 = arith.constant 80 : index
      %get3A_919 = tpu.vector_load %get3A_916[%get3A_917, %get3A_918] {strides = array<i32>} : memref<128x128xi32, #tpu.memory_space<vmem>>, vector<1x16xi32>,
      %get3A_920 = vector.shape_cast %get3A_919 : vector<1x16xi32> to vector<16xi32>
      %add3A_921 = arith.constant 32768 : i32
      %add3A_922 = vector.broadcast %add3A_921 : i32 to vector<16xi32>
      %add3A_923 = arith.addi %get3A_920, %add3A_922 : vector<16xi32>
      %shift_right_logical3A_924 = arith.constant 16 : i32
      %shift_right_logical3A_925 = vector.broadcast %shift_right_logical3A_924 : i32 to vector<16xi32>
      %shift_right_logical3A_926 = arith.shrui %add3A_910, %shift_right_logical3A_925 : vector<16xi32>
      %and3A_927 = arith.constant -65536 : i32
      %and3A_928 = vector.broadcast %and3A_927 : i32 to vector<16xi32>
      %and3A_929 = arith.andi %add3A_923, %and3A_928 : vector<16xi32>
      %or3A_930 = arith.ori %shift_right_logical3A_926, %and3A_929 : vector<16xi32>
      %swap3A_931 = arith.constant 0 : i32
      %swap3A_932 = arith.constant 0 : i32
      %swap3A_933 = tpu.memref_slice %arg7[%scan3A_507, %swap3A_931, %swap3A_932] : memref<2x64x128xi32, #tpu.memory_space<vmem>> -> memref<1x64x128xi32, #tpu.memory_space<vmem>>
      %swap3A_934 = tpu.memref_squeeze %swap3A_933 : memref<1x64x128xi32, #tpu.memory_space<vmem>> -> memref<64x128xi32, #tpu.memory_space<vmem>>
      %swap3A_935 = arith.index_cast %scan3A_704 : i32 to index
      %swap3A_936 = arith.constant 80 : index
      %swap3A_937 = tpu.vector_load %swap3A_934[%swap3A_935, %swap3A_936] {strides = array<i32>} : memref<64x128xi32, #tpu.memory_space<vmem>>, vector<1x16xi32>,
      %swap3A_938 = vector.shape_cast %swap3A_937 : vector<1x16xi32> to vector<16xi32>
      %swap3A_939 = vector.shape_cast %or3A_930 : vector<16xi32> to vector<1x16xi32>
      tpu.vector_store %swap3A_934[%swap3A_935, %swap3A_936], %swap3A_939 {strides = array<i32>} : memref<64x128xi32, #tpu.memory_space<vmem>>, vector<1x16xi32>,
      %get3A_940 = arith.constant 0 : i32
      %get3A_941 = arith.constant 0 : i32
      %get3A_942 = tpu.memref_slice %arg6[%scan3A_506, %get3A_940, %get3A_941] : memref<2x128x128xi32, #tpu.memory_space<vmem>> -> memref<1x128x128xi32, #tpu.memory_space<vmem>>
      %get3A_943 = tpu.memref_squeeze %get3A_942 : memref<1x128x128xi32, #tpu.memory_space<vmem>> -> memref<128x128xi32, #tpu.memory_space<vmem>>
      %get3A_944 = arith.index_cast %scan3A_704 : i32 to index
      %get3A_945 = arith.constant 96 : index
      %get3A_946 = tpu.vector_load %get3A_943[%get3A_944, %get3A_945] {strides = array<i32>} : memref<128x128xi32, #tpu.memory_space<vmem>>, vector<1x16xi32>,
      %get3A_947 = vector.shape_cast %get3A_946 : vector<1x16xi32> to vector<16xi32>
      %add3A_948 = arith.constant 32768 : i32
      %add3A_949 = vector.broadcast %add3A_948 : i32 to vector<16xi32>
      %add3A_950 = arith.addi %get3A_947, %add3A_949 : vector<16xi32>
      %add3A_951 = arith.constant 64 : i32
      %add3A_952 = arith.addi %add3A_951, %scan3A_704 : i32
      %get3A_953 = arith.constant 0 : i32
      %get3A_954 = arith.constant 0 : i32
      %get3A_955 = tpu.memref_slice %arg6[%scan3A_506, %get3A_953, %get3A_954] : memref<2x128x128xi32, #tpu.memory_space<vmem>> -> memref<1x128x128xi32, #tpu.memory_space<vmem>>
      %get3A_956 = tpu.memref_squeeze %get3A_955 : memref<1x128x128xi32, #tpu.memory_space<vmem>> -> memref<128x128xi32, #tpu.memory_space<vmem>>
      %get3A_957 = arith.index_cast %add3A_952 : i32 to index
      %get3A_958 = arith.constant 96 : index
      %get3A_959 = tpu.vector_load %get3A_956[%get3A_957, %get3A_958] {strides = array<i32>} : memref<128x128xi32, #tpu.memory_space<vmem>>, vector<1x16xi32>,
      %get3A_960 = vector.shape_cast %get3A_959 : vector<1x16xi32> to vector<16xi32>
      %add3A_961 = arith.constant 32768 : i32
      %add3A_962 = vector.broadcast %add3A_961 : i32 to vector<16xi32>
      %add3A_963 = arith.addi %get3A_960, %add3A_962 : vector<16xi32>
      %shift_right_logical3A_964 = arith.constant 16 : i32
      %shift_right_logical3A_965 = vector.broadcast %shift_right_logical3A_964 : i32 to vector<16xi32>
      %shift_right_logical3A_966 = arith.shrui %add3A_950, %shift_right_logical3A_965 : vector<16xi32>
      %and3A_967 = arith.constant -65536 : i32
      %and3A_968 = vector.broadcast %and3A_967 : i32 to vector<16xi32>
      %and3A_969 = arith.andi %add3A_963, %and3A_968 : vector<16xi32>
      %or3A_970 = arith.ori %shift_right_logical3A_966, %and3A_969 : vector<16xi32>
      %swap3A_971 = arith.constant 0 : i32
      %swap3A_972 = arith.constant 0 : i32
      %swap3A_973 = tpu.memref_slice %arg7[%scan3A_507, %swap3A_971, %swap3A_972] : memref<2x64x128xi32, #tpu.memory_space<vmem>> -> memref<1x64x128xi32, #tpu.memory_space<vmem>>
      %swap3A_974 = tpu.memref_squeeze %swap3A_973 : memref<1x64x128xi32, #tpu.memory_space<vmem>> -> memref<64x128xi32, #tpu.memory_space<vmem>>
      %swap3A_975 = arith.index_cast %scan3A_704 : i32 to index
      %swap3A_976 = arith.constant 96 : index
      %swap3A_977 = tpu.vector_load %swap3A_974[%swap3A_975, %swap3A_976] {strides = array<i32>} : memref<64x128xi32, #tpu.memory_space<vmem>>, vector<1x16xi32>,
      %swap3A_978 = vector.shape_cast %swap3A_977 : vector<1x16xi32> to vector<16xi32>
      %swap3A_979 = vector.shape_cast %or3A_970 : vector<16xi32> to vector<1x16xi32>
      tpu.vector_store %swap3A_974[%swap3A_975, %swap3A_976], %swap3A_979 {strides = array<i32>} : memref<64x128xi32, #tpu.memory_space<vmem>>, vector<1x16xi32>,
      %get3A_980 = arith.constant 0 : i32
      %get3A_981 = arith.constant 0 : i32
      %get3A_982 = tpu.memref_slice %arg6[%scan3A_506, %get3A_980, %get3A_981] : memref<2x128x128xi32, #tpu.memory_space<vmem>> -> memref<1x128x128xi32, #tpu.memory_space<vmem>>
      %get3A_983 = tpu.memref_squeeze %get3A_982 : memref<1x128x128xi32, #tpu.memory_space<vmem>> -> memref<128x128xi32, #tpu.memory_space<vmem>>
      %get3A_984 = arith.index_cast %scan3A_704 : i32 to index
      %get3A_985 = arith.constant 112 : index
      %get3A_986 = tpu.vector_load %get3A_983[%get3A_984, %get3A_985] {strides = array<i32>} : memref<128x128xi32, #tpu.memory_space<vmem>>, vector<1x16xi32>,
      %get3A_987 = vector.shape_cast %get3A_986 : vector<1x16xi32> to vector<16xi32>
      %add3A_988 = arith.constant 32768 : i32
      %add3A_989 = vector.broadcast %add3A_988 : i32 to vector<16xi32>
      %add3A_990 = arith.addi %get3A_987, %add3A_989 : vector<16xi32>
      %add3A_991 = arith.constant 64 : i32
      %add3A_992 = arith.addi %add3A_991, %scan3A_704 : i32
      %get3A_993 = arith.constant 0 : i32
      %get3A_994 = arith.constant 0 : i32
      %get3A_995 = tpu.memref_slice %arg6[%scan3A_506, %get3A_993, %get3A_994] : memref<2x128x128xi32, #tpu.memory_space<vmem>> -> memref<1x128x128xi32, #tpu.memory_space<vmem>>
      %get3A_996 = tpu.memref_squeeze %get3A_995 : memref<1x128x128xi32, #tpu.memory_space<vmem>> -> memref<128x128xi32, #tpu.memory_space<vmem>>
      %get3A_997 = arith.index_cast %add3A_992 : i32 to index
      %get3A_998 = arith.constant 112 : index
      %get3A_999 = tpu.vector_load %get3A_996[%get3A_997, %get3A_998] {strides = array<i32>} : memref<128x128xi32, #tpu.memory_space<vmem>>, vector<1x16xi32>,
      %get3A_1000 = vector.shape_cast %get3A_999 : vector<1x16xi32> to vector<16xi32>
      %add3A_1001 = arith.constant 32768 : i32
      %add3A_1002 = vector.broadcast %add3A_1001 : i32 to vector<16xi32>
      %add3A_1003 = arith.addi %get3A_1000, %add3A_1002 : vector<16xi32>
      %shift_right_logical3A_1004 = arith.constant 16 : i32
      %shift_right_logical3A_1005 = vector.broadcast %shift_right_logical3A_1004 : i32 to vector<16xi32>
      %shift_right_logical3A_1006 = arith.shrui %add3A_990, %shift_right_logical3A_1005 : vector<16xi32>
      %and3A_1007 = arith.constant -65536 : i32
      %and3A_1008 = vector.broadcast %and3A_1007 : i32 to vector<16xi32>
      %and3A_1009 = arith.andi %add3A_1003, %and3A_1008 : vector<16xi32>
      %or3A_1010 = arith.ori %shift_right_logical3A_1006, %and3A_1009 : vector<16xi32>
      %swap3A_1011 = arith.constant 0 : i32
      %swap3A_1012 = arith.constant 0 : i32
      %swap3A_1013 = tpu.memref_slice %arg7[%scan3A_507, %swap3A_1011, %swap3A_1012] : memref<2x64x128xi32, #tpu.memory_space<vmem>> -> memref<1x64x128xi32, #tpu.memory_space<vmem>>
      %swap3A_1014 = tpu.memref_squeeze %swap3A_1013 : memref<1x64x128xi32, #tpu.memory_space<vmem>> -> memref<64x128xi32, #tpu.memory_space<vmem>>
      %swap3A_1015 = arith.index_cast %scan3A_704 : i32 to index
      %swap3A_1016 = arith.constant 112 : index
      %swap3A_1017 = tpu.vector_load %swap3A_1014[%swap3A_1015, %swap3A_1016] {strides = array<i32>} : memref<64x128xi32, #tpu.memory_space<vmem>>, vector<1x16xi32>,
      %swap3A_1018 = vector.shape_cast %swap3A_1017 : vector<1x16xi32> to vector<16xi32>
      %swap3A_1019 = vector.shape_cast %or3A_1010 : vector<16xi32> to vector<1x16xi32>
      tpu.vector_store %swap3A_1014[%swap3A_1015, %swap3A_1016], %swap3A_1019 {strides = array<i32>} : memref<64x128xi32, #tpu.memory_space<vmem>>, vector<1x16xi32>,
    }
    %scan3A_512 = arith.constant 64 : i32
    %add3A_513 = arith.constant 320 : i32
    %add3A_514 = arith.addi %mul3A_2, %add3A_513 : i32
    %dma_start3A_515 = arith.constant 1 : i32
    %dma_start3A_516 = arith.constant 0 : i32
    %dma_start3A_517 = arith.constant 0 : i32
    %dma_start3A_518 = tpu.memref_slice %arg7[%dma_start3A_515, %dma_start3A_516, %dma_start3A_517] : memref<2x64x128xi32, #tpu.memory_space<vmem>> -> memref<1x64x128xi32, #tpu.memory_space<vmem>>
    %dma_start3A_519 = tpu.memref_squeeze %dma_start3A_518 : memref<1x64x128xi32, #tpu.memory_space<vmem>> -> memref<64x128xi32, #tpu.memory_space<vmem>>
    %dma_start3A_520 = arith.constant 0 : i32
    %dma_start3A_521 = tpu.memref_slice %arg4[%add3A_514, %dma_start3A_520] : memref<16384x128xi32, #tpu.memory_space<hbm>> -> memref<64x128xi32, #tpu.memory_space<hbm>>
    %dma_start3A_522 = arith.constant 0 : i32
    %dma_start3A_523 = tpu.memref_slice %arg4[%add3A_514, %dma_start3A_522] : memref<16384x128xi32, #tpu.memory_space<hbm>> -> memref<64x128xi32, #tpu.memory_space<hbm>>
    %dma_start3A_524 = arith.constant 0 : i32
    %dma_start3A_525 = arith.constant 0 : i32
    %dma_start3A_526 = tpu.memref_slice %arg7[%dma_start3A_515, %dma_start3A_524, %dma_start3A_525] : memref<2x64x128xi32, #tpu.memory_space<vmem>> -> memref<1x64x128xi32, #tpu.memory_space<vmem>>
    %dma_start3A_527 = tpu.memref_squeeze %dma_start3A_526 : memref<1x64x128xi32, #tpu.memory_space<vmem>> -> memref<64x128xi32, #tpu.memory_space<vmem>>
    tpu.enqueue_dma source(%dma_start3A_527 : memref<64x128xi32, #tpu.memory_space<vmem>>) target(%dma_start3A_523 : memref<64x128xi32, #tpu.memory_space<hbm>>) target_semaphore(%arg13 : memref<!tpu.dma_semaphore, #tpu.memory_space<semaphore_mem>>)
    %dma_start3A_528 = arith.constant 1 : i32
    %dma_start3A_529 = arith.constant 0 : i32
    %dma_start3A_530 = arith.constant 0 : i32
    %dma_start3A_531 = tpu.memref_slice %arg6[%dma_start3A_528, %dma_start3A_529, %dma_start3A_530] : memref<2x128x128xi32, #tpu.memory_space<vmem>> -> memref<1x128x128xi32, #tpu.memory_space<vmem>>
    %dma_start3A_532 = tpu.memref_squeeze %dma_start3A_531 : memref<1x128x128xi32, #tpu.memory_space<vmem>> -> memref<128x128xi32, #tpu.memory_space<vmem>>
    %dma_start3A_533 = arith.constant 0 : i32
    %dma_start3A_534 = arith.constant 0 : i32
    %dma_start3A_535 = tpu.memref_slice %dma_start3A_532[%dma_start3A_533, %dma_start3A_534] : memref<128x128xi32, #tpu.memory_space<vmem>> -> memref<64x128xi32, #tpu.memory_space<vmem>>
    %dma_start3A_536 = arith.constant 448 : i32
    %dma_start3A_537 = tpu.memref_slice %arg5[%dma_start3A_536] : memref<1024xi32, #tpu.memory_space<vmem>> -> memref<64xi32, #tpu.memory_space<vmem>>
    %dma_start3A_538 = arith.constant 0 : i32
    %dma_start3A_539 = arith.constant 0 : i32
    %dma_start3A_540 = tpu.memref_slice %arg3[%dma_start3A_538, %dma_start3A_539] : memref<100000x128xi32, #tpu.memory_space<hbm>> -> memref<100000x128xi32, #tpu.memory_space<hbm>>
    tpu.enqueue_indirect_dma source(%dma_start3A_540 : memref<100000x128xi32, #tpu.memory_space<hbm>>) target(%dma_start3A_535 : memref<64x128xi32, #tpu.memory_space<vmem>>) offsets(%dma_start3A_537 : memref<64xi32, #tpu.memory_space<vmem>>) semaphore(%arg10 : memref<!tpu.dma_semaphore, #tpu.memory_space<semaphore_mem>>)
    %dma_start3A_541 = arith.constant 1 : i32
    %dma_start3A_542 = arith.constant 0 : i32
    %dma_start3A_543 = arith.constant 0 : i32
    %dma_start3A_544 = tpu.memref_slice %arg6[%dma_start3A_541, %dma_start3A_542, %dma_start3A_543] : memref<2x128x128xi32, #tpu.memory_space<vmem>> -> memref<1x128x128xi32, #tpu.memory_space<vmem>>
    %dma_start3A_545 = tpu.memref_squeeze %dma_start3A_544 : memref<1x128x128xi32, #tpu.memory_space<vmem>> -> memref<128x128xi32, #tpu.memory_space<vmem>>
    %dma_start3A_546 = arith.constant 64 : i32
    %dma_start3A_547 = arith.constant 0 : i32
    %dma_start3A_548 = tpu.memref_slice %dma_start3A_545[%dma_start3A_546, %dma_start3A_547] : memref<128x128xi32, #tpu.memory_space<vmem>> -> memref<64x128xi32, #tpu.memory_space<vmem>>
    %dma_start3A_549 = arith.constant 960 : i32
    %dma_start3A_550 = tpu.memref_slice %arg5[%dma_start3A_549] : memref<1024xi32, #tpu.memory_space<vmem>> -> memref<64xi32, #tpu.memory_space<vmem>>
    %dma_start3A_551 = arith.constant 0 : i32
    %dma_start3A_552 = arith.constant 0 : i32
    %dma_start3A_553 = tpu.memref_slice %arg3[%dma_start3A_551, %dma_start3A_552] : memref<100000x128xi32, #tpu.memory_space<hbm>> -> memref<100000x128xi32, #tpu.memory_space<hbm>>
    tpu.enqueue_indirect_dma source(%dma_start3A_553 : memref<100000x128xi32, #tpu.memory_space<hbm>>) target(%dma_start3A_548 : memref<64x128xi32, #tpu.memory_space<vmem>>) offsets(%dma_start3A_550 : memref<64xi32, #tpu.memory_space<vmem>>) semaphore(%arg11 : memref<!tpu.dma_semaphore, #tpu.memory_space<semaphore_mem>>)
    %dma_wait3A_554 = arith.constant 0 : i32
    %dma_wait3A_555 = arith.constant 0 : i32
    %dma_wait3A_556 = arith.constant 0 : i32
    %dma_wait3A_557 = tpu.memref_slice %arg6[%dma_wait3A_554, %dma_wait3A_555, %dma_wait3A_556] : memref<2x128x128xi32, #tpu.memory_space<vmem>> -> memref<1x128x128xi32, #tpu.memory_space<vmem>>
    %dma_wait3A_558 = tpu.memref_squeeze %dma_wait3A_557 : memref<1x128x128xi32, #tpu.memory_space<vmem>> -> memref<128x128xi32, #tpu.memory_space<vmem>>
    %dma_wait3A_559 = arith.constant 0 : i32
    %dma_wait3A_560 = arith.constant 0 : i32
    %dma_wait3A_561 = tpu.memref_slice %dma_wait3A_558[%dma_wait3A_559, %dma_wait3A_560] : memref<128x128xi32, #tpu.memory_space<vmem>> -> memref<64x128xi32, #tpu.memory_space<vmem>>
    %dma_wait3A_562 = arith.constant 384 : i32
    %dma_wait3A_563 = tpu.memref_slice %arg5[%dma_wait3A_562] : memref<1024xi32, #tpu.memory_space<vmem>> -> memref<64xi32, #tpu.memory_space<vmem>>
    %dma_wait3A_564 = arith.constant 0 : i32
    %dma_wait3A_565 = arith.constant 0 : i32
    %dma_wait3A_566 = tpu.memref_slice %arg3[%dma_wait3A_564, %dma_wait3A_565] : memref<100000x128xi32, #tpu.memory_space<hbm>> -> memref<100000x128xi32, #tpu.memory_space<hbm>>
    tpu.wait_indirect_dma semaphore(%arg8 : memref<!tpu.dma_semaphore, #tpu.memory_space<semaphore_mem>>) src(%dma_wait3A_566 : memref<100000x128xi32, #tpu.memory_space<hbm>>) dst(%dma_wait3A_561 : memref<64x128xi32, #tpu.memory_space<vmem>>)
    %dma_wait3A_567 = arith.constant 0 : i32
    %dma_wait3A_568 = arith.constant 0 : i32
    %dma_wait3A_569 = arith.constant 0 : i32
    %dma_wait3A_570 = tpu.memref_slice %arg6[%dma_wait3A_567, %dma_wait3A_568, %dma_wait3A_569] : memref<2x128x128xi32, #tpu.memory_space<vmem>> -> memref<1x128x128xi32, #tpu.memory_space<vmem>>
    %dma_wait3A_571 = tpu.memref_squeeze %dma_wait3A_570 : memref<1x128x128xi32, #tpu.memory_space<vmem>> -> memref<128x128xi32, #tpu.memory_space<vmem>>
    %dma_wait3A_572 = arith.constant 64 : i32
    %dma_wait3A_573 = arith.constant 0 : i32
    %dma_wait3A_574 = tpu.memref_slice %dma_wait3A_571[%dma_wait3A_572, %dma_wait3A_573] : memref<128x128xi32, #tpu.memory_space<vmem>> -> memref<64x128xi32, #tpu.memory_space<vmem>>
    %dma_wait3A_575 = arith.constant 896 : i32
    %dma_wait3A_576 = tpu.memref_slice %arg5[%dma_wait3A_575] : memref<1024xi32, #tpu.memory_space<vmem>> -> memref<64xi32, #tpu.memory_space<vmem>>
    %dma_wait3A_577 = arith.constant 0 : i32
    %dma_wait3A_578 = arith.constant 0 : i32
    %dma_wait3A_579 = tpu.memref_slice %arg3[%dma_wait3A_577, %dma_wait3A_578] : memref<100000x128xi32, #tpu.memory_space<hbm>> -> memref<100000x128xi32, #tpu.memory_space<hbm>>
    tpu.wait_indirect_dma semaphore(%arg9 : memref<!tpu.dma_semaphore, #tpu.memory_space<semaphore_mem>>) src(%dma_wait3A_579 : memref<100000x128xi32, #tpu.memory_space<hbm>>) dst(%dma_wait3A_574 : memref<64x128xi32, #tpu.memory_space<vmem>>)
    %dma_wait3A_580 = arith.constant 0 : i32
    %dma_wait3A_581 = arith.constant 0 : i32
    %dma_wait3A_582 = arith.constant 0 : i32
    %dma_wait3A_583 = tpu.memref_slice %arg7[%dma_wait3A_580, %dma_wait3A_581, %dma_wait3A_582] : memref<2x64x128xi32, #tpu.memory_space<vmem>> -> memref<1x64x128xi32, #tpu.memory_space<vmem>>
    %dma_wait3A_584 = tpu.memref_squeeze %dma_wait3A_583 : memref<1x64x128xi32, #tpu.memory_space<vmem>> -> memref<64x128xi32, #tpu.memory_space<vmem>>
    %dma_wait3A_585 = arith.constant 0 : i32
    %dma_wait3A_586 = tpu.memref_slice %arg4[%add3A_426, %dma_wait3A_585] : memref<16384x128xi32, #tpu.memory_space<hbm>> -> memref<64x128xi32, #tpu.memory_space<hbm>>
    %dma_wait3A_587 = arith.constant 0 : i32
    %dma_wait3A_588 = tpu.memref_slice %arg4[%add3A_426, %dma_wait3A_587] : memref<16384x128xi32, #tpu.memory_space<hbm>> -> memref<64x128xi32, #tpu.memory_space<hbm>>
    %dma_wait3A_589 = arith.constant 0 : i32
    %dma_wait3A_590 = arith.constant 0 : i32
    %dma_wait3A_591 = tpu.memref_slice %arg7[%dma_wait3A_580, %dma_wait3A_589, %dma_wait3A_590] : memref<2x64x128xi32, #tpu.memory_space<vmem>> -> memref<1x64x128xi32, #tpu.memory_space<vmem>>
    %dma_wait3A_592 = tpu.memref_squeeze %dma_wait3A_591 : memref<1x64x128xi32, #tpu.memory_space<vmem>> -> memref<64x128xi32, #tpu.memory_space<vmem>>
    tpu.wait_dma2 semaphore(%arg12 : memref<!tpu.dma_semaphore, #tpu.memory_space<semaphore_mem>>) src(%dma_wait3A_592 : memref<64x128xi32, #tpu.memory_space<vmem>>) dst(%dma_wait3A_588 : memref<64x128xi32, #tpu.memory_space<hbm>>)
    %scan3A_593 = arith.constant 0 : i32
    %scan3A_594 = arith.constant 0 : i32
    %scan3A_595 = arith.constant 0 : i32
    %scan3A_596 = arith.constant 0 : i32
    %scan3A_597 = arith.constant 64 : i32
    %scan3A_598 = arith.addi %scan3A_596, %scan3A_597 : i32
    %scan3A_599 = arith.constant 1 : i32
    scf.for %scan3A_704 = %scan3A_596 to %scan3A_598 step %scan3A_599  : i32 {
      %get3A = arith.constant 0 : i32
      %get3A_705 = arith.constant 0 : i32
      %get3A_706 = tpu.memref_slice %arg6[%scan3A_594, %get3A, %get3A_705] : memref<2x128x128xi32, #tpu.memory_space<vmem>> -> memref<1x128x128xi32, #tpu.memory_space<vmem>>
      %get3A_707 = tpu.memref_squeeze %get3A_706 : memref<1x128x128xi32, #tpu.memory_space<vmem>> -> memref<128x128xi32, #tpu.memory_space<vmem>>
      %get3A_708 = arith.index_cast %scan3A_704 : i32 to index
      %get3A_709 = arith.constant 0 : index
      %get3A_710 = tpu.vector_load %get3A_707[%get3A_708, %get3A_709] {strides = array<i32>} : memref<128x128xi32, #tpu.memory_space<vmem>>, vector<1x16xi32>,
      %get3A_711 = vector.shape_cast %get3A_710 : vector<1x16xi32> to vector<16xi32>
      %add3A_712 = arith.constant 32768 : i32
      %add3A_713 = vector.broadcast %add3A_712 : i32 to vector<16xi32>
      %add3A_714 = arith.addi %get3A_711, %add3A_713 : vector<16xi32>
      %add3A_715 = arith.constant 64 : i32
      %add3A_716 = arith.addi %add3A_715, %scan3A_704 : i32
      %get3A_717 = arith.constant 0 : i32
      %get3A_718 = arith.constant 0 : i32
      %get3A_719 = tpu.memref_slice %arg6[%scan3A_594, %get3A_717, %get3A_718] : memref<2x128x128xi32, #tpu.memory_space<vmem>> -> memref<1x128x128xi32, #tpu.memory_space<vmem>>
      %get3A_720 = tpu.memref_squeeze %get3A_719 : memref<1x128x128xi32, #tpu.memory_space<vmem>> -> memref<128x128xi32, #tpu.memory_space<vmem>>
      %get3A_721 = arith.index_cast %add3A_716 : i32 to index
      %get3A_722 = arith.constant 0 : index
      %get3A_723 = tpu.vector_load %get3A_720[%get3A_721, %get3A_722] {strides = array<i32>} : memref<128x128xi32, #tpu.memory_space<vmem>>, vector<1x16xi32>,
      %get3A_724 = vector.shape_cast %get3A_723 : vector<1x16xi32> to vector<16xi32>
      %add3A_725 = arith.constant 32768 : i32
      %add3A_726 = vector.broadcast %add3A_725 : i32 to vector<16xi32>
      %add3A_727 = arith.addi %get3A_724, %add3A_726 : vector<16xi32>
      %shift_right_logical3A = arith.constant 16 : i32
      %shift_right_logical3A_728 = vector.broadcast %shift_right_logical3A : i32 to vector<16xi32>
      %shift_right_logical3A_729 = arith.shrui %add3A_714, %shift_right_logical3A_728 : vector<16xi32>
      %and3A = arith.constant -65536 : i32
      %and3A_730 = vector.broadcast %and3A : i32 to vector<16xi32>
      %and3A_731 = arith.andi %add3A_727, %and3A_730 : vector<16xi32>
      %or3A = arith.ori %shift_right_logical3A_729, %and3A_731 : vector<16xi32>
      %swap3A = arith.constant 0 : i32
      %swap3A_732 = arith.constant 0 : i32
      %swap3A_733 = tpu.memref_slice %arg7[%scan3A_595, %swap3A, %swap3A_732] : memref<2x64x128xi32, #tpu.memory_space<vmem>> -> memref<1x64x128xi32, #tpu.memory_space<vmem>>
      %swap3A_734 = tpu.memref_squeeze %swap3A_733 : memref<1x64x128xi32, #tpu.memory_space<vmem>> -> memref<64x128xi32, #tpu.memory_space<vmem>>
      %swap3A_735 = arith.index_cast %scan3A_704 : i32 to index
      %swap3A_736 = arith.constant 0 : index
      %swap3A_737 = tpu.vector_load %swap3A_734[%swap3A_735, %swap3A_736] {strides = array<i32>} : memref<64x128xi32, #tpu.memory_space<vmem>>, vector<1x16xi32>,
      %swap3A_738 = vector.shape_cast %swap3A_737 : vector<1x16xi32> to vector<16xi32>
      %swap3A_739 = vector.shape_cast %or3A : vector<16xi32> to vector<1x16xi32>
      tpu.vector_store %swap3A_734[%swap3A_735, %swap3A_736], %swap3A_739 {strides = array<i32>} : memref<64x128xi32, #tpu.memory_space<vmem>>, vector<1x16xi32>,
      %get3A_740 = arith.constant 0 : i32
      %get3A_741 = arith.constant 0 : i32
      %get3A_742 = tpu.memref_slice %arg6[%scan3A_594, %get3A_740, %get3A_741] : memref<2x128x128xi32, #tpu.memory_space<vmem>> -> memref<1x128x128xi32, #tpu.memory_space<vmem>>
      %get3A_743 = tpu.memref_squeeze %get3A_742 : memref<1x128x128xi32, #tpu.memory_space<vmem>> -> memref<128x128xi32, #tpu.memory_space<vmem>>
      %get3A_744 = arith.index_cast %scan3A_704 : i32 to index
      %get3A_745 = arith.constant 16 : index
      %get3A_746 = tpu.vector_load %get3A_743[%get3A_744, %get3A_745] {strides = array<i32>} : memref<128x128xi32, #tpu.memory_space<vmem>>, vector<1x16xi32>,
      %get3A_747 = vector.shape_cast %get3A_746 : vector<1x16xi32> to vector<16xi32>
      %add3A_748 = arith.constant 32768 : i32
      %add3A_749 = vector.broadcast %add3A_748 : i32 to vector<16xi32>
      %add3A_750 = arith.addi %get3A_747, %add3A_749 : vector<16xi32>
      %add3A_751 = arith.constant 64 : i32
      %add3A_752 = arith.addi %add3A_751, %scan3A_704 : i32
      %get3A_753 = arith.constant 0 : i32
      %get3A_754 = arith.constant 0 : i32
      %get3A_755 = tpu.memref_slice %arg6[%scan3A_594, %get3A_753, %get3A_754] : memref<2x128x128xi32, #tpu.memory_space<vmem>> -> memref<1x128x128xi32, #tpu.memory_space<vmem>>
      %get3A_756 = tpu.memref_squeeze %get3A_755 : memref<1x128x128xi32, #tpu.memory_space<vmem>> -> memref<128x128xi32, #tpu.memory_space<vmem>>
      %get3A_757 = arith.index_cast %add3A_752 : i32 to index
      %get3A_758 = arith.constant 16 : index
      %get3A_759 = tpu.vector_load %get3A_756[%get3A_757, %get3A_758] {strides = array<i32>} : memref<128x128xi32, #tpu.memory_space<vmem>>, vector<1x16xi32>,
      %get3A_760 = vector.shape_cast %get3A_759 : vector<1x16xi32> to vector<16xi32>
      %add3A_761 = arith.constant 32768 : i32
      %add3A_762 = vector.broadcast %add3A_761 : i32 to vector<16xi32>
      %add3A_763 = arith.addi %get3A_760, %add3A_762 : vector<16xi32>
      %shift_right_logical3A_764 = arith.constant 16 : i32
      %shift_right_logical3A_765 = vector.broadcast %shift_right_logical3A_764 : i32 to vector<16xi32>
      %shift_right_logical3A_766 = arith.shrui %add3A_750, %shift_right_logical3A_765 : vector<16xi32>
      %and3A_767 = arith.constant -65536 : i32
      %and3A_768 = vector.broadcast %and3A_767 : i32 to vector<16xi32>
      %and3A_769 = arith.andi %add3A_763, %and3A_768 : vector<16xi32>
      %or3A_770 = arith.ori %shift_right_logical3A_766, %and3A_769 : vector<16xi32>
      %swap3A_771 = arith.constant 0 : i32
      %swap3A_772 = arith.constant 0 : i32
      %swap3A_773 = tpu.memref_slice %arg7[%scan3A_595, %swap3A_771, %swap3A_772] : memref<2x64x128xi32, #tpu.memory_space<vmem>> -> memref<1x64x128xi32, #tpu.memory_space<vmem>>
      %swap3A_774 = tpu.memref_squeeze %swap3A_773 : memref<1x64x128xi32, #tpu.memory_space<vmem>> -> memref<64x128xi32, #tpu.memory_space<vmem>>
      %swap3A_775 = arith.index_cast %scan3A_704 : i32 to index
      %swap3A_776 = arith.constant 16 : index
      %swap3A_777 = tpu.vector_load %swap3A_774[%swap3A_775, %swap3A_776] {strides = array<i32>} : memref<64x128xi32, #tpu.memory_space<vmem>>, vector<1x16xi32>,
      %swap3A_778 = vector.shape_cast %swap3A_777 : vector<1x16xi32> to vector<16xi32>
      %swap3A_779 = vector.shape_cast %or3A_770 : vector<16xi32> to vector<1x16xi32>
      tpu.vector_store %swap3A_774[%swap3A_775, %swap3A_776], %swap3A_779 {strides = array<i32>} : memref<64x128xi32, #tpu.memory_space<vmem>>, vector<1x16xi32>,
      %get3A_780 = arith.constant 0 : i32
      %get3A_781 = arith.constant 0 : i32
      %get3A_782 = tpu.memref_slice %arg6[%scan3A_594, %get3A_780, %get3A_781] : memref<2x128x128xi32, #tpu.memory_space<vmem>> -> memref<1x128x128xi32, #tpu.memory_space<vmem>>
      %get3A_783 = tpu.memref_squeeze %get3A_782 : memref<1x128x128xi32, #tpu.memory_space<vmem>> -> memref<128x128xi32, #tpu.memory_space<vmem>>
      %get3A_784 = arith.index_cast %scan3A_704 : i32 to index
      %get3A_785 = arith.constant 32 : index
      %get3A_786 = tpu.vector_load %get3A_783[%get3A_784, %get3A_785] {strides = array<i32>} : memref<128x128xi32, #tpu.memory_space<vmem>>, vector<1x16xi32>,
      %get3A_787 = vector.shape_cast %get3A_786 : vector<1x16xi32> to vector<16xi32>
      %add3A_788 = arith.constant 32768 : i32
      %add3A_789 = vector.broadcast %add3A_788 : i32 to vector<16xi32>
      %add3A_790 = arith.addi %get3A_787, %add3A_789 : vector<16xi32>
      %add3A_791 = arith.constant 64 : i32
      %add3A_792 = arith.addi %add3A_791, %scan3A_704 : i32
      %get3A_793 = arith.constant 0 : i32
      %get3A_794 = arith.constant 0 : i32
      %get3A_795 = tpu.memref_slice %arg6[%scan3A_594, %get3A_793, %get3A_794] : memref<2x128x128xi32, #tpu.memory_space<vmem>> -> memref<1x128x128xi32, #tpu.memory_space<vmem>>
      %get3A_796 = tpu.memref_squeeze %get3A_795 : memref<1x128x128xi32, #tpu.memory_space<vmem>> -> memref<128x128xi32, #tpu.memory_space<vmem>>
      %get3A_797 = arith.index_cast %add3A_792 : i32 to index
      %get3A_798 = arith.constant 32 : index
      %get3A_799 = tpu.vector_load %get3A_796[%get3A_797, %get3A_798] {strides = array<i32>} : memref<128x128xi32, #tpu.memory_space<vmem>>, vector<1x16xi32>,
      %get3A_800 = vector.shape_cast %get3A_799 : vector<1x16xi32> to vector<16xi32>
      %add3A_801 = arith.constant 32768 : i32
      %add3A_802 = vector.broadcast %add3A_801 : i32 to vector<16xi32>
      %add3A_803 = arith.addi %get3A_800, %add3A_802 : vector<16xi32>
      %shift_right_logical3A_804 = arith.constant 16 : i32
      %shift_right_logical3A_805 = vector.broadcast %shift_right_logical3A_804 : i32 to vector<16xi32>
      %shift_right_logical3A_806 = arith.shrui %add3A_790, %shift_right_logical3A_805 : vector<16xi32>
      %and3A_807 = arith.constant -65536 : i32
      %and3A_808 = vector.broadcast %and3A_807 : i32 to vector<16xi32>
      %and3A_809 = arith.andi %add3A_803, %and3A_808 : vector<16xi32>
      %or3A_810 = arith.ori %shift_right_logical3A_806, %and3A_809 : vector<16xi32>
      %swap3A_811 = arith.constant 0 : i32
      %swap3A_812 = arith.constant 0 : i32
      %swap3A_813 = tpu.memref_slice %arg7[%scan3A_595, %swap3A_811, %swap3A_812] : memref<2x64x128xi32, #tpu.memory_space<vmem>> -> memref<1x64x128xi32, #tpu.memory_space<vmem>>
      %swap3A_814 = tpu.memref_squeeze %swap3A_813 : memref<1x64x128xi32, #tpu.memory_space<vmem>> -> memref<64x128xi32, #tpu.memory_space<vmem>>
      %swap3A_815 = arith.index_cast %scan3A_704 : i32 to index
      %swap3A_816 = arith.constant 32 : index
      %swap3A_817 = tpu.vector_load %swap3A_814[%swap3A_815, %swap3A_816] {strides = array<i32>} : memref<64x128xi32, #tpu.memory_space<vmem>>, vector<1x16xi32>,
      %swap3A_818 = vector.shape_cast %swap3A_817 : vector<1x16xi32> to vector<16xi32>
      %swap3A_819 = vector.shape_cast %or3A_810 : vector<16xi32> to vector<1x16xi32>
      tpu.vector_store %swap3A_814[%swap3A_815, %swap3A_816], %swap3A_819 {strides = array<i32>} : memref<64x128xi32, #tpu.memory_space<vmem>>, vector<1x16xi32>,
      %get3A_820 = arith.constant 0 : i32
      %get3A_821 = arith.constant 0 : i32
      %get3A_822 = tpu.memref_slice %arg6[%scan3A_594, %get3A_820, %get3A_821] : memref<2x128x128xi32, #tpu.memory_space<vmem>> -> memref<1x128x128xi32, #tpu.memory_space<vmem>>
      %get3A_823 = tpu.memref_squeeze %get3A_822 : memref<1x128x128xi32, #tpu.memory_space<vmem>> -> memref<128x128xi32, #tpu.memory_space<vmem>>
      %get3A_824 = arith.index_cast %scan3A_704 : i32 to index
      %get3A_825 = arith.constant 48 : index
      %get3A_826 = tpu.vector_load %get3A_823[%get3A_824, %get3A_825] {strides = array<i32>} : memref<128x128xi32, #tpu.memory_space<vmem>>, vector<1x16xi32>,
      %get3A_827 = vector.shape_cast %get3A_826 : vector<1x16xi32> to vector<16xi32>
      %add3A_828 = arith.constant 32768 : i32
      %add3A_829 = vector.broadcast %add3A_828 : i32 to vector<16xi32>
      %add3A_830 = arith.addi %get3A_827, %add3A_829 : vector<16xi32>
      %add3A_831 = arith.constant 64 : i32
      %add3A_832 = arith.addi %add3A_831, %scan3A_704 : i32
      %get3A_833 = arith.constant 0 : i32
      %get3A_834 = arith.constant 0 : i32
      %get3A_835 = tpu.memref_slice %arg6[%scan3A_594, %get3A_833, %get3A_834] : memref<2x128x128xi32, #tpu.memory_space<vmem>> -> memref<1x128x128xi32, #tpu.memory_space<vmem>>
      %get3A_836 = tpu.memref_squeeze %get3A_835 : memref<1x128x128xi32, #tpu.memory_space<vmem>> -> memref<128x128xi32, #tpu.memory_space<vmem>>
      %get3A_837 = arith.index_cast %add3A_832 : i32 to index
      %get3A_838 = arith.constant 48 : index
      %get3A_839 = tpu.vector_load %get3A_836[%get3A_837, %get3A_838] {strides = array<i32>} : memref<128x128xi32, #tpu.memory_space<vmem>>, vector<1x16xi32>,
      %get3A_840 = vector.shape_cast %get3A_839 : vector<1x16xi32> to vector<16xi32>
      %add3A_841 = arith.constant 32768 : i32
      %add3A_842 = vector.broadcast %add3A_841 : i32 to vector<16xi32>
      %add3A_843 = arith.addi %get3A_840, %add3A_842 : vector<16xi32>
      %shift_right_logical3A_844 = arith.constant 16 : i32
      %shift_right_logical3A_845 = vector.broadcast %shift_right_logical3A_844 : i32 to vector<16xi32>
      %shift_right_logical3A_846 = arith.shrui %add3A_830, %shift_right_logical3A_845 : vector<16xi32>
      %and3A_847 = arith.constant -65536 : i32
      %and3A_848 = vector.broadcast %and3A_847 : i32 to vector<16xi32>
      %and3A_849 = arith.andi %add3A_843, %and3A_848 : vector<16xi32>
      %or3A_850 = arith.ori %shift_right_logical3A_846, %and3A_849 : vector<16xi32>
      %swap3A_851 = arith.constant 0 : i32
      %swap3A_852 = arith.constant 0 : i32
      %swap3A_853 = tpu.memref_slice %arg7[%scan3A_595, %swap3A_851, %swap3A_852] : memref<2x64x128xi32, #tpu.memory_space<vmem>> -> memref<1x64x128xi32, #tpu.memory_space<vmem>>
      %swap3A_854 = tpu.memref_squeeze %swap3A_853 : memref<1x64x128xi32, #tpu.memory_space<vmem>> -> memref<64x128xi32, #tpu.memory_space<vmem>>
      %swap3A_855 = arith.index_cast %scan3A_704 : i32 to index
      %swap3A_856 = arith.constant 48 : index
      %swap3A_857 = tpu.vector_load %swap3A_854[%swap3A_855, %swap3A_856] {strides = array<i32>} : memref<64x128xi32, #tpu.memory_space<vmem>>, vector<1x16xi32>,
      %swap3A_858 = vector.shape_cast %swap3A_857 : vector<1x16xi32> to vector<16xi32>
      %swap3A_859 = vector.shape_cast %or3A_850 : vector<16xi32> to vector<1x16xi32>
      tpu.vector_store %swap3A_854[%swap3A_855, %swap3A_856], %swap3A_859 {strides = array<i32>} : memref<64x128xi32, #tpu.memory_space<vmem>>, vector<1x16xi32>,
      %get3A_860 = arith.constant 0 : i32
      %get3A_861 = arith.constant 0 : i32
      %get3A_862 = tpu.memref_slice %arg6[%scan3A_594, %get3A_860, %get3A_861] : memref<2x128x128xi32, #tpu.memory_space<vmem>> -> memref<1x128x128xi32, #tpu.memory_space<vmem>>
      %get3A_863 = tpu.memref_squeeze %get3A_862 : memref<1x128x128xi32, #tpu.memory_space<vmem>> -> memref<128x128xi32, #tpu.memory_space<vmem>>
      %get3A_864 = arith.index_cast %scan3A_704 : i32 to index
      %get3A_865 = arith.constant 64 : index
      %get3A_866 = tpu.vector_load %get3A_863[%get3A_864, %get3A_865] {strides = array<i32>} : memref<128x128xi32, #tpu.memory_space<vmem>>, vector<1x16xi32>,
      %get3A_867 = vector.shape_cast %get3A_866 : vector<1x16xi32> to vector<16xi32>
      %add3A_868 = arith.constant 32768 : i32
      %add3A_869 = vector.broadcast %add3A_868 : i32 to vector<16xi32>
      %add3A_870 = arith.addi %get3A_867, %add3A_869 : vector<16xi32>
      %add3A_871 = arith.constant 64 : i32
      %add3A_872 = arith.addi %add3A_871, %scan3A_704 : i32
      %get3A_873 = arith.constant 0 : i32
      %get3A_874 = arith.constant 0 : i32
      %get3A_875 = tpu.memref_slice %arg6[%scan3A_594, %get3A_873, %get3A_874] : memref<2x128x128xi32, #tpu.memory_space<vmem>> -> memref<1x128x128xi32, #tpu.memory_space<vmem>>
      %get3A_876 = tpu.memref_squeeze %get3A_875 : memref<1x128x128xi32, #tpu.memory_space<vmem>> -> memref<128x128xi32, #tpu.memory_space<vmem>>
      %get3A_877 = arith.index_cast %add3A_872 : i32 to index
      %get3A_878 = arith.constant 64 : index
      %get3A_879 = tpu.vector_load %get3A_876[%get3A_877, %get3A_878] {strides = array<i32>} : memref<128x128xi32, #tpu.memory_space<vmem>>, vector<1x16xi32>,
      %get3A_880 = vector.shape_cast %get3A_879 : vector<1x16xi32> to vector<16xi32>
      %add3A_881 = arith.constant 32768 : i32
      %add3A_882 = vector.broadcast %add3A_881 : i32 to vector<16xi32>
      %add3A_883 = arith.addi %get3A_880, %add3A_882 : vector<16xi32>
      %shift_right_logical3A_884 = arith.constant 16 : i32
      %shift_right_logical3A_885 = vector.broadcast %shift_right_logical3A_884 : i32 to vector<16xi32>
      %shift_right_logical3A_886 = arith.shrui %add3A_870, %shift_right_logical3A_885 : vector<16xi32>
      %and3A_887 = arith.constant -65536 : i32
      %and3A_888 = vector.broadcast %and3A_887 : i32 to vector<16xi32>
      %and3A_889 = arith.andi %add3A_883, %and3A_888 : vector<16xi32>
      %or3A_890 = arith.ori %shift_right_logical3A_886, %and3A_889 : vector<16xi32>
      %swap3A_891 = arith.constant 0 : i32
      %swap3A_892 = arith.constant 0 : i32
      %swap3A_893 = tpu.memref_slice %arg7[%scan3A_595, %swap3A_891, %swap3A_892] : memref<2x64x128xi32, #tpu.memory_space<vmem>> -> memref<1x64x128xi32, #tpu.memory_space<vmem>>
      %swap3A_894 = tpu.memref_squeeze %swap3A_893 : memref<1x64x128xi32, #tpu.memory_space<vmem>> -> memref<64x128xi32, #tpu.memory_space<vmem>>
      %swap3A_895 = arith.index_cast %scan3A_704 : i32 to index
      %swap3A_896 = arith.constant 64 : index
      %swap3A_897 = tpu.vector_load %swap3A_894[%swap3A_895, %swap3A_896] {strides = array<i32>} : memref<64x128xi32, #tpu.memory_space<vmem>>, vector<1x16xi32>,
      %swap3A_898 = vector.shape_cast %swap3A_897 : vector<1x16xi32> to vector<16xi32>
      %swap3A_899 = vector.shape_cast %or3A_890 : vector<16xi32> to vector<1x16xi32>
      tpu.vector_store %swap3A_894[%swap3A_895, %swap3A_896], %swap3A_899 {strides = array<i32>} : memref<64x128xi32, #tpu.memory_space<vmem>>, vector<1x16xi32>,
      %get3A_900 = arith.constant 0 : i32
      %get3A_901 = arith.constant 0 : i32
      %get3A_902 = tpu.memref_slice %arg6[%scan3A_594, %get3A_900, %get3A_901] : memref<2x128x128xi32, #tpu.memory_space<vmem>> -> memref<1x128x128xi32, #tpu.memory_space<vmem>>
      %get3A_903 = tpu.memref_squeeze %get3A_902 : memref<1x128x128xi32, #tpu.memory_space<vmem>> -> memref<128x128xi32, #tpu.memory_space<vmem>>
      %get3A_904 = arith.index_cast %scan3A_704 : i32 to index
      %get3A_905 = arith.constant 80 : index
      %get3A_906 = tpu.vector_load %get3A_903[%get3A_904, %get3A_905] {strides = array<i32>} : memref<128x128xi32, #tpu.memory_space<vmem>>, vector<1x16xi32>,
      %get3A_907 = vector.shape_cast %get3A_906 : vector<1x16xi32> to vector<16xi32>
      %add3A_908 = arith.constant 32768 : i32
      %add3A_909 = vector.broadcast %add3A_908 : i32 to vector<16xi32>
      %add3A_910 = arith.addi %get3A_907, %add3A_909 : vector<16xi32>
      %add3A_911 = arith.constant 64 : i32
      %add3A_912 = arith.addi %add3A_911, %scan3A_704 : i32
      %get3A_913 = arith.constant 0 : i32
      %get3A_914 = arith.constant 0 : i32
      %get3A_915 = tpu.memref_slice %arg6[%scan3A_594, %get3A_913, %get3A_914] : memref<2x128x128xi32, #tpu.memory_space<vmem>> -> memref<1x128x128xi32, #tpu.memory_space<vmem>>
      %get3A_916 = tpu.memref_squeeze %get3A_915 : memref<1x128x128xi32, #tpu.memory_space<vmem>> -> memref<128x128xi32, #tpu.memory_space<vmem>>
      %get3A_917 = arith.index_cast %add3A_912 : i32 to index
      %get3A_918 = arith.constant 80 : index
      %get3A_919 = tpu.vector_load %get3A_916[%get3A_917, %get3A_918] {strides = array<i32>} : memref<128x128xi32, #tpu.memory_space<vmem>>, vector<1x16xi32>,
      %get3A_920 = vector.shape_cast %get3A_919 : vector<1x16xi32> to vector<16xi32>
      %add3A_921 = arith.constant 32768 : i32
      %add3A_922 = vector.broadcast %add3A_921 : i32 to vector<16xi32>
      %add3A_923 = arith.addi %get3A_920, %add3A_922 : vector<16xi32>
      %shift_right_logical3A_924 = arith.constant 16 : i32
      %shift_right_logical3A_925 = vector.broadcast %shift_right_logical3A_924 : i32 to vector<16xi32>
      %shift_right_logical3A_926 = arith.shrui %add3A_910, %shift_right_logical3A_925 : vector<16xi32>
      %and3A_927 = arith.constant -65536 : i32
      %and3A_928 = vector.broadcast %and3A_927 : i32 to vector<16xi32>
      %and3A_929 = arith.andi %add3A_923, %and3A_928 : vector<16xi32>
      %or3A_930 = arith.ori %shift_right_logical3A_926, %and3A_929 : vector<16xi32>
      %swap3A_931 = arith.constant 0 : i32
      %swap3A_932 = arith.constant 0 : i32
      %swap3A_933 = tpu.memref_slice %arg7[%scan3A_595, %swap3A_931, %swap3A_932] : memref<2x64x128xi32, #tpu.memory_space<vmem>> -> memref<1x64x128xi32, #tpu.memory_space<vmem>>
      %swap3A_934 = tpu.memref_squeeze %swap3A_933 : memref<1x64x128xi32, #tpu.memory_space<vmem>> -> memref<64x128xi32, #tpu.memory_space<vmem>>
      %swap3A_935 = arith.index_cast %scan3A_704 : i32 to index
      %swap3A_936 = arith.constant 80 : index
      %swap3A_937 = tpu.vector_load %swap3A_934[%swap3A_935, %swap3A_936] {strides = array<i32>} : memref<64x128xi32, #tpu.memory_space<vmem>>, vector<1x16xi32>,
      %swap3A_938 = vector.shape_cast %swap3A_937 : vector<1x16xi32> to vector<16xi32>
      %swap3A_939 = vector.shape_cast %or3A_930 : vector<16xi32> to vector<1x16xi32>
      tpu.vector_store %swap3A_934[%swap3A_935, %swap3A_936], %swap3A_939 {strides = array<i32>} : memref<64x128xi32, #tpu.memory_space<vmem>>, vector<1x16xi32>,
      %get3A_940 = arith.constant 0 : i32
      %get3A_941 = arith.constant 0 : i32
      %get3A_942 = tpu.memref_slice %arg6[%scan3A_594, %get3A_940, %get3A_941] : memref<2x128x128xi32, #tpu.memory_space<vmem>> -> memref<1x128x128xi32, #tpu.memory_space<vmem>>
      %get3A_943 = tpu.memref_squeeze %get3A_942 : memref<1x128x128xi32, #tpu.memory_space<vmem>> -> memref<128x128xi32, #tpu.memory_space<vmem>>
      %get3A_944 = arith.index_cast %scan3A_704 : i32 to index
      %get3A_945 = arith.constant 96 : index
      %get3A_946 = tpu.vector_load %get3A_943[%get3A_944, %get3A_945] {strides = array<i32>} : memref<128x128xi32, #tpu.memory_space<vmem>>, vector<1x16xi32>,
      %get3A_947 = vector.shape_cast %get3A_946 : vector<1x16xi32> to vector<16xi32>
      %add3A_948 = arith.constant 32768 : i32
      %add3A_949 = vector.broadcast %add3A_948 : i32 to vector<16xi32>
      %add3A_950 = arith.addi %get3A_947, %add3A_949 : vector<16xi32>
      %add3A_951 = arith.constant 64 : i32
      %add3A_952 = arith.addi %add3A_951, %scan3A_704 : i32
      %get3A_953 = arith.constant 0 : i32
      %get3A_954 = arith.constant 0 : i32
      %get3A_955 = tpu.memref_slice %arg6[%scan3A_594, %get3A_953, %get3A_954] : memref<2x128x128xi32, #tpu.memory_space<vmem>> -> memref<1x128x128xi32, #tpu.memory_space<vmem>>
      %get3A_956 = tpu.memref_squeeze %get3A_955 : memref<1x128x128xi32, #tpu.memory_space<vmem>> -> memref<128x128xi32, #tpu.memory_space<vmem>>
      %get3A_957 = arith.index_cast %add3A_952 : i32 to index
      %get3A_958 = arith.constant 96 : index
      %get3A_959 = tpu.vector_load %get3A_956[%get3A_957, %get3A_958] {strides = array<i32>} : memref<128x128xi32, #tpu.memory_space<vmem>>, vector<1x16xi32>,
      %get3A_960 = vector.shape_cast %get3A_959 : vector<1x16xi32> to vector<16xi32>
      %add3A_961 = arith.constant 32768 : i32
      %add3A_962 = vector.broadcast %add3A_961 : i32 to vector<16xi32>
      %add3A_963 = arith.addi %get3A_960, %add3A_962 : vector<16xi32>
      %shift_right_logical3A_964 = arith.constant 16 : i32
      %shift_right_logical3A_965 = vector.broadcast %shift_right_logical3A_964 : i32 to vector<16xi32>
      %shift_right_logical3A_966 = arith.shrui %add3A_950, %shift_right_logical3A_965 : vector<16xi32>
      %and3A_967 = arith.constant -65536 : i32
      %and3A_968 = vector.broadcast %and3A_967 : i32 to vector<16xi32>
      %and3A_969 = arith.andi %add3A_963, %and3A_968 : vector<16xi32>
      %or3A_970 = arith.ori %shift_right_logical3A_966, %and3A_969 : vector<16xi32>
      %swap3A_971 = arith.constant 0 : i32
      %swap3A_972 = arith.constant 0 : i32
      %swap3A_973 = tpu.memref_slice %arg7[%scan3A_595, %swap3A_971, %swap3A_972] : memref<2x64x128xi32, #tpu.memory_space<vmem>> -> memref<1x64x128xi32, #tpu.memory_space<vmem>>
      %swap3A_974 = tpu.memref_squeeze %swap3A_973 : memref<1x64x128xi32, #tpu.memory_space<vmem>> -> memref<64x128xi32, #tpu.memory_space<vmem>>
      %swap3A_975 = arith.index_cast %scan3A_704 : i32 to index
      %swap3A_976 = arith.constant 96 : index
      %swap3A_977 = tpu.vector_load %swap3A_974[%swap3A_975, %swap3A_976] {strides = array<i32>} : memref<64x128xi32, #tpu.memory_space<vmem>>, vector<1x16xi32>,
      %swap3A_978 = vector.shape_cast %swap3A_977 : vector<1x16xi32> to vector<16xi32>
      %swap3A_979 = vector.shape_cast %or3A_970 : vector<16xi32> to vector<1x16xi32>
      tpu.vector_store %swap3A_974[%swap3A_975, %swap3A_976], %swap3A_979 {strides = array<i32>} : memref<64x128xi32, #tpu.memory_space<vmem>>, vector<1x16xi32>,
      %get3A_980 = arith.constant 0 : i32
      %get3A_981 = arith.constant 0 : i32
      %get3A_982 = tpu.memref_slice %arg6[%scan3A_594, %get3A_980, %get3A_981] : memref<2x128x128xi32, #tpu.memory_space<vmem>> -> memref<1x128x128xi32, #tpu.memory_space<vmem>>
      %get3A_983 = tpu.memref_squeeze %get3A_982 : memref<1x128x128xi32, #tpu.memory_space<vmem>> -> memref<128x128xi32, #tpu.memory_space<vmem>>
      %get3A_984 = arith.index_cast %scan3A_704 : i32 to index
      %get3A_985 = arith.constant 112 : index
      %get3A_986 = tpu.vector_load %get3A_983[%get3A_984, %get3A_985] {strides = array<i32>} : memref<128x128xi32, #tpu.memory_space<vmem>>, vector<1x16xi32>,
      %get3A_987 = vector.shape_cast %get3A_986 : vector<1x16xi32> to vector<16xi32>
      %add3A_988 = arith.constant 32768 : i32
      %add3A_989 = vector.broadcast %add3A_988 : i32 to vector<16xi32>
      %add3A_990 = arith.addi %get3A_987, %add3A_989 : vector<16xi32>
      %add3A_991 = arith.constant 64 : i32
      %add3A_992 = arith.addi %add3A_991, %scan3A_704 : i32
      %get3A_993 = arith.constant 0 : i32
      %get3A_994 = arith.constant 0 : i32
      %get3A_995 = tpu.memref_slice %arg6[%scan3A_594, %get3A_993, %get3A_994] : memref<2x128x128xi32, #tpu.memory_space<vmem>> -> memref<1x128x128xi32, #tpu.memory_space<vmem>>
      %get3A_996 = tpu.memref_squeeze %get3A_995 : memref<1x128x128xi32, #tpu.memory_space<vmem>> -> memref<128x128xi32, #tpu.memory_space<vmem>>
      %get3A_997 = arith.index_cast %add3A_992 : i32 to index
      %get3A_998 = arith.constant 112 : index
      %get3A_999 = tpu.vector_load %get3A_996[%get3A_997, %get3A_998] {strides = array<i32>} : memref<128x128xi32, #tpu.memory_space<vmem>>, vector<1x16xi32>,
      %get3A_1000 = vector.shape_cast %get3A_999 : vector<1x16xi32> to vector<16xi32>
      %add3A_1001 = arith.constant 32768 : i32
      %add3A_1002 = vector.broadcast %add3A_1001 : i32 to vector<16xi32>
      %add3A_1003 = arith.addi %get3A_1000, %add3A_1002 : vector<16xi32>
      %shift_right_logical3A_1004 = arith.constant 16 : i32
      %shift_right_logical3A_1005 = vector.broadcast %shift_right_logical3A_1004 : i32 to vector<16xi32>
      %shift_right_logical3A_1006 = arith.shrui %add3A_990, %shift_right_logical3A_1005 : vector<16xi32>
      %and3A_1007 = arith.constant -65536 : i32
      %and3A_1008 = vector.broadcast %and3A_1007 : i32 to vector<16xi32>
      %and3A_1009 = arith.andi %add3A_1003, %and3A_1008 : vector<16xi32>
      %or3A_1010 = arith.ori %shift_right_logical3A_1006, %and3A_1009 : vector<16xi32>
      %swap3A_1011 = arith.constant 0 : i32
      %swap3A_1012 = arith.constant 0 : i32
      %swap3A_1013 = tpu.memref_slice %arg7[%scan3A_595, %swap3A_1011, %swap3A_1012] : memref<2x64x128xi32, #tpu.memory_space<vmem>> -> memref<1x64x128xi32, #tpu.memory_space<vmem>>
      %swap3A_1014 = tpu.memref_squeeze %swap3A_1013 : memref<1x64x128xi32, #tpu.memory_space<vmem>> -> memref<64x128xi32, #tpu.memory_space<vmem>>
      %swap3A_1015 = arith.index_cast %scan3A_704 : i32 to index
      %swap3A_1016 = arith.constant 112 : index
      %swap3A_1017 = tpu.vector_load %swap3A_1014[%swap3A_1015, %swap3A_1016] {strides = array<i32>} : memref<64x128xi32, #tpu.memory_space<vmem>>, vector<1x16xi32>,
      %swap3A_1018 = vector.shape_cast %swap3A_1017 : vector<1x16xi32> to vector<16xi32>
      %swap3A_1019 = vector.shape_cast %or3A_1010 : vector<16xi32> to vector<1x16xi32>
      tpu.vector_store %swap3A_1014[%swap3A_1015, %swap3A_1016], %swap3A_1019 {strides = array<i32>} : memref<64x128xi32, #tpu.memory_space<vmem>>, vector<1x16xi32>,
    }
    %scan3A_600 = arith.constant 64 : i32
    %add3A_601 = arith.constant 384 : i32
    %add3A_602 = arith.addi %mul3A_2, %add3A_601 : i32
    %dma_start3A_603 = arith.constant 0 : i32
    %dma_start3A_604 = arith.constant 0 : i32
    %dma_start3A_605 = arith.constant 0 : i32
    %dma_start3A_606 = tpu.memref_slice %arg7[%dma_start3A_603, %dma_start3A_604, %dma_start3A_605] : memref<2x64x128xi32, #tpu.memory_space<vmem>> -> memref<1x64x128xi32, #tpu.memory_space<vmem>>
    %dma_start3A_607 = tpu.memref_squeeze %dma_start3A_606 : memref<1x64x128xi32, #tpu.memory_space<vmem>> -> memref<64x128xi32, #tpu.memory_space<vmem>>
    %dma_start3A_608 = arith.constant 0 : i32
    %dma_start3A_609 = tpu.memref_slice %arg4[%add3A_602, %dma_start3A_608] : memref<16384x128xi32, #tpu.memory_space<hbm>> -> memref<64x128xi32, #tpu.memory_space<hbm>>
    %dma_start3A_610 = arith.constant 0 : i32
    %dma_start3A_611 = tpu.memref_slice %arg4[%add3A_602, %dma_start3A_610] : memref<16384x128xi32, #tpu.memory_space<hbm>> -> memref<64x128xi32, #tpu.memory_space<hbm>>
    %dma_start3A_612 = arith.constant 0 : i32
    %dma_start3A_613 = arith.constant 0 : i32
    %dma_start3A_614 = tpu.memref_slice %arg7[%dma_start3A_603, %dma_start3A_612, %dma_start3A_613] : memref<2x64x128xi32, #tpu.memory_space<vmem>> -> memref<1x64x128xi32, #tpu.memory_space<vmem>>
    %dma_start3A_615 = tpu.memref_squeeze %dma_start3A_614 : memref<1x64x128xi32, #tpu.memory_space<vmem>> -> memref<64x128xi32, #tpu.memory_space<vmem>>
    tpu.enqueue_dma source(%dma_start3A_615 : memref<64x128xi32, #tpu.memory_space<vmem>>) target(%dma_start3A_611 : memref<64x128xi32, #tpu.memory_space<hbm>>) target_semaphore(%arg12 : memref<!tpu.dma_semaphore, #tpu.memory_space<semaphore_mem>>)
    %dma_wait3A_616 = arith.constant 1 : i32
    %dma_wait3A_617 = arith.constant 0 : i32
    %dma_wait3A_618 = arith.constant 0 : i32
    %dma_wait3A_619 = tpu.memref_slice %arg6[%dma_wait3A_616, %dma_wait3A_617, %dma_wait3A_618] : memref<2x128x128xi32, #tpu.memory_space<vmem>> -> memref<1x128x128xi32, #tpu.memory_space<vmem>>
    %dma_wait3A_620 = tpu.memref_squeeze %dma_wait3A_619 : memref<1x128x128xi32, #tpu.memory_space<vmem>> -> memref<128x128xi32, #tpu.memory_space<vmem>>
    %dma_wait3A_621 = arith.constant 0 : i32
    %dma_wait3A_622 = arith.constant 0 : i32
    %dma_wait3A_623 = tpu.memref_slice %dma_wait3A_620[%dma_wait3A_621, %dma_wait3A_622] : memref<128x128xi32, #tpu.memory_space<vmem>> -> memref<64x128xi32, #tpu.memory_space<vmem>>
    %dma_wait3A_624 = arith.constant 448 : i32
    %dma_wait3A_625 = tpu.memref_slice %arg5[%dma_wait3A_624] : memref<1024xi32, #tpu.memory_space<vmem>> -> memref<64xi32, #tpu.memory_space<vmem>>
    %dma_wait3A_626 = arith.constant 0 : i32
    %dma_wait3A_627 = arith.constant 0 : i32
    %dma_wait3A_628 = tpu.memref_slice %arg3[%dma_wait3A_626, %dma_wait3A_627] : memref<100000x128xi32, #tpu.memory_space<hbm>> -> memref<100000x128xi32, #tpu.memory_space<hbm>>
    tpu.wait_indirect_dma semaphore(%arg10 : memref<!tpu.dma_semaphore, #tpu.memory_space<semaphore_mem>>) src(%dma_wait3A_628 : memref<100000x128xi32, #tpu.memory_space<hbm>>) dst(%dma_wait3A_623 : memref<64x128xi32, #tpu.memory_space<vmem>>)
    %dma_wait3A_629 = arith.constant 1 : i32
    %dma_wait3A_630 = arith.constant 0 : i32
    %dma_wait3A_631 = arith.constant 0 : i32
    %dma_wait3A_632 = tpu.memref_slice %arg6[%dma_wait3A_629, %dma_wait3A_630, %dma_wait3A_631] : memref<2x128x128xi32, #tpu.memory_space<vmem>> -> memref<1x128x128xi32, #tpu.memory_space<vmem>>
    %dma_wait3A_633 = tpu.memref_squeeze %dma_wait3A_632 : memref<1x128x128xi32, #tpu.memory_space<vmem>> -> memref<128x128xi32, #tpu.memory_space<vmem>>
    %dma_wait3A_634 = arith.constant 64 : i32
    %dma_wait3A_635 = arith.constant 0 : i32
    %dma_wait3A_636 = tpu.memref_slice %dma_wait3A_633[%dma_wait3A_634, %dma_wait3A_635] : memref<128x128xi32, #tpu.memory_space<vmem>> -> memref<64x128xi32, #tpu.memory_space<vmem>>
    %dma_wait3A_637 = arith.constant 960 : i32
    %dma_wait3A_638 = tpu.memref_slice %arg5[%dma_wait3A_637] : memref<1024xi32, #tpu.memory_space<vmem>> -> memref<64xi32, #tpu.memory_space<vmem>>
    %dma_wait3A_639 = arith.constant 0 : i32
    %dma_wait3A_640 = arith.constant 0 : i32
    %dma_wait3A_641 = tpu.memref_slice %arg3[%dma_wait3A_639, %dma_wait3A_640] : memref<100000x128xi32, #tpu.memory_space<hbm>> -> memref<100000x128xi32, #tpu.memory_space<hbm>>
    tpu.wait_indirect_dma semaphore(%arg11 : memref<!tpu.dma_semaphore, #tpu.memory_space<semaphore_mem>>) src(%dma_wait3A_641 : memref<100000x128xi32, #tpu.memory_space<hbm>>) dst(%dma_wait3A_636 : memref<64x128xi32, #tpu.memory_space<vmem>>)
    %dma_wait3A_642 = arith.constant 1 : i32
    %dma_wait3A_643 = arith.constant 0 : i32
    %dma_wait3A_644 = arith.constant 0 : i32
    %dma_wait3A_645 = tpu.memref_slice %arg7[%dma_wait3A_642, %dma_wait3A_643, %dma_wait3A_644] : memref<2x64x128xi32, #tpu.memory_space<vmem>> -> memref<1x64x128xi32, #tpu.memory_space<vmem>>
    %dma_wait3A_646 = tpu.memref_squeeze %dma_wait3A_645 : memref<1x64x128xi32, #tpu.memory_space<vmem>> -> memref<64x128xi32, #tpu.memory_space<vmem>>
    %dma_wait3A_647 = arith.constant 0 : i32
    %dma_wait3A_648 = tpu.memref_slice %arg4[%add3A_514, %dma_wait3A_647] : memref<16384x128xi32, #tpu.memory_space<hbm>> -> memref<64x128xi32, #tpu.memory_space<hbm>>
    %dma_wait3A_649 = arith.constant 0 : i32
    %dma_wait3A_650 = tpu.memref_slice %arg4[%add3A_514, %dma_wait3A_649] : memref<16384x128xi32, #tpu.memory_space<hbm>> -> memref<64x128xi32, #tpu.memory_space<hbm>>
    %dma_wait3A_651 = arith.constant 0 : i32
    %dma_wait3A_652 = arith.constant 0 : i32
    %dma_wait3A_653 = tpu.memref_slice %arg7[%dma_wait3A_642, %dma_wait3A_651, %dma_wait3A_652] : memref<2x64x128xi32, #tpu.memory_space<vmem>> -> memref<1x64x128xi32, #tpu.memory_space<vmem>>
    %dma_wait3A_654 = tpu.memref_squeeze %dma_wait3A_653 : memref<1x64x128xi32, #tpu.memory_space<vmem>> -> memref<64x128xi32, #tpu.memory_space<vmem>>
    tpu.wait_dma2 semaphore(%arg13 : memref<!tpu.dma_semaphore, #tpu.memory_space<semaphore_mem>>) src(%dma_wait3A_654 : memref<64x128xi32, #tpu.memory_space<vmem>>) dst(%dma_wait3A_650 : memref<64x128xi32, #tpu.memory_space<hbm>>)
    %scan3A_655 = arith.constant 0 : i32
    %scan3A_656 = arith.constant 1 : i32
    %scan3A_657 = arith.constant 1 : i32
    %scan3A_658 = arith.constant 0 : i32
    %scan3A_659 = arith.constant 64 : i32
    %scan3A_660 = arith.addi %scan3A_658, %scan3A_659 : i32
    %scan3A_661 = arith.constant 1 : i32
    scf.for %scan3A_704 = %scan3A_658 to %scan3A_660 step %scan3A_661  : i32 {
      %get3A = arith.constant 0 : i32
      %get3A_705 = arith.constant 0 : i32
      %get3A_706 = tpu.memref_slice %arg6[%scan3A_656, %get3A, %get3A_705] : memref<2x128x128xi32, #tpu.memory_space<vmem>> -> memref<1x128x128xi32, #tpu.memory_space<vmem>>
      %get3A_707 = tpu.memref_squeeze %get3A_706 : memref<1x128x128xi32, #tpu.memory_space<vmem>> -> memref<128x128xi32, #tpu.memory_space<vmem>>
      %get3A_708 = arith.index_cast %scan3A_704 : i32 to index
      %get3A_709 = arith.constant 0 : index
      %get3A_710 = tpu.vector_load %get3A_707[%get3A_708, %get3A_709] {strides = array<i32>} : memref<128x128xi32, #tpu.memory_space<vmem>>, vector<1x16xi32>,
      %get3A_711 = vector.shape_cast %get3A_710 : vector<1x16xi32> to vector<16xi32>
      %add3A_712 = arith.constant 32768 : i32
      %add3A_713 = vector.broadcast %add3A_712 : i32 to vector<16xi32>
      %add3A_714 = arith.addi %get3A_711, %add3A_713 : vector<16xi32>
      %add3A_715 = arith.constant 64 : i32
      %add3A_716 = arith.addi %add3A_715, %scan3A_704 : i32
      %get3A_717 = arith.constant 0 : i32
      %get3A_718 = arith.constant 0 : i32
      %get3A_719 = tpu.memref_slice %arg6[%scan3A_656, %get3A_717, %get3A_718] : memref<2x128x128xi32, #tpu.memory_space<vmem>> -> memref<1x128x128xi32, #tpu.memory_space<vmem>>
      %get3A_720 = tpu.memref_squeeze %get3A_719 : memref<1x128x128xi32, #tpu.memory_space<vmem>> -> memref<128x128xi32, #tpu.memory_space<vmem>>
      %get3A_721 = arith.index_cast %add3A_716 : i32 to index
      %get3A_722 = arith.constant 0 : index
      %get3A_723 = tpu.vector_load %get3A_720[%get3A_721, %get3A_722] {strides = array<i32>} : memref<128x128xi32, #tpu.memory_space<vmem>>, vector<1x16xi32>,
      %get3A_724 = vector.shape_cast %get3A_723 : vector<1x16xi32> to vector<16xi32>
      %add3A_725 = arith.constant 32768 : i32
      %add3A_726 = vector.broadcast %add3A_725 : i32 to vector<16xi32>
      %add3A_727 = arith.addi %get3A_724, %add3A_726 : vector<16xi32>
      %shift_right_logical3A = arith.constant 16 : i32
      %shift_right_logical3A_728 = vector.broadcast %shift_right_logical3A : i32 to vector<16xi32>
      %shift_right_logical3A_729 = arith.shrui %add3A_714, %shift_right_logical3A_728 : vector<16xi32>
      %and3A = arith.constant -65536 : i32
      %and3A_730 = vector.broadcast %and3A : i32 to vector<16xi32>
      %and3A_731 = arith.andi %add3A_727, %and3A_730 : vector<16xi32>
      %or3A = arith.ori %shift_right_logical3A_729, %and3A_731 : vector<16xi32>
      %swap3A = arith.constant 0 : i32
      %swap3A_732 = arith.constant 0 : i32
      %swap3A_733 = tpu.memref_slice %arg7[%scan3A_657, %swap3A, %swap3A_732] : memref<2x64x128xi32, #tpu.memory_space<vmem>> -> memref<1x64x128xi32, #tpu.memory_space<vmem>>
      %swap3A_734 = tpu.memref_squeeze %swap3A_733 : memref<1x64x128xi32, #tpu.memory_space<vmem>> -> memref<64x128xi32, #tpu.memory_space<vmem>>
      %swap3A_735 = arith.index_cast %scan3A_704 : i32 to index
      %swap3A_736 = arith.constant 0 : index
      %swap3A_737 = tpu.vector_load %swap3A_734[%swap3A_735, %swap3A_736] {strides = array<i32>} : memref<64x128xi32, #tpu.memory_space<vmem>>, vector<1x16xi32>,
      %swap3A_738 = vector.shape_cast %swap3A_737 : vector<1x16xi32> to vector<16xi32>
      %swap3A_739 = vector.shape_cast %or3A : vector<16xi32> to vector<1x16xi32>
      tpu.vector_store %swap3A_734[%swap3A_735, %swap3A_736], %swap3A_739 {strides = array<i32>} : memref<64x128xi32, #tpu.memory_space<vmem>>, vector<1x16xi32>,
      %get3A_740 = arith.constant 0 : i32
      %get3A_741 = arith.constant 0 : i32
      %get3A_742 = tpu.memref_slice %arg6[%scan3A_656, %get3A_740, %get3A_741] : memref<2x128x128xi32, #tpu.memory_space<vmem>> -> memref<1x128x128xi32, #tpu.memory_space<vmem>>
      %get3A_743 = tpu.memref_squeeze %get3A_742 : memref<1x128x128xi32, #tpu.memory_space<vmem>> -> memref<128x128xi32, #tpu.memory_space<vmem>>
      %get3A_744 = arith.index_cast %scan3A_704 : i32 to index
      %get3A_745 = arith.constant 16 : index
      %get3A_746 = tpu.vector_load %get3A_743[%get3A_744, %get3A_745] {strides = array<i32>} : memref<128x128xi32, #tpu.memory_space<vmem>>, vector<1x16xi32>,
      %get3A_747 = vector.shape_cast %get3A_746 : vector<1x16xi32> to vector<16xi32>
      %add3A_748 = arith.constant 32768 : i32
      %add3A_749 = vector.broadcast %add3A_748 : i32 to vector<16xi32>
      %add3A_750 = arith.addi %get3A_747, %add3A_749 : vector<16xi32>
      %add3A_751 = arith.constant 64 : i32
      %add3A_752 = arith.addi %add3A_751, %scan3A_704 : i32
      %get3A_753 = arith.constant 0 : i32
      %get3A_754 = arith.constant 0 : i32
      %get3A_755 = tpu.memref_slice %arg6[%scan3A_656, %get3A_753, %get3A_754] : memref<2x128x128xi32, #tpu.memory_space<vmem>> -> memref<1x128x128xi32, #tpu.memory_space<vmem>>
      %get3A_756 = tpu.memref_squeeze %get3A_755 : memref<1x128x128xi32, #tpu.memory_space<vmem>> -> memref<128x128xi32, #tpu.memory_space<vmem>>
      %get3A_757 = arith.index_cast %add3A_752 : i32 to index
      %get3A_758 = arith.constant 16 : index
      %get3A_759 = tpu.vector_load %get3A_756[%get3A_757, %get3A_758] {strides = array<i32>} : memref<128x128xi32, #tpu.memory_space<vmem>>, vector<1x16xi32>,
      %get3A_760 = vector.shape_cast %get3A_759 : vector<1x16xi32> to vector<16xi32>
      %add3A_761 = arith.constant 32768 : i32
      %add3A_762 = vector.broadcast %add3A_761 : i32 to vector<16xi32>
      %add3A_763 = arith.addi %get3A_760, %add3A_762 : vector<16xi32>
      %shift_right_logical3A_764 = arith.constant 16 : i32
      %shift_right_logical3A_765 = vector.broadcast %shift_right_logical3A_764 : i32 to vector<16xi32>
      %shift_right_logical3A_766 = arith.shrui %add3A_750, %shift_right_logical3A_765 : vector<16xi32>
      %and3A_767 = arith.constant -65536 : i32
      %and3A_768 = vector.broadcast %and3A_767 : i32 to vector<16xi32>
      %and3A_769 = arith.andi %add3A_763, %and3A_768 : vector<16xi32>
      %or3A_770 = arith.ori %shift_right_logical3A_766, %and3A_769 : vector<16xi32>
      %swap3A_771 = arith.constant 0 : i32
      %swap3A_772 = arith.constant 0 : i32
      %swap3A_773 = tpu.memref_slice %arg7[%scan3A_657, %swap3A_771, %swap3A_772] : memref<2x64x128xi32, #tpu.memory_space<vmem>> -> memref<1x64x128xi32, #tpu.memory_space<vmem>>
      %swap3A_774 = tpu.memref_squeeze %swap3A_773 : memref<1x64x128xi32, #tpu.memory_space<vmem>> -> memref<64x128xi32, #tpu.memory_space<vmem>>
      %swap3A_775 = arith.index_cast %scan3A_704 : i32 to index
      %swap3A_776 = arith.constant 16 : index
      %swap3A_777 = tpu.vector_load %swap3A_774[%swap3A_775, %swap3A_776] {strides = array<i32>} : memref<64x128xi32, #tpu.memory_space<vmem>>, vector<1x16xi32>,
      %swap3A_778 = vector.shape_cast %swap3A_777 : vector<1x16xi32> to vector<16xi32>
      %swap3A_779 = vector.shape_cast %or3A_770 : vector<16xi32> to vector<1x16xi32>
      tpu.vector_store %swap3A_774[%swap3A_775, %swap3A_776], %swap3A_779 {strides = array<i32>} : memref<64x128xi32, #tpu.memory_space<vmem>>, vector<1x16xi32>,
      %get3A_780 = arith.constant 0 : i32
      %get3A_781 = arith.constant 0 : i32
      %get3A_782 = tpu.memref_slice %arg6[%scan3A_656, %get3A_780, %get3A_781] : memref<2x128x128xi32, #tpu.memory_space<vmem>> -> memref<1x128x128xi32, #tpu.memory_space<vmem>>
      %get3A_783 = tpu.memref_squeeze %get3A_782 : memref<1x128x128xi32, #tpu.memory_space<vmem>> -> memref<128x128xi32, #tpu.memory_space<vmem>>
      %get3A_784 = arith.index_cast %scan3A_704 : i32 to index
      %get3A_785 = arith.constant 32 : index
      %get3A_786 = tpu.vector_load %get3A_783[%get3A_784, %get3A_785] {strides = array<i32>} : memref<128x128xi32, #tpu.memory_space<vmem>>, vector<1x16xi32>,
      %get3A_787 = vector.shape_cast %get3A_786 : vector<1x16xi32> to vector<16xi32>
      %add3A_788 = arith.constant 32768 : i32
      %add3A_789 = vector.broadcast %add3A_788 : i32 to vector<16xi32>
      %add3A_790 = arith.addi %get3A_787, %add3A_789 : vector<16xi32>
      %add3A_791 = arith.constant 64 : i32
      %add3A_792 = arith.addi %add3A_791, %scan3A_704 : i32
      %get3A_793 = arith.constant 0 : i32
      %get3A_794 = arith.constant 0 : i32
      %get3A_795 = tpu.memref_slice %arg6[%scan3A_656, %get3A_793, %get3A_794] : memref<2x128x128xi32, #tpu.memory_space<vmem>> -> memref<1x128x128xi32, #tpu.memory_space<vmem>>
      %get3A_796 = tpu.memref_squeeze %get3A_795 : memref<1x128x128xi32, #tpu.memory_space<vmem>> -> memref<128x128xi32, #tpu.memory_space<vmem>>
      %get3A_797 = arith.index_cast %add3A_792 : i32 to index
      %get3A_798 = arith.constant 32 : index
      %get3A_799 = tpu.vector_load %get3A_796[%get3A_797, %get3A_798] {strides = array<i32>} : memref<128x128xi32, #tpu.memory_space<vmem>>, vector<1x16xi32>,
      %get3A_800 = vector.shape_cast %get3A_799 : vector<1x16xi32> to vector<16xi32>
      %add3A_801 = arith.constant 32768 : i32
      %add3A_802 = vector.broadcast %add3A_801 : i32 to vector<16xi32>
      %add3A_803 = arith.addi %get3A_800, %add3A_802 : vector<16xi32>
      %shift_right_logical3A_804 = arith.constant 16 : i32
      %shift_right_logical3A_805 = vector.broadcast %shift_right_logical3A_804 : i32 to vector<16xi32>
      %shift_right_logical3A_806 = arith.shrui %add3A_790, %shift_right_logical3A_805 : vector<16xi32>
      %and3A_807 = arith.constant -65536 : i32
      %and3A_808 = vector.broadcast %and3A_807 : i32 to vector<16xi32>
      %and3A_809 = arith.andi %add3A_803, %and3A_808 : vector<16xi32>
      %or3A_810 = arith.ori %shift_right_logical3A_806, %and3A_809 : vector<16xi32>
      %swap3A_811 = arith.constant 0 : i32
      %swap3A_812 = arith.constant 0 : i32
      %swap3A_813 = tpu.memref_slice %arg7[%scan3A_657, %swap3A_811, %swap3A_812] : memref<2x64x128xi32, #tpu.memory_space<vmem>> -> memref<1x64x128xi32, #tpu.memory_space<vmem>>
      %swap3A_814 = tpu.memref_squeeze %swap3A_813 : memref<1x64x128xi32, #tpu.memory_space<vmem>> -> memref<64x128xi32, #tpu.memory_space<vmem>>
      %swap3A_815 = arith.index_cast %scan3A_704 : i32 to index
      %swap3A_816 = arith.constant 32 : index
      %swap3A_817 = tpu.vector_load %swap3A_814[%swap3A_815, %swap3A_816] {strides = array<i32>} : memref<64x128xi32, #tpu.memory_space<vmem>>, vector<1x16xi32>,
      %swap3A_818 = vector.shape_cast %swap3A_817 : vector<1x16xi32> to vector<16xi32>
      %swap3A_819 = vector.shape_cast %or3A_810 : vector<16xi32> to vector<1x16xi32>
      tpu.vector_store %swap3A_814[%swap3A_815, %swap3A_816], %swap3A_819 {strides = array<i32>} : memref<64x128xi32, #tpu.memory_space<vmem>>, vector<1x16xi32>,
      %get3A_820 = arith.constant 0 : i32
      %get3A_821 = arith.constant 0 : i32
      %get3A_822 = tpu.memref_slice %arg6[%scan3A_656, %get3A_820, %get3A_821] : memref<2x128x128xi32, #tpu.memory_space<vmem>> -> memref<1x128x128xi32, #tpu.memory_space<vmem>>
      %get3A_823 = tpu.memref_squeeze %get3A_822 : memref<1x128x128xi32, #tpu.memory_space<vmem>> -> memref<128x128xi32, #tpu.memory_space<vmem>>
      %get3A_824 = arith.index_cast %scan3A_704 : i32 to index
      %get3A_825 = arith.constant 48 : index
      %get3A_826 = tpu.vector_load %get3A_823[%get3A_824, %get3A_825] {strides = array<i32>} : memref<128x128xi32, #tpu.memory_space<vmem>>, vector<1x16xi32>,
      %get3A_827 = vector.shape_cast %get3A_826 : vector<1x16xi32> to vector<16xi32>
      %add3A_828 = arith.constant 32768 : i32
      %add3A_829 = vector.broadcast %add3A_828 : i32 to vector<16xi32>
      %add3A_830 = arith.addi %get3A_827, %add3A_829 : vector<16xi32>
      %add3A_831 = arith.constant 64 : i32
      %add3A_832 = arith.addi %add3A_831, %scan3A_704 : i32
      %get3A_833 = arith.constant 0 : i32
      %get3A_834 = arith.constant 0 : i32
      %get3A_835 = tpu.memref_slice %arg6[%scan3A_656, %get3A_833, %get3A_834] : memref<2x128x128xi32, #tpu.memory_space<vmem>> -> memref<1x128x128xi32, #tpu.memory_space<vmem>>
      %get3A_836 = tpu.memref_squeeze %get3A_835 : memref<1x128x128xi32, #tpu.memory_space<vmem>> -> memref<128x128xi32, #tpu.memory_space<vmem>>
      %get3A_837 = arith.index_cast %add3A_832 : i32 to index
      %get3A_838 = arith.constant 48 : index
      %get3A_839 = tpu.vector_load %get3A_836[%get3A_837, %get3A_838] {strides = array<i32>} : memref<128x128xi32, #tpu.memory_space<vmem>>, vector<1x16xi32>,
      %get3A_840 = vector.shape_cast %get3A_839 : vector<1x16xi32> to vector<16xi32>
      %add3A_841 = arith.constant 32768 : i32
      %add3A_842 = vector.broadcast %add3A_841 : i32 to vector<16xi32>
      %add3A_843 = arith.addi %get3A_840, %add3A_842 : vector<16xi32>
      %shift_right_logical3A_844 = arith.constant 16 : i32
      %shift_right_logical3A_845 = vector.broadcast %shift_right_logical3A_844 : i32 to vector<16xi32>
      %shift_right_logical3A_846 = arith.shrui %add3A_830, %shift_right_logical3A_845 : vector<16xi32>
      %and3A_847 = arith.constant -65536 : i32
      %and3A_848 = vector.broadcast %and3A_847 : i32 to vector<16xi32>
      %and3A_849 = arith.andi %add3A_843, %and3A_848 : vector<16xi32>
      %or3A_850 = arith.ori %shift_right_logical3A_846, %and3A_849 : vector<16xi32>
      %swap3A_851 = arith.constant 0 : i32
      %swap3A_852 = arith.constant 0 : i32
      %swap3A_853 = tpu.memref_slice %arg7[%scan3A_657, %swap3A_851, %swap3A_852] : memref<2x64x128xi32, #tpu.memory_space<vmem>> -> memref<1x64x128xi32, #tpu.memory_space<vmem>>
      %swap3A_854 = tpu.memref_squeeze %swap3A_853 : memref<1x64x128xi32, #tpu.memory_space<vmem>> -> memref<64x128xi32, #tpu.memory_space<vmem>>
      %swap3A_855 = arith.index_cast %scan3A_704 : i32 to index
      %swap3A_856 = arith.constant 48 : index
      %swap3A_857 = tpu.vector_load %swap3A_854[%swap3A_855, %swap3A_856] {strides = array<i32>} : memref<64x128xi32, #tpu.memory_space<vmem>>, vector<1x16xi32>,
      %swap3A_858 = vector.shape_cast %swap3A_857 : vector<1x16xi32> to vector<16xi32>
      %swap3A_859 = vector.shape_cast %or3A_850 : vector<16xi32> to vector<1x16xi32>
      tpu.vector_store %swap3A_854[%swap3A_855, %swap3A_856], %swap3A_859 {strides = array<i32>} : memref<64x128xi32, #tpu.memory_space<vmem>>, vector<1x16xi32>,
      %get3A_860 = arith.constant 0 : i32
      %get3A_861 = arith.constant 0 : i32
      %get3A_862 = tpu.memref_slice %arg6[%scan3A_656, %get3A_860, %get3A_861] : memref<2x128x128xi32, #tpu.memory_space<vmem>> -> memref<1x128x128xi32, #tpu.memory_space<vmem>>
      %get3A_863 = tpu.memref_squeeze %get3A_862 : memref<1x128x128xi32, #tpu.memory_space<vmem>> -> memref<128x128xi32, #tpu.memory_space<vmem>>
      %get3A_864 = arith.index_cast %scan3A_704 : i32 to index
      %get3A_865 = arith.constant 64 : index
      %get3A_866 = tpu.vector_load %get3A_863[%get3A_864, %get3A_865] {strides = array<i32>} : memref<128x128xi32, #tpu.memory_space<vmem>>, vector<1x16xi32>,
      %get3A_867 = vector.shape_cast %get3A_866 : vector<1x16xi32> to vector<16xi32>
      %add3A_868 = arith.constant 32768 : i32
      %add3A_869 = vector.broadcast %add3A_868 : i32 to vector<16xi32>
      %add3A_870 = arith.addi %get3A_867, %add3A_869 : vector<16xi32>
      %add3A_871 = arith.constant 64 : i32
      %add3A_872 = arith.addi %add3A_871, %scan3A_704 : i32
      %get3A_873 = arith.constant 0 : i32
      %get3A_874 = arith.constant 0 : i32
      %get3A_875 = tpu.memref_slice %arg6[%scan3A_656, %get3A_873, %get3A_874] : memref<2x128x128xi32, #tpu.memory_space<vmem>> -> memref<1x128x128xi32, #tpu.memory_space<vmem>>
      %get3A_876 = tpu.memref_squeeze %get3A_875 : memref<1x128x128xi32, #tpu.memory_space<vmem>> -> memref<128x128xi32, #tpu.memory_space<vmem>>
      %get3A_877 = arith.index_cast %add3A_872 : i32 to index
      %get3A_878 = arith.constant 64 : index
      %get3A_879 = tpu.vector_load %get3A_876[%get3A_877, %get3A_878] {strides = array<i32>} : memref<128x128xi32, #tpu.memory_space<vmem>>, vector<1x16xi32>,
      %get3A_880 = vector.shape_cast %get3A_879 : vector<1x16xi32> to vector<16xi32>
      %add3A_881 = arith.constant 32768 : i32
      %add3A_882 = vector.broadcast %add3A_881 : i32 to vector<16xi32>
      %add3A_883 = arith.addi %get3A_880, %add3A_882 : vector<16xi32>
      %shift_right_logical3A_884 = arith.constant 16 : i32
      %shift_right_logical3A_885 = vector.broadcast %shift_right_logical3A_884 : i32 to vector<16xi32>
      %shift_right_logical3A_886 = arith.shrui %add3A_870, %shift_right_logical3A_885 : vector<16xi32>
      %and3A_887 = arith.constant -65536 : i32
      %and3A_888 = vector.broadcast %and3A_887 : i32 to vector<16xi32>
      %and3A_889 = arith.andi %add3A_883, %and3A_888 : vector<16xi32>
      %or3A_890 = arith.ori %shift_right_logical3A_886, %and3A_889 : vector<16xi32>
      %swap3A_891 = arith.constant 0 : i32
      %swap3A_892 = arith.constant 0 : i32
      %swap3A_893 = tpu.memref_slice %arg7[%scan3A_657, %swap3A_891, %swap3A_892] : memref<2x64x128xi32, #tpu.memory_space<vmem>> -> memref<1x64x128xi32, #tpu.memory_space<vmem>>
      %swap3A_894 = tpu.memref_squeeze %swap3A_893 : memref<1x64x128xi32, #tpu.memory_space<vmem>> -> memref<64x128xi32, #tpu.memory_space<vmem>>
      %swap3A_895 = arith.index_cast %scan3A_704 : i32 to index
      %swap3A_896 = arith.constant 64 : index
      %swap3A_897 = tpu.vector_load %swap3A_894[%swap3A_895, %swap3A_896] {strides = array<i32>} : memref<64x128xi32, #tpu.memory_space<vmem>>, vector<1x16xi32>,
      %swap3A_898 = vector.shape_cast %swap3A_897 : vector<1x16xi32> to vector<16xi32>
      %swap3A_899 = vector.shape_cast %or3A_890 : vector<16xi32> to vector<1x16xi32>
      tpu.vector_store %swap3A_894[%swap3A_895, %swap3A_896], %swap3A_899 {strides = array<i32>} : memref<64x128xi32, #tpu.memory_space<vmem>>, vector<1x16xi32>,
      %get3A_900 = arith.constant 0 : i32
      %get3A_901 = arith.constant 0 : i32
      %get3A_902 = tpu.memref_slice %arg6[%scan3A_656, %get3A_900, %get3A_901] : memref<2x128x128xi32, #tpu.memory_space<vmem>> -> memref<1x128x128xi32, #tpu.memory_space<vmem>>
      %get3A_903 = tpu.memref_squeeze %get3A_902 : memref<1x128x128xi32, #tpu.memory_space<vmem>> -> memref<128x128xi32, #tpu.memory_space<vmem>>
      %get3A_904 = arith.index_cast %scan3A_704 : i32 to index
      %get3A_905 = arith.constant 80 : index
      %get3A_906 = tpu.vector_load %get3A_903[%get3A_904, %get3A_905] {strides = array<i32>} : memref<128x128xi32, #tpu.memory_space<vmem>>, vector<1x16xi32>,
      %get3A_907 = vector.shape_cast %get3A_906 : vector<1x16xi32> to vector<16xi32>
      %add3A_908 = arith.constant 32768 : i32
      %add3A_909 = vector.broadcast %add3A_908 : i32 to vector<16xi32>
      %add3A_910 = arith.addi %get3A_907, %add3A_909 : vector<16xi32>
      %add3A_911 = arith.constant 64 : i32
      %add3A_912 = arith.addi %add3A_911, %scan3A_704 : i32
      %get3A_913 = arith.constant 0 : i32
      %get3A_914 = arith.constant 0 : i32
      %get3A_915 = tpu.memref_slice %arg6[%scan3A_656, %get3A_913, %get3A_914] : memref<2x128x128xi32, #tpu.memory_space<vmem>> -> memref<1x128x128xi32, #tpu.memory_space<vmem>>
      %get3A_916 = tpu.memref_squeeze %get3A_915 : memref<1x128x128xi32, #tpu.memory_space<vmem>> -> memref<128x128xi32, #tpu.memory_space<vmem>>
      %get3A_917 = arith.index_cast %add3A_912 : i32 to index
      %get3A_918 = arith.constant 80 : index
      %get3A_919 = tpu.vector_load %get3A_916[%get3A_917, %get3A_918] {strides = array<i32>} : memref<128x128xi32, #tpu.memory_space<vmem>>, vector<1x16xi32>,
      %get3A_920 = vector.shape_cast %get3A_919 : vector<1x16xi32> to vector<16xi32>
      %add3A_921 = arith.constant 32768 : i32
      %add3A_922 = vector.broadcast %add3A_921 : i32 to vector<16xi32>
      %add3A_923 = arith.addi %get3A_920, %add3A_922 : vector<16xi32>
      %shift_right_logical3A_924 = arith.constant 16 : i32
      %shift_right_logical3A_925 = vector.broadcast %shift_right_logical3A_924 : i32 to vector<16xi32>
      %shift_right_logical3A_926 = arith.shrui %add3A_910, %shift_right_logical3A_925 : vector<16xi32>
      %and3A_927 = arith.constant -65536 : i32
      %and3A_928 = vector.broadcast %and3A_927 : i32 to vector<16xi32>
      %and3A_929 = arith.andi %add3A_923, %and3A_928 : vector<16xi32>
      %or3A_930 = arith.ori %shift_right_logical3A_926, %and3A_929 : vector<16xi32>
      %swap3A_931 = arith.constant 0 : i32
      %swap3A_932 = arith.constant 0 : i32
      %swap3A_933 = tpu.memref_slice %arg7[%scan3A_657, %swap3A_931, %swap3A_932] : memref<2x64x128xi32, #tpu.memory_space<vmem>> -> memref<1x64x128xi32, #tpu.memory_space<vmem>>
      %swap3A_934 = tpu.memref_squeeze %swap3A_933 : memref<1x64x128xi32, #tpu.memory_space<vmem>> -> memref<64x128xi32, #tpu.memory_space<vmem>>
      %swap3A_935 = arith.index_cast %scan3A_704 : i32 to index
      %swap3A_936 = arith.constant 80 : index
      %swap3A_937 = tpu.vector_load %swap3A_934[%swap3A_935, %swap3A_936] {strides = array<i32>} : memref<64x128xi32, #tpu.memory_space<vmem>>, vector<1x16xi32>,
      %swap3A_938 = vector.shape_cast %swap3A_937 : vector<1x16xi32> to vector<16xi32>
      %swap3A_939 = vector.shape_cast %or3A_930 : vector<16xi32> to vector<1x16xi32>
      tpu.vector_store %swap3A_934[%swap3A_935, %swap3A_936], %swap3A_939 {strides = array<i32>} : memref<64x128xi32, #tpu.memory_space<vmem>>, vector<1x16xi32>,
      %get3A_940 = arith.constant 0 : i32
      %get3A_941 = arith.constant 0 : i32
      %get3A_942 = tpu.memref_slice %arg6[%scan3A_656, %get3A_940, %get3A_941] : memref<2x128x128xi32, #tpu.memory_space<vmem>> -> memref<1x128x128xi32, #tpu.memory_space<vmem>>
      %get3A_943 = tpu.memref_squeeze %get3A_942 : memref<1x128x128xi32, #tpu.memory_space<vmem>> -> memref<128x128xi32, #tpu.memory_space<vmem>>
      %get3A_944 = arith.index_cast %scan3A_704 : i32 to index
      %get3A_945 = arith.constant 96 : index
      %get3A_946 = tpu.vector_load %get3A_943[%get3A_944, %get3A_945] {strides = array<i32>} : memref<128x128xi32, #tpu.memory_space<vmem>>, vector<1x16xi32>,
      %get3A_947 = vector.shape_cast %get3A_946 : vector<1x16xi32> to vector<16xi32>
      %add3A_948 = arith.constant 32768 : i32
      %add3A_949 = vector.broadcast %add3A_948 : i32 to vector<16xi32>
      %add3A_950 = arith.addi %get3A_947, %add3A_949 : vector<16xi32>
      %add3A_951 = arith.constant 64 : i32
      %add3A_952 = arith.addi %add3A_951, %scan3A_704 : i32
      %get3A_953 = arith.constant 0 : i32
      %get3A_954 = arith.constant 0 : i32
      %get3A_955 = tpu.memref_slice %arg6[%scan3A_656, %get3A_953, %get3A_954] : memref<2x128x128xi32, #tpu.memory_space<vmem>> -> memref<1x128x128xi32, #tpu.memory_space<vmem>>
      %get3A_956 = tpu.memref_squeeze %get3A_955 : memref<1x128x128xi32, #tpu.memory_space<vmem>> -> memref<128x128xi32, #tpu.memory_space<vmem>>
      %get3A_957 = arith.index_cast %add3A_952 : i32 to index
      %get3A_958 = arith.constant 96 : index
      %get3A_959 = tpu.vector_load %get3A_956[%get3A_957, %get3A_958] {strides = array<i32>} : memref<128x128xi32, #tpu.memory_space<vmem>>, vector<1x16xi32>,
      %get3A_960 = vector.shape_cast %get3A_959 : vector<1x16xi32> to vector<16xi32>
      %add3A_961 = arith.constant 32768 : i32
      %add3A_962 = vector.broadcast %add3A_961 : i32 to vector<16xi32>
      %add3A_963 = arith.addi %get3A_960, %add3A_962 : vector<16xi32>
      %shift_right_logical3A_964 = arith.constant 16 : i32
      %shift_right_logical3A_965 = vector.broadcast %shift_right_logical3A_964 : i32 to vector<16xi32>
      %shift_right_logical3A_966 = arith.shrui %add3A_950, %shift_right_logical3A_965 : vector<16xi32>
      %and3A_967 = arith.constant -65536 : i32
      %and3A_968 = vector.broadcast %and3A_967 : i32 to vector<16xi32>
      %and3A_969 = arith.andi %add3A_963, %and3A_968 : vector<16xi32>
      %or3A_970 = arith.ori %shift_right_logical3A_966, %and3A_969 : vector<16xi32>
      %swap3A_971 = arith.constant 0 : i32
      %swap3A_972 = arith.constant 0 : i32
      %swap3A_973 = tpu.memref_slice %arg7[%scan3A_657, %swap3A_971, %swap3A_972] : memref<2x64x128xi32, #tpu.memory_space<vmem>> -> memref<1x64x128xi32, #tpu.memory_space<vmem>>
      %swap3A_974 = tpu.memref_squeeze %swap3A_973 : memref<1x64x128xi32, #tpu.memory_space<vmem>> -> memref<64x128xi32, #tpu.memory_space<vmem>>
      %swap3A_975 = arith.index_cast %scan3A_704 : i32 to index
      %swap3A_976 = arith.constant 96 : index
      %swap3A_977 = tpu.vector_load %swap3A_974[%swap3A_975, %swap3A_976] {strides = array<i32>} : memref<64x128xi32, #tpu.memory_space<vmem>>, vector<1x16xi32>,
      %swap3A_978 = vector.shape_cast %swap3A_977 : vector<1x16xi32> to vector<16xi32>
      %swap3A_979 = vector.shape_cast %or3A_970 : vector<16xi32> to vector<1x16xi32>
      tpu.vector_store %swap3A_974[%swap3A_975, %swap3A_976], %swap3A_979 {strides = array<i32>} : memref<64x128xi32, #tpu.memory_space<vmem>>, vector<1x16xi32>,
      %get3A_980 = arith.constant 0 : i32
      %get3A_981 = arith.constant 0 : i32
      %get3A_982 = tpu.memref_slice %arg6[%scan3A_656, %get3A_980, %get3A_981] : memref<2x128x128xi32, #tpu.memory_space<vmem>> -> memref<1x128x128xi32, #tpu.memory_space<vmem>>
      %get3A_983 = tpu.memref_squeeze %get3A_982 : memref<1x128x128xi32, #tpu.memory_space<vmem>> -> memref<128x128xi32, #tpu.memory_space<vmem>>
      %get3A_984 = arith.index_cast %scan3A_704 : i32 to index
      %get3A_985 = arith.constant 112 : index
      %get3A_986 = tpu.vector_load %get3A_983[%get3A_984, %get3A_985] {strides = array<i32>} : memref<128x128xi32, #tpu.memory_space<vmem>>, vector<1x16xi32>,
      %get3A_987 = vector.shape_cast %get3A_986 : vector<1x16xi32> to vector<16xi32>
      %add3A_988 = arith.constant 32768 : i32
      %add3A_989 = vector.broadcast %add3A_988 : i32 to vector<16xi32>
      %add3A_990 = arith.addi %get3A_987, %add3A_989 : vector<16xi32>
      %add3A_991 = arith.constant 64 : i32
      %add3A_992 = arith.addi %add3A_991, %scan3A_704 : i32
      %get3A_993 = arith.constant 0 : i32
      %get3A_994 = arith.constant 0 : i32
      %get3A_995 = tpu.memref_slice %arg6[%scan3A_656, %get3A_993, %get3A_994] : memref<2x128x128xi32, #tpu.memory_space<vmem>> -> memref<1x128x128xi32, #tpu.memory_space<vmem>>
      %get3A_996 = tpu.memref_squeeze %get3A_995 : memref<1x128x128xi32, #tpu.memory_space<vmem>> -> memref<128x128xi32, #tpu.memory_space<vmem>>
      %get3A_997 = arith.index_cast %add3A_992 : i32 to index
      %get3A_998 = arith.constant 112 : index
      %get3A_999 = tpu.vector_load %get3A_996[%get3A_997, %get3A_998] {strides = array<i32>} : memref<128x128xi32, #tpu.memory_space<vmem>>, vector<1x16xi32>,
      %get3A_1000 = vector.shape_cast %get3A_999 : vector<1x16xi32> to vector<16xi32>
      %add3A_1001 = arith.constant 32768 : i32
      %add3A_1002 = vector.broadcast %add3A_1001 : i32 to vector<16xi32>
      %add3A_1003 = arith.addi %get3A_1000, %add3A_1002 : vector<16xi32>
      %shift_right_logical3A_1004 = arith.constant 16 : i32
      %shift_right_logical3A_1005 = vector.broadcast %shift_right_logical3A_1004 : i32 to vector<16xi32>
      %shift_right_logical3A_1006 = arith.shrui %add3A_990, %shift_right_logical3A_1005 : vector<16xi32>
      %and3A_1007 = arith.constant -65536 : i32
      %and3A_1008 = vector.broadcast %and3A_1007 : i32 to vector<16xi32>
      %and3A_1009 = arith.andi %add3A_1003, %and3A_1008 : vector<16xi32>
      %or3A_1010 = arith.ori %shift_right_logical3A_1006, %and3A_1009 : vector<16xi32>
      %swap3A_1011 = arith.constant 0 : i32
      %swap3A_1012 = arith.constant 0 : i32
      %swap3A_1013 = tpu.memref_slice %arg7[%scan3A_657, %swap3A_1011, %swap3A_1012] : memref<2x64x128xi32, #tpu.memory_space<vmem>> -> memref<1x64x128xi32, #tpu.memory_space<vmem>>
      %swap3A_1014 = tpu.memref_squeeze %swap3A_1013 : memref<1x64x128xi32, #tpu.memory_space<vmem>> -> memref<64x128xi32, #tpu.memory_space<vmem>>
      %swap3A_1015 = arith.index_cast %scan3A_704 : i32 to index
      %swap3A_1016 = arith.constant 112 : index
      %swap3A_1017 = tpu.vector_load %swap3A_1014[%swap3A_1015, %swap3A_1016] {strides = array<i32>} : memref<64x128xi32, #tpu.memory_space<vmem>>, vector<1x16xi32>,
      %swap3A_1018 = vector.shape_cast %swap3A_1017 : vector<1x16xi32> to vector<16xi32>
      %swap3A_1019 = vector.shape_cast %or3A_1010 : vector<16xi32> to vector<1x16xi32>
      tpu.vector_store %swap3A_1014[%swap3A_1015, %swap3A_1016], %swap3A_1019 {strides = array<i32>} : memref<64x128xi32, #tpu.memory_space<vmem>>, vector<1x16xi32>,
    }
    %scan3A_662 = arith.constant 64 : i32
    %add3A_663 = arith.constant 448 : i32
    %add3A_664 = arith.addi %mul3A_2, %add3A_663 : i32
    %dma_start3A_665 = arith.constant 1 : i32
    %dma_start3A_666 = arith.constant 0 : i32
    %dma_start3A_667 = arith.constant 0 : i32
    %dma_start3A_668 = tpu.memref_slice %arg7[%dma_start3A_665, %dma_start3A_666, %dma_start3A_667] : memref<2x64x128xi32, #tpu.memory_space<vmem>> -> memref<1x64x128xi32, #tpu.memory_space<vmem>>
    %dma_start3A_669 = tpu.memref_squeeze %dma_start3A_668 : memref<1x64x128xi32, #tpu.memory_space<vmem>> -> memref<64x128xi32, #tpu.memory_space<vmem>>
    %dma_start3A_670 = arith.constant 0 : i32
    %dma_start3A_671 = tpu.memref_slice %arg4[%add3A_664, %dma_start3A_670] : memref<16384x128xi32, #tpu.memory_space<hbm>> -> memref<64x128xi32, #tpu.memory_space<hbm>>
    %dma_start3A_672 = arith.constant 0 : i32
    %dma_start3A_673 = tpu.memref_slice %arg4[%add3A_664, %dma_start3A_672] : memref<16384x128xi32, #tpu.memory_space<hbm>> -> memref<64x128xi32, #tpu.memory_space<hbm>>
    %dma_start3A_674 = arith.constant 0 : i32
    %dma_start3A_675 = arith.constant 0 : i32
    %dma_start3A_676 = tpu.memref_slice %arg7[%dma_start3A_665, %dma_start3A_674, %dma_start3A_675] : memref<2x64x128xi32, #tpu.memory_space<vmem>> -> memref<1x64x128xi32, #tpu.memory_space<vmem>>
    %dma_start3A_677 = tpu.memref_squeeze %dma_start3A_676 : memref<1x64x128xi32, #tpu.memory_space<vmem>> -> memref<64x128xi32, #tpu.memory_space<vmem>>
    tpu.enqueue_dma source(%dma_start3A_677 : memref<64x128xi32, #tpu.memory_space<vmem>>) target(%dma_start3A_673 : memref<64x128xi32, #tpu.memory_space<hbm>>) target_semaphore(%arg13 : memref<!tpu.dma_semaphore, #tpu.memory_space<semaphore_mem>>)
    %dma_wait3A_678 = arith.constant 0 : i32
    %dma_wait3A_679 = arith.constant 0 : i32
    %dma_wait3A_680 = arith.constant 0 : i32
    %dma_wait3A_681 = tpu.memref_slice %arg7[%dma_wait3A_678, %dma_wait3A_679, %dma_wait3A_680] : memref<2x64x128xi32, #tpu.memory_space<vmem>> -> memref<1x64x128xi32, #tpu.memory_space<vmem>>
    %dma_wait3A_682 = tpu.memref_squeeze %dma_wait3A_681 : memref<1x64x128xi32, #tpu.memory_space<vmem>> -> memref<64x128xi32, #tpu.memory_space<vmem>>
    %dma_wait3A_683 = arith.constant 0 : i32
    %dma_wait3A_684 = tpu.memref_slice %arg4[%add3A_602, %dma_wait3A_683] : memref<16384x128xi32, #tpu.memory_space<hbm>> -> memref<64x128xi32, #tpu.memory_space<hbm>>
    %dma_wait3A_685 = arith.constant 0 : i32
    %dma_wait3A_686 = tpu.memref_slice %arg4[%add3A_602, %dma_wait3A_685] : memref<16384x128xi32, #tpu.memory_space<hbm>> -> memref<64x128xi32, #tpu.memory_space<hbm>>
    %dma_wait3A_687 = arith.constant 0 : i32
    %dma_wait3A_688 = arith.constant 0 : i32
    %dma_wait3A_689 = tpu.memref_slice %arg7[%dma_wait3A_678, %dma_wait3A_687, %dma_wait3A_688] : memref<2x64x128xi32, #tpu.memory_space<vmem>> -> memref<1x64x128xi32, #tpu.memory_space<vmem>>
    %dma_wait3A_690 = tpu.memref_squeeze %dma_wait3A_689 : memref<1x64x128xi32, #tpu.memory_space<vmem>> -> memref<64x128xi32, #tpu.memory_space<vmem>>
    tpu.wait_dma2 semaphore(%arg12 : memref<!tpu.dma_semaphore, #tpu.memory_space<semaphore_mem>>) src(%dma_wait3A_690 : memref<64x128xi32, #tpu.memory_space<vmem>>) dst(%dma_wait3A_686 : memref<64x128xi32, #tpu.memory_space<hbm>>)
    %dma_wait3A_691 = arith.constant 1 : i32
    %dma_wait3A_692 = arith.constant 0 : i32
    %dma_wait3A_693 = arith.constant 0 : i32
    %dma_wait3A_694 = tpu.memref_slice %arg7[%dma_wait3A_691, %dma_wait3A_692, %dma_wait3A_693] : memref<2x64x128xi32, #tpu.memory_space<vmem>> -> memref<1x64x128xi32, #tpu.memory_space<vmem>>
    %dma_wait3A_695 = tpu.memref_squeeze %dma_wait3A_694 : memref<1x64x128xi32, #tpu.memory_space<vmem>> -> memref<64x128xi32, #tpu.memory_space<vmem>>
    %dma_wait3A_696 = arith.constant 0 : i32
    %dma_wait3A_697 = tpu.memref_slice %arg4[%add3A_664, %dma_wait3A_696] : memref<16384x128xi32, #tpu.memory_space<hbm>> -> memref<64x128xi32, #tpu.memory_space<hbm>>
    %dma_wait3A_698 = arith.constant 0 : i32
    %dma_wait3A_699 = tpu.memref_slice %arg4[%add3A_664, %dma_wait3A_698] : memref<16384x128xi32, #tpu.memory_space<hbm>> -> memref<64x128xi32, #tpu.memory_space<hbm>>
    %dma_wait3A_700 = arith.constant 0 : i32
    %dma_wait3A_701 = arith.constant 0 : i32
    %dma_wait3A_702 = tpu.memref_slice %arg7[%dma_wait3A_691, %dma_wait3A_700, %dma_wait3A_701] : memref<2x64x128xi32, #tpu.memory_space<vmem>> -> memref<1x64x128xi32, #tpu.memory_space<vmem>>
    %dma_wait3A_703 = tpu.memref_squeeze %dma_wait3A_702 : memref<1x64x128xi32, #tpu.memory_space<vmem>> -> memref<64x128xi32, #tpu.memory_space<vmem>>
    tpu.wait_dma2 semaphore(%arg13 : memref<!tpu.dma_semaphore, #tpu.memory_space<semaphore_mem>>) src(%dma_wait3A_703 : memref<64x128xi32, #tpu.memory_space<vmem>>) dst(%dma_wait3A_699 : memref<64x128xi32, #tpu.memory_space<hbm>>)
    return
  }
}

module attributes {stable_mosaic.version = 14 : i64} {
  func.func @_tc_matmul(%arg0: i32, %arg1: i32, %arg2: memref<512x128xi32, #tpu.memory_space<vmem>>, %arg3: memref<1024x128xf32, #tpu.memory_space<vmem>>, %arg4: memref<128x1024xbf16, #tpu.memory_space<vmem>>, %arg5: memref<1x1024xf32, #tpu.memory_space<vmem>>, %arg6: memref<1024x1024xf32, #tpu.memory_space<vmem>>) attributes {dimension_semantics = [#tpu.dimension_semantics<arbitrary>, #tpu.dimension_semantics<arbitrary>], iteration_bounds = array<i64: 8, 4>, scalar_prefetch = 0 : i64, scratch_operands = 0 : i64, tpu.core_type = #tpu.core_type<tc>, window_params = [{transform_indices = @transform_0, window_bounds = array<i64: 512, 128>}, {transform_indices = @transform_1, window_bounds = array<i64: 1024, 128>}, {pipeline_mode = #tpu.pipeline_mode<synchronous>, transform_indices = @transform_2, window_bounds = array<i64: 128, 1024>}, {pipeline_mode = #tpu.pipeline_mode<synchronous>, transform_indices = @transform_3, window_bounds = array<i64: 1, 1024>}, {transform_indices = @transform_4, window_bounds = array<i64: 1024, 1024>}]} {
    %get3A = arith.constant 0 : index
    %get3A_0 = arith.constant 0 : index
    %get3A_1 = vector.load %arg2[%get3A, %get3A_0] : memref<512x128xi32, #tpu.memory_space<vmem>>, vector<512x128xi32>
    %shift_left3A = arith.constant 16 : i32
    %shift_left3A_2 = vector.broadcast %shift_left3A : i32 to vector<512x128xi32>
    %shift_left3A_3 = arith.shli %get3A_1, %shift_left3A_2 : vector<512x128xi32>
    %bitcast_convert_type3A = tpu.bitcast %shift_left3A_3 : vector<512x128xi32> -> vector<512x128xf32>
    %and3A = arith.constant -65536 : i32
    %and3A_4 = vector.broadcast %and3A : i32 to vector<512x128xi32>
    %and3A_5 = arith.andi %get3A_1, %and3A_4 : vector<512x128xi32>
    %bitcast_convert_type3A_6 = tpu.bitcast %and3A_5 : vector<512x128xi32> -> vector<512x128xf32>
    %get3A_7 = arith.constant 0 : index
    %get3A_8 = arith.constant 0 : index
    %get3A_9 = vector.load %arg3[%get3A_7, %get3A_8] : memref<1024x128xf32, #tpu.memory_space<vmem>>, vector<512x128xf32>
    %add3A = arith.addf %bitcast_convert_type3A, %get3A_9 : vector<512x128xf32>
    %convert_element_type3A = arith.truncf %add3A : vector<512x128xf32> to vector<512x128xbf16>
    %get3A_10 = arith.constant 512 : index
    %get3A_11 = arith.constant 0 : index
    %get3A_12 = vector.load %arg3[%get3A_10, %get3A_11] : memref<1024x128xf32, #tpu.memory_space<vmem>>, vector<512x128xf32>
    %add3A_13 = arith.addf %bitcast_convert_type3A_6, %get3A_12 : vector<512x128xf32>
    %convert_element_type3A_14 = arith.truncf %add3A_13 : vector<512x128xf32> to vector<512x128xbf16>
    %get3A_15 = arith.constant 0 : index
    %get3A_16 = arith.constant 0 : index
    %get3A_17 = vector.load %arg4[%get3A_15, %get3A_16] : memref<128x1024xbf16, #tpu.memory_space<vmem>>, vector<128x1024xbf16>
    %dot_general3A = arith.constant dense<0.000000e+00> : vector<512x1024xf32>
    %dot_general3A_18 = tpu.matmul %convert_element_type3A, %get3A_17, %dot_general3A {dimension_numbers = #tpu.dot_dimension_numbers<[1], [0], [0], [1], [0, 0, 1, 1], [], []>, transpose_lhs_hint = false} : vector<512x128xbf16>, vector<128x1024xbf16>, vector<512x1024xf32> -> vector<512x1024xf32>
    %get3A_19 = arith.constant 0 : index
    %get3A_20 = arith.constant 0 : index
    %get3A_21 = vector.load %arg5[%get3A_19, %get3A_20] : memref<1x1024xf32, #tpu.memory_space<vmem>>, vector<1x1024xf32>
    %add3A_22 = vector.broadcast %get3A_21 : vector<1x1024xf32> to vector<512x1024xf32>
    %add3A_23 = arith.addf %dot_general3A_18, %add3A_22 : vector<512x1024xf32>
    %swap3A = arith.constant 0 : index
    %swap3A_24 = arith.constant 0 : index
    %swap3A_25 = vector.load %arg6[%swap3A, %swap3A_24] : memref<1024x1024xf32, #tpu.memory_space<vmem>>, vector<512x1024xf32>
    tpu.vector_store %arg6[%swap3A, %swap3A_24], %add3A_23 {strides = array<i32>} : memref<1024x1024xf32, #tpu.memory_space<vmem>>, vector<512x1024xf32>,
    %get3A_26 = arith.constant 0 : index
    %get3A_27 = arith.constant 0 : index
    %get3A_28 = vector.load %arg4[%get3A_26, %get3A_27] : memref<128x1024xbf16, #tpu.memory_space<vmem>>, vector<128x1024xbf16>
    %dot_general3A_29 = arith.constant dense<0.000000e+00> : vector<512x1024xf32>
    %dot_general3A_30 = tpu.matmul %convert_element_type3A_14, %get3A_28, %dot_general3A_29 {dimension_numbers = #tpu.dot_dimension_numbers<[1], [0], [0], [1], [0, 0, 1, 1], [], []>, transpose_lhs_hint = false} : vector<512x128xbf16>, vector<128x1024xbf16>, vector<512x1024xf32> -> vector<512x1024xf32>
    %get3A_31 = arith.constant 0 : index
    %get3A_32 = arith.constant 0 : index
    %get3A_33 = vector.load %arg5[%get3A_31, %get3A_32] : memref<1x1024xf32, #tpu.memory_space<vmem>>, vector<1x1024xf32>
    %add3A_34 = vector.broadcast %get3A_33 : vector<1x1024xf32> to vector<512x1024xf32>
    %add3A_35 = arith.addf %dot_general3A_30, %add3A_34 : vector<512x1024xf32>
    %swap3A_36 = arith.constant 512 : index
    %swap3A_37 = arith.constant 0 : index
    %swap3A_38 = vector.load %arg6[%swap3A_36, %swap3A_37] : memref<1024x1024xf32, #tpu.memory_space<vmem>>, vector<512x1024xf32>
    tpu.vector_store %arg6[%swap3A_36, %swap3A_37], %add3A_35 {strides = array<i32>} : memref<1024x1024xf32, #tpu.memory_space<vmem>>, vector<512x1024xf32>,
    return
  }
  func.func @transform_0(%arg0: i32, %arg1: i32) -> (i32, i32) {
    %mul3A = arith.constant 8 : i32
    %mul3A_0 = arith.muli %arg1, %mul3A : i32
    %add3A = arith.addi %mul3A_0, %arg0 : i32
    %c0_i32 = arith.constant 0 : i32
    %c0_i32_1 = arith.constant 0 : i32
    return %add3A, %c0_i32 : i32, i32
  }
  func.func @transform_1(%arg0: i32, %arg1: i32) -> (i32, i32) {
    %c0_i32 = arith.constant 0 : i32
    %c0_i32_0 = arith.constant 0 : i32
    return %arg0, %c0_i32 : i32, i32
  }
  func.func @transform_2(%arg0: i32, %arg1: i32) -> (i32, i32) {
    %c0_i32 = arith.constant 0 : i32
    %c0_i32_0 = arith.constant 0 : i32
    %c0_i32_1 = arith.constant 0 : i32
    return %c0_i32, %c0_i32_0 : i32, i32
  }
  func.func @transform_3(%arg0: i32, %arg1: i32) -> (i32, i32) {
    %c0_i32 = arith.constant 0 : i32
    %c0_i32_0 = arith.constant 0 : i32
    %c0_i32_1 = arith.constant 0 : i32
    return %c0_i32, %c0_i32_0 : i32, i32
  }
  func.func @transform_4(%arg0: i32, %arg1: i32) -> (i32, i32) {
    %mul3A = arith.constant 8 : i32
    %mul3A_0 = arith.muli %arg1, %mul3A : i32
    %add3A = arith.addi %mul3A_0, %arg0 : i32
    %c0_i32 = arith.constant 0 : i32
    %c0_i32_1 = arith.constant 0 : i32
    return %add3A, %c0_i32 : i32, i32
  }
}

</mosaic_0001>

<sc_bundles>
// kernel: kernel.4.cloned.1.call-start
scs
__scs_entry_jumppad:
0x0: {  	(pc) =	sbr.rel $0x88, $3  }
0x1: {  	(tag) =	ssettag $0x0;
	lr =	simm.s32 $0x1  }
0x2: {  	[smem:$0x3F9C] =	sst lr;
	_ =	strace $0xD0000000  }
0x3: {  	_ = 	snop  }
0x4: {  	_ = 	snop  }
0x5: {  	_ = 	snop  }
0x6: {  	_ = 	snop  }
0x7: {  	_ = 	snop  }
__scs_overlays_trampoline_lowered:
0x8: {  	[smem:$0x3FAB] =	sst s0  }
0x9: {  	[smem:$0x3FAC] =	sst s1  }
0xa: {  	[smem:$0x3FAD] =	sst s2  }
0xb: {  	[smem:$0x3FAE] =	sst s3  }
0xc: {  	[smem:$0x3FAF] =	sst s4  }
0xd: {  	[smem:$0x3FB0] =	sst s5  }
0xe: {  	[smem:$0x3FB1] =	sst s6  }
0xf: {  	[smem:$0x3FB2] =	sst s7  }
0x10: {  	[smem:$0x3FB3] =	sst s8  }
0x11: {  	[smem:$0x3FB4] =	sst s9;
	s0 =	simm.s32 @!p0 $0x0  }
0x12: {  	s1 =	sld [smem:$0x3F9A];
	s0 =	simm.s32 @p0 $0x1  }
0x13: {  	[smem:$0x3FB5] =	sst s0;
	s0 =	simm.s32 @!p1 $0x0  }
0x14: {  	s2 =	sld [smem:$0x3F99];
	s0 =	simm.s32 @p1 $0x1  }
0x15: {  	[smem:$0x3FB6] =	sst s0;
	s0 =	simm.s32 @!p2 $0x0  }
0x16: {  	s3 =	sld [smem:$0x3FDB];
	s0 =	simm.s32 @p2 $0x1  }
0x17: {  	s4 =	simm.s32 $0x1BF5;
	[smem:$0x3FB8] =	sst s0  }
0x18: {  	s0 =	sld [smem:$0x3F9B];
	_ =	swait.ge [sflag:s4], $0x0  }
0x19: {  	s7 =	sld [smem:$0x3F9C]  }
0x1a: {  	s8 =	sadd.s32 $0xFFFFE003, lr  }
0x1b: {  	s9 =	sadd.s32 $0xFFFFFEF7, lr;
	s5 =	simm.s32 $0xFFFFFFFF;
	p2 =	slt.u32 s8, $0xFFFFF086  }
0x1c: {  	p1 =	slt.u32 s9, $0xF7A;
	s5 =	simm.s32 @!p2 $0x0  }
0x1d: {  	s5 =	simm.s32 @p1 $0x1;
	p0 =	seq.s32 s7, s2  }
0x1e: {  	s7 =	smul.u32 @!p0 $0xF7A, s2;
	p2 =	seq.s32 @!p0 s5, $0x0  }
0x1f: {  	s9 =	smul.u32 $0xF7A, s1;
	s8 =	simm.s32 @!p0 $0x1BF5;
	p2 =	por !p2, p0  }
0x20: {  	[sflag:s8] =	ssyncset.s32 @!p0 $0xFFFFF086;
	s6 =	sadd.s32 @!p0 s3, s7;
	s7 =	simm.s32 @!p0 $0x108  }
0x21: {  	s3 =	sadd.s32 s3, s9;
	s6 =	sadd.s32 @!p0 $0x88, s6;
	s7 =	simm.s32 @p2 $0x1082  }
0x22: {  	[simem:s7], [sflag:s8] =	dma.local @!p0 [hbm:s6], $0xF7A  }
0x23: {  	s9 =	sor.u32 $0xD0000000, s2;
	s6 =	simm.s32 $0x108;
	_ =	swait.ge @!p0 [sflag:s8], $0x0  }
0x24: {  	s3 =	sadd.s32 $0x88, s3;
	s6 =	simm.s32 @!p1 $0x1082;
	[sflag:s4] =	ssyncset.s32 $0xFFFFF086  }
0x25: {  	[simem:s6], [sflag:s4] =	dma.local [hbm:s3], $0xF7A  }
0x26: {  	[smem:$0x3F9C] =	sst s1;
	(tag) =	ssettag s2;
	_ =	strace s9  }
0x27: {  	s1 =	sld [smem:$0x3FAC]  }
0x28: {  	s2 =	sld [smem:$0x3FAD]  }
0x29: {  	s4 =	sld [smem:$0x3FAF]  }
0x2a: {  	p0 =	seq.s32 s5, $0x0;
	s5 =	sld [smem:$0x3FB0]  }
0x2b: {  	s6 =	sld [smem:$0x3FB1]  }
0x2c: {  	s7 =	sld [smem:$0x3FB2]  }
0x2d: {  	s3 =	simm.s32 $0x108;
	s8 =	sld [smem:$0x3FB3]  }
0x2e: {  	s3 =	simm.s32 @!p0 $0x1082;
	s9 =	sld [smem:$0x3FB4]  }
0x2f: {  	lr =	sadd.s32 s0, s3;
	s0 =	sld [smem:$0x3FAB]  }
0x30: {  	s3 =	sld [smem:$0x3FAE]  }
0x31: {  	[smem:$0x3FB7] =	sst s10  }
0x32: {  	s10 =	sld [smem:$0x3FB5];
	_ =	sdelay $0x3  }
0x33: {  	p0 =	seq.s32 s10, $0x1;
	s10 =	sld [smem:$0x3FB7];
	_ =	sdelay $0x3  }
0x34: {  	[smem:$0x3FB7] =	sst s10  }
0x35: {  	s10 =	sld [smem:$0x3FB6];
	_ =	sdelay $0x3  }
0x36: {  	p1 =	seq.s32 s10, $0x1;
	s10 =	sld [smem:$0x3FB7];
	_ =	sdelay $0x3  }
0x37: {  	[smem:$0x3FB7] =	sst s10  }
0x38: {  	s10 =	sld [smem:$0x3FB8]  }
0x39: {  	_ = 	snop;
	(pc) =	sbr.ind lr, $3  }
0x3a: {  	_ = 	snop  }
0x3b: {  	_ = 	snop  }
0x3c: {  	p2 =	seq.s32 s10, $0x1;
	s10 =	sld [smem:$0x3FB7]  }
0x3d: {  	_ =	shalt  }
0x3e: {  	_ =	shalt  }
0x3f: {  	_ =	shalt  }
0x40: {  	_ =	shalt  }
0x41: {  	_ =	shalt  }
0x42: {  	_ =	shalt  }
0x43: {  	_ =	shalt  }
0x44: {  	_ =	shalt  }
0x45: {  	_ =	shalt  }
0x46: {  	_ =	shalt  }
0x47: {  	_ =	shalt  }
0x48: {  	_ =	shalt  }
0x49: {  	_ =	shalt  }
0x4a: {  	_ =	shalt  }
0x4b: {  	_ =	shalt  }
0x4c: {  	_ =	shalt  }
0x4d: {  	_ =	shalt  }
0x4e: {  	_ =	shalt  }
0x4f: {  	_ =	shalt  }
0x50: {  	_ =	shalt  }
0x51: {  	_ =	shalt  }
0x52: {  	_ =	shalt  }
0x53: {  	_ =	shalt  }
0x54: {  	_ =	shalt  }
0x55: {  	_ =	shalt  }
0x56: {  	_ =	shalt  }
0x57: {  	_ =	shalt  }
0x58: {  	_ =	shalt  }
0x59: {  	_ =	shalt  }
0x5a: {  	_ =	shalt  }
0x5b: {  	_ =	shalt  }
0x5c: {  	_ =	shalt  }
0x5d: {  	_ =	shalt  }
0x5e: {  	_ =	shalt  }
0x5f: {  	_ =	shalt  }
0x60: {  	_ =	shalt  }
0x61: {  	_ =	shalt  }
0x62: {  	_ =	shalt  }
0x63: {  	_ =	shalt  }
0x64: {  	_ =	shalt  }
0x65: {  	_ =	shalt  }
0x66: {  	_ =	shalt  }
0x67: {  	_ =	shalt  }
0x68: {  	_ =	shalt  }
0x69: {  	_ =	shalt  }
0x6a: {  	_ =	shalt  }
0x6b: {  	_ =	shalt  }
0x6c: {  	_ =	shalt  }
0x6d: {  	_ =	shalt  }
0x6e: {  	_ =	shalt  }
0x6f: {  	_ =	shalt  }
0x70: {  	_ =	shalt  }
0x71: {  	_ =	shalt  }
0x72: {  	_ =	shalt  }
0x73: {  	_ =	shalt  }
0x74: {  	_ =	shalt  }
0x75: {  	_ =	shalt  }
0x76: {  	_ =	shalt  }
0x77: {  	_ =	shalt  }
0x78: {  	_ =	shalt  }
0x79: {  	_ =	shalt  }
0x7a: {  	_ =	shalt  }
0x7b: {  	_ =	shalt  }
0x7c: {  	_ =	shalt  }
0x7d: {  	_ =	shalt  }
0x7e: {  	_ =	shalt  }
0x7f: {  	_ =	shalt  }
0x80: {  	_ =	shalt  }
0x81: {  	_ =	shalt  }
0x82: {  	_ =	shalt  }
0x83: {  	_ =	shalt  }
0x84: {  	_ =	shalt  }
0x85: {  	_ =	shalt  }
0x86: {  	_ =	shalt  }
0x87: {  	_ =	shalt  }
.Lfunc_end0:
.L_simem_size_0:
called_computation_lowered:
.L_overlay_start_0:
0x88: {  	s2 =	sld [smem:$0x3FD9]  }
0x89: {  	s3 =	sld [smem:$0x3FFE];
	_ =	sdelay $0x1  }
0x8a: {  	s1 =	srdreg.scid  }
0x8b: {  	s0 =	sand.u32 $0x1, s1  }
0x8c: {  	s17 =	sshll.u32 s0, $0xA;
	s2 =	sadd.s32 s3, s2  }
0x8d: {  	s2 =	sadd.s32 s2, s17  }
0x8e: {  	[smem:$0x3FC3] =	sst s2  }
0x8f: {  	_ = 	snop  }
0x90: {  	s2 =	sld [smem:$0x3FD0];
	(tm) =	ssettm $0x1  }
0x91: {  	s18 =	sld [smem:$0x3FFB];
	_ =	sdelay $0x3  }
0x92: {  	_ =	strace s18  }
0x93: {  	s3 =	sld [smem:$0x3FFC];
	_ =	sdelay $0x3  }
0x94: {  	_ =	strace s3  }
0x95: {  	s3 =	sld [smem:$0x3FFD];
	_ =	sdelay $0x3  }
0x96: {  	_ =	strace s3  }
0x97: {  	_ =	strace $0x8FFFFFFF  }
0x98: {  	s19 =	sld [smem:$0x3FDB];
	_ =	sdelay $0x1  }
0x99: {  	s4 =	simm.s32 $_scs_section_size  }
0x9a: {  	s5 =	simm.s32 $_size__tile_overlayer_lowered;
	s6 =	simm.s32 $_tile_overlayer_lowered  }
0x9b: {  	s22 =	simm.s32 $0x1BFF;
	s21 =	sshll.u32 s6, $0x1;
	s3 =	sadd.s32 s4, s19  }
0x9c: {  	s7 =	simm.s32 $0x0;
	s20 =	sshll.u32 s5, $0x1;
	s5 =	sadd.s32 s21, s3  }
0x9d: {  	[timem:s7], [sflag:s22] =	dma.local [hbm:s5], s20  }
0x9e: {  	_ =	swait.ge [sflag:s22], s20  }
0x9f: {  	s4 =	ssub.s32 $0x0, s20;
	[sflag:s22] =	ssyncset.done $0x0  }
0xa0: {  	[sflag:s22] =	ssyncadd.s32 s4;
	_ =	sdelay $0x1  }
0xa1: {  	s23 =	simm.s32 $0x1B8B  }
0xa2: {  	_ =	swait.ge [sflag:s23], $0x1  }
0xa3: {  	[sflag:s23] =	ssyncset.done $0x0  }
0xa4: {  	s25 =	simm.s32 $0x1B8E;
	s24 =	sld [smem:$0x3FFE];
	[sflag:s23] =	ssyncadd.s32 $0xFFFFFFFF  }
0xa5: {  	s26 =	simm.s32 $execute0_lowered;
	[smem:$0x3FD2] =	sst s25  }
0xa6: {  	s5 =	sshll.u32 s26, $0x1;
	_ =	strace $0x80000046;
	[dreg:$0x1] =	wrdreg $0xFFFFFFFF  }
0xa7: {  	s28 =	simm.s32 $_size_execute0_lowered;
	s3 =	sadd.s32 s3, s5;
	[dreg:$0x0] =	wrdreg $0x0  }
0xa8: {  	s5 =	sshll.u32 s28, $0x1;
	[dreg:$0x2] =	wrdreg s3  }
0xa9: {  	[dreg:$0x3] =	wrdreg s5  }
0xaa: {  	[dreg:$0x4] =	wrdreg $0xC0  }
0xab: {  	_ =	task [dreg:s7], $0x5FFFF  }
0xac: {  	[dreg:$0x1] =	wrdreg $0xFFFFFFFF  }
0xad: {  	[dreg:$0x0] =	wrdreg $0x60  }
0xae: {  	[dreg:$0x2] =	wrdreg s24  }
0xaf: {  	[dreg:$0x3] =	wrdreg s2  }
0xb0: {  	[dreg:$0x4] =	wrdreg $0x9  }
0xb1: {  	_ =	task.clear_ibuf [dreg:s7], $0x5FFFF;
	_ =	strace $0x90000046  }
0xb2: {  	s29 =	simm.s32 $0x9;
	_ =	strace $0x80000048  }
0xb3: {  	_ =	swait.ge [sflag:s29], $0x1  }
0xb4: {  	[sflag:s29] =	ssyncadd.s32 $0xFFFFFFFF  }
0xb5: {  	_ =	strace $0x90000048  }
0xb6: {  	_ =	sfence  }
0xb7: {  	s30 =	sld [smem:$0x0];
	_ =	sdelay $0x2  }
0xb8: {  	s31 =	sshll.u32 s1, $0xD;
	s1 =	sshrl.u32 s1, $0x2  }
0xb9: {  	s3 =	sand.u32 $0x4000, s31;
	s1 =	sadd.s32 s1, s30  }
0xba: {  	s0 =	sor.u32 s3, s0;
	s1 =	sshll.u32 s1, $0x11  }
0xbb: {  	s0 =	sor.u32 s1, s0  }
0xbc: {  	s0 =	sadd.s32 $0x8F2B, s0  }
0xbd: {  	[sflag:s0] =	ssyncadd.remote.s32 $0x1  }
0xbe: {  	_ =	sfence.sel $0xFFFF  }
0xbf: {  	[dreg:$0x0] =	wrdreg $0xFFFFFFFF;
	(pc) =	sbr.abs _section_cstart, $3  }
0xc0: {  	[dreg:$0x1] =	wrdreg $0xFFFFFFFF  }
0xc1: {  	_ =	task.clear_ibuf [dreg:s7], $0x2FFFF;
	_ =	strace $0x9FFFFFFF  }
0xc2: {  	(tm) =	ssettm $0x7FFFFFFF  }
0xc3: {  	_ =	shalt  }
tec
execute0_lowered:
.L_overlay_start_1:
0x0: {  	(tag) =	ssettag $0x1  }
0x1: {  	s0 =	rddreg [dreg:$0x0]  }
0x2: {  	s2 =	rddreg [dreg:$0x1]  }
0x3: {  	s3 =	simm.s32 $0x0;
	s5 =	stileid.u32;
	s1 =	srdreg.scid  }
0x4: {  	s14 =	simm.s32 $0x80;
	s15 =	simm.s32 $0x400;
	s16 =	simm.s32 $0x7  }
0x5: {  	s17 =	simm.s32 $0x40;
	s19 =	simm.s32 $0x2400;
	s20 =	simm.s32 $0x4400  }
0x6: {  	s22 =	simm.s32 $0x6400;
	s23 =	simm.s32 $0x1;
	s24 =	simm.s32 $0x2  }
0x7: {  	s25 =	simm.s32 $0x8400;
	s28 =	simm.s32 $0x3;
	s29 =	simm.s32 $0x4  }
0x8: {  	s30 =	simm.s32 $0xA400;
	s26 =	simm.s32 $0x6;
	s18 =	simm.s32 $0x0  }
0x9: {  	[smem:$0x7FF] =	sst s3;
	s4 =	sshll.u32 s5, $0x8;
	s1 =	sand.u32 $0x1, s1  }
0xa: {  	s5 =	sshll.u32 s5, $0x1;
	_ =	strace $0x80000047;
	s4 =	sand.u32 $0xC00, s4  }
0xb: {  	s5 =	sor.u32 s1, s5;
	s1 =	ssub.s32 $0x2, s1;
	s4 =	sadd.s32 s4, s0  }
0xc: {  	s6 =	sshll.u32 s5, $0x4;
	s5 =	sshll.u32 s5, $0xD;
	s7 =	sshrl.u32 s1, $0x1  }
0xd: {  	s6 =	sand.u32 $0x70, s6;
	s0 =	sadd.s32 s5, s0;
	s1 =	ssub.s32 s1, s7  }
0xe: {  	s4 =	sadd.s32 s6, s4;
	s5 =	sadd.s32 $0x1C00, s0;
	s6 =	sadd.s32 $0x2000, s0  }
0xf: {  	s7 =	sadd.s32 $0x2400, s0;
	s8 =	sadd.s32 $0x2800, s0;
	s9 =	sadd.s32 $0x2C00, s0  }
0x10: {  	s10 =	sadd.s32 $0x3000, s0;
	s11 =	sadd.s32 $0x3400, s0;
	s12 =	sadd.s32 $0x3800, s0  }
0x11: {  	s13 =	smax.u32 s1, $0x1;
	s1 =	simm.s32 $0x5;
	s4 =	sadd.s32 $0xC00, s4  }
.LBB2_1:
0x12: {  	[tilespmem:s3], [sflag:$0x7] =	stream.strided.gather [hbm4b:s4+s14], $0x400, s15, s14, $0x38;
	[tilespmem:$0xC400] =	vst v63  }
0x13: {  	_ =	swait.ge [sflag:s16], $0x400  }
0x14: {  	[sflag:s16] =	ssyncset.done $0x0  }
0x15: {  	[sflag:s16] =	ssyncadd.s32 $0xFFFFFC00  }
0x16: {  	[tilespmem:s15], [sflag:$0x1] =	stream.indirect.gather [hbm4b:s2+s17], $0x80, s3, s17, $0xb8;
	[tilespmem:$0xC400] =	vst v63  }
0x17: {  	s0 =	simm.s32 $0x200  }
0x18: {  	[tilespmem:s19], [sflag:$0x2] =	stream.indirect.gather [hbm4b:s2+s17], $0x80, s0, s17, $0xb8;
	[tilespmem:$0xC400] =	vst v63  }
0x19: {  	_ = 	snop  }
0x1a: {  	[tilespmem:s20], [sflag:$0x3] =	stream.indirect.gather [hbm4b:s2+s17], $0x80, s17, s17, $0xb8;
	[tilespmem:$0xC400] =	vst v63  }
0x1b: {  	s21 =	simm.s32 $0x240  }
0x1c: {  	[tilespmem:s22], [sflag:$0x4] =	stream.indirect.gather [hbm4b:s2+s17], $0x80, s21, s17, $0xb8;
	[tilespmem:$0xC400] =	vst v63  }
0x1d: {  	_ =	swait.ge [sflag:s23], $0x2000  }
0x1e: {  	[sflag:s23] =	ssyncset.done $0x0  }
0x1f: {  	[sflag:s23] =	ssyncadd.s32 $0xFFFFE000  }
0x20: {  	_ =	swait.ge [sflag:s24], $0x2000  }
0x21: {  	[sflag:s24] =	ssyncset.done $0x0  }
0x22: {  	s21 =	simm.s32 $0x0;
	[sflag:s24] =	ssyncadd.s32 $0xFFFFE000  }
0x23: {  	v0 =	vld [tilespmem:s21+$0x470]  }
0x24: {  	v1 =	vld [tilespmem:s21+$0x2470]  }
0x25: {  	v2 =	vld [tilespmem:s21+$0x400]  }
0x26: {  	v3 =	vld [tilespmem:s21+$0x2400]  }
0x27: {  	v4 =	vld [tilespmem:s21+$0x410]  }
0x28: {  	v5 =	vld [tilespmem:s21+$0x2410]  }
0x29: {  	v6 =	vld [tilespmem:s21+$0x420]  }
0x2a: {  	v7 =	vld [tilespmem:s21+$0x2420];
	v0 =	vadd.s32 $0x8000, v0;
	v1 =	vadd.s32 $0x8000, v1;
	v2 =	vadd.s32 $0x8000, v2  }
0x2b: {  	v8 =	vld [tilespmem:s21+$0x430];
	v3 =	vadd.s32 $0x8000, v3;
	v0 =	vshrl.u32 v0, $0x10;
	v1 =	vand.u32 $0xFFFF0000, v1  }
0x2c: {  	v9 =	vld [tilespmem:s21+$0x2430];
	v0 =	vor.u32 v0, v1;
	v1 =	vshrl.u32 v2, $0x10;
	v2 =	vand.u32 $0xFFFF0000, v3  }
0x2d: {  	v10 =	vld [tilespmem:s21+$0x440];
	[tilespmem:s21+$0x8470] =	vst v0;
	v0 =	vor.u32 v1, v2;
	v1 =	vadd.s32 $0x8000, v4;
	v2 =	vadd.s32 $0x8000, v5  }
0x2e: {  	v5 =	vld [tilespmem:s21+$0x2440];
	[tilespmem:s21+$0x8400] =	vst v0;
	v0 =	vshrl.u32 v1, $0x10;
	v1 =	vand.u32 $0xFFFF0000, v2  }
0x2f: {  	v3 =	vadd.s32 $0x8000, v7;
	v2 =	vadd.s32 $0x8000, v6;
	v0 =	vor.u32 v0, v1;
	v1 =	vld [tilespmem:s21+$0x450]  }
0x30: {  	[tilespmem:s21+$0x8410] =	vst v0;
	v0 =	vshrl.u32 v2, $0x10;
	v2 =	vand.u32 $0xFFFF0000, v3;
	v3 =	vld [tilespmem:s21+$0x2450]  }
0x31: {  	v4 =	vadd.s32 $0x8000, v8;
	v6 =	vadd.s32 $0x8000, v9;
	v0 =	vor.u32 v0, v2;
	v2 =	vld [tilespmem:s21+$0x460]  }
0x32: {  	s31 =	simm.s32 $0x80;
	v8 =	vadd.s32 $0x8000, v10;
	v7 =	vshrl.u32 v4, $0x10;
	v4 =	vld [tilespmem:s21+$0x2460];
	v6 =	vand.u32 $0xFFFF0000, v6;
	[tilespmem:s21+$0x8420] =	vst v0  }
0x33: {  	s0 =	simm.s32 $0x400;
	v6 =	vor.u32 v7, v6;
	v7 =	vadd.s32 $0x8000, v5;
	v5 =	vshrl.u32 v8, $0x10;
	v0 =	vld [tilespmem:s31+$0x470]  }
.LBB2_2:
0x34: {  	p0 =	sne.s32 s0, $0x7E00;
	v8 =	vld [tilespmem:s31+$0x2470];
	[tilespmem:s21+$0x8430] =	vst v6;
	v6 =	vand.u32 $0xFFFF0000, v7;
	v1 =	vadd.s32 $0x8000, v1  }
0x35: {  	v7 =	vld [tilespmem:s31+$0x400];
	v5 =	vor.u32 v5, v6;
	v3 =	vadd.s32 $0x8000, v3;
	v1 =	vshrl.u32 v1, $0x10  }
0x36: {  	v6 =	vld [tilespmem:s31+$0x2400];
	[tilespmem:s21+$0x8440] =	vst v5;
	v3 =	vand.u32 $0xFFFF0000, v3;
	v2 =	vadd.s32 $0x8000, v2  }
0x37: {  	v5 =	vld [tilespmem:s31+$0x410];
	v1 =	vor.u32 v1, v3;
	v3 =	vadd.s32 $0x8000, v4;
	v2 =	vshrl.u32 v2, $0x10  }
0x38: {  	v4 =	vld [tilespmem:s31+$0x2410];
	[tilespmem:s21+$0x8450] =	vst v1;
	v1 =	vand.u32 $0xFFFF0000, v3  }
0x39: {  	v0 =	vadd.s32 $0x8000, v0;
	v3 =	vld [tilespmem:s31+$0x420];
	v8 =	vadd.s32 $0x8000, v8;
	v1 =	vor.u32 v2, v1  }
0x3a: {  	v0 =	vshrl.u32 v0, $0x10;
	v2 =	vadd.s32 $0x8000, v7;
	v7 =	vld [tilespmem:s31+$0x2420];
	v8 =	vand.u32 $0xFFFF0000, v8;
	[tilespmem:s21+$0x8460] =	vst v1;
	s21 =	smov.u32 s31  }
0x3b: {  	v1 =	vadd.s32 $0x8000, v6;
	v2 =	vshrl.u32 v2, $0x10;
	v6 =	vld [tilespmem:s21+$0x430];
	v0 =	vor.u32 v0, v8  }
0x3c: {  	v1 =	vand.u32 $0xFFFF0000, v1;
	v5 =	vadd.s32 $0x8000, v5;
	v8 =	vld [tilespmem:s21+$0x2430];
	[tilespmem:s21+$0x8470] =	vst v0  }
0x3d: {  	v0 =	vor.u32 v2, v1;
	v1 =	vadd.s32 $0x8000, v4;
	v2 =	vshrl.u32 v5, $0x10;
	v4 =	vld [tilespmem:s21+$0x440]  }
0x3e: {  	[tilespmem:s21+$0x8400] =	vst v0;
	v0 =	vand.u32 $0xFFFF0000, v1;
	v1 =	vadd.s32 $0x8000, v3;
	v5 =	vld [tilespmem:s21+$0x2440]  }
.Ltmp0:
0x3f: {  	v0 =	vor.u32 v2, v0;
	v2 =	vadd.s32 $0x8000, v7;
	v7 =	vshrl.u32 v1, $0x10;
	v1 =	vld [tilespmem:s21+$0x450];
	(pc) =	sbr.rel @p0 .LBB2_2-.Ltmp0, $4  }
0x40: {  	[tilespmem:s21+$0x8410] =	vst v0;
	v0 =	vand.u32 $0xFFFF0000, v2;
	v2 =	vadd.s32 $0x8000, v6;
	v3 =	vld [tilespmem:s21+$0x2450]  }
0x41: {  	v0 =	vor.u32 v7, v0;
	v6 =	vadd.s32 $0x8000, v8;
	v7 =	vshrl.u32 v2, $0x10;
	v2 =	vld [tilespmem:s21+$0x460]  }
0x42: {  	s31 =	sshra.s32 s0, $0x2;
	[tilespmem:s21+$0x8420] =	vst v0;
	v6 =	vand.u32 $0xFFFF0000, v6;
	v8 =	vadd.s32 $0x8000, v4;
	v4 =	vld [tilespmem:s21+$0x2460]  }
0x43: {  	s0 =	sadd.s32 $0x200, s0;
	v0 =	vld [tilespmem:s31+$0x470];
	v6 =	vor.u32 v7, v6;
	v7 =	vadd.s32 $0x8000, v5;
	v5 =	vshrl.u32 v8, $0x10  }
0x44: {  	v8 =	vld [tilespmem:s31+$0x2470];
	[tilespmem:s21+$0x8430] =	vst v6;
	v6 =	vand.u32 $0xFFFF0000, v7  }
0x45: {  	v1 =	vadd.s32 $0x8000, v1;
	v7 =	vld [tilespmem:s31+$0x400];
	v5 =	vor.u32 v5, v6;
	v3 =	vadd.s32 $0x8000, v3  }
0x46: {  	v6 =	vld [tilespmem:s31+$0x2400];
	v1 =	vshrl.u32 v1, $0x10;
	[tilespmem:s21+$0x8440] =	vst v5;
	v3 =	vand.u32 $0xFFFF0000, v3  }
0x47: {  	v2 =	vadd.s32 $0x8000, v2;
	v5 =	vld [tilespmem:s31+$0x410];
	v1 =	vor.u32 v1, v3;
	v4 =	vadd.s32 $0x8000, v4  }
0x48: {  	v3 =	vld [tilespmem:s31+$0x2410];
	[tilespmem:s21+$0x8450] =	vst v1;
	v1 =	vshrl.u32 v2, $0x10;
	v2 =	vand.u32 $0xFFFF0000, v4  }
0x49: {  	v0 =	vadd.s32 $0x8000, v0;
	v4 =	vld [tilespmem:s31+$0x420];
	v1 =	vor.u32 v1, v2  }
0x4a: {  	v2 =	vld [tilespmem:s31+$0x2420];
	v8 =	vadd.s32 $0x8000, v8;
	v0 =	vshrl.u32 v0, $0x10;
	[tilespmem:s21+$0x8460] =	vst v1  }
0x4b: {  	v1 =	vand.u32 $0xFFFF0000, v8;
	v7 =	vadd.s32 $0x8000, v7;
	v6 =	vadd.s32 $0x8000, v6;
	v8 =	vld [tilespmem:s31+$0x430]  }
0x4c: {  	v0 =	vor.u32 v0, v1;
	v1 =	vld [tilespmem:s31+$0x2430];
	v7 =	vshrl.u32 v7, $0x10;
	v6 =	vand.u32 $0xFFFF0000, v6  }
0x4d: {  	[tilespmem:s31+$0x8470] =	vst v0;
	v0 =	vor.u32 v7, v6;
	v6 =	vld [tilespmem:s31+$0x440];
	v5 =	vadd.s32 $0x8000, v5;
	v3 =	vadd.s32 $0x8000, v3  }
0x4e: {  	v7 =	vld [tilespmem:s31+$0x2460];
	[tilespmem:s31+$0x8400] =	vst v0;
	v0 =	vshrl.u32 v5, $0x10;
	v3 =	vand.u32 $0xFFFF0000, v3  }
0x4f: {  	v5 =	vld [tilespmem:s31+$0x2440];
	v0 =	vor.u32 v0, v3;
	v4 =	vadd.s32 $0x8000, v4;
	v2 =	vadd.s32 $0x8000, v2  }
0x50: {  	v3 =	vld [tilespmem:s31+$0x450];
	[tilespmem:s31+$0x8410] =	vst v0;
	v0 =	vshrl.u32 v4, $0x10;
	v2 =	vand.u32 $0xFFFF0000, v2  }
0x51: {  	v4 =	vld [tilespmem:s31+$0x2450];
	v0 =	vor.u32 v0, v2  }
0x52: {  	v2 =	vld [tilespmem:s31+$0x460];
	v1 =	vadd.s32 $0x8000, v1;
	[tilespmem:s31+$0x8420] =	vst v0;
	v0 =	vadd.s32 $0x8000, v8  }
0x53: {  	v1 =	vand.u32 $0xFFFF0000, v1;
	v0 =	vshrl.u32 v0, $0x10  }
0x54: {  	v6 =	vadd.s32 $0x8000, v6;
	v0 =	vor.u32 v0, v1;
	v1 =	vadd.s32 $0x8000, v5  }
0x55: {  	v5 =	vshrl.u32 v6, $0x10;
	v3 =	vadd.s32 $0x8000, v3;
	v1 =	vand.u32 $0xFFFF0000, v1  }
0x56: {  	v4 =	vadd.s32 $0x8000, v4;
	v3 =	vshrl.u32 v3, $0x10;
	v1 =	vor.u32 v5, v1  }
0x57: {  	[tilespmem:s31+$0x8430] =	vst v0;
	v0 =	vand.u32 $0xFFFF0000, v4;
	v2 =	vadd.s32 $0x8000, v2;
	v4 =	vadd.s32 $0x8000, v7  }
0x58: {  	[tilespmem:s31+$0x8440] =	vst v1;
	v0 =	vor.u32 v3, v0;
	v1 =	vshrl.u32 v2, $0x10;
	v2 =	vand.u32 $0xFFFF0000, v4  }
0x59: {  	[tilespmem:s31+$0x8450] =	vst v0;
	v0 =	vor.u32 v1, v2  }
0x5a: {  	s0 =	simm.s32 $0x0;
	[tilespmem:s31+$0x8460] =	vst v0  }
0x5b: {  	[hbm4b:s5+s0] =	stream.linear.scatter [tilespmem:s25], [sflag:$0x5], $0x2000, $0x38;
	[tilespmem:$0xC400] =	vst v63  }
0x5c: {  	_ = 	snop  }
0x5d: {  	[tilespmem:s15], [sflag:$0x1] =	stream.indirect.gather [hbm4b:s2+s17], $0x80, s14, s17, $0xb8;
	[tilespmem:$0xC400] =	vst v63  }
0x5e: {  	s21 =	simm.s32 $0x280  }
0x5f: {  	[tilespmem:s19], [sflag:$0x2] =	stream.indirect.gather [hbm4b:s2+s17], $0x80, s21, s17, $0xb8;
	[tilespmem:$0xC400] =	vst v63  }
0x60: {  	_ =	swait.ge [sflag:s28], $0x2000  }
0x61: {  	[sflag:s28] =	ssyncset.done $0x0  }
0x62: {  	[sflag:s28] =	ssyncadd.s32 $0xFFFFE000  }
0x63: {  	_ =	swait.ge [sflag:s29], $0x2000  }
0x64: {  	[sflag:s29] =	ssyncset.done $0x0  }
0x65: {  	s21 =	simm.s32 $0x0;
	[sflag:s29] =	ssyncadd.s32 $0xFFFFE000  }
0x66: {  	v0 =	vld [tilespmem:s21+$0x4470]  }
0x67: {  	v1 =	vld [tilespmem:s21+$0x6470]  }
0x68: {  	v2 =	vld [tilespmem:s21+$0x4400]  }
0x69: {  	v3 =	vld [tilespmem:s21+$0x6400]  }
0x6a: {  	v4 =	vld [tilespmem:s21+$0x4410]  }
0x6b: {  	v5 =	vld [tilespmem:s21+$0x6410]  }
0x6c: {  	v6 =	vld [tilespmem:s21+$0x4420]  }
0x6d: {  	v7 =	vld [tilespmem:s21+$0x6420];
	v0 =	vadd.s32 $0x8000, v0;
	v1 =	vadd.s32 $0x8000, v1;
	v2 =	vadd.s32 $0x8000, v2  }
0x6e: {  	v8 =	vld [tilespmem:s21+$0x4430];
	v3 =	vadd.s32 $0x8000, v3;
	v0 =	vshrl.u32 v0, $0x10;
	v1 =	vand.u32 $0xFFFF0000, v1  }
0x6f: {  	v9 =	vld [tilespmem:s21+$0x6430];
	v0 =	vor.u32 v0, v1;
	v1 =	vshrl.u32 v2, $0x10;
	v2 =	vand.u32 $0xFFFF0000, v3  }
0x70: {  	v10 =	vld [tilespmem:s21+$0x4440];
	[tilespmem:s21+$0xA470] =	vst v0;
	v0 =	vor.u32 v1, v2;
	v1 =	vadd.s32 $0x8000, v4;
	v2 =	vadd.s32 $0x8000, v5  }
0x71: {  	v5 =	vld [tilespmem:s21+$0x6440];
	[tilespmem:s21+$0xA400] =	vst v0;
	v0 =	vshrl.u32 v1, $0x10;
	v1 =	vand.u32 $0xFFFF0000, v2  }
0x72: {  	v3 =	vadd.s32 $0x8000, v7;
	v2 =	vadd.s32 $0x8000, v6;
	v0 =	vor.u32 v0, v1;
	v1 =	vld [tilespmem:s21+$0x4450]  }
0x73: {  	[tilespmem:s21+$0xA410] =	vst v0;
	v0 =	vshrl.u32 v2, $0x10;
	v2 =	vand.u32 $0xFFFF0000, v3;
	v3 =	vld [tilespmem:s21+$0x6450]  }
0x74: {  	v4 =	vadd.s32 $0x8000, v8;
	v6 =	vadd.s32 $0x8000, v9;
	v0 =	vor.u32 v0, v2;
	v2 =	vld [tilespmem:s21+$0x4460]  }
0x75: {  	s31 =	simm.s32 $0x80;
	v8 =	vadd.s32 $0x8000, v10;
	v7 =	vshrl.u32 v4, $0x10;
	v4 =	vld [tilespmem:s21+$0x6460];
	v6 =	vand.u32 $0xFFFF0000, v6;
	[tilespmem:s21+$0xA420] =	vst v0  }
0x76: {  	s0 =	simm.s32 $0x400;
	v6 =	vor.u32 v7, v6;
	v7 =	vadd.s32 $0x8000, v5;
	v5 =	vshrl.u32 v8, $0x10;
	v0 =	vld [tilespmem:s31+$0x4470]  }
.LBB2_4:
0x77: {  	p0 =	sne.s32 s0, $0x7E00;
	v8 =	vld [tilespmem:s31+$0x6470];
	[tilespmem:s21+$0xA430] =	vst v6;
	v6 =	vand.u32 $0xFFFF0000, v7;
	v1 =	vadd.s32 $0x8000, v1  }
0x78: {  	v7 =	vld [tilespmem:s31+$0x4400];
	v5 =	vor.u32 v5, v6;
	v3 =	vadd.s32 $0x8000, v3;
	v1 =	vshrl.u32 v1, $0x10  }
0x79: {  	v6 =	vld [tilespmem:s31+$0x6400];
	[tilespmem:s21+$0xA440] =	vst v5;
	v3 =	vand.u32 $0xFFFF0000, v3;
	v2 =	vadd.s32 $0x8000, v2  }
0x7a: {  	v5 =	vld [tilespmem:s31+$0x4410];
	v1 =	vor.u32 v1, v3;
	v3 =	vadd.s32 $0x8000, v4;
	v2 =	vshrl.u32 v2, $0x10  }
0x7b: {  	v4 =	vld [tilespmem:s31+$0x6410];
	[tilespmem:s21+$0xA450] =	vst v1;
	v1 =	vand.u32 $0xFFFF0000, v3  }
0x7c: {  	v0 =	vadd.s32 $0x8000, v0;
	v3 =	vld [tilespmem:s31+$0x4420];
	v8 =	vadd.s32 $0x8000, v8;
	v1 =	vor.u32 v2, v1  }
0x7d: {  	v0 =	vshrl.u32 v0, $0x10;
	v2 =	vadd.s32 $0x8000, v7;
	v7 =	vld [tilespmem:s31+$0x6420];
	v8 =	vand.u32 $0xFFFF0000, v8;
	[tilespmem:s21+$0xA460] =	vst v1;
	s21 =	smov.u32 s31  }
0x7e: {  	v1 =	vadd.s32 $0x8000, v6;
	v2 =	vshrl.u32 v2, $0x10;
	v6 =	vld [tilespmem:s21+$0x4430];
	v0 =	vor.u32 v0, v8  }
0x7f: {  	v1 =	vand.u32 $0xFFFF0000, v1;
	v5 =	vadd.s32 $0x8000, v5;
	v8 =	vld [tilespmem:s21+$0x6430];
	[tilespmem:s21+$0xA470] =	vst v0  }
0x80: {  	v0 =	vor.u32 v2, v1;
	v1 =	vadd.s32 $0x8000, v4;
	v2 =	vshrl.u32 v5, $0x10;
	v4 =	vld [tilespmem:s21+$0x4440]  }
0x81: {  	[tilespmem:s21+$0xA400] =	vst v0;
	v0 =	vand.u32 $0xFFFF0000, v1;
	v1 =	vadd.s32 $0x8000, v3;
	v5 =	vld [tilespmem:s21+$0x6440]  }
.Ltmp1:
0x82: {  	v0 =	vor.u32 v2, v0;
	v2 =	vadd.s32 $0x8000, v7;
	v7 =	vshrl.u32 v1, $0x10;
	v1 =	vld [tilespmem:s21+$0x4450];
	(pc) =	sbr.rel @p0 .LBB2_4-.Ltmp1, $4  }
0x83: {  	[tilespmem:s21+$0xA410] =	vst v0;
	v0 =	vand.u32 $0xFFFF0000, v2;
	v2 =	vadd.s32 $0x8000, v6;
	v3 =	vld [tilespmem:s21+$0x6450]  }
0x84: {  	v0 =	vor.u32 v7, v0;
	v6 =	vadd.s32 $0x8000, v8;
	v7 =	vshrl.u32 v2, $0x10;
	v2 =	vld [tilespmem:s21+$0x4460]  }
0x85: {  	s31 =	sshra.s32 s0, $0x2;
	[tilespmem:s21+$0xA420] =	vst v0;
	v6 =	vand.u32 $0xFFFF0000, v6;
	v8 =	vadd.s32 $0x8000, v4;
	v4 =	vld [tilespmem:s21+$0x6460]  }
0x86: {  	s0 =	sadd.s32 $0x200, s0;
	v0 =	vld [tilespmem:s31+$0x4470];
	v6 =	vor.u32 v7, v6;
	v7 =	vadd.s32 $0x8000, v5;
	v5 =	vshrl.u32 v8, $0x10  }
0x87: {  	v8 =	vld [tilespmem:s31+$0x6470];
	[tilespmem:s21+$0xA430] =	vst v6;
	v6 =	vand.u32 $0xFFFF0000, v7  }
0x88: {  	v1 =	vadd.s32 $0x8000, v1;
	v7 =	vld [tilespmem:s31+$0x4400];
	v5 =	vor.u32 v5, v6;
	v3 =	vadd.s32 $0x8000, v3  }
0x89: {  	v6 =	vld [tilespmem:s31+$0x6400];
	v1 =	vshrl.u32 v1, $0x10;
	[tilespmem:s21+$0xA440] =	vst v5;
	v3 =	vand.u32 $0xFFFF0000, v3  }
0x8a: {  	v2 =	vadd.s32 $0x8000, v2;
	v5 =	vld [tilespmem:s31+$0x4410];
	v1 =	vor.u32 v1, v3;
	v4 =	vadd.s32 $0x8000, v4  }
0x8b: {  	v3 =	vld [tilespmem:s31+$0x6410];
	[tilespmem:s21+$0xA450] =	vst v1;
	v1 =	vshrl.u32 v2, $0x10;
	v2 =	vand.u32 $0xFFFF0000, v4  }
0x8c: {  	v0 =	vadd.s32 $0x8000, v0;
	v4 =	vld [tilespmem:s31+$0x4420];
	v1 =	vor.u32 v1, v2  }
0x8d: {  	v2 =	vld [tilespmem:s31+$0x6420];
	v8 =	vadd.s32 $0x8000, v8;
	v0 =	vshrl.u32 v0, $0x10;
	[tilespmem:s21+$0xA460] =	vst v1  }
0x8e: {  	v1 =	vand.u32 $0xFFFF0000, v8;
	v7 =	vadd.s32 $0x8000, v7;
	v6 =	vadd.s32 $0x8000, v6;
	v8 =	vld [tilespmem:s31+$0x4430]  }
0x8f: {  	v0 =	vor.u32 v0, v1;
	v1 =	vld [tilespmem:s31+$0x6430];
	v7 =	vshrl.u32 v7, $0x10;
	v6 =	vand.u32 $0xFFFF0000, v6  }
0x90: {  	[tilespmem:s31+$0xA470] =	vst v0;
	v0 =	vor.u32 v7, v6;
	v6 =	vld [tilespmem:s31+$0x4440];
	v5 =	vadd.s32 $0x8000, v5;
	v3 =	vadd.s32 $0x8000, v3  }
0x91: {  	v7 =	vld [tilespmem:s31+$0x6460];
	[tilespmem:s31+$0xA400] =	vst v0;
	v0 =	vshrl.u32 v5, $0x10;
	v3 =	vand.u32 $0xFFFF0000, v3  }
0x92: {  	v5 =	vld [tilespmem:s31+$0x6440];
	v0 =	vor.u32 v0, v3;
	v4 =	vadd.s32 $0x8000, v4;
	v2 =	vadd.s32 $0x8000, v2  }
0x93: {  	v3 =	vld [tilespmem:s31+$0x4450];
	[tilespmem:s31+$0xA410] =	vst v0;
	v0 =	vshrl.u32 v4, $0x10;
	v2 =	vand.u32 $0xFFFF0000, v2  }
0x94: {  	v4 =	vld [tilespmem:s31+$0x6450];
	v0 =	vor.u32 v0, v2  }
0x95: {  	v2 =	vld [tilespmem:s31+$0x4460];
	v1 =	vadd.s32 $0x8000, v1;
	[tilespmem:s31+$0xA420] =	vst v0;
	v0 =	vadd.s32 $0x8000, v8  }
0x96: {  	v1 =	vand.u32 $0xFFFF0000, v1;
	v0 =	vshrl.u32 v0, $0x10  }
0x97: {  	v6 =	vadd.s32 $0x8000, v6;
	v0 =	vor.u32 v0, v1;
	v1 =	vadd.s32 $0x8000, v5  }
0x98: {  	v5 =	vshrl.u32 v6, $0x10;
	v3 =	vadd.s32 $0x8000, v3;
	v1 =	vand.u32 $0xFFFF0000, v1  }
0x99: {  	v4 =	vadd.s32 $0x8000, v4;
	v3 =	vshrl.u32 v3, $0x10;
	v1 =	vor.u32 v5, v1  }
0x9a: {  	[tilespmem:s31+$0xA430] =	vst v0;
	v0 =	vand.u32 $0xFFFF0000, v4;
	v2 =	vadd.s32 $0x8000, v2;
	v4 =	vadd.s32 $0x8000, v7  }
0x9b: {  	[tilespmem:s31+$0xA440] =	vst v1;
	v0 =	vor.u32 v3, v0;
	v1 =	vshrl.u32 v2, $0x10;
	v2 =	vand.u32 $0xFFFF0000, v4  }
0x9c: {  	[tilespmem:s31+$0xA450] =	vst v0;
	v0 =	vor.u32 v1, v2  }
0x9d: {  	s0 =	simm.s32 $0x0;
	[tilespmem:s31+$0xA460] =	vst v0  }
0x9e: {  	[hbm4b:s6+s0] =	stream.linear.scatter [tilespmem:s30], [sflag:$0x6], $0x2000, $0x38;
	[tilespmem:$0xC400] =	vst v63  }
0x9f: {  	s21 =	simm.s32 $0xC0  }
0xa0: {  	[tilespmem:s20], [sflag:$0x3] =	stream.indirect.gather [hbm4b:s2+s17], $0x80, s21, s17, $0xb8;
	[tilespmem:$0xC400] =	vst v63  }
0xa1: {  	s21 =	simm.s32 $0x2C0  }
0xa2: {  	[tilespmem:s22], [sflag:$0x4] =	stream.indirect.gather [hbm4b:s2+s17], $0x80, s21, s17, $0xb8;
	[tilespmem:$0xC400] =	vst v63  }
0xa3: {  	_ =	swait.ge [sflag:s23], $0x2000  }
0xa4: {  	[sflag:s23] =	ssyncset.done $0x0  }
0xa5: {  	[sflag:s23] =	ssyncadd.s32 $0xFFFFE000  }
0xa6: {  	_ =	swait.ge [sflag:s24], $0x2000  }
0xa7: {  	[sflag:s24] =	ssyncset.done $0x0  }
0xa8: {  	[sflag:s24] =	ssyncadd.s32 $0xFFFFE000  }
0xa9: {  	_ =	swait.ge [sflag:s1], $0x2000  }
0xaa: {  	[sflag:s1] =	ssyncset.done $0x0  }
0xab: {  	s21 =	simm.s32 $0x0;
	[sflag:s1] =	ssyncadd.s32 $0xFFFFE000  }
0xac: {  	v0 =	vld [tilespmem:s21+$0x470]  }
0xad: {  	v1 =	vld [tilespmem:s21+$0x2470]  }
0xae: {  	v2 =	vld [tilespmem:s21+$0x400]  }
0xaf: {  	v3 =	vld [tilespmem:s21+$0x2400]  }
0xb0: {  	v4 =	vld [tilespmem:s21+$0x410]  }
0xb1: {  	v5 =	vld [tilespmem:s21+$0x2410]  }
0xb2: {  	v6 =	vld [tilespmem:s21+$0x420]  }
0xb3: {  	v7 =	vld [tilespmem:s21+$0x2420];
	v0 =	vadd.s32 $0x8000, v0;
	v1 =	vadd.s32 $0x8000, v1;
	v2 =	vadd.s32 $0x8000, v2  }
0xb4: {  	v8 =	vld [tilespmem:s21+$0x430];
	v3 =	vadd.s32 $0x8000, v3;
	v0 =	vshrl.u32 v0, $0x10;
	v1 =	vand.u32 $0xFFFF0000, v1  }
0xb5: {  	v9 =	vld [tilespmem:s21+$0x2430];
	v0 =	vor.u32 v0, v1;
	v1 =	vshrl.u32 v2, $0x10;
	v2 =	vand.u32 $0xFFFF0000, v3  }
0xb6: {  	v10 =	vld [tilespmem:s21+$0x440];
	[tilespmem:s21+$0x8470] =	vst v0;
	v0 =	vor.u32 v1, v2;
	v1 =	vadd.s32 $0x8000, v4;
	v2 =	vadd.s32 $0x8000, v5  }
0xb7: {  	v5 =	vld [tilespmem:s21+$0x2440];
	[tilespmem:s21+$0x8400] =	vst v0;
	v0 =	vshrl.u32 v1, $0x10;
	v1 =	vand.u32 $0xFFFF0000, v2  }
0xb8: {  	v3 =	vadd.s32 $0x8000, v7;
	v2 =	vadd.s32 $0x8000, v6;
	v0 =	vor.u32 v0, v1;
	v1 =	vld [tilespmem:s21+$0x450]  }
0xb9: {  	[tilespmem:s21+$0x8410] =	vst v0;
	v0 =	vshrl.u32 v2, $0x10;
	v2 =	vand.u32 $0xFFFF0000, v3;
	v3 =	vld [tilespmem:s21+$0x2450]  }
0xba: {  	v4 =	vadd.s32 $0x8000, v8;
	v6 =	vadd.s32 $0x8000, v9;
	v0 =	vor.u32 v0, v2;
	v2 =	vld [tilespmem:s21+$0x460]  }
0xbb: {  	s31 =	simm.s32 $0x80;
	v8 =	vadd.s32 $0x8000, v10;
	v7 =	vshrl.u32 v4, $0x10;
	v4 =	vld [tilespmem:s21+$0x2460];
	v6 =	vand.u32 $0xFFFF0000, v6;
	[tilespmem:s21+$0x8420] =	vst v0  }
0xbc: {  	s0 =	simm.s32 $0x400;
	v6 =	vor.u32 v7, v6;
	v7 =	vadd.s32 $0x8000, v5;
	v5 =	vshrl.u32 v8, $0x10;
	v0 =	vld [tilespmem:s31+$0x470]  }
.LBB2_6:
0xbd: {  	p0 =	sne.s32 s0, $0x7E00;
	v8 =	vld [tilespmem:s31+$0x2470];
	[tilespmem:s21+$0x8430] =	vst v6;
	v6 =	vand.u32 $0xFFFF0000, v7;
	v1 =	vadd.s32 $0x8000, v1  }
0xbe: {  	v7 =	vld [tilespmem:s31+$0x400];
	v5 =	vor.u32 v5, v6;
	v3 =	vadd.s32 $0x8000, v3;
	v1 =	vshrl.u32 v1, $0x10  }
0xbf: {  	v6 =	vld [tilespmem:s31+$0x2400];
	[tilespmem:s21+$0x8440] =	vst v5;
	v3 =	vand.u32 $0xFFFF0000, v3;
	v2 =	vadd.s32 $0x8000, v2  }
0xc0: {  	v5 =	vld [tilespmem:s31+$0x410];
	v1 =	vor.u32 v1, v3;
	v3 =	vadd.s32 $0x8000, v4;
	v2 =	vshrl.u32 v2, $0x10  }
0xc1: {  	v4 =	vld [tilespmem:s31+$0x2410];
	[tilespmem:s21+$0x8450] =	vst v1;
	v1 =	vand.u32 $0xFFFF0000, v3  }
0xc2: {  	v0 =	vadd.s32 $0x8000, v0;
	v3 =	vld [tilespmem:s31+$0x420];
	v8 =	vadd.s32 $0x8000, v8;
	v1 =	vor.u32 v2, v1  }
0xc3: {  	v0 =	vshrl.u32 v0, $0x10;
	v2 =	vadd.s32 $0x8000, v7;
	v7 =	vld [tilespmem:s31+$0x2420];
	v8 =	vand.u32 $0xFFFF0000, v8;
	[tilespmem:s21+$0x8460] =	vst v1;
	s21 =	smov.u32 s31  }
0xc4: {  	v1 =	vadd.s32 $0x8000, v6;
	v2 =	vshrl.u32 v2, $0x10;
	v6 =	vld [tilespmem:s21+$0x430];
	v0 =	vor.u32 v0, v8  }
0xc5: {  	v1 =	vand.u32 $0xFFFF0000, v1;
	v5 =	vadd.s32 $0x8000, v5;
	v8 =	vld [tilespmem:s21+$0x2430];
	[tilespmem:s21+$0x8470] =	vst v0  }
0xc6: {  	v0 =	vor.u32 v2, v1;
	v1 =	vadd.s32 $0x8000, v4;
	v2 =	vshrl.u32 v5, $0x10;
	v4 =	vld [tilespmem:s21+$0x440]  }
0xc7: {  	[tilespmem:s21+$0x8400] =	vst v0;
	v0 =	vand.u32 $0xFFFF0000, v1;
	v1 =	vadd.s32 $0x8000, v3;
	v5 =	vld [tilespmem:s21+$0x2440]  }
.Ltmp2:
0xc8: {  	v0 =	vor.u32 v2, v0;
	v2 =	vadd.s32 $0x8000, v7;
	v7 =	vshrl.u32 v1, $0x10;
	v1 =	vld [tilespmem:s21+$0x450];
	(pc) =	sbr.rel @p0 .LBB2_6-.Ltmp2, $4  }
0xc9: {  	[tilespmem:s21+$0x8410] =	vst v0;
	v0 =	vand.u32 $0xFFFF0000, v2;
	v2 =	vadd.s32 $0x8000, v6;
	v3 =	vld [tilespmem:s21+$0x2450]  }
0xca: {  	v0 =	vor.u32 v7, v0;
	v6 =	vadd.s32 $0x8000, v8;
	v7 =	vshrl.u32 v2, $0x10;
	v2 =	vld [tilespmem:s21+$0x460]  }
0xcb: {  	s31 =	sshra.s32 s0, $0x2;
	[tilespmem:s21+$0x8420] =	vst v0;
	v6 =	vand.u32 $0xFFFF0000, v6;
	v8 =	vadd.s32 $0x8000, v4;
	v4 =	vld [tilespmem:s21+$0x2460]  }
0xcc: {  	s0 =	sadd.s32 $0x200, s0;
	v0 =	vld [tilespmem:s31+$0x470];
	v6 =	vor.u32 v7, v6;
	v7 =	vadd.s32 $0x8000, v5;
	v5 =	vshrl.u32 v8, $0x10  }
0xcd: {  	v8 =	vld [tilespmem:s31+$0x2470];
	[tilespmem:s21+$0x8430] =	vst v6;
	v6 =	vand.u32 $0xFFFF0000, v7  }
0xce: {  	v1 =	vadd.s32 $0x8000, v1;
	v7 =	vld [tilespmem:s31+$0x400];
	v5 =	vor.u32 v5, v6;
	v3 =	vadd.s32 $0x8000, v3  }
0xcf: {  	v6 =	vld [tilespmem:s31+$0x2400];
	v1 =	vshrl.u32 v1, $0x10;
	[tilespmem:s21+$0x8440] =	vst v5;
	v3 =	vand.u32 $0xFFFF0000, v3  }
0xd0: {  	v2 =	vadd.s32 $0x8000, v2;
	v5 =	vld [tilespmem:s31+$0x410];
	v1 =	vor.u32 v1, v3;
	v4 =	vadd.s32 $0x8000, v4  }
0xd1: {  	v3 =	vld [tilespmem:s31+$0x2410];
	[tilespmem:s21+$0x8450] =	vst v1;
	v1 =	vshrl.u32 v2, $0x10;
	v2 =	vand.u32 $0xFFFF0000, v4  }
0xd2: {  	v0 =	vadd.s32 $0x8000, v0;
	v4 =	vld [tilespmem:s31+$0x420];
	v1 =	vor.u32 v1, v2  }
0xd3: {  	v2 =	vld [tilespmem:s31+$0x2420];
	v8 =	vadd.s32 $0x8000, v8;
	v0 =	vshrl.u32 v0, $0x10;
	[tilespmem:s21+$0x8460] =	vst v1  }
0xd4: {  	v1 =	vand.u32 $0xFFFF0000, v8;
	v7 =	vadd.s32 $0x8000, v7;
	v6 =	vadd.s32 $0x8000, v6;
	v8 =	vld [tilespmem:s31+$0x430]  }
0xd5: {  	v0 =	vor.u32 v0, v1;
	v1 =	vld [tilespmem:s31+$0x2430];
	v7 =	vshrl.u32 v7, $0x10;
	v6 =	vand.u32 $0xFFFF0000, v6  }
0xd6: {  	[tilespmem:s31+$0x8470] =	vst v0;
	v0 =	vor.u32 v7, v6;
	v6 =	vld [tilespmem:s31+$0x440];
	v5 =	vadd.s32 $0x8000, v5;
	v3 =	vadd.s32 $0x8000, v3  }
0xd7: {  	v7 =	vld [tilespmem:s31+$0x2460];
	[tilespmem:s31+$0x8400] =	vst v0;
	v0 =	vshrl.u32 v5, $0x10;
	v3 =	vand.u32 $0xFFFF0000, v3  }
0xd8: {  	v5 =	vld [tilespmem:s31+$0x2440];
	v0 =	vor.u32 v0, v3;
	v4 =	vadd.s32 $0x8000, v4;
	v2 =	vadd.s32 $0x8000, v2  }
0xd9: {  	v3 =	vld [tilespmem:s31+$0x450];
	[tilespmem:s31+$0x8410] =	vst v0;
	v0 =	vshrl.u32 v4, $0x10;
	v2 =	vand.u32 $0xFFFF0000, v2  }
0xda: {  	v4 =	vld [tilespmem:s31+$0x2450];
	v0 =	vor.u32 v0, v2  }
0xdb: {  	v2 =	vld [tilespmem:s31+$0x460];
	v1 =	vadd.s32 $0x8000, v1;
	[tilespmem:s31+$0x8420] =	vst v0;
	v0 =	vadd.s32 $0x8000, v8  }
0xdc: {  	v1 =	vand.u32 $0xFFFF0000, v1;
	v0 =	vshrl.u32 v0, $0x10  }
0xdd: {  	v6 =	vadd.s32 $0x8000, v6;
	v0 =	vor.u32 v0, v1;
	v1 =	vadd.s32 $0x8000, v5  }
0xde: {  	v5 =	vshrl.u32 v6, $0x10;
	v3 =	vadd.s32 $0x8000, v3;
	v1 =	vand.u32 $0xFFFF0000, v1  }
0xdf: {  	v4 =	vadd.s32 $0x8000, v4;
	v3 =	vshrl.u32 v3, $0x10;
	v1 =	vor.u32 v5, v1  }
0xe0: {  	[tilespmem:s31+$0x8430] =	vst v0;
	v0 =	vand.u32 $0xFFFF0000, v4;
	v2 =	vadd.s32 $0x8000, v2;
	v4 =	vadd.s32 $0x8000, v7  }
0xe1: {  	[tilespmem:s31+$0x8440] =	vst v1;
	v0 =	vor.u32 v3, v0;
	v1 =	vshrl.u32 v2, $0x10;
	v2 =	vand.u32 $0xFFFF0000, v4  }
0xe2: {  	[tilespmem:s31+$0x8450] =	vst v0;
	v0 =	vor.u32 v1, v2  }
0xe3: {  	s0 =	simm.s32 $0x0;
	[tilespmem:s31+$0x8460] =	vst v0  }
0xe4: {  	[hbm4b:s7+s0] =	stream.linear.scatter [tilespmem:s25], [sflag:$0x5], $0x2000, $0x38;
	[tilespmem:$0xC400] =	vst v63  }
0xe5: {  	s21 =	simm.s32 $0x100  }
0xe6: {  	[tilespmem:s15], [sflag:$0x1] =	stream.indirect.gather [hbm4b:s2+s17], $0x80, s21, s17, $0xb8;
	[tilespmem:$0xC400] =	vst v63  }
0xe7: {  	s21 =	simm.s32 $0x300  }
0xe8: {  	[tilespmem:s19], [sflag:$0x2] =	stream.indirect.gather [hbm4b:s2+s17], $0x80, s21, s17, $0xb8;
	[tilespmem:$0xC400] =	vst v63  }
0xe9: {  	_ =	swait.ge [sflag:s28], $0x2000  }
0xea: {  	[sflag:s28] =	ssyncset.done $0x0  }
0xeb: {  	[sflag:s28] =	ssyncadd.s32 $0xFFFFE000  }
0xec: {  	_ =	swait.ge [sflag:s29], $0x2000  }
0xed: {  	[sflag:s29] =	ssyncset.done $0x0  }
0xee: {  	[sflag:s29] =	ssyncadd.s32 $0xFFFFE000  }
0xef: {  	_ =	swait.ge [sflag:s26], $0x2000  }
0xf0: {  	[sflag:s26] =	ssyncset.done $0x0  }
0xf1: {  	s21 =	simm.s32 $0x0;
	[sflag:s26] =	ssyncadd.s32 $0xFFFFE000  }
0xf2: {  	v0 =	vld [tilespmem:s21+$0x4470]  }
0xf3: {  	v1 =	vld [tilespmem:s21+$0x6470]  }
0xf4: {  	v2 =	vld [tilespmem:s21+$0x4400]  }
0xf5: {  	v3 =	vld [tilespmem:s21+$0x6400]  }
0xf6: {  	v4 =	vld [tilespmem:s21+$0x4410]  }
0xf7: {  	v5 =	vld [tilespmem:s21+$0x6410]  }
0xf8: {  	v6 =	vld [tilespmem:s21+$0x4420]  }
0xf9: {  	v7 =	vld [tilespmem:s21+$0x6420];
	v0 =	vadd.s32 $0x8000, v0;
	v1 =	vadd.s32 $0x8000, v1;
	v2 =	vadd.s32 $0x8000, v2  }
0xfa: {  	v8 =	vld [tilespmem:s21+$0x4430];
	v3 =	vadd.s32 $0x8000, v3;
	v0 =	vshrl.u32 v0, $0x10;
	v1 =	vand.u32 $0xFFFF0000, v1  }
0xfb: {  	v9 =	vld [tilespmem:s21+$0x6430];
	v0 =	vor.u32 v0, v1;
	v1 =	vshrl.u32 v2, $0x10;
	v2 =	vand.u32 $0xFFFF0000, v3  }
0xfc: {  	v10 =	vld [tilespmem:s21+$0x4440];
	[tilespmem:s21+$0xA470] =	vst v0;
	v0 =	vor.u32 v1, v2;
	v1 =	vadd.s32 $0x8000, v4;
	v2 =	vadd.s32 $0x8000, v5  }
0xfd: {  	v5 =	vld [tilespmem:s21+$0x6440];
	[tilespmem:s21+$0xA400] =	vst v0;
	v0 =	vshrl.u32 v1, $0x10;
	v1 =	vand.u32 $0xFFFF0000, v2  }
0xfe: {  	v3 =	vadd.s32 $0x8000, v7;
	v2 =	vadd.s32 $0x8000, v6;
	v0 =	vor.u32 v0, v1;
	v1 =	vld [tilespmem:s21+$0x4450]  }
0xff: {  	[tilespmem:s21+$0xA410] =	vst v0;
	v0 =	vshrl.u32 v2, $0x10;
	v2 =	vand.u32 $0xFFFF0000, v3;
	v3 =	vld [tilespmem:s21+$0x6450]  }
0x100: {  	v4 =	vadd.s32 $0x8000, v8;
	v6 =	vadd.s32 $0x8000, v9;
	v0 =	vor.u32 v0, v2;
	v2 =	vld [tilespmem:s21+$0x4460]  }
0x101: {  	s31 =	simm.s32 $0x80;
	v8 =	vadd.s32 $0x8000, v10;
	v7 =	vshrl.u32 v4, $0x10;
	v4 =	vld [tilespmem:s21+$0x6460];
	v6 =	vand.u32 $0xFFFF0000, v6;
	[tilespmem:s21+$0xA420] =	vst v0  }
0x102: {  	s0 =	simm.s32 $0x400;
	v6 =	vor.u32 v7, v6;
	v7 =	vadd.s32 $0x8000, v5;
	v5 =	vshrl.u32 v8, $0x10;
	v0 =	vld [tilespmem:s31+$0x4470]  }
.LBB2_8:
0x103: {  	p0 =	sne.s32 s0, $0x7E00;
	v8 =	vld [tilespmem:s31+$0x6470];
	[tilespmem:s21+$0xA430] =	vst v6;
	v6 =	vand.u32 $0xFFFF0000, v7;
	v1 =	vadd.s32 $0x8000, v1  }
0x104: {  	v7 =	vld [tilespmem:s31+$0x4400];
	v5 =	vor.u32 v5, v6;
	v3 =	vadd.s32 $0x8000, v3;
	v1 =	vshrl.u32 v1, $0x10  }
0x105: {  	v6 =	vld [tilespmem:s31+$0x6400];
	[tilespmem:s21+$0xA440] =	vst v5;
	v3 =	vand.u32 $0xFFFF0000, v3;
	v2 =	vadd.s32 $0x8000, v2  }
0x106: {  	v5 =	vld [tilespmem:s31+$0x4410];
	v1 =	vor.u32 v1, v3;
	v3 =	vadd.s32 $0x8000, v4;
	v2 =	vshrl.u32 v2, $0x10  }
0x107: {  	v4 =	vld [tilespmem:s31+$0x6410];
	[tilespmem:s21+$0xA450] =	vst v1;
	v1 =	vand.u32 $0xFFFF0000, v3  }
0x108: {  	v0 =	vadd.s32 $0x8000, v0;
	v3 =	vld [tilespmem:s31+$0x4420];
	v8 =	vadd.s32 $0x8000, v8;
	v1 =	vor.u32 v2, v1  }
0x109: {  	v0 =	vshrl.u32 v0, $0x10;
	v2 =	vadd.s32 $0x8000, v7;
	v7 =	vld [tilespmem:s31+$0x6420];
	v8 =	vand.u32 $0xFFFF0000, v8;
	[tilespmem:s21+$0xA460] =	vst v1;
	s21 =	smov.u32 s31  }
0x10a: {  	v1 =	vadd.s32 $0x8000, v6;
	v2 =	vshrl.u32 v2, $0x10;
	v6 =	vld [tilespmem:s21+$0x4430];
	v0 =	vor.u32 v0, v8  }
0x10b: {  	v1 =	vand.u32 $0xFFFF0000, v1;
	v5 =	vadd.s32 $0x8000, v5;
	v8 =	vld [tilespmem:s21+$0x6430];
	[tilespmem:s21+$0xA470] =	vst v0  }
0x10c: {  	v0 =	vor.u32 v2, v1;
	v1 =	vadd.s32 $0x8000, v4;
	v2 =	vshrl.u32 v5, $0x10;
	v4 =	vld [tilespmem:s21+$0x4440]  }
0x10d: {  	[tilespmem:s21+$0xA400] =	vst v0;
	v0 =	vand.u32 $0xFFFF0000, v1;
	v1 =	vadd.s32 $0x8000, v3;
	v5 =	vld [tilespmem:s21+$0x6440]  }
.Ltmp3:
0x10e: {  	v0 =	vor.u32 v2, v0;
	v2 =	vadd.s32 $0x8000, v7;
	v7 =	vshrl.u32 v1, $0x10;
	v1 =	vld [tilespmem:s21+$0x4450];
	(pc) =	sbr.rel @p0 .LBB2_8-.Ltmp3, $4  }
0x10f: {  	[tilespmem:s21+$0xA410] =	vst v0;
	v0 =	vand.u32 $0xFFFF0000, v2;
	v2 =	vadd.s32 $0x8000, v6;
	v3 =	vld [tilespmem:s21+$0x6450]  }
0x110: {  	v0 =	vor.u32 v7, v0;
	v6 =	vadd.s32 $0x8000, v8;
	v7 =	vshrl.u32 v2, $0x10;
	v2 =	vld [tilespmem:s21+$0x4460]  }
0x111: {  	s31 =	sshra.s32 s0, $0x2;
	[tilespmem:s21+$0xA420] =	vst v0;
	v6 =	vand.u32 $0xFFFF0000, v6;
	v8 =	vadd.s32 $0x8000, v4;
	v4 =	vld [tilespmem:s21+$0x6460]  }
0x112: {  	s0 =	sadd.s32 $0x200, s0;
	v0 =	vld [tilespmem:s31+$0x4470];
	v6 =	vor.u32 v7, v6;
	v7 =	vadd.s32 $0x8000, v5;
	v5 =	vshrl.u32 v8, $0x10  }
0x113: {  	v8 =	vld [tilespmem:s31+$0x6470];
	[tilespmem:s21+$0xA430] =	vst v6;
	v6 =	vand.u32 $0xFFFF0000, v7  }
0x114: {  	v1 =	vadd.s32 $0x8000, v1;
	v7 =	vld [tilespmem:s31+$0x4400];
	v5 =	vor.u32 v5, v6;
	v3 =	vadd.s32 $0x8000, v3  }
0x115: {  	v6 =	vld [tilespmem:s31+$0x6400];
	v1 =	vshrl.u32 v1, $0x10;
	[tilespmem:s21+$0xA440] =	vst v5;
	v3 =	vand.u32 $0xFFFF0000, v3  }
0x116: {  	v2 =	vadd.s32 $0x8000, v2;
	v5 =	vld [tilespmem:s31+$0x4410];
	v1 =	vor.u32 v1, v3;
	v4 =	vadd.s32 $0x8000, v4  }
0x117: {  	v3 =	vld [tilespmem:s31+$0x6410];
	[tilespmem:s21+$0xA450] =	vst v1;
	v1 =	vshrl.u32 v2, $0x10;
	v2 =	vand.u32 $0xFFFF0000, v4  }
0x118: {  	v0 =	vadd.s32 $0x8000, v0;
	v4 =	vld [tilespmem:s31+$0x4420];
	v1 =	vor.u32 v1, v2  }
0x119: {  	v2 =	vld [tilespmem:s31+$0x6420];
	v8 =	vadd.s32 $0x8000, v8;
	v0 =	vshrl.u32 v0, $0x10;
	[tilespmem:s21+$0xA460] =	vst v1  }
0x11a: {  	v1 =	vand.u32 $0xFFFF0000, v8;
	v7 =	vadd.s32 $0x8000, v7;
	v6 =	vadd.s32 $0x8000, v6;
	v8 =	vld [tilespmem:s31+$0x4430]  }
0x11b: {  	v0 =	vor.u32 v0, v1;
	v1 =	vld [tilespmem:s31+$0x6430];
	v7 =	vshrl.u32 v7, $0x10;
	v6 =	vand.u32 $0xFFFF0000, v6  }
0x11c: {  	[tilespmem:s31+$0xA470] =	vst v0;
	v0 =	vor.u32 v7, v6;
	v6 =	vld [tilespmem:s31+$0x4440];
	v5 =	vadd.s32 $0x8000, v5;
	v3 =	vadd.s32 $0x8000, v3  }
0x11d: {  	v7 =	vld [tilespmem:s31+$0x6460];
	[tilespmem:s31+$0xA400] =	vst v0;
	v0 =	vshrl.u32 v5, $0x10;
	v3 =	vand.u32 $0xFFFF0000, v3  }
0x11e: {  	v5 =	vld [tilespmem:s31+$0x6440];
	v0 =	vor.u32 v0, v3;
	v4 =	vadd.s32 $0x8000, v4;
	v2 =	vadd.s32 $0x8000, v2  }
0x11f: {  	v3 =	vld [tilespmem:s31+$0x4450];
	[tilespmem:s31+$0xA410] =	vst v0;
	v0 =	vshrl.u32 v4, $0x10;
	v2 =	vand.u32 $0xFFFF0000, v2  }
0x120: {  	v4 =	vld [tilespmem:s31+$0x6450];
	v0 =	vor.u32 v0, v2  }
0x121: {  	v2 =	vld [tilespmem:s31+$0x4460];
	v1 =	vadd.s32 $0x8000, v1;
	[tilespmem:s31+$0xA420] =	vst v0;
	v0 =	vadd.s32 $0x8000, v8  }
0x122: {  	v1 =	vand.u32 $0xFFFF0000, v1;
	v0 =	vshrl.u32 v0, $0x10  }
0x123: {  	v6 =	vadd.s32 $0x8000, v6;
	v0 =	vor.u32 v0, v1;
	v1 =	vadd.s32 $0x8000, v5  }
0x124: {  	v5 =	vshrl.u32 v6, $0x10;
	v3 =	vadd.s32 $0x8000, v3;
	v1 =	vand.u32 $0xFFFF0000, v1  }
0x125: {  	v4 =	vadd.s32 $0x8000, v4;
	v3 =	vshrl.u32 v3, $0x10;
	v1 =	vor.u32 v5, v1  }
0x126: {  	[tilespmem:s31+$0xA430] =	vst v0;
	v0 =	vand.u32 $0xFFFF0000, v4;
	v2 =	vadd.s32 $0x8000, v2;
	v4 =	vadd.s32 $0x8000, v7  }
0x127: {  	[tilespmem:s31+$0xA440] =	vst v1;
	v0 =	vor.u32 v3, v0;
	v1 =	vshrl.u32 v2, $0x10;
	v2 =	vand.u32 $0xFFFF0000, v4  }
0x128: {  	[tilespmem:s31+$0xA450] =	vst v0;
	v0 =	vor.u32 v1, v2  }
0x129: {  	s0 =	simm.s32 $0x0;
	[tilespmem:s31+$0xA460] =	vst v0  }
0x12a: {  	[hbm4b:s8+s0] =	stream.linear.scatter [tilespmem:s30], [sflag:$0x6], $0x2000, $0x38;
	[tilespmem:$0xC400] =	vst v63  }
0x12b: {  	s21 =	simm.s32 $0x140  }
0x12c: {  	[tilespmem:s20], [sflag:$0x3] =	stream.indirect.gather [hbm4b:s2+s17], $0x80, s21, s17, $0xb8;
	[tilespmem:$0xC400] =	vst v63  }
0x12d: {  	s21 =	simm.s32 $0x340  }
0x12e: {  	[tilespmem:s22], [sflag:$0x4] =	stream.indirect.gather [hbm4b:s2+s17], $0x80, s21, s17, $0xb8;
	[tilespmem:$0xC400] =	vst v63  }
0x12f: {  	_ =	swait.ge [sflag:s23], $0x2000  }
0x130: {  	[sflag:s23] =	ssyncset.done $0x0  }
0x131: {  	[sflag:s23] =	ssyncadd.s32 $0xFFFFE000  }
0x132: {  	_ =	swait.ge [sflag:s24], $0x2000  }
0x133: {  	[sflag:s24] =	ssyncset.done $0x0  }
0x134: {  	[sflag:s24] =	ssyncadd.s32 $0xFFFFE000  }
0x135: {  	_ =	swait.ge [sflag:s1], $0x2000  }
0x136: {  	[sflag:s1] =	ssyncset.done $0x0  }
0x137: {  	s21 =	simm.s32 $0x0;
	[sflag:s1] =	ssyncadd.s32 $0xFFFFE000  }
0x138: {  	v0 =	vld [tilespmem:s21+$0x470]  }
0x139: {  	v1 =	vld [tilespmem:s21+$0x2470]  }
0x13a: {  	v2 =	vld [tilespmem:s21+$0x400]  }
0x13b: {  	v3 =	vld [tilespmem:s21+$0x2400]  }
0x13c: {  	v4 =	vld [tilespmem:s21+$0x410]  }
0x13d: {  	v5 =	vld [tilespmem:s21+$0x2410]  }
0x13e: {  	v6 =	vld [tilespmem:s21+$0x420]  }
0x13f: {  	v7 =	vld [tilespmem:s21+$0x2420];
	v0 =	vadd.s32 $0x8000, v0;
	v1 =	vadd.s32 $0x8000, v1;
	v2 =	vadd.s32 $0x8000, v2  }
0x140: {  	v8 =	vld [tilespmem:s21+$0x430];
	v3 =	vadd.s32 $0x8000, v3;
	v0 =	vshrl.u32 v0, $0x10;
	v1 =	vand.u32 $0xFFFF0000, v1  }
0x141: {  	v9 =	vld [tilespmem:s21+$0x2430];
	v0 =	vor.u32 v0, v1;
	v1 =	vshrl.u32 v2, $0x10;
	v2 =	vand.u32 $0xFFFF0000, v3  }
0x142: {  	v10 =	vld [tilespmem:s21+$0x440];
	[tilespmem:s21+$0x8470] =	vst v0;
	v0 =	vor.u32 v1, v2;
	v1 =	vadd.s32 $0x8000, v4;
	v2 =	vadd.s32 $0x8000, v5  }
0x143: {  	v5 =	vld [tilespmem:s21+$0x2440];
	[tilespmem:s21+$0x8400] =	vst v0;
	v0 =	vshrl.u32 v1, $0x10;
	v1 =	vand.u32 $0xFFFF0000, v2  }
0x144: {  	v3 =	vadd.s32 $0x8000, v7;
	v2 =	vadd.s32 $0x8000, v6;
	v0 =	vor.u32 v0, v1;
	v1 =	vld [tilespmem:s21+$0x450]  }
0x145: {  	[tilespmem:s21+$0x8410] =	vst v0;
	v0 =	vshrl.u32 v2, $0x10;
	v2 =	vand.u32 $0xFFFF0000, v3;
	v3 =	vld [tilespmem:s21+$0x2450]  }
0x146: {  	v4 =	vadd.s32 $0x8000, v8;
	v6 =	vadd.s32 $0x8000, v9;
	v0 =	vor.u32 v0, v2;
	v2 =	vld [tilespmem:s21+$0x460]  }
0x147: {  	s31 =	simm.s32 $0x80;
	v8 =	vadd.s32 $0x8000, v10;
	v7 =	vshrl.u32 v4, $0x10;
	v4 =	vld [tilespmem:s21+$0x2460];
	v6 =	vand.u32 $0xFFFF0000, v6;
	[tilespmem:s21+$0x8420] =	vst v0  }
0x148: {  	s0 =	simm.s32 $0x400;
	v6 =	vor.u32 v7, v6;
	v7 =	vadd.s32 $0x8000, v5;
	v5 =	vshrl.u32 v8, $0x10;
	v0 =	vld [tilespmem:s31+$0x470]  }
.LBB2_10:
0x149: {  	p0 =	sne.s32 s0, $0x7E00;
	v8 =	vld [tilespmem:s31+$0x2470];
	[tilespmem:s21+$0x8430] =	vst v6;
	v6 =	vand.u32 $0xFFFF0000, v7;
	v1 =	vadd.s32 $0x8000, v1  }
0x14a: {  	v7 =	vld [tilespmem:s31+$0x400];
	v5 =	vor.u32 v5, v6;
	v3 =	vadd.s32 $0x8000, v3;
	v1 =	vshrl.u32 v1, $0x10  }
0x14b: {  	v6 =	vld [tilespmem:s31+$0x2400];
	[tilespmem:s21+$0x8440] =	vst v5;
	v3 =	vand.u32 $0xFFFF0000, v3;
	v2 =	vadd.s32 $0x8000, v2  }
0x14c: {  	v5 =	vld [tilespmem:s31+$0x410];
	v1 =	vor.u32 v1, v3;
	v3 =	vadd.s32 $0x8000, v4;
	v2 =	vshrl.u32 v2, $0x10  }
0x14d: {  	v4 =	vld [tilespmem:s31+$0x2410];
	[tilespmem:s21+$0x8450] =	vst v1;
	v1 =	vand.u32 $0xFFFF0000, v3  }
0x14e: {  	v0 =	vadd.s32 $0x8000, v0;
	v3 =	vld [tilespmem:s31+$0x420];
	v8 =	vadd.s32 $0x8000, v8;
	v1 =	vor.u32 v2, v1  }
0x14f: {  	v0 =	vshrl.u32 v0, $0x10;
	v2 =	vadd.s32 $0x8000, v7;
	v7 =	vld [tilespmem:s31+$0x2420];
	v8 =	vand.u32 $0xFFFF0000, v8;
	[tilespmem:s21+$0x8460] =	vst v1;
	s21 =	smov.u32 s31  }
0x150: {  	v1 =	vadd.s32 $0x8000, v6;
	v2 =	vshrl.u32 v2, $0x10;
	v6 =	vld [tilespmem:s21+$0x430];
	v0 =	vor.u32 v0, v8  }
0x151: {  	v1 =	vand.u32 $0xFFFF0000, v1;
	v5 =	vadd.s32 $0x8000, v5;
	v8 =	vld [tilespmem:s21+$0x2430];
	[tilespmem:s21+$0x8470] =	vst v0  }
0x152: {  	v0 =	vor.u32 v2, v1;
	v1 =	vadd.s32 $0x8000, v4;
	v2 =	vshrl.u32 v5, $0x10;
	v4 =	vld [tilespmem:s21+$0x440]  }
0x153: {  	[tilespmem:s21+$0x8400] =	vst v0;
	v0 =	vand.u32 $0xFFFF0000, v1;
	v1 =	vadd.s32 $0x8000, v3;
	v5 =	vld [tilespmem:s21+$0x2440]  }
.Ltmp4:
0x154: {  	v0 =	vor.u32 v2, v0;
	v2 =	vadd.s32 $0x8000, v7;
	v7 =	vshrl.u32 v1, $0x10;
	v1 =	vld [tilespmem:s21+$0x450];
	(pc) =	sbr.rel @p0 .LBB2_10-.Ltmp4, $4  }
0x155: {  	[tilespmem:s21+$0x8410] =	vst v0;
	v0 =	vand.u32 $0xFFFF0000, v2;
	v2 =	vadd.s32 $0x8000, v6;
	v3 =	vld [tilespmem:s21+$0x2450]  }
0x156: {  	v0 =	vor.u32 v7, v0;
	v6 =	vadd.s32 $0x8000, v8;
	v7 =	vshrl.u32 v2, $0x10;
	v2 =	vld [tilespmem:s21+$0x460]  }
0x157: {  	s31 =	sshra.s32 s0, $0x2;
	[tilespmem:s21+$0x8420] =	vst v0;
	v6 =	vand.u32 $0xFFFF0000, v6;
	v8 =	vadd.s32 $0x8000, v4;
	v4 =	vld [tilespmem:s21+$0x2460]  }
0x158: {  	s0 =	sadd.s32 $0x200, s0;
	v0 =	vld [tilespmem:s31+$0x470];
	v6 =	vor.u32 v7, v6;
	v7 =	vadd.s32 $0x8000, v5;
	v5 =	vshrl.u32 v8, $0x10  }
0x159: {  	v8 =	vld [tilespmem:s31+$0x2470];
	[tilespmem:s21+$0x8430] =	vst v6;
	v6 =	vand.u32 $0xFFFF0000, v7  }
0x15a: {  	v1 =	vadd.s32 $0x8000, v1;
	v7 =	vld [tilespmem:s31+$0x400];
	v5 =	vor.u32 v5, v6;
	v3 =	vadd.s32 $0x8000, v3  }
0x15b: {  	v6 =	vld [tilespmem:s31+$0x2400];
	v1 =	vshrl.u32 v1, $0x10;
	[tilespmem:s21+$0x8440] =	vst v5;
	v3 =	vand.u32 $0xFFFF0000, v3  }
0x15c: {  	v2 =	vadd.s32 $0x8000, v2;
	v5 =	vld [tilespmem:s31+$0x410];
	v1 =	vor.u32 v1, v3;
	v4 =	vadd.s32 $0x8000, v4  }
0x15d: {  	v3 =	vld [tilespmem:s31+$0x2410];
	[tilespmem:s21+$0x8450] =	vst v1;
	v1 =	vshrl.u32 v2, $0x10;
	v2 =	vand.u32 $0xFFFF0000, v4  }
0x15e: {  	v0 =	vadd.s32 $0x8000, v0;
	v4 =	vld [tilespmem:s31+$0x420];
	v1 =	vor.u32 v1, v2  }
0x15f: {  	v2 =	vld [tilespmem:s31+$0x2420];
	v8 =	vadd.s32 $0x8000, v8;
	v0 =	vshrl.u32 v0, $0x10;
	[tilespmem:s21+$0x8460] =	vst v1  }
0x160: {  	v1 =	vand.u32 $0xFFFF0000, v8;
	v7 =	vadd.s32 $0x8000, v7;
	v6 =	vadd.s32 $0x8000, v6;
	v8 =	vld [tilespmem:s31+$0x430]  }
0x161: {  	v0 =	vor.u32 v0, v1;
	v1 =	vld [tilespmem:s31+$0x2430];
	v7 =	vshrl.u32 v7, $0x10;
	v6 =	vand.u32 $0xFFFF0000, v6  }
0x162: {  	[tilespmem:s31+$0x8470] =	vst v0;
	v0 =	vor.u32 v7, v6;
	v6 =	vld [tilespmem:s31+$0x440];
	v5 =	vadd.s32 $0x8000, v5;
	v3 =	vadd.s32 $0x8000, v3  }
0x163: {  	v7 =	vld [tilespmem:s31+$0x2460];
	[tilespmem:s31+$0x8400] =	vst v0;
	v0 =	vshrl.u32 v5, $0x10;
	v3 =	vand.u32 $0xFFFF0000, v3  }
0x164: {  	v5 =	vld [tilespmem:s31+$0x2440];
	v0 =	vor.u32 v0, v3;
	v4 =	vadd.s32 $0x8000, v4;
	v2 =	vadd.s32 $0x8000, v2  }
0x165: {  	v3 =	vld [tilespmem:s31+$0x450];
	[tilespmem:s31+$0x8410] =	vst v0;
	v0 =	vshrl.u32 v4, $0x10;
	v2 =	vand.u32 $0xFFFF0000, v2  }
0x166: {  	v4 =	vld [tilespmem:s31+$0x2450];
	v0 =	vor.u32 v0, v2  }
0x167: {  	v2 =	vld [tilespmem:s31+$0x460];
	v1 =	vadd.s32 $0x8000, v1;
	[tilespmem:s31+$0x8420] =	vst v0;
	v0 =	vadd.s32 $0x8000, v8  }
0x168: {  	v1 =	vand.u32 $0xFFFF0000, v1;
	v0 =	vshrl.u32 v0, $0x10  }
0x169: {  	v6 =	vadd.s32 $0x8000, v6;
	v0 =	vor.u32 v0, v1;
	v1 =	vadd.s32 $0x8000, v5  }
0x16a: {  	v5 =	vshrl.u32 v6, $0x10;
	v3 =	vadd.s32 $0x8000, v3;
	v1 =	vand.u32 $0xFFFF0000, v1  }
0x16b: {  	v4 =	vadd.s32 $0x8000, v4;
	v3 =	vshrl.u32 v3, $0x10;
	v1 =	vor.u32 v5, v1  }
0x16c: {  	[tilespmem:s31+$0x8430] =	vst v0;
	v0 =	vand.u32 $0xFFFF0000, v4;
	v2 =	vadd.s32 $0x8000, v2;
	v4 =	vadd.s32 $0x8000, v7  }
0x16d: {  	[tilespmem:s31+$0x8440] =	vst v1;
	v0 =	vor.u32 v3, v0;
	v1 =	vshrl.u32 v2, $0x10;
	v2 =	vand.u32 $0xFFFF0000, v4  }
0x16e: {  	[tilespmem:s31+$0x8450] =	vst v0;
	v0 =	vor.u32 v1, v2  }
0x16f: {  	s0 =	simm.s32 $0x0;
	[tilespmem:s31+$0x8460] =	vst v0  }
0x170: {  	[hbm4b:s9+s0] =	stream.linear.scatter [tilespmem:s25], [sflag:$0x5], $0x2000, $0x38;
	[tilespmem:$0xC400] =	vst v63  }
0x171: {  	s21 =	simm.s32 $0x180  }
0x172: {  	[tilespmem:s15], [sflag:$0x1] =	stream.indirect.gather [hbm4b:s2+s17], $0x80, s21, s17, $0xb8;
	[tilespmem:$0xC400] =	vst v63  }
0x173: {  	s21 =	simm.s32 $0x380  }
0x174: {  	[tilespmem:s19], [sflag:$0x2] =	stream.indirect.gather [hbm4b:s2+s17], $0x80, s21, s17, $0xb8;
	[tilespmem:$0xC400] =	vst v63  }
0x175: {  	_ =	swait.ge [sflag:s28], $0x2000  }
0x176: {  	[sflag:s28] =	ssyncset.done $0x0  }
0x177: {  	[sflag:s28] =	ssyncadd.s32 $0xFFFFE000  }
0x178: {  	_ =	swait.ge [sflag:s29], $0x2000  }
0x179: {  	[sflag:s29] =	ssyncset.done $0x0  }
0x17a: {  	[sflag:s29] =	ssyncadd.s32 $0xFFFFE000  }
0x17b: {  	_ =	swait.ge [sflag:s26], $0x2000  }
0x17c: {  	[sflag:s26] =	ssyncset.done $0x0  }
0x17d: {  	s21 =	simm.s32 $0x0;
	[sflag:s26] =	ssyncadd.s32 $0xFFFFE000  }
0x17e: {  	v0 =	vld [tilespmem:s21+$0x4470]  }
0x17f: {  	v1 =	vld [tilespmem:s21+$0x6470]  }
0x180: {  	v2 =	vld [tilespmem:s21+$0x4400]  }
0x181: {  	v3 =	vld [tilespmem:s21+$0x6400]  }
0x182: {  	v4 =	vld [tilespmem:s21+$0x4410]  }
0x183: {  	v5 =	vld [tilespmem:s21+$0x6410]  }
0x184: {  	v6 =	vld [tilespmem:s21+$0x4420]  }
0x185: {  	v7 =	vld [tilespmem:s21+$0x6420];
	v0 =	vadd.s32 $0x8000, v0;
	v1 =	vadd.s32 $0x8000, v1;
	v2 =	vadd.s32 $0x8000, v2  }
0x186: {  	v8 =	vld [tilespmem:s21+$0x4430];
	v3 =	vadd.s32 $0x8000, v3;
	v0 =	vshrl.u32 v0, $0x10;
	v1 =	vand.u32 $0xFFFF0000, v1  }
0x187: {  	v9 =	vld [tilespmem:s21+$0x6430];
	v0 =	vor.u32 v0, v1;
	v1 =	vshrl.u32 v2, $0x10;
	v2 =	vand.u32 $0xFFFF0000, v3  }
0x188: {  	v10 =	vld [tilespmem:s21+$0x4440];
	[tilespmem:s21+$0xA470] =	vst v0;
	v0 =	vor.u32 v1, v2;
	v1 =	vadd.s32 $0x8000, v4;
	v2 =	vadd.s32 $0x8000, v5  }
0x189: {  	v5 =	vld [tilespmem:s21+$0x6440];
	[tilespmem:s21+$0xA400] =	vst v0;
	v0 =	vshrl.u32 v1, $0x10;
	v1 =	vand.u32 $0xFFFF0000, v2  }
0x18a: {  	v3 =	vadd.s32 $0x8000, v7;
	v2 =	vadd.s32 $0x8000, v6;
	v0 =	vor.u32 v0, v1;
	v1 =	vld [tilespmem:s21+$0x4450]  }
0x18b: {  	[tilespmem:s21+$0xA410] =	vst v0;
	v0 =	vshrl.u32 v2, $0x10;
	v2 =	vand.u32 $0xFFFF0000, v3;
	v3 =	vld [tilespmem:s21+$0x6450]  }
0x18c: {  	v4 =	vadd.s32 $0x8000, v8;
	v6 =	vadd.s32 $0x8000, v9;
	v0 =	vor.u32 v0, v2;
	v2 =	vld [tilespmem:s21+$0x4460]  }
0x18d: {  	s31 =	simm.s32 $0x80;
	v8 =	vadd.s32 $0x8000, v10;
	v7 =	vshrl.u32 v4, $0x10;
	v4 =	vld [tilespmem:s21+$0x6460];
	v6 =	vand.u32 $0xFFFF0000, v6;
	[tilespmem:s21+$0xA420] =	vst v0  }
0x18e: {  	s0 =	simm.s32 $0x400;
	v6 =	vor.u32 v7, v6;
	v7 =	vadd.s32 $0x8000, v5;
	v5 =	vshrl.u32 v8, $0x10;
	v0 =	vld [tilespmem:s31+$0x4470]  }
.LBB2_12:
0x18f: {  	p0 =	sne.s32 s0, $0x7E00;
	v8 =	vld [tilespmem:s31+$0x6470];
	[tilespmem:s21+$0xA430] =	vst v6;
	v6 =	vand.u32 $0xFFFF0000, v7;
	v1 =	vadd.s32 $0x8000, v1  }
0x190: {  	v7 =	vld [tilespmem:s31+$0x4400];
	v5 =	vor.u32 v5, v6;
	v3 =	vadd.s32 $0x8000, v3;
	v1 =	vshrl.u32 v1, $0x10  }
0x191: {  	v6 =	vld [tilespmem:s31+$0x6400];
	[tilespmem:s21+$0xA440] =	vst v5;
	v3 =	vand.u32 $0xFFFF0000, v3;
	v2 =	vadd.s32 $0x8000, v2  }
0x192: {  	v5 =	vld [tilespmem:s31+$0x4410];
	v1 =	vor.u32 v1, v3;
	v3 =	vadd.s32 $0x8000, v4;
	v2 =	vshrl.u32 v2, $0x10  }
0x193: {  	v4 =	vld [tilespmem:s31+$0x6410];
	[tilespmem:s21+$0xA450] =	vst v1;
	v1 =	vand.u32 $0xFFFF0000, v3  }
0x194: {  	v0 =	vadd.s32 $0x8000, v0;
	v3 =	vld [tilespmem:s31+$0x4420];
	v8 =	vadd.s32 $0x8000, v8;
	v1 =	vor.u32 v2, v1  }
0x195: {  	v0 =	vshrl.u32 v0, $0x10;
	v2 =	vadd.s32 $0x8000, v7;
	v7 =	vld [tilespmem:s31+$0x6420];
	v8 =	vand.u32 $0xFFFF0000, v8;
	[tilespmem:s21+$0xA460] =	vst v1;
	s21 =	smov.u32 s31  }
0x196: {  	v1 =	vadd.s32 $0x8000, v6;
	v2 =	vshrl.u32 v2, $0x10;
	v6 =	vld [tilespmem:s21+$0x4430];
	v0 =	vor.u32 v0, v8  }
0x197: {  	v1 =	vand.u32 $0xFFFF0000, v1;
	v5 =	vadd.s32 $0x8000, v5;
	v8 =	vld [tilespmem:s21+$0x6430];
	[tilespmem:s21+$0xA470] =	vst v0  }
0x198: {  	v0 =	vor.u32 v2, v1;
	v1 =	vadd.s32 $0x8000, v4;
	v2 =	vshrl.u32 v5, $0x10;
	v4 =	vld [tilespmem:s21+$0x4440]  }
0x199: {  	[tilespmem:s21+$0xA400] =	vst v0;
	v0 =	vand.u32 $0xFFFF0000, v1;
	v1 =	vadd.s32 $0x8000, v3;
	v5 =	vld [tilespmem:s21+$0x6440]  }
.Ltmp5:
0x19a: {  	v0 =	vor.u32 v2, v0;
	v2 =	vadd.s32 $0x8000, v7;
	v7 =	vshrl.u32 v1, $0x10;
	v1 =	vld [tilespmem:s21+$0x4450];
	(pc) =	sbr.rel @p0 .LBB2_12-.Ltmp5, $4  }
0x19b: {  	[tilespmem:s21+$0xA410] =	vst v0;
	v0 =	vand.u32 $0xFFFF0000, v2;
	v2 =	vadd.s32 $0x8000, v6;
	v3 =	vld [tilespmem:s21+$0x6450]  }
0x19c: {  	v0 =	vor.u32 v7, v0;
	v6 =	vadd.s32 $0x8000, v8;
	v7 =	vshrl.u32 v2, $0x10;
	v2 =	vld [tilespmem:s21+$0x4460]  }
0x19d: {  	s31 =	sshra.s32 s0, $0x2;
	[tilespmem:s21+$0xA420] =	vst v0;
	v6 =	vand.u32 $0xFFFF0000, v6;
	v8 =	vadd.s32 $0x8000, v4;
	v4 =	vld [tilespmem:s21+$0x6460]  }
0x19e: {  	s0 =	sadd.s32 $0x200, s0;
	v0 =	vld [tilespmem:s31+$0x4470];
	v6 =	vor.u32 v7, v6;
	v7 =	vadd.s32 $0x8000, v5;
	v5 =	vshrl.u32 v8, $0x10  }
0x19f: {  	v8 =	vld [tilespmem:s31+$0x6470];
	[tilespmem:s21+$0xA430] =	vst v6;
	v6 =	vand.u32 $0xFFFF0000, v7  }
0x1a0: {  	v1 =	vadd.s32 $0x8000, v1;
	v7 =	vld [tilespmem:s31+$0x4400];
	v5 =	vor.u32 v5, v6;
	v3 =	vadd.s32 $0x8000, v3  }
0x1a1: {  	v6 =	vld [tilespmem:s31+$0x6400];
	v1 =	vshrl.u32 v1, $0x10;
	[tilespmem:s21+$0xA440] =	vst v5;
	v3 =	vand.u32 $0xFFFF0000, v3  }
0x1a2: {  	v2 =	vadd.s32 $0x8000, v2;
	v5 =	vld [tilespmem:s31+$0x4410];
	v1 =	vor.u32 v1, v3;
	v4 =	vadd.s32 $0x8000, v4  }
0x1a3: {  	v3 =	vld [tilespmem:s31+$0x6410];
	[tilespmem:s21+$0xA450] =	vst v1;
	v1 =	vshrl.u32 v2, $0x10;
	v2 =	vand.u32 $0xFFFF0000, v4  }
0x1a4: {  	v0 =	vadd.s32 $0x8000, v0;
	v4 =	vld [tilespmem:s31+$0x4420];
	v1 =	vor.u32 v1, v2  }
0x1a5: {  	v2 =	vld [tilespmem:s31+$0x6420];
	v8 =	vadd.s32 $0x8000, v8;
	v0 =	vshrl.u32 v0, $0x10;
	[tilespmem:s21+$0xA460] =	vst v1  }
0x1a6: {  	v1 =	vand.u32 $0xFFFF0000, v8;
	v7 =	vadd.s32 $0x8000, v7;
	v6 =	vadd.s32 $0x8000, v6;
	v8 =	vld [tilespmem:s31+$0x4430]  }
0x1a7: {  	v0 =	vor.u32 v0, v1;
	v1 =	vld [tilespmem:s31+$0x6430];
	v7 =	vshrl.u32 v7, $0x10;
	v6 =	vand.u32 $0xFFFF0000, v6  }
0x1a8: {  	[tilespmem:s31+$0xA470] =	vst v0;
	v0 =	vor.u32 v7, v6;
	v6 =	vld [tilespmem:s31+$0x4440];
	v5 =	vadd.s32 $0x8000, v5;
	v3 =	vadd.s32 $0x8000, v3  }
0x1a9: {  	v7 =	vld [tilespmem:s31+$0x6460];
	[tilespmem:s31+$0xA400] =	vst v0;
	v0 =	vshrl.u32 v5, $0x10;
	v3 =	vand.u32 $0xFFFF0000, v3  }
0x1aa: {  	v5 =	vld [tilespmem:s31+$0x6440];
	v0 =	vor.u32 v0, v3;
	v4 =	vadd.s32 $0x8000, v4;
	v2 =	vadd.s32 $0x8000, v2  }
0x1ab: {  	v3 =	vld [tilespmem:s31+$0x4450];
	[tilespmem:s31+$0xA410] =	vst v0;
	v0 =	vshrl.u32 v4, $0x10;
	v2 =	vand.u32 $0xFFFF0000, v2  }
0x1ac: {  	v4 =	vld [tilespmem:s31+$0x6450];
	v0 =	vor.u32 v0, v2  }
0x1ad: {  	v2 =	vld [tilespmem:s31+$0x4460];
	v1 =	vadd.s32 $0x8000, v1;
	[tilespmem:s31+$0xA420] =	vst v0;
	v0 =	vadd.s32 $0x8000, v8  }
0x1ae: {  	v1 =	vand.u32 $0xFFFF0000, v1;
	v0 =	vshrl.u32 v0, $0x10  }
0x1af: {  	v6 =	vadd.s32 $0x8000, v6;
	v0 =	vor.u32 v0, v1;
	v1 =	vadd.s32 $0x8000, v5  }
0x1b0: {  	v5 =	vshrl.u32 v6, $0x10;
	v3 =	vadd.s32 $0x8000, v3;
	v1 =	vand.u32 $0xFFFF0000, v1  }
0x1b1: {  	v4 =	vadd.s32 $0x8000, v4;
	v3 =	vshrl.u32 v3, $0x10;
	v1 =	vor.u32 v5, v1  }
0x1b2: {  	[tilespmem:s31+$0xA430] =	vst v0;
	v0 =	vand.u32 $0xFFFF0000, v4;
	v2 =	vadd.s32 $0x8000, v2;
	v4 =	vadd.s32 $0x8000, v7  }
0x1b3: {  	[tilespmem:s31+$0xA440] =	vst v1;
	v0 =	vor.u32 v3, v0;
	v1 =	vshrl.u32 v2, $0x10;
	v2 =	vand.u32 $0xFFFF0000, v4  }
0x1b4: {  	[tilespmem:s31+$0xA450] =	vst v0;
	v0 =	vor.u32 v1, v2  }
0x1b5: {  	s0 =	simm.s32 $0x0;
	[tilespmem:s31+$0xA460] =	vst v0  }
0x1b6: {  	[hbm4b:s10+s0] =	stream.linear.scatter [tilespmem:s30], [sflag:$0x6], $0x2000, $0x38;
	[tilespmem:$0xC400] =	vst v63  }
0x1b7: {  	s21 =	simm.s32 $0x1C0  }
0x1b8: {  	[tilespmem:s20], [sflag:$0x3] =	stream.indirect.gather [hbm4b:s2+s17], $0x80, s21, s17, $0xb8;
	[tilespmem:$0xC400] =	vst v63  }
0x1b9: {  	s21 =	simm.s32 $0x3C0  }
0x1ba: {  	[tilespmem:s22], [sflag:$0x4] =	stream.indirect.gather [hbm4b:s2+s17], $0x80, s21, s17, $0xb8;
	[tilespmem:$0xC400] =	vst v63  }
0x1bb: {  	_ =	swait.ge [sflag:s23], $0x2000  }
0x1bc: {  	[sflag:s23] =	ssyncset.done $0x0  }
0x1bd: {  	[sflag:s23] =	ssyncadd.s32 $0xFFFFE000  }
0x1be: {  	_ =	swait.ge [sflag:s24], $0x2000  }
0x1bf: {  	[sflag:s24] =	ssyncset.done $0x0  }
0x1c0: {  	[sflag:s24] =	ssyncadd.s32 $0xFFFFE000  }
0x1c1: {  	_ =	swait.ge [sflag:s1], $0x2000  }
0x1c2: {  	[sflag:s1] =	ssyncset.done $0x0  }
0x1c3: {  	s21 =	simm.s32 $0x0;
	[sflag:s1] =	ssyncadd.s32 $0xFFFFE000  }
0x1c4: {  	v0 =	vld [tilespmem:s21+$0x470]  }
0x1c5: {  	v1 =	vld [tilespmem:s21+$0x2470]  }
0x1c6: {  	v2 =	vld [tilespmem:s21+$0x400]  }
0x1c7: {  	v3 =	vld [tilespmem:s21+$0x2400]  }
0x1c8: {  	v4 =	vld [tilespmem:s21+$0x410]  }
0x1c9: {  	v5 =	vld [tilespmem:s21+$0x2410]  }
0x1ca: {  	v6 =	vld [tilespmem:s21+$0x420]  }
0x1cb: {  	v7 =	vld [tilespmem:s21+$0x2420];
	v0 =	vadd.s32 $0x8000, v0;
	v1 =	vadd.s32 $0x8000, v1;
	v2 =	vadd.s32 $0x8000, v2  }
0x1cc: {  	v8 =	vld [tilespmem:s21+$0x430];
	v3 =	vadd.s32 $0x8000, v3;
	v0 =	vshrl.u32 v0, $0x10;
	v1 =	vand.u32 $0xFFFF0000, v1  }
0x1cd: {  	v9 =	vld [tilespmem:s21+$0x2430];
	v0 =	vor.u32 v0, v1;
	v1 =	vshrl.u32 v2, $0x10;
	v2 =	vand.u32 $0xFFFF0000, v3  }
0x1ce: {  	v10 =	vld [tilespmem:s21+$0x440];
	[tilespmem:s21+$0x8470] =	vst v0;
	v0 =	vor.u32 v1, v2;
	v1 =	vadd.s32 $0x8000, v4;
	v2 =	vadd.s32 $0x8000, v5  }
0x1cf: {  	v5 =	vld [tilespmem:s21+$0x2440];
	[tilespmem:s21+$0x8400] =	vst v0;
	v0 =	vshrl.u32 v1, $0x10;
	v1 =	vand.u32 $0xFFFF0000, v2  }
0x1d0: {  	v3 =	vadd.s32 $0x8000, v7;
	v2 =	vadd.s32 $0x8000, v6;
	v0 =	vor.u32 v0, v1;
	v1 =	vld [tilespmem:s21+$0x450]  }
0x1d1: {  	[tilespmem:s21+$0x8410] =	vst v0;
	v0 =	vshrl.u32 v2, $0x10;
	v2 =	vand.u32 $0xFFFF0000, v3;
	v3 =	vld [tilespmem:s21+$0x2450]  }
0x1d2: {  	v4 =	vadd.s32 $0x8000, v8;
	v6 =	vadd.s32 $0x8000, v9;
	v0 =	vor.u32 v0, v2;
	v2 =	vld [tilespmem:s21+$0x460]  }
0x1d3: {  	s31 =	simm.s32 $0x80;
	v8 =	vadd.s32 $0x8000, v10;
	v7 =	vshrl.u32 v4, $0x10;
	v4 =	vld [tilespmem:s21+$0x2460];
	v6 =	vand.u32 $0xFFFF0000, v6;
	[tilespmem:s21+$0x8420] =	vst v0  }
0x1d4: {  	s0 =	simm.s32 $0x400;
	v6 =	vor.u32 v7, v6;
	v7 =	vadd.s32 $0x8000, v5;
	v5 =	vshrl.u32 v8, $0x10;
	v0 =	vld [tilespmem:s31+$0x470]  }
.LBB2_14:
0x1d5: {  	p0 =	sne.s32 s0, $0x7E00;
	v8 =	vld [tilespmem:s31+$0x2470];
	[tilespmem:s21+$0x8430] =	vst v6;
	v6 =	vand.u32 $0xFFFF0000, v7;
	v1 =	vadd.s32 $0x8000, v1  }
0x1d6: {  	v7 =	vld [tilespmem:s31+$0x400];
	v5 =	vor.u32 v5, v6;
	v3 =	vadd.s32 $0x8000, v3;
	v1 =	vshrl.u32 v1, $0x10  }
0x1d7: {  	v6 =	vld [tilespmem:s31+$0x2400];
	[tilespmem:s21+$0x8440] =	vst v5;
	v3 =	vand.u32 $0xFFFF0000, v3;
	v2 =	vadd.s32 $0x8000, v2  }
0x1d8: {  	v5 =	vld [tilespmem:s31+$0x410];
	v1 =	vor.u32 v1, v3;
	v3 =	vadd.s32 $0x8000, v4;
	v2 =	vshrl.u32 v2, $0x10  }
0x1d9: {  	v4 =	vld [tilespmem:s31+$0x2410];
	[tilespmem:s21+$0x8450] =	vst v1;
	v1 =	vand.u32 $0xFFFF0000, v3  }
0x1da: {  	v0 =	vadd.s32 $0x8000, v0;
	v3 =	vld [tilespmem:s31+$0x420];
	v8 =	vadd.s32 $0x8000, v8;
	v1 =	vor.u32 v2, v1  }
0x1db: {  	v0 =	vshrl.u32 v0, $0x10;
	v2 =	vadd.s32 $0x8000, v7;
	v7 =	vld [tilespmem:s31+$0x2420];
	v8 =	vand.u32 $0xFFFF0000, v8;
	[tilespmem:s21+$0x8460] =	vst v1;
	s21 =	smov.u32 s31  }
0x1dc: {  	v1 =	vadd.s32 $0x8000, v6;
	v2 =	vshrl.u32 v2, $0x10;
	v6 =	vld [tilespmem:s21+$0x430];
	v0 =	vor.u32 v0, v8  }
0x1dd: {  	v1 =	vand.u32 $0xFFFF0000, v1;
	v5 =	vadd.s32 $0x8000, v5;
	v8 =	vld [tilespmem:s21+$0x2430];
	[tilespmem:s21+$0x8470] =	vst v0  }
0x1de: {  	v0 =	vor.u32 v2, v1;
	v1 =	vadd.s32 $0x8000, v4;
	v2 =	vshrl.u32 v5, $0x10;
	v4 =	vld [tilespmem:s21+$0x440]  }
0x1df: {  	[tilespmem:s21+$0x8400] =	vst v0;
	v0 =	vand.u32 $0xFFFF0000, v1;
	v1 =	vadd.s32 $0x8000, v3;
	v5 =	vld [tilespmem:s21+$0x2440]  }
.Ltmp6:
0x1e0: {  	v0 =	vor.u32 v2, v0;
	v2 =	vadd.s32 $0x8000, v7;
	v7 =	vshrl.u32 v1, $0x10;
	v1 =	vld [tilespmem:s21+$0x450];
	(pc) =	sbr.rel @p0 .LBB2_14-.Ltmp6, $4  }
0x1e1: {  	[tilespmem:s21+$0x8410] =	vst v0;
	v0 =	vand.u32 $0xFFFF0000, v2;
	v2 =	vadd.s32 $0x8000, v6;
	v3 =	vld [tilespmem:s21+$0x2450]  }
0x1e2: {  	v0 =	vor.u32 v7, v0;
	v6 =	vadd.s32 $0x8000, v8;
	v7 =	vshrl.u32 v2, $0x10;
	v2 =	vld [tilespmem:s21+$0x460]  }
0x1e3: {  	s31 =	sshra.s32 s0, $0x2;
	[tilespmem:s21+$0x8420] =	vst v0;
	v6 =	vand.u32 $0xFFFF0000, v6;
	v8 =	vadd.s32 $0x8000, v4;
	v4 =	vld [tilespmem:s21+$0x2460]  }
0x1e4: {  	s0 =	sadd.s32 $0x200, s0;
	v0 =	vld [tilespmem:s31+$0x470];
	v6 =	vor.u32 v7, v6;
	v7 =	vadd.s32 $0x8000, v5;
	v5 =	vshrl.u32 v8, $0x10  }
0x1e5: {  	v8 =	vld [tilespmem:s31+$0x2470];
	[tilespmem:s21+$0x8430] =	vst v6;
	v6 =	vand.u32 $0xFFFF0000, v7  }
0x1e6: {  	v1 =	vadd.s32 $0x8000, v1;
	v7 =	vld [tilespmem:s31+$0x400];
	v5 =	vor.u32 v5, v6;
	v3 =	vadd.s32 $0x8000, v3  }
0x1e7: {  	v6 =	vld [tilespmem:s31+$0x2400];
	v1 =	vshrl.u32 v1, $0x10;
	[tilespmem:s21+$0x8440] =	vst v5;
	v3 =	vand.u32 $0xFFFF0000, v3  }
0x1e8: {  	v2 =	vadd.s32 $0x8000, v2;
	v5 =	vld [tilespmem:s31+$0x410];
	v1 =	vor.u32 v1, v3;
	v4 =	vadd.s32 $0x8000, v4  }
0x1e9: {  	v3 =	vld [tilespmem:s31+$0x2410];
	[tilespmem:s21+$0x8450] =	vst v1;
	v1 =	vshrl.u32 v2, $0x10;
	v2 =	vand.u32 $0xFFFF0000, v4  }
0x1ea: {  	v0 =	vadd.s32 $0x8000, v0;
	v4 =	vld [tilespmem:s31+$0x420];
	v1 =	vor.u32 v1, v2  }
0x1eb: {  	v2 =	vld [tilespmem:s31+$0x2420];
	v8 =	vadd.s32 $0x8000, v8;
	v0 =	vshrl.u32 v0, $0x10;
	[tilespmem:s21+$0x8460] =	vst v1  }
0x1ec: {  	v1 =	vand.u32 $0xFFFF0000, v8;
	v7 =	vadd.s32 $0x8000, v7;
	v6 =	vadd.s32 $0x8000, v6;
	v8 =	vld [tilespmem:s31+$0x430]  }
0x1ed: {  	v0 =	vor.u32 v0, v1;
	v1 =	vld [tilespmem:s31+$0x2430];
	v7 =	vshrl.u32 v7, $0x10;
	v6 =	vand.u32 $0xFFFF0000, v6  }
0x1ee: {  	[tilespmem:s31+$0x8470] =	vst v0;
	v0 =	vor.u32 v7, v6;
	v6 =	vld [tilespmem:s31+$0x440];
	v5 =	vadd.s32 $0x8000, v5;
	v3 =	vadd.s32 $0x8000, v3  }
0x1ef: {  	v7 =	vld [tilespmem:s31+$0x2460];
	[tilespmem:s31+$0x8400] =	vst v0;
	v0 =	vshrl.u32 v5, $0x10;
	v3 =	vand.u32 $0xFFFF0000, v3  }
0x1f0: {  	v5 =	vld [tilespmem:s31+$0x2440];
	v0 =	vor.u32 v0, v3;
	v4 =	vadd.s32 $0x8000, v4;
	v2 =	vadd.s32 $0x8000, v2  }
0x1f1: {  	v3 =	vld [tilespmem:s31+$0x450];
	[tilespmem:s31+$0x8410] =	vst v0;
	v0 =	vshrl.u32 v4, $0x10;
	v2 =	vand.u32 $0xFFFF0000, v2  }
0x1f2: {  	v4 =	vld [tilespmem:s31+$0x2450];
	v0 =	vor.u32 v0, v2  }
0x1f3: {  	v2 =	vld [tilespmem:s31+$0x460];
	v1 =	vadd.s32 $0x8000, v1;
	[tilespmem:s31+$0x8420] =	vst v0;
	v0 =	vadd.s32 $0x8000, v8  }
0x1f4: {  	v1 =	vand.u32 $0xFFFF0000, v1;
	v0 =	vshrl.u32 v0, $0x10  }
0x1f5: {  	v6 =	vadd.s32 $0x8000, v6;
	v0 =	vor.u32 v0, v1;
	v1 =	vadd.s32 $0x8000, v5  }
0x1f6: {  	v5 =	vshrl.u32 v6, $0x10;
	v3 =	vadd.s32 $0x8000, v3;
	v1 =	vand.u32 $0xFFFF0000, v1  }
0x1f7: {  	v4 =	vadd.s32 $0x8000, v4;
	v3 =	vshrl.u32 v3, $0x10;
	v1 =	vor.u32 v5, v1  }
0x1f8: {  	[tilespmem:s31+$0x8430] =	vst v0;
	v0 =	vand.u32 $0xFFFF0000, v4;
	v2 =	vadd.s32 $0x8000, v2;
	v4 =	vadd.s32 $0x8000, v7  }
0x1f9: {  	[tilespmem:s31+$0x8440] =	vst v1;
	v0 =	vor.u32 v3, v0;
	v1 =	vshrl.u32 v2, $0x10;
	v2 =	vand.u32 $0xFFFF0000, v4  }
0x1fa: {  	[tilespmem:s31+$0x8450] =	vst v0;
	v0 =	vor.u32 v1, v2  }
0x1fb: {  	s0 =	simm.s32 $0x0;
	[tilespmem:s31+$0x8460] =	vst v0  }
0x1fc: {  	[hbm4b:s11+s0] =	stream.linear.scatter [tilespmem:s25], [sflag:$0x5], $0x2000, $0x38;
	[tilespmem:$0xC400] =	vst v63  }
0x1fd: {  	_ =	swait.ge [sflag:s28], $0x2000  }
0x1fe: {  	[sflag:s28] =	ssyncset.done $0x0  }
0x1ff: {  	[sflag:s28] =	ssyncadd.s32 $0xFFFFE000  }
0x200: {  	_ =	swait.ge [sflag:s29], $0x2000  }
0x201: {  	[sflag:s29] =	ssyncset.done $0x0  }
0x202: {  	[sflag:s29] =	ssyncadd.s32 $0xFFFFE000  }
0x203: {  	_ =	swait.ge [sflag:s26], $0x2000  }
0x204: {  	[sflag:s26] =	ssyncset.done $0x0  }
0x205: {  	s21 =	simm.s32 $0x0;
	[sflag:s26] =	ssyncadd.s32 $0xFFFFE000  }
0x206: {  	v0 =	vld [tilespmem:s21+$0x4470]  }
0x207: {  	v1 =	vld [tilespmem:s21+$0x6470]  }
0x208: {  	v2 =	vld [tilespmem:s21+$0x4400]  }
0x209: {  	v3 =	vld [tilespmem:s21+$0x6400]  }
0x20a: {  	v4 =	vld [tilespmem:s21+$0x4410]  }
0x20b: {  	v5 =	vld [tilespmem:s21+$0x6410]  }
0x20c: {  	v6 =	vld [tilespmem:s21+$0x4420]  }
0x20d: {  	v7 =	vld [tilespmem:s21+$0x6420];
	v0 =	vadd.s32 $0x8000, v0;
	v1 =	vadd.s32 $0x8000, v1;
	v2 =	vadd.s32 $0x8000, v2  }
0x20e: {  	v8 =	vld [tilespmem:s21+$0x4430];
	v3 =	vadd.s32 $0x8000, v3;
	v0 =	vshrl.u32 v0, $0x10;
	v1 =	vand.u32 $0xFFFF0000, v1  }
0x20f: {  	v9 =	vld [tilespmem:s21+$0x6430];
	v0 =	vor.u32 v0, v1;
	v1 =	vshrl.u32 v2, $0x10;
	v2 =	vand.u32 $0xFFFF0000, v3  }
0x210: {  	v10 =	vld [tilespmem:s21+$0x4440];
	[tilespmem:s21+$0xA470] =	vst v0;
	v0 =	vor.u32 v1, v2;
	v1 =	vadd.s32 $0x8000, v4;
	v2 =	vadd.s32 $0x8000, v5  }
0x211: {  	v5 =	vld [tilespmem:s21+$0x6440];
	[tilespmem:s21+$0xA400] =	vst v0;
	v0 =	vshrl.u32 v1, $0x10;
	v1 =	vand.u32 $0xFFFF0000, v2  }
0x212: {  	v3 =	vadd.s32 $0x8000, v7;
	v2 =	vadd.s32 $0x8000, v6;
	v0 =	vor.u32 v0, v1;
	v1 =	vld [tilespmem:s21+$0x4450]  }
0x213: {  	[tilespmem:s21+$0xA410] =	vst v0;
	v0 =	vshrl.u32 v2, $0x10;
	v2 =	vand.u32 $0xFFFF0000, v3;
	v3 =	vld [tilespmem:s21+$0x6450]  }
0x214: {  	v4 =	vadd.s32 $0x8000, v8;
	v6 =	vadd.s32 $0x8000, v9;
	v0 =	vor.u32 v0, v2;
	v2 =	vld [tilespmem:s21+$0x4460]  }
0x215: {  	s31 =	simm.s32 $0x80;
	v8 =	vadd.s32 $0x8000, v10;
	v7 =	vshrl.u32 v4, $0x10;
	v4 =	vld [tilespmem:s21+$0x6460];
	v6 =	vand.u32 $0xFFFF0000, v6;
	[tilespmem:s21+$0xA420] =	vst v0  }
0x216: {  	s0 =	simm.s32 $0x400;
	v6 =	vor.u32 v7, v6;
	v7 =	vadd.s32 $0x8000, v5;
	v5 =	vshrl.u32 v8, $0x10;
	v0 =	vld [tilespmem:s31+$0x4470]  }
.LBB2_16:
0x217: {  	p0 =	sne.s32 s0, $0x7E00;
	v8 =	vld [tilespmem:s31+$0x6470];
	[tilespmem:s21+$0xA430] =	vst v6;
	v6 =	vand.u32 $0xFFFF0000, v7;
	v1 =	vadd.s32 $0x8000, v1  }
0x218: {  	v7 =	vld [tilespmem:s31+$0x4400];
	v5 =	vor.u32 v5, v6;
	v3 =	vadd.s32 $0x8000, v3;
	v1 =	vshrl.u32 v1, $0x10  }
0x219: {  	v6 =	vld [tilespmem:s31+$0x6400];
	[tilespmem:s21+$0xA440] =	vst v5;
	v3 =	vand.u32 $0xFFFF0000, v3;
	v2 =	vadd.s32 $0x8000, v2  }
0x21a: {  	v5 =	vld [tilespmem:s31+$0x4410];
	v1 =	vor.u32 v1, v3;
	v3 =	vadd.s32 $0x8000, v4;
	v2 =	vshrl.u32 v2, $0x10  }
0x21b: {  	v4 =	vld [tilespmem:s31+$0x6410];
	[tilespmem:s21+$0xA450] =	vst v1;
	v1 =	vand.u32 $0xFFFF0000, v3  }
0x21c: {  	v0 =	vadd.s32 $0x8000, v0;
	v3 =	vld [tilespmem:s31+$0x4420];
	v8 =	vadd.s32 $0x8000, v8;
	v1 =	vor.u32 v2, v1  }
0x21d: {  	v0 =	vshrl.u32 v0, $0x10;
	v2 =	vadd.s32 $0x8000, v7;
	v7 =	vld [tilespmem:s31+$0x6420];
	v8 =	vand.u32 $0xFFFF0000, v8;
	[tilespmem:s21+$0xA460] =	vst v1;
	s21 =	smov.u32 s31  }
0x21e: {  	v1 =	vadd.s32 $0x8000, v6;
	v2 =	vshrl.u32 v2, $0x10;
	v6 =	vld [tilespmem:s21+$0x4430];
	v0 =	vor.u32 v0, v8  }
0x21f: {  	v1 =	vand.u32 $0xFFFF0000, v1;
	v5 =	vadd.s32 $0x8000, v5;
	v8 =	vld [tilespmem:s21+$0x6430];
	[tilespmem:s21+$0xA470] =	vst v0  }
0x220: {  	v0 =	vor.u32 v2, v1;
	v1 =	vadd.s32 $0x8000, v4;
	v2 =	vshrl.u32 v5, $0x10;
	v4 =	vld [tilespmem:s21+$0x4440]  }
0x221: {  	[tilespmem:s21+$0xA400] =	vst v0;
	v0 =	vand.u32 $0xFFFF0000, v1;
	v1 =	vadd.s32 $0x8000, v3;
	v5 =	vld [tilespmem:s21+$0x6440]  }
.Ltmp7:
0x222: {  	v0 =	vor.u32 v2, v0;
	v2 =	vadd.s32 $0x8000, v7;
	v7 =	vshrl.u32 v1, $0x10;
	v1 =	vld [tilespmem:s21+$0x4450];
	(pc) =	sbr.rel @p0 .LBB2_16-.Ltmp7, $4  }
0x223: {  	[tilespmem:s21+$0xA410] =	vst v0;
	v0 =	vand.u32 $0xFFFF0000, v2;
	v2 =	vadd.s32 $0x8000, v6;
	v3 =	vld [tilespmem:s21+$0x6450]  }
0x224: {  	v0 =	vor.u32 v7, v0;
	v6 =	vadd.s32 $0x8000, v8;
	v7 =	vshrl.u32 v2, $0x10;
	v2 =	vld [tilespmem:s21+$0x4460]  }
0x225: {  	s31 =	sshra.s32 s0, $0x2;
	[tilespmem:s21+$0xA420] =	vst v0;
	v6 =	vand.u32 $0xFFFF0000, v6;
	v8 =	vadd.s32 $0x8000, v4;
	v4 =	vld [tilespmem:s21+$0x6460]  }
0x226: {  	s0 =	sadd.s32 $0x200, s0;
	v0 =	vld [tilespmem:s31+$0x4470];
	v6 =	vor.u32 v7, v6;
	v7 =	vadd.s32 $0x8000, v5;
	v5 =	vshrl.u32 v8, $0x10  }
0x227: {  	v8 =	vld [tilespmem:s31+$0x6470];
	[tilespmem:s21+$0xA430] =	vst v6;
	v36 =	vand.u32 $0xFFFF0000, v7  }
0x228: {  	v1 =	vadd.s32 $0x8000, v1;
	v37 =	vld [tilespmem:s31+$0x4400];
	v5 =	vor.u32 v5, v36;
	v3 =	vadd.s32 $0x8000, v3  }
0x229: {  	v38 =	vld [tilespmem:s31+$0x6400];
	v1 =	vshrl.u32 v1, $0x10;
	[tilespmem:s21+$0xA440] =	vst v5;
	v3 =	vand.u32 $0xFFFF0000, v3  }
0x22a: {  	v2 =	vadd.s32 $0x8000, v2;
	v5 =	vld [tilespmem:s31+$0x4410];
	v1 =	vor.u32 v1, v3;
	v4 =	vadd.s32 $0x8000, v4  }
0x22b: {  	v39 =	vld [tilespmem:s31+$0x6410];
	v40 =	vshrl.u32 v2, $0x10;
	[tilespmem:s21+$0xA450] =	vst v1;
	v41 =	vand.u32 $0xFFFF0000, v4  }
0x22c: {  	v42 =	vld [tilespmem:s31+$0x4420];
	v1 =	vor.u32 v40, v41  }
0x22d: {  	v43 =	vld [tilespmem:s31+$0x6420];
	[tilespmem:s21+$0xA460] =	vst v1  }
0x22e: {  	v45 =	vld [tilespmem:s31+$0x4430]  }
0x22f: {  	v46 =	vld [tilespmem:s31+$0x6430]  }
0x230: {  	v0 =	vadd.s32 $0x8000, v0;
	v48 =	vld [tilespmem:s31+$0x4440]  }
0x231: {  	v8 =	vadd.s32 $0x8000, v8;
	v0 =	vshrl.u32 v0, $0x10;
	v50 =	vld [tilespmem:s31+$0x6440]  }
0x232: {  	v44 =	vand.u32 $0xFFFF0000, v8;
	v7 =	vadd.s32 $0x8000, v37;
	v6 =	vadd.s32 $0x8000, v38;
	v51 =	vld [tilespmem:s31+$0x4450]  }
0x233: {  	v0 =	vor.u32 v0, v44;
	v7 =	vshrl.u32 v7, $0x10;
	v53 =	vld [tilespmem:s31+$0x6450];
	v5 =	vadd.s32 $0x8000, v5  }
0x234: {  	v6 =	vand.u32 $0xFFFF0000, v6;
	v54 =	vld [tilespmem:s31+$0x4460];
	v3 =	vadd.s32 $0x8000, v39;
	v49 =	vshrl.u32 v5, $0x10  }
0x235: {  	v56 =	vld [tilespmem:s31+$0x6460];
	v3 =	vand.u32 $0xFFFF0000, v3;
	v4 =	vadd.s32 $0x8000, v42;
	v2 =	vadd.s32 $0x8000, v43  }
0x236: {  	[tilespmem:s31+$0xA470] =	vst v0;
	v0 =	vor.u32 v49, v3;
	v52 =	vshrl.u32 v4, $0x10;
	v2 =	vand.u32 $0xFFFF0000, v2  }
0x237: {  	v47 =	vor.u32 v7, v6;
	[tilespmem:s31+$0xA410] =	vst v0;
	v0 =	vor.u32 v52, v2;
	v55 =	vadd.s32 $0x8000, v45  }
0x238: {  	v1 =	vadd.s32 $0x8000, v46;
	v6 =	vadd.s32 $0x8000, v48;
	v57 =	vadd.s32 $0x8000, v50  }
0x239: {  	v3 =	vadd.s32 $0x8000, v51;
	v4 =	vadd.s32 $0x8000, v53;
	v2 =	vadd.s32 $0x8000, v54  }
0x23a: {  	v60 =	vadd.s32 $0x8000, v56;
	[tilespmem:s31+$0xA420] =	vst v0;
	v0 =	vshrl.u32 v55, $0x10;
	v1 =	vand.u32 $0xFFFF0000, v1  }
0x23b: {  	[tilespmem:s31+$0xA400] =	vst v47;
	v61 =	vshrl.u32 v2, $0x10;
	v62 =	vand.u32 $0xFFFF0000, v60;
	v0 =	vor.u32 v0, v1  }
0x23c: {  	v58 =	vshrl.u32 v6, $0x10;
	v1 =	vand.u32 $0xFFFF0000, v57;
	v63 =	vor.u32 v61, v62;
	[tilespmem:s31+$0xA430] =	vst v0  }
0x23d: {  	v3 =	vshrl.u32 v3, $0x10;
	v59 =	vand.u32 $0xFFFF0000, v4;
	v1 =	vor.u32 v58, v1;
	[tilespmem:s31+$0xA460] =	vst v63  }
0x23e: {  	v0 =	vor.u32 v3, v59;
	[tilespmem:s31+$0xA440] =	vst v1  }
0x23f: {  	s18 =	sadd.s32 $0x1, s18;
	[tilespmem:s31+$0xA450] =	vst v0  }
0x240: {  	[hbm4b:s12+s3] =	stream.linear.scatter [tilespmem:s30], [sflag:$0x6], $0x2000, $0x38;
	[tilespmem:$0xC400] =	vst v63  }
0x241: {  	p0 =	sne.s32 s18, s13;
	_ =	swait.ge [sflag:s1], $0x2000  }
.Ltmp8:
0x242: {  	[sflag:s1] =	ssyncset.done $0x0;
	(pc) =	sbr.rel @p0 .LBB2_1-.Ltmp8, $4  }
0x243: {  	[sflag:s1] =	ssyncadd.s32 $0xFFFFE000  }
0x244: {  	_ =	swait.ge [sflag:s26], $0x2000  }
0x245: {  	[sflag:s26] =	ssyncset.done $0x0  }
0x246: {  	[sflag:s26] =	ssyncadd.s32 $0xFFFFE000  }
0x247: {  	_ =	sfence.sel $0x180000  }
0x248: {  	[bflag:$0x0] =	sbarrier.arrive $0xFFFF  }
0x249: {  	_ =	strace $0x90000047  }
0x24a: {  	s0 =	stileid.u32;
	[bflag:$0x2] =	sbarrier.arrive $0xFFFF  }
0x24b: {  	p0 =	sne.s32 s0, $0x0;
	s0 =	rddreg [dreg:$0x2]  }
0x24c: {  	s0 =	sadd.s32 @!p0 $0x100000, s0  }
0x24d: {  	[sflag:s0] =	ssyncadd.tile.s32 @!p0 $0x1;
	_ =	shalt  }
.Lfunc_end2:
_tile_overlayer_lowered:
.L_overlay_start_2:
0x24e: {  	(tag) =	ssettag $0x2  }
0x24f: {  	s0 =	rddreg [dreg:$0x0];
	s2 =	stileid.u32  }
0x250: {  	s1 =	rddreg [dreg:$0x1];
	p0 =	sne.s32 s2, $0x0  }
0x251: {  	s3 =	rddreg [dreg:$0x2];
	[bflag:$0x3] =	sbarrier.arrive $0xFFFF;
	s2 =	simm.s32 @!p0 $0x1C07  }
0x252: {  	[timem:s3], [sflag:s2] =	dma.local @!p0 [hbm:s0], s1  }
0x253: {  	s0 =	simm.s32 @!p0 $0x7  }
0x254: {  	_ =	swait.ge @!p0 [sflag:s0], s1  }
0x255: {  	s1 =	ssub.s32 @!p0 $0x0, s1;
	[sflag:s0] =	ssyncset.done @!p0 $0x0  }
0x256: {  	[sflag:s0] =	ssyncadd.s32 @!p0 s1  }
0x257: {  	[bflag:$0x3] =	sbarrier.arrive $0xFFFF  }
0x258: {  	_ =	shalt  }

</sc_bundles>
